<compile_context>
chip_gen: v7x
topology: tpu7x:2x2x1
jax: 0.10.2.dev20260603
libtpu: 0.0.44.dev20260713+nightly
codegen_flags: <defaults>
</compile_context>

<pallas_src>
import functools

import jax
import jax.numpy as jnp
from jax import lax
from jax.experimental import pallas as pl
from jax.experimental.pallas import tpu as pltpu
from jax.experimental.pallas import tpu_sc as plsc

V = 1000
N = 51200
NC, NS, L = 2, 16, 16
NW = NC * NS
ROWS_PER_W = N // NW
BC = 32
CHUNKS = ROWS_PER_W // BC
TR = V // 8
TCN = N // 128


def _lse_body(emb_ref, lse_ref):
    x = emb_ref[...]
    m = jnp.max(x, axis=1)
    s = jnp.sum(jnp.exp(x - m[:, None]), axis=1)
    lse_ref[...] = m + jnp.log(s)


def _tc_lse(emb):
    return pl.pallas_call(
        _lse_body,
        out_shape=jax.ShapeDtypeStruct((V,), jnp.float32),
    )(emb)


@functools.partial(
    pl.kernel,
    mesh=plsc.VectorSubcoreMesh(core_axis_name="c", subcore_axis_name="s"),
    out_type=[
        jax.ShapeDtypeStruct((TR, TCN, 8, 128), jnp.float32),
        jax.ShapeDtypeStruct((NW, L), jnp.float32),
    ],
    scratch_types=[
        pltpu.VMEM((ROWS_PER_W,), jnp.int32),
        [pltpu.VMEM((BC, V), jnp.float32) for _ in range(2)],
        [pltpu.VMEM((TR, 8, BC + 1), jnp.float32) for _ in range(1)],
        [pltpu.VMEM((BC,), jnp.int32) for _ in range(2)],
        [pltpu.VMEM((BC,), jnp.float32) for _ in range(2)],
        pltpu.VMEM((L,), jnp.float32),
        [pltpu.SemaphoreType.DMA for _ in range(2)],
        [pltpu.SemaphoreType.DMA for _ in range(1)],
        [pltpu.SemaphoreType.DMA for _ in range(2)],
        [pltpu.SemaphoreType.DMA for _ in range(2)],
    ],
    compiler_params=pltpu.CompilerParams(
        use_tc_tiling_on_sc=False, needs_layout_passes=False),
)
def _sc_gather(idx_hbm, t_hbm, emb_hbm, lse_hbm, out_hbm, part_hbm,
               idx_v, rows_v, st_v, t_v, lsev_v, acc_v,
               sem_in, sem_out, sem_t, sem_l):
    wid = lax.axis_index("s") * NC + lax.axis_index("c")
    base = wid * ROWS_PER_W
    pltpu.sync_copy(idx_hbm.at[pl.ds(base, ROWS_PER_W)], idx_v)

    def start_in(b, ci):
        r0 = pl.multiple_of(ci * BC, BC)
        pltpu.async_copy(emb_hbm.at[idx_v.at[pl.ds(r0, BC)]], rows_v[b],
                         sem_in[b])
        pltpu.async_copy(t_hbm.at[pl.ds(base + r0, BC)], t_v[b], sem_t[b])
        pltpu.async_copy(lse_hbm.at[idx_v.at[pl.ds(r0, BC)]], lsev_v[b],
                         sem_l[b])

    def wait_in(b):
        pltpu.make_async_copy(emb_hbm.at[idx_v.at[pl.ds(0, BC)]], rows_v[b],
                              sem_in[b]).wait()
        pltpu.make_async_copy(t_hbm.at[pl.ds(0, BC)], t_v[b], sem_t[b]).wait()
        pltpu.make_async_copy(lse_hbm.at[idx_v.at[pl.ds(0, BC)]], lsev_v[b],
                              sem_l[b]).wait()

    start_in(0, 0)
    start_in(1, 1)

    jiota = lax.iota(jnp.int32, L)

    def outer(o, acc):
        for b in range(2):
            ci = o * 2 + b
            r0 = pl.multiple_of(ci * BC, BC)
            g0 = base + r0

            @pl.when(ci > 0)
            def _():
                pltpu.make_async_copy(
                    st_v[0].at[:, :, pl.ds(0, BC)],
                    out_hbm.at[:, 0, :, pl.ds(0, BC)],
                    sem_out[0]).wait()

            wait_in(b)

            for g in range(BC // L):
                tvals = t_v[b][pl.ds(g * L, L)]
                picked = plsc.load_gather(rows_v[b], [jiota + g * L, tvals])
                acc = acc + (lsev_v[b][pl.ds(g * L, L)] - picked)

            def colgrp(c0s):
                colv = jiota + c0s
                trv = colv // 8
                vv = colv % 8
                for j in range(BC):
                    vals = rows_v[b][j, pl.ds(c0s, L)]
                    jv = jnp.broadcast_to(j, (L,)).astype(jnp.int32)
                    plsc.store_scatter(st_v[0], [trv, vv, jv], vals)

            def trans(g, carry):
                colgrp(g * (2 * L))
                colgrp(g * (2 * L) + L)
                return carry

            lax.fori_loop(0, V // (2 * L), trans, 0)
            colgrp(V - L)

            tc = g0 // 128
            j0 = g0 % 128
            pltpu.async_copy(st_v[0].at[:, :, pl.ds(0, BC)],
                             out_hbm.at[:, tc, :, pl.ds(j0, BC)],
                             sem_out[0])

            @pl.when(ci + 2 < CHUNKS)
            def _():
                start_in(b, ci + 2)
        return acc

    acc = lax.fori_loop(0, CHUNKS // 2, outer, jnp.zeros((L,), jnp.float32))
    pltpu.make_async_copy(st_v[0].at[:, :, pl.ds(0, BC)],
                          out_hbm.at[:, 0, :, pl.ds(0, BC)],
                          sem_out[0]).wait()
    acc_v[...] = acc
    pltpu.sync_copy(acc_v, part_hbm.at[wid])


def kernel(idx, targets, emb):
    idx_flat = idx.reshape(-1)
    t_flat = targets.reshape(-1)
    lse = _tc_lse(emb)
    out4, part = _sc_gather(idx_flat, t_flat, emb, lse)
    logits = out4.transpose(1, 3, 0, 2).reshape(N, V)
    loss = jnp.sum(part) / float(N)
    return (logits, loss)

# --- scband reference (transcript-rebuilt; emitter-appended) ---
"""Pipeline reference for scband-bigram-language-module-60636348285169 (READ-ONLY COPY).

The authoritative reference and input builder live on the scoring server;
editing this copy changes nothing except your own understanding.
"""

import jax, jax.numpy as jnp
import numpy as np

VOCAB = 1000
B, T = 1024, 50

def setup_inputs(seed: int = 0) -> dict:
    key = jax.random.key(seed)
    k1, k2, k3 = jax.random.split(key, 3)
    idx = jax.random.randint(k1, (B, T), 0, VOCAB, dtype=jnp.int32)
    targets = jax.random.randint(k2, (B, T), 0, VOCAB, dtype=jnp.int32)
    # learned parameter: nn.Embedding(vocab_size, vocab_size) -> table [V, V]
    emb = jax.random.normal(k3, (VOCAB, VOCAB), dtype=jnp.float32) * 0.02
    return {"idx": idx, "targets": targets, "emb": emb}

def reference(idx, targets, emb):
    # x = self.emb(idx)
    x = jnp.take(emb, idx, axis=0)  # [B, T, V]
    Bv, Tv, C = x.shape
    logits = x.reshape(Bv * Tv, C)
    # F.cross_entropy(logits, targets.view(B*T))
    t = targets.reshape(Bv * Tv)
    logZ = jax.scipy.special.logsumexp(logits, axis=-1)
    picked = jnp.take_along_axis(logits, t[:, None], axis=1)[:, 0]
    loss = jnp.mean(logZ - picked)
    return (logits, loss)

if __name__ == "__main__":
    import jax
    _d = setup_inputs()
    print(jax.jit(kernel)(*tuple(_d.values())))

</pallas_src>

<mosaic_0001>
#map = affine_map<(d0, d1) -> (0)>
#map1 = affine_map<(d0, d1) -> (0, 0)>
#map2 = affine_map<(d0, d1) -> (0, 0, 0, 0)>
module attributes {stable_mosaic.version = 14 : i64} {
  func.func @_sc_gather(%arg0: i32, %arg1: i32, %arg2: memref<51200xi32, #tpu.memory_space<hbm>>, %arg3: memref<51200xi32, #tpu.memory_space<hbm>>, %arg4: memref<1000x1000xf32, #tpu.memory_space<hbm>>, %arg5: memref<1000xf32, #tpu.memory_space<hbm>>, %arg6: memref<125x400x8x128xf32, #tpu.memory_space<hbm>>, %arg7: memref<32x16xf32, #tpu.memory_space<hbm>>, %arg8: memref<1600xi32, #tpu.memory_space<vmem>>, %arg9: memref<32x1000xf32, #tpu.memory_space<vmem>>, %arg10: memref<32x1000xf32, #tpu.memory_space<vmem>>, %arg11: memref<125x8x33xf32, #tpu.memory_space<vmem>>, %arg12: memref<32xi32, #tpu.memory_space<vmem>>, %arg13: memref<32xi32, #tpu.memory_space<vmem>>, %arg14: memref<32xf32, #tpu.memory_space<vmem>>, %arg15: memref<32xf32, #tpu.memory_space<vmem>>, %arg16: memref<16xf32, #tpu.memory_space<vmem>>, %arg17: memref<!tpu.dma_semaphore, #tpu.memory_space<semaphore_mem>>, %arg18: memref<!tpu.dma_semaphore, #tpu.memory_space<semaphore_mem>>, %arg19: memref<!tpu.dma_semaphore, #tpu.memory_space<semaphore_mem>>, %arg20: memref<!tpu.dma_semaphore, #tpu.memory_space<semaphore_mem>>, %arg21: memref<!tpu.dma_semaphore, #tpu.memory_space<semaphore_mem>>, %arg22: memref<!tpu.dma_semaphore, #tpu.memory_space<semaphore_mem>>, %arg23: memref<!tpu.dma_semaphore, #tpu.memory_space<semaphore_mem>>) attributes {dimension_semantics = [#tpu.dimension_semantics<core_parallel>, #tpu.dimension_semantics<subcore_parallel>], iteration_bounds = array<i64: 2, 16>, scalar_prefetch = 0 : i64, scratch_operands = 16 : i64, tpu.core_type = #tpu.core_type<sc_vector_subcore>, window_params = [{transform_indices = #map}, {transform_indices = #map}, {transform_indices = #map1}, {transform_indices = #map}, {transform_indices = #map2}, {transform_indices = #map1}]} {
    %mul3A = arith.constant 2 : i32
    %mul3A_0 = arith.muli %arg1, %mul3A : i32
    %add3A = arith.addi %mul3A_0, %arg0 : i32
    %mul3A_1 = arith.constant 1600 : i32
    %mul3A_2 = arith.muli %add3A, %mul3A_1 : i32
    "tpu.region"() ({
      %run_scoped3A = tpu.sem_alloc : memref<!tpu.dma_semaphore, #tpu.memory_space<semaphore_mem>>
      %dma_start3A_50 = tpu.memref_slice %arg2[%mul3A_2] : memref<51200xi32, #tpu.memory_space<hbm>> -> memref<1600xi32, #tpu.memory_space<hbm>>
      %dma_start3A_51 = tpu.memref_slice %arg2[%mul3A_2] : memref<51200xi32, #tpu.memory_space<hbm>> -> memref<1600xi32, #tpu.memory_space<hbm>>
      tpu.enqueue_dma source(%dma_start3A_51 : memref<1600xi32, #tpu.memory_space<hbm>>) target(%arg8 : memref<1600xi32, #tpu.memory_space<vmem>>) target_semaphore(%run_scoped3A : memref<!tpu.dma_semaphore, #tpu.memory_space<semaphore_mem>>)
      %dma_wait3A_52 = tpu.memref_slice %arg2[%mul3A_2] : memref<51200xi32, #tpu.memory_space<hbm>> -> memref<1600xi32, #tpu.memory_space<hbm>>
      %dma_wait3A_53 = tpu.memref_slice %arg2[%mul3A_2] : memref<51200xi32, #tpu.memory_space<hbm>> -> memref<1600xi32, #tpu.memory_space<hbm>>
      tpu.wait_dma2 semaphore(%run_scoped3A : memref<!tpu.dma_semaphore, #tpu.memory_space<semaphore_mem>>) src(%dma_wait3A_53 : memref<1600xi32, #tpu.memory_space<hbm>>) dst(%arg8 : memref<1600xi32, #tpu.memory_space<vmem>>)
      tpu.yield
    }) : () -> ()
    %multiple_of3A = arith.constant 0 : i32
    %multiple_of3A_3 = tpu.assume_multiple %multiple_of3A, 32 : i32
    %dma_start3A = tpu.memref_slice %arg8[%multiple_of3A_3] : memref<1600xi32, #tpu.memory_space<vmem>> -> memref<32xi32, #tpu.memory_space<vmem>>
    %dma_start3A_4 = arith.constant 0 : i32
    %dma_start3A_5 = arith.constant 0 : i32
    %dma_start3A_6 = tpu.memref_slice %arg4[%dma_start3A_4, %dma_start3A_5] : memref<1000x1000xf32, #tpu.memory_space<hbm>> -> memref<1000x1000xf32, #tpu.memory_space<hbm>>
    tpu.enqueue_indirect_dma source(%dma_start3A_6 : memref<1000x1000xf32, #tpu.memory_space<hbm>>) target(%arg9 : memref<32x1000xf32, #tpu.memory_space<vmem>>) offsets(%dma_start3A : memref<32xi32, #tpu.memory_space<vmem>>) semaphore(%arg17 : memref<!tpu.dma_semaphore, #tpu.memory_space<semaphore_mem>>)
    %add3A_7 = arith.addi %mul3A_2, %multiple_of3A_3 : i32
    %dma_start3A_8 = tpu.memref_slice %arg3[%add3A_7] : memref<51200xi32, #tpu.memory_space<hbm>> -> memref<32xi32, #tpu.memory_space<hbm>>
    %dma_start3A_9 = tpu.memref_slice %arg3[%add3A_7] : memref<51200xi32, #tpu.memory_space<hbm>> -> memref<32xi32, #tpu.memory_space<hbm>>
    tpu.enqueue_dma source(%dma_start3A_9 : memref<32xi32, #tpu.memory_space<hbm>>) target(%arg12 : memref<32xi32, #tpu.memory_space<vmem>>) target_semaphore(%arg20 : memref<!tpu.dma_semaphore, #tpu.memory_space<semaphore_mem>>)
    %dma_start3A_10 = tpu.memref_slice %arg8[%multiple_of3A_3] : memref<1600xi32, #tpu.memory_space<vmem>> -> memref<32xi32, #tpu.memory_space<vmem>>
    %dma_start3A_11 = arith.constant 0 : i32
    %dma_start3A_12 = tpu.memref_slice %arg5[%dma_start3A_11] : memref<1000xf32, #tpu.memory_space<hbm>> -> memref<1000xf32, #tpu.memory_space<hbm>>
    tpu.enqueue_indirect_dma source(%dma_start3A_12 : memref<1000xf32, #tpu.memory_space<hbm>>) target(%arg14 : memref<32xf32, #tpu.memory_space<vmem>>) offsets(%dma_start3A_10 : memref<32xi32, #tpu.memory_space<vmem>>) semaphore(%arg22 : memref<!tpu.dma_semaphore, #tpu.memory_space<semaphore_mem>>)
    %multiple_of3A_13 = arith.constant 32 : i32
    %multiple_of3A_14 = tpu.assume_multiple %multiple_of3A_13, 32 : i32
    %dma_start3A_15 = tpu.memref_slice %arg8[%multiple_of3A_14] : memref<1600xi32, #tpu.memory_space<vmem>> -> memref<32xi32, #tpu.memory_space<vmem>>
    %dma_start3A_16 = arith.constant 0 : i32
    %dma_start3A_17 = arith.constant 0 : i32
    %dma_start3A_18 = tpu.memref_slice %arg4[%dma_start3A_16, %dma_start3A_17] : memref<1000x1000xf32, #tpu.memory_space<hbm>> -> memref<1000x1000xf32, #tpu.memory_space<hbm>>
    tpu.enqueue_indirect_dma source(%dma_start3A_18 : memref<1000x1000xf32, #tpu.memory_space<hbm>>) target(%arg10 : memref<32x1000xf32, #tpu.memory_space<vmem>>) offsets(%dma_start3A_15 : memref<32xi32, #tpu.memory_space<vmem>>) semaphore(%arg18 : memref<!tpu.dma_semaphore, #tpu.memory_space<semaphore_mem>>)
    %add3A_19 = arith.addi %mul3A_2, %multiple_of3A_14 : i32
    %dma_start3A_20 = tpu.memref_slice %arg3[%add3A_19] : memref<51200xi32, #tpu.memory_space<hbm>> -> memref<32xi32, #tpu.memory_space<hbm>>
    %dma_start3A_21 = tpu.memref_slice %arg3[%add3A_19] : memref<51200xi32, #tpu.memory_space<hbm>> -> memref<32xi32, #tpu.memory_space<hbm>>
    tpu.enqueue_dma source(%dma_start3A_21 : memref<32xi32, #tpu.memory_space<hbm>>) target(%arg13 : memref<32xi32, #tpu.memory_space<vmem>>) target_semaphore(%arg21 : memref<!tpu.dma_semaphore, #tpu.memory_space<semaphore_mem>>)
    %dma_start3A_22 = tpu.memref_slice %arg8[%multiple_of3A_14] : memref<1600xi32, #tpu.memory_space<vmem>> -> memref<32xi32, #tpu.memory_space<vmem>>
    %dma_start3A_23 = arith.constant 0 : i32
    %dma_start3A_24 = tpu.memref_slice %arg5[%dma_start3A_23] : memref<1000xf32, #tpu.memory_space<hbm>> -> memref<1000xf32, #tpu.memory_space<hbm>>
    tpu.enqueue_indirect_dma source(%dma_start3A_24 : memref<1000xf32, #tpu.memory_space<hbm>>) target(%arg15 : memref<32xf32, #tpu.memory_space<vmem>>) offsets(%dma_start3A_22 : memref<32xi32, #tpu.memory_space<vmem>>) semaphore(%arg23 : memref<!tpu.dma_semaphore, #tpu.memory_space<semaphore_mem>>)
    %iota3A = tpu.iota {dimensions = array<i32: 0>} : vector<16xi32>
    %broadcast_in_dim3A = arith.constant 0.000000e+00 : f32
    %broadcast_in_dim3A_25 = vector.broadcast %broadcast_in_dim3A : f32 to vector<16xf32>
    %scan3A = arith.constant 0 : i32
    %scan3A_26 = arith.constant 25 : i32
    %scan3A_27 = arith.addi %scan3A, %scan3A_26 : i32
    %scan3A_28 = arith.constant 1 : i32
    %scan3A_29 = scf.for %scan3A_50 = %scan3A to %scan3A_27 step %scan3A_28 iter_args(%scan3A_51 = %broadcast_in_dim3A_25) -> (vector<16xf32>)  : i32 {
      %mul3A_52 = arith.constant 2 : i32
      %mul3A_53 = arith.muli %scan3A_50, %mul3A_52 : i32
      %add3A_54 = arith.constant 0 : i32
      %add3A_55 = arith.addi %mul3A_53, %add3A_54 : i32
      %mul3A_56 = arith.constant 32 : i32
      %mul3A_57 = arith.muli %add3A_55, %mul3A_56 : i32
      %multiple_of3A_58 = tpu.assume_multiple %mul3A_57, 32 : i32
      %add3A_59 = arith.addi %mul3A_2, %multiple_of3A_58 : i32
      %gt3A = arith.constant 0 : i32
      %gt3A_60 = arith.cmpi sgt, %add3A_55, %gt3A : i32
      %convert_element_type3A = arith.extui %gt3A_60 : i1 to i32
      %cond3A = arith.constant 0 : i32
      %cond3A_61 = arith.cmpi ne, %convert_element_type3A, %cond3A : i32
      scf.if %cond3A_61 {
        %dma_wait3A_763 = arith.constant 0 : i32
        %dma_wait3A_764 = arith.constant 0 : i32
        %dma_wait3A_765 = arith.constant 0 : i32
        %dma_wait3A_766 = arith.constant 0 : i32
        %dma_wait3A_767 = tpu.memref_slice %arg11[%dma_wait3A_764, %dma_wait3A_765, %dma_wait3A_766] : memref<125x8x33xf32, #tpu.memory_space<vmem>> -> memref<125x8x32xf32, #tpu.memory_space<vmem>>
        %dma_wait3A_768 = arith.constant 0 : i32
        %dma_wait3A_769 = arith.constant 0 : i32
        %dma_wait3A_770 = arith.constant 0 : i32
        %dma_wait3A_771 = tpu.memref_slice %arg6[%dma_wait3A_768, %dma_wait3A_763, %dma_wait3A_769, %dma_wait3A_770] : memref<125x400x8x128xf32, #tpu.memory_space<hbm>> -> memref<125x1x8x32xf32, #tpu.memory_space<hbm>>
        %dma_wait3A_772 = tpu.memref_squeeze %dma_wait3A_771 : memref<125x1x8x32xf32, #tpu.memory_space<hbm>> -> memref<125x8x32xf32, #tpu.memory_space<hbm>>
        %dma_wait3A_773 = arith.constant 0 : i32
        %dma_wait3A_774 = arith.constant 0 : i32
        %dma_wait3A_775 = arith.constant 0 : i32
        %dma_wait3A_776 = tpu.memref_slice %arg6[%dma_wait3A_773, %dma_wait3A_763, %dma_wait3A_774, %dma_wait3A_775] : memref<125x400x8x128xf32, #tpu.memory_space<hbm>> -> memref<125x1x8x32xf32, #tpu.memory_space<hbm>>
        %dma_wait3A_777 = tpu.memref_squeeze %dma_wait3A_776 : memref<125x1x8x32xf32, #tpu.memory_space<hbm>> -> memref<125x8x32xf32, #tpu.memory_space<hbm>>
        %dma_wait3A_778 = arith.constant 0 : i32
        %dma_wait3A_779 = arith.constant 0 : i32
        %dma_wait3A_780 = arith.constant 0 : i32
        %dma_wait3A_781 = tpu.memref_slice %arg11[%dma_wait3A_778, %dma_wait3A_779, %dma_wait3A_780] : memref<125x8x33xf32, #tpu.memory_space<vmem>> -> memref<125x8x32xf32, #tpu.memory_space<vmem>>
        tpu.wait_dma2 semaphore(%arg19 : memref<!tpu.dma_semaphore, #tpu.memory_space<semaphore_mem>>) src(%dma_wait3A_781 : memref<125x8x32xf32, #tpu.memory_space<vmem>>) dst(%dma_wait3A_777 : memref<125x8x32xf32, #tpu.memory_space<hbm>>)
      } else {
      }
      %dma_wait3A_62 = arith.constant 0 : i32
      %dma_wait3A_63 = tpu.memref_slice %arg8[%dma_wait3A_62] : memref<1600xi32, #tpu.memory_space<vmem>> -> memref<32xi32, #tpu.memory_space<vmem>>
      %dma_wait3A_64 = arith.constant 0 : i32
      %dma_wait3A_65 = arith.constant 0 : i32
      %dma_wait3A_66 = tpu.memref_slice %arg4[%dma_wait3A_64, %dma_wait3A_65] : memref<1000x1000xf32, #tpu.memory_space<hbm>> -> memref<1000x1000xf32, #tpu.memory_space<hbm>>
      tpu.wait_indirect_dma semaphore(%arg17 : memref<!tpu.dma_semaphore, #tpu.memory_space<semaphore_mem>>) src(%dma_wait3A_66 : memref<1000x1000xf32, #tpu.memory_space<hbm>>) dst(%arg9 : memref<32x1000xf32, #tpu.memory_space<vmem>>)
      %dma_wait3A_67 = arith.constant 0 : i32
      %dma_wait3A_68 = tpu.memref_slice %arg3[%dma_wait3A_67] : memref<51200xi32, #tpu.memory_space<hbm>> -> memref<32xi32, #tpu.memory_space<hbm>>
      %dma_wait3A_69 = arith.constant 0 : i32
      %dma_wait3A_70 = tpu.memref_slice %arg3[%dma_wait3A_69] : memref<51200xi32, #tpu.memory_space<hbm>> -> memref<32xi32, #tpu.memory_space<hbm>>
      tpu.wait_dma2 semaphore(%arg20 : memref<!tpu.dma_semaphore, #tpu.memory_space<semaphore_mem>>) src(%dma_wait3A_70 : memref<32xi32, #tpu.memory_space<hbm>>) dst(%arg12 : memref<32xi32, #tpu.memory_space<vmem>>)
      %dma_wait3A_71 = arith.constant 0 : i32
      %dma_wait3A_72 = tpu.memref_slice %arg8[%dma_wait3A_71] : memref<1600xi32, #tpu.memory_space<vmem>> -> memref<32xi32, #tpu.memory_space<vmem>>
      %dma_wait3A_73 = arith.constant 0 : i32
      %dma_wait3A_74 = tpu.memref_slice %arg5[%dma_wait3A_73] : memref<1000xf32, #tpu.memory_space<hbm>> -> memref<1000xf32, #tpu.memory_space<hbm>>
      tpu.wait_indirect_dma semaphore(%arg22 : memref<!tpu.dma_semaphore, #tpu.memory_space<semaphore_mem>>) src(%dma_wait3A_74 : memref<1000xf32, #tpu.memory_space<hbm>>) dst(%arg14 : memref<32xf32, #tpu.memory_space<vmem>>)
      %get3A = arith.constant 0 : index
      %get3A_75 = tpu.vector_load %arg12[%get3A] {strides = array<i32>} : memref<32xi32, #tpu.memory_space<vmem>>, vector<16xi32>,
      %add3A_76 = arith.constant 0 : i32
      %add3A_77 = vector.broadcast %add3A_76 : i32 to vector<16xi32>
      %add3A_78 = arith.addi %iota3A, %add3A_77 : vector<16xi32>
      %gather3A = tpu.vector_load_idx %arg9[%add3A_78, %get3A_75] : memref<32x1000xf32, #tpu.memory_space<vmem>>[vector<16xi32>, vector<16xi32>], vector<16xf32>,
      %get3A_79 = arith.constant 0 : index
      %get3A_80 = tpu.vector_load %arg14[%get3A_79] {strides = array<i32>} : memref<32xf32, #tpu.memory_space<vmem>>, vector<16xf32>,
      %sub3A = arith.subf %get3A_80, %gather3A : vector<16xf32>
      %add3A_81 = arith.addf %scan3A_51, %sub3A : vector<16xf32>
      %get3A_82 = arith.constant 16 : index
      %get3A_83 = tpu.vector_load %arg12[%get3A_82] {strides = array<i32>} : memref<32xi32, #tpu.memory_space<vmem>>, vector<16xi32>,
      %add3A_84 = arith.constant 16 : i32
      %add3A_85 = vector.broadcast %add3A_84 : i32 to vector<16xi32>
      %add3A_86 = arith.addi %iota3A, %add3A_85 : vector<16xi32>
      %gather3A_87 = tpu.vector_load_idx %arg9[%add3A_86, %get3A_83] : memref<32x1000xf32, #tpu.memory_space<vmem>>[vector<16xi32>, vector<16xi32>], vector<16xf32>,
      %get3A_88 = arith.constant 16 : index
      %get3A_89 = tpu.vector_load %arg14[%get3A_88] {strides = array<i32>} : memref<32xf32, #tpu.memory_space<vmem>>, vector<16xf32>,
      %sub3A_90 = arith.subf %get3A_89, %gather3A_87 : vector<16xf32>
      %add3A_91 = arith.addf %add3A_81, %sub3A_90 : vector<16xf32>
      %scan3A_92 = arith.constant 0 : i32
      %scan3A_93 = arith.constant 0 : i32
      %scan3A_94 = arith.constant 31 : i32
      %scan3A_95 = arith.addi %scan3A_93, %scan3A_94 : i32
      %scan3A_96 = arith.constant 1 : i32
      scf.for %scan3A_763 = %scan3A_93 to %scan3A_95 step %scan3A_96  : i32 {
        %mul3A_764 = arith.constant 32 : i32
        %mul3A_765 = arith.muli %scan3A_763, %mul3A_764 : i32
        %add3A_766 = vector.broadcast %mul3A_765 : i32 to vector<16xi32>
        %add3A_767 = arith.addi %iota3A, %add3A_766 : vector<16xi32>
        %jit3A_768 = arith.constant 8 : i32
        %div3A_769 = vector.broadcast %jit3A_768 : i32 to vector<16xi32>
        %div3A_770 = arith.divsi %add3A_767, %div3A_769 : vector<16xi32>
        %sign3A_771 = arith.constant 0 : i32
        %sign3A_772 = vector.broadcast %sign3A_771 : i32 to vector<16xi32>
        %sign3A_773 = arith.cmpi sgt, %add3A_767, %sign3A_772 : vector<16xi32>
        %sign3A_774 = arith.extui %sign3A_773 : vector<16xi1> to vector<16xi32>
        %sign3A_775 = arith.constant 0 : i32
        %sign3A_776 = vector.broadcast %sign3A_775 : i32 to vector<16xi32>
        %sign3A_777 = arith.cmpi slt, %add3A_767, %sign3A_776 : vector<16xi32>
        %sign3A_778 = arith.extui %sign3A_777 : vector<16xi1> to vector<16xi32>
        %sign3A_779 = arith.subi %sign3A_774, %sign3A_778 : vector<16xi32>
        %sign3A_780 = arith.constant 0 : i32
        %sign3A_781 = arith.cmpi sgt, %jit3A_768, %sign3A_780 : i32
        %sign3A_782 = arith.extui %sign3A_781 : i1 to i32
        %sign3A_783 = arith.constant 0 : i32
        %sign3A_784 = arith.cmpi slt, %jit3A_768, %sign3A_783 : i32
        %sign3A_785 = arith.extui %sign3A_784 : i1 to i32
        %sign3A_786 = arith.subi %sign3A_782, %sign3A_785 : i32
        %ne3A_787 = vector.broadcast %sign3A_786 : i32 to vector<16xi32>
        %ne3A_788 = arith.cmpi ne, %sign3A_779, %ne3A_787 : vector<16xi32>
        %rem3A_789 = vector.broadcast %jit3A_768 : i32 to vector<16xi32>
        %rem3A_790 = arith.remsi %add3A_767, %rem3A_789 : vector<16xi32>
        %ne3A_791 = arith.constant 0 : i32
        %ne3A_792 = vector.broadcast %ne3A_791 : i32 to vector<16xi32>
        %ne3A_793 = arith.cmpi ne, %rem3A_790, %ne3A_792 : vector<16xi32>
        %and3A_794 = arith.andi %ne3A_788, %ne3A_793 : vector<16xi1>
        %sub3A_795 = arith.constant 1 : i32
        %sub3A_796 = vector.broadcast %sub3A_795 : i32 to vector<16xi32>
        %sub3A_797 = arith.subi %div3A_770, %sub3A_796 : vector<16xi32>
        %select_n3A_798 = arith.select %and3A_794, %sub3A_797, %div3A_770 : vector<16xi1>, vector<16xi32>
        %jit3A_799 = arith.constant 8 : i32
        %eq3A_800 = arith.constant 0 : i32
        %eq3A_801 = arith.cmpi eq, %jit3A_799, %eq3A_800 : i32
        %jit3A_802 = arith.constant 1 : i32
        %select_n3A_803 = arith.select %eq3A_801, %jit3A_802, %jit3A_799 : i32
        %rem3A_804 = vector.broadcast %select_n3A_803 : i32 to vector<16xi32>
        %rem3A_805 = arith.remsi %add3A_767, %rem3A_804 : vector<16xi32>
        %ne3A_806 = arith.constant 0 : i32
        %ne3A_807 = vector.broadcast %ne3A_806 : i32 to vector<16xi32>
        %ne3A_808 = arith.cmpi ne, %rem3A_805, %ne3A_807 : vector<16xi32>
        %lt3A_809 = arith.constant 0 : i32
        %lt3A_810 = vector.broadcast %lt3A_809 : i32 to vector<16xi32>
        %lt3A_811 = arith.cmpi slt, %rem3A_805, %lt3A_810 : vector<16xi32>
        %lt3A_812 = arith.constant 0 : i32
        %lt3A_813 = arith.cmpi slt, %select_n3A_803, %lt3A_812 : i32
        %ne3A_814 = vector.broadcast %lt3A_813 : i1 to vector<16xi1>
        %ne3A_815 = vector.broadcast %ne3A_814 : vector<16xi1> to vector<16xi1>
        %ne3A_816 = arith.xori %lt3A_811, %ne3A_815 : vector<16xi1>
        %and3A_817 = arith.andi %ne3A_816, %ne3A_808 : vector<16xi1>
        %add3A_818 = vector.broadcast %select_n3A_803 : i32 to vector<16xi32>
        %add3A_819 = arith.addi %rem3A_805, %add3A_818 : vector<16xi32>
        %select_n3A_820 = arith.select %and3A_817, %add3A_819, %rem3A_805 : vector<16xi1>, vector<16xi32>
        %get3A_821 = arith.constant 0 : i32
        %get3A_822 = arith.index_cast %get3A_821 : i32 to index
        %get3A_823 = arith.index_cast %mul3A_765 : i32 to index
        %get3A_824 = tpu.vector_load %arg9[%get3A_822, %get3A_823] {strides = array<i32>} : memref<32x1000xf32, #tpu.memory_space<vmem>>, vector<16xf32>,
        %broadcast_in_dim3A_825 = arith.constant 0 : i32
        %broadcast_in_dim3A_826 = vector.broadcast %broadcast_in_dim3A_825 : i32 to vector<16xi32>
        tpu.vector_store_idx %arg11[%select_n3A_798, %select_n3A_820, %broadcast_in_dim3A_826], %get3A_824 : memref<125x8x33xf32, #tpu.memory_space<vmem>>[vector<16xi32>, vector<16xi32>, vector<16xi32>], vector<16xf32>,
        %get3A_827 = arith.constant 1 : i32
        %get3A_828 = arith.index_cast %get3A_827 : i32 to index
        %get3A_829 = arith.index_cast %mul3A_765 : i32 to index
        %get3A_830 = tpu.vector_load %arg9[%get3A_828, %get3A_829] {strides = array<i32>} : memref<32x1000xf32, #tpu.memory_space<vmem>>, vector<16xf32>,
        %broadcast_in_dim3A_831 = arith.constant 1 : i32
        %broadcast_in_dim3A_832 = vector.broadcast %broadcast_in_dim3A_831 : i32 to vector<16xi32>
        tpu.vector_store_idx %arg11[%select_n3A_798, %select_n3A_820, %broadcast_in_dim3A_832], %get3A_830 : memref<125x8x33xf32, #tpu.memory_space<vmem>>[vector<16xi32>, vector<16xi32>, vector<16xi32>], vector<16xf32>,
        %get3A_833 = arith.constant 2 : i32
        %get3A_834 = arith.index_cast %get3A_833 : i32 to index
        %get3A_835 = arith.index_cast %mul3A_765 : i32 to index
        %get3A_836 = tpu.vector_load %arg9[%get3A_834, %get3A_835] {strides = array<i32>} : memref<32x1000xf32, #tpu.memory_space<vmem>>, vector<16xf32>,
        %broadcast_in_dim3A_837 = arith.constant 2 : i32
        %broadcast_in_dim3A_838 = vector.broadcast %broadcast_in_dim3A_837 : i32 to vector<16xi32>
        tpu.vector_store_idx %arg11[%select_n3A_798, %select_n3A_820, %broadcast_in_dim3A_838], %get3A_836 : memref<125x8x33xf32, #tpu.memory_space<vmem>>[vector<16xi32>, vector<16xi32>, vector<16xi32>], vector<16xf32>,
        %get3A_839 = arith.constant 3 : i32
        %get3A_840 = arith.index_cast %get3A_839 : i32 to index
        %get3A_841 = arith.index_cast %mul3A_765 : i32 to index
        %get3A_842 = tpu.vector_load %arg9[%get3A_840, %get3A_841] {strides = array<i32>} : memref<32x1000xf32, #tpu.memory_space<vmem>>, vector<16xf32>,
        %broadcast_in_dim3A_843 = arith.constant 3 : i32
        %broadcast_in_dim3A_844 = vector.broadcast %broadcast_in_dim3A_843 : i32 to vector<16xi32>
        tpu.vector_store_idx %arg11[%select_n3A_798, %select_n3A_820, %broadcast_in_dim3A_844], %get3A_842 : memref<125x8x33xf32, #tpu.memory_space<vmem>>[vector<16xi32>, vector<16xi32>, vector<16xi32>], vector<16xf32>,
        %get3A_845 = arith.constant 4 : i32
        %get3A_846 = arith.index_cast %get3A_845 : i32 to index
        %get3A_847 = arith.index_cast %mul3A_765 : i32 to index
        %get3A_848 = tpu.vector_load %arg9[%get3A_846, %get3A_847] {strides = array<i32>} : memref<32x1000xf32, #tpu.memory_space<vmem>>, vector<16xf32>,
        %broadcast_in_dim3A_849 = arith.constant 4 : i32
        %broadcast_in_dim3A_850 = vector.broadcast %broadcast_in_dim3A_849 : i32 to vector<16xi32>
        tpu.vector_store_idx %arg11[%select_n3A_798, %select_n3A_820, %broadcast_in_dim3A_850], %get3A_848 : memref<125x8x33xf32, #tpu.memory_space<vmem>>[vector<16xi32>, vector<16xi32>, vector<16xi32>], vector<16xf32>,
        %get3A_851 = arith.constant 5 : i32
        %get3A_852 = arith.index_cast %get3A_851 : i32 to index
        %get3A_853 = arith.index_cast %mul3A_765 : i32 to index
        %get3A_854 = tpu.vector_load %arg9[%get3A_852, %get3A_853] {strides = array<i32>} : memref<32x1000xf32, #tpu.memory_space<vmem>>, vector<16xf32>,
        %broadcast_in_dim3A_855 = arith.constant 5 : i32
        %broadcast_in_dim3A_856 = vector.broadcast %broadcast_in_dim3A_855 : i32 to vector<16xi32>
        tpu.vector_store_idx %arg11[%select_n3A_798, %select_n3A_820, %broadcast_in_dim3A_856], %get3A_854 : memref<125x8x33xf32, #tpu.memory_space<vmem>>[vector<16xi32>, vector<16xi32>, vector<16xi32>], vector<16xf32>,
        %get3A_857 = arith.constant 6 : i32
        %get3A_858 = arith.index_cast %get3A_857 : i32 to index
        %get3A_859 = arith.index_cast %mul3A_765 : i32 to index
        %get3A_860 = tpu.vector_load %arg9[%get3A_858, %get3A_859] {strides = array<i32>} : memref<32x1000xf32, #tpu.memory_space<vmem>>, vector<16xf32>,
        %broadcast_in_dim3A_861 = arith.constant 6 : i32
        %broadcast_in_dim3A_862 = vector.broadcast %broadcast_in_dim3A_861 : i32 to vector<16xi32>
        tpu.vector_store_idx %arg11[%select_n3A_798, %select_n3A_820, %broadcast_in_dim3A_862], %get3A_860 : memref<125x8x33xf32, #tpu.memory_space<vmem>>[vector<16xi32>, vector<16xi32>, vector<16xi32>], vector<16xf32>,
        %get3A_863 = arith.constant 7 : i32
        %get3A_864 = arith.index_cast %get3A_863 : i32 to index
        %get3A_865 = arith.index_cast %mul3A_765 : i32 to index
        %get3A_866 = tpu.vector_load %arg9[%get3A_864, %get3A_865] {strides = array<i32>} : memref<32x1000xf32, #tpu.memory_space<vmem>>, vector<16xf32>,
        %broadcast_in_dim3A_867 = arith.constant 7 : i32
        %broadcast_in_dim3A_868 = vector.broadcast %broadcast_in_dim3A_867 : i32 to vector<16xi32>
        tpu.vector_store_idx %arg11[%select_n3A_798, %select_n3A_820, %broadcast_in_dim3A_868], %get3A_866 : memref<125x8x33xf32, #tpu.memory_space<vmem>>[vector<16xi32>, vector<16xi32>, vector<16xi32>], vector<16xf32>,
        %get3A_869 = arith.constant 8 : i32
        %get3A_870 = arith.index_cast %get3A_869 : i32 to index
        %get3A_871 = arith.index_cast %mul3A_765 : i32 to index
        %get3A_872 = tpu.vector_load %arg9[%get3A_870, %get3A_871] {strides = array<i32>} : memref<32x1000xf32, #tpu.memory_space<vmem>>, vector<16xf32>,
        %broadcast_in_dim3A_873 = arith.constant 8 : i32
        %broadcast_in_dim3A_874 = vector.broadcast %broadcast_in_dim3A_873 : i32 to vector<16xi32>
        tpu.vector_store_idx %arg11[%select_n3A_798, %select_n3A_820, %broadcast_in_dim3A_874], %get3A_872 : memref<125x8x33xf32, #tpu.memory_space<vmem>>[vector<16xi32>, vector<16xi32>, vector<16xi32>], vector<16xf32>,
        %get3A_875 = arith.constant 9 : i32
        %get3A_876 = arith.index_cast %get3A_875 : i32 to index
        %get3A_877 = arith.index_cast %mul3A_765 : i32 to index
        %get3A_878 = tpu.vector_load %arg9[%get3A_876, %get3A_877] {strides = array<i32>} : memref<32x1000xf32, #tpu.memory_space<vmem>>, vector<16xf32>,
        %broadcast_in_dim3A_879 = arith.constant 9 : i32
        %broadcast_in_dim3A_880 = vector.broadcast %broadcast_in_dim3A_879 : i32 to vector<16xi32>
        tpu.vector_store_idx %arg11[%select_n3A_798, %select_n3A_820, %broadcast_in_dim3A_880], %get3A_878 : memref<125x8x33xf32, #tpu.memory_space<vmem>>[vector<16xi32>, vector<16xi32>, vector<16xi32>], vector<16xf32>,
        %get3A_881 = arith.constant 10 : i32
        %get3A_882 = arith.index_cast %get3A_881 : i32 to index
        %get3A_883 = arith.index_cast %mul3A_765 : i32 to index
        %get3A_884 = tpu.vector_load %arg9[%get3A_882, %get3A_883] {strides = array<i32>} : memref<32x1000xf32, #tpu.memory_space<vmem>>, vector<16xf32>,
        %broadcast_in_dim3A_885 = arith.constant 10 : i32
        %broadcast_in_dim3A_886 = vector.broadcast %broadcast_in_dim3A_885 : i32 to vector<16xi32>
        tpu.vector_store_idx %arg11[%select_n3A_798, %select_n3A_820, %broadcast_in_dim3A_886], %get3A_884 : memref<125x8x33xf32, #tpu.memory_space<vmem>>[vector<16xi32>, vector<16xi32>, vector<16xi32>], vector<16xf32>,
        %get3A_887 = arith.constant 11 : i32
        %get3A_888 = arith.index_cast %get3A_887 : i32 to index
        %get3A_889 = arith.index_cast %mul3A_765 : i32 to index
        %get3A_890 = tpu.vector_load %arg9[%get3A_888, %get3A_889] {strides = array<i32>} : memref<32x1000xf32, #tpu.memory_space<vmem>>, vector<16xf32>,
        %broadcast_in_dim3A_891 = arith.constant 11 : i32
        %broadcast_in_dim3A_892 = vector.broadcast %broadcast_in_dim3A_891 : i32 to vector<16xi32>
        tpu.vector_store_idx %arg11[%select_n3A_798, %select_n3A_820, %broadcast_in_dim3A_892], %get3A_890 : memref<125x8x33xf32, #tpu.memory_space<vmem>>[vector<16xi32>, vector<16xi32>, vector<16xi32>], vector<16xf32>,
        %get3A_893 = arith.constant 12 : i32
        %get3A_894 = arith.index_cast %get3A_893 : i32 to index
        %get3A_895 = arith.index_cast %mul3A_765 : i32 to index
        %get3A_896 = tpu.vector_load %arg9[%get3A_894, %get3A_895] {strides = array<i32>} : memref<32x1000xf32, #tpu.memory_space<vmem>>, vector<16xf32>,
        %broadcast_in_dim3A_897 = arith.constant 12 : i32
        %broadcast_in_dim3A_898 = vector.broadcast %broadcast_in_dim3A_897 : i32 to vector<16xi32>
        tpu.vector_store_idx %arg11[%select_n3A_798, %select_n3A_820, %broadcast_in_dim3A_898], %get3A_896 : memref<125x8x33xf32, #tpu.memory_space<vmem>>[vector<16xi32>, vector<16xi32>, vector<16xi32>], vector<16xf32>,
        %get3A_899 = arith.constant 13 : i32
        %get3A_900 = arith.index_cast %get3A_899 : i32 to index
        %get3A_901 = arith.index_cast %mul3A_765 : i32 to index
        %get3A_902 = tpu.vector_load %arg9[%get3A_900, %get3A_901] {strides = array<i32>} : memref<32x1000xf32, #tpu.memory_space<vmem>>, vector<16xf32>,
        %broadcast_in_dim3A_903 = arith.constant 13 : i32
        %broadcast_in_dim3A_904 = vector.broadcast %broadcast_in_dim3A_903 : i32 to vector<16xi32>
        tpu.vector_store_idx %arg11[%select_n3A_798, %select_n3A_820, %broadcast_in_dim3A_904], %get3A_902 : memref<125x8x33xf32, #tpu.memory_space<vmem>>[vector<16xi32>, vector<16xi32>, vector<16xi32>], vector<16xf32>,
        %get3A_905 = arith.constant 14 : i32
        %get3A_906 = arith.index_cast %get3A_905 : i32 to index
        %get3A_907 = arith.index_cast %mul3A_765 : i32 to index
        %get3A_908 = tpu.vector_load %arg9[%get3A_906, %get3A_907] {strides = array<i32>} : memref<32x1000xf32, #tpu.memory_space<vmem>>, vector<16xf32>,
        %broadcast_in_dim3A_909 = arith.constant 14 : i32
        %broadcast_in_dim3A_910 = vector.broadcast %broadcast_in_dim3A_909 : i32 to vector<16xi32>
        tpu.vector_store_idx %arg11[%select_n3A_798, %select_n3A_820, %broadcast_in_dim3A_910], %get3A_908 : memref<125x8x33xf32, #tpu.memory_space<vmem>>[vector<16xi32>, vector<16xi32>, vector<16xi32>], vector<16xf32>,
        %get3A_911 = arith.constant 15 : i32
        %get3A_912 = arith.index_cast %get3A_911 : i32 to index
        %get3A_913 = arith.index_cast %mul3A_765 : i32 to index
        %get3A_914 = tpu.vector_load %arg9[%get3A_912, %get3A_913] {strides = array<i32>} : memref<32x1000xf32, #tpu.memory_space<vmem>>, vector<16xf32>,
        %broadcast_in_dim3A_915 = arith.constant 15 : i32
        %broadcast_in_dim3A_916 = vector.broadcast %broadcast_in_dim3A_915 : i32 to vector<16xi32>
        tpu.vector_store_idx %arg11[%select_n3A_798, %select_n3A_820, %broadcast_in_dim3A_916], %get3A_914 : memref<125x8x33xf32, #tpu.memory_space<vmem>>[vector<16xi32>, vector<16xi32>, vector<16xi32>], vector<16xf32>,
        %get3A_917 = arith.constant 16 : i32
        %get3A_918 = arith.index_cast %get3A_917 : i32 to index
        %get3A_919 = arith.index_cast %mul3A_765 : i32 to index
        %get3A_920 = tpu.vector_load %arg9[%get3A_918, %get3A_919] {strides = array<i32>} : memref<32x1000xf32, #tpu.memory_space<vmem>>, vector<16xf32>,
        %broadcast_in_dim3A_921 = arith.constant 16 : i32
        %broadcast_in_dim3A_922 = vector.broadcast %broadcast_in_dim3A_921 : i32 to vector<16xi32>
        tpu.vector_store_idx %arg11[%select_n3A_798, %select_n3A_820, %broadcast_in_dim3A_922], %get3A_920 : memref<125x8x33xf32, #tpu.memory_space<vmem>>[vector<16xi32>, vector<16xi32>, vector<16xi32>], vector<16xf32>,
        %get3A_923 = arith.constant 17 : i32
        %get3A_924 = arith.index_cast %get3A_923 : i32 to index
        %get3A_925 = arith.index_cast %mul3A_765 : i32 to index
        %get3A_926 = tpu.vector_load %arg9[%get3A_924, %get3A_925] {strides = array<i32>} : memref<32x1000xf32, #tpu.memory_space<vmem>>, vector<16xf32>,
        %broadcast_in_dim3A_927 = arith.constant 17 : i32
        %broadcast_in_dim3A_928 = vector.broadcast %broadcast_in_dim3A_927 : i32 to vector<16xi32>
        tpu.vector_store_idx %arg11[%select_n3A_798, %select_n3A_820, %broadcast_in_dim3A_928], %get3A_926 : memref<125x8x33xf32, #tpu.memory_space<vmem>>[vector<16xi32>, vector<16xi32>, vector<16xi32>], vector<16xf32>,
        %get3A_929 = arith.constant 18 : i32
        %get3A_930 = arith.index_cast %get3A_929 : i32 to index
        %get3A_931 = arith.index_cast %mul3A_765 : i32 to index
        %get3A_932 = tpu.vector_load %arg9[%get3A_930, %get3A_931] {strides = array<i32>} : memref<32x1000xf32, #tpu.memory_space<vmem>>, vector<16xf32>,
        %broadcast_in_dim3A_933 = arith.constant 18 : i32
        %broadcast_in_dim3A_934 = vector.broadcast %broadcast_in_dim3A_933 : i32 to vector<16xi32>
        tpu.vector_store_idx %arg11[%select_n3A_798, %select_n3A_820, %broadcast_in_dim3A_934], %get3A_932 : memref<125x8x33xf32, #tpu.memory_space<vmem>>[vector<16xi32>, vector<16xi32>, vector<16xi32>], vector<16xf32>,
        %get3A_935 = arith.constant 19 : i32
        %get3A_936 = arith.index_cast %get3A_935 : i32 to index
        %get3A_937 = arith.index_cast %mul3A_765 : i32 to index
        %get3A_938 = tpu.vector_load %arg9[%get3A_936, %get3A_937] {strides = array<i32>} : memref<32x1000xf32, #tpu.memory_space<vmem>>, vector<16xf32>,
        %broadcast_in_dim3A_939 = arith.constant 19 : i32
        %broadcast_in_dim3A_940 = vector.broadcast %broadcast_in_dim3A_939 : i32 to vector<16xi32>
        tpu.vector_store_idx %arg11[%select_n3A_798, %select_n3A_820, %broadcast_in_dim3A_940], %get3A_938 : memref<125x8x33xf32, #tpu.memory_space<vmem>>[vector<16xi32>, vector<16xi32>, vector<16xi32>], vector<16xf32>,
        %get3A_941 = arith.constant 20 : i32
        %get3A_942 = arith.index_cast %get3A_941 : i32 to index
        %get3A_943 = arith.index_cast %mul3A_765 : i32 to index
        %get3A_944 = tpu.vector_load %arg9[%get3A_942, %get3A_943] {strides = array<i32>} : memref<32x1000xf32, #tpu.memory_space<vmem>>, vector<16xf32>,
        %broadcast_in_dim3A_945 = arith.constant 20 : i32
        %broadcast_in_dim3A_946 = vector.broadcast %broadcast_in_dim3A_945 : i32 to vector<16xi32>
        tpu.vector_store_idx %arg11[%select_n3A_798, %select_n3A_820, %broadcast_in_dim3A_946], %get3A_944 : memref<125x8x33xf32, #tpu.memory_space<vmem>>[vector<16xi32>, vector<16xi32>, vector<16xi32>], vector<16xf32>,
        %get3A_947 = arith.constant 21 : i32
        %get3A_948 = arith.index_cast %get3A_947 : i32 to index
        %get3A_949 = arith.index_cast %mul3A_765 : i32 to index
        %get3A_950 = tpu.vector_load %arg9[%get3A_948, %get3A_949] {strides = array<i32>} : memref<32x1000xf32, #tpu.memory_space<vmem>>, vector<16xf32>,
        %broadcast_in_dim3A_951 = arith.constant 21 : i32
        %broadcast_in_dim3A_952 = vector.broadcast %broadcast_in_dim3A_951 : i32 to vector<16xi32>
        tpu.vector_store_idx %arg11[%select_n3A_798, %select_n3A_820, %broadcast_in_dim3A_952], %get3A_950 : memref<125x8x33xf32, #tpu.memory_space<vmem>>[vector<16xi32>, vector<16xi32>, vector<16xi32>], vector<16xf32>,
        %get3A_953 = arith.constant 22 : i32
        %get3A_954 = arith.index_cast %get3A_953 : i32 to index
        %get3A_955 = arith.index_cast %mul3A_765 : i32 to index
        %get3A_956 = tpu.vector_load %arg9[%get3A_954, %get3A_955] {strides = array<i32>} : memref<32x1000xf32, #tpu.memory_space<vmem>>, vector<16xf32>,
        %broadcast_in_dim3A_957 = arith.constant 22 : i32
        %broadcast_in_dim3A_958 = vector.broadcast %broadcast_in_dim3A_957 : i32 to vector<16xi32>
        tpu.vector_store_idx %arg11[%select_n3A_798, %select_n3A_820, %broadcast_in_dim3A_958], %get3A_956 : memref<125x8x33xf32, #tpu.memory_space<vmem>>[vector<16xi32>, vector<16xi32>, vector<16xi32>], vector<16xf32>,
        %get3A_959 = arith.constant 23 : i32
        %get3A_960 = arith.index_cast %get3A_959 : i32 to index
        %get3A_961 = arith.index_cast %mul3A_765 : i32 to index
        %get3A_962 = tpu.vector_load %arg9[%get3A_960, %get3A_961] {strides = array<i32>} : memref<32x1000xf32, #tpu.memory_space<vmem>>, vector<16xf32>,
        %broadcast_in_dim3A_963 = arith.constant 23 : i32
        %broadcast_in_dim3A_964 = vector.broadcast %broadcast_in_dim3A_963 : i32 to vector<16xi32>
        tpu.vector_store_idx %arg11[%select_n3A_798, %select_n3A_820, %broadcast_in_dim3A_964], %get3A_962 : memref<125x8x33xf32, #tpu.memory_space<vmem>>[vector<16xi32>, vector<16xi32>, vector<16xi32>], vector<16xf32>,
        %get3A_965 = arith.constant 24 : i32
        %get3A_966 = arith.index_cast %get3A_965 : i32 to index
        %get3A_967 = arith.index_cast %mul3A_765 : i32 to index
        %get3A_968 = tpu.vector_load %arg9[%get3A_966, %get3A_967] {strides = array<i32>} : memref<32x1000xf32, #tpu.memory_space<vmem>>, vector<16xf32>,
        %broadcast_in_dim3A_969 = arith.constant 24 : i32
        %broadcast_in_dim3A_970 = vector.broadcast %broadcast_in_dim3A_969 : i32 to vector<16xi32>
        tpu.vector_store_idx %arg11[%select_n3A_798, %select_n3A_820, %broadcast_in_dim3A_970], %get3A_968 : memref<125x8x33xf32, #tpu.memory_space<vmem>>[vector<16xi32>, vector<16xi32>, vector<16xi32>], vector<16xf32>,
        %get3A_971 = arith.constant 25 : i32
        %get3A_972 = arith.index_cast %get3A_971 : i32 to index
        %get3A_973 = arith.index_cast %mul3A_765 : i32 to index
        %get3A_974 = tpu.vector_load %arg9[%get3A_972, %get3A_973] {strides = array<i32>} : memref<32x1000xf32, #tpu.memory_space<vmem>>, vector<16xf32>,
        %broadcast_in_dim3A_975 = arith.constant 25 : i32
        %broadcast_in_dim3A_976 = vector.broadcast %broadcast_in_dim3A_975 : i32 to vector<16xi32>
        tpu.vector_store_idx %arg11[%select_n3A_798, %select_n3A_820, %broadcast_in_dim3A_976], %get3A_974 : memref<125x8x33xf32, #tpu.memory_space<vmem>>[vector<16xi32>, vector<16xi32>, vector<16xi32>], vector<16xf32>,
        %get3A_977 = arith.constant 26 : i32
        %get3A_978 = arith.index_cast %get3A_977 : i32 to index
        %get3A_979 = arith.index_cast %mul3A_765 : i32 to index
        %get3A_980 = tpu.vector_load %arg9[%get3A_978, %get3A_979] {strides = array<i32>} : memref<32x1000xf32, #tpu.memory_space<vmem>>, vector<16xf32>,
        %broadcast_in_dim3A_981 = arith.constant 26 : i32
        %broadcast_in_dim3A_982 = vector.broadcast %broadcast_in_dim3A_981 : i32 to vector<16xi32>
        tpu.vector_store_idx %arg11[%select_n3A_798, %select_n3A_820, %broadcast_in_dim3A_982], %get3A_980 : memref<125x8x33xf32, #tpu.memory_space<vmem>>[vector<16xi32>, vector<16xi32>, vector<16xi32>], vector<16xf32>,
        %get3A_983 = arith.constant 27 : i32
        %get3A_984 = arith.index_cast %get3A_983 : i32 to index
        %get3A_985 = arith.index_cast %mul3A_765 : i32 to index
        %get3A_986 = tpu.vector_load %arg9[%get3A_984, %get3A_985] {strides = array<i32>} : memref<32x1000xf32, #tpu.memory_space<vmem>>, vector<16xf32>,
        %broadcast_in_dim3A_987 = arith.constant 27 : i32
        %broadcast_in_dim3A_988 = vector.broadcast %broadcast_in_dim3A_987 : i32 to vector<16xi32>
        tpu.vector_store_idx %arg11[%select_n3A_798, %select_n3A_820, %broadcast_in_dim3A_988], %get3A_986 : memref<125x8x33xf32, #tpu.memory_space<vmem>>[vector<16xi32>, vector<16xi32>, vector<16xi32>], vector<16xf32>,
        %get3A_989 = arith.constant 28 : i32
        %get3A_990 = arith.index_cast %get3A_989 : i32 to index
        %get3A_991 = arith.index_cast %mul3A_765 : i32 to index
        %get3A_992 = tpu.vector_load %arg9[%get3A_990, %get3A_991] {strides = array<i32>} : memref<32x1000xf32, #tpu.memory_space<vmem>>, vector<16xf32>,
        %broadcast_in_dim3A_993 = arith.constant 28 : i32
        %broadcast_in_dim3A_994 = vector.broadcast %broadcast_in_dim3A_993 : i32 to vector<16xi32>
        tpu.vector_store_idx %arg11[%select_n3A_798, %select_n3A_820, %broadcast_in_dim3A_994], %get3A_992 : memref<125x8x33xf32, #tpu.memory_space<vmem>>[vector<16xi32>, vector<16xi32>, vector<16xi32>], vector<16xf32>,
        %get3A_995 = arith.constant 29 : i32
        %get3A_996 = arith.index_cast %get3A_995 : i32 to index
        %get3A_997 = arith.index_cast %mul3A_765 : i32 to index
        %get3A_998 = tpu.vector_load %arg9[%get3A_996, %get3A_997] {strides = array<i32>} : memref<32x1000xf32, #tpu.memory_space<vmem>>, vector<16xf32>,
        %broadcast_in_dim3A_999 = arith.constant 29 : i32
        %broadcast_in_dim3A_1000 = vector.broadcast %broadcast_in_dim3A_999 : i32 to vector<16xi32>
        tpu.vector_store_idx %arg11[%select_n3A_798, %select_n3A_820, %broadcast_in_dim3A_1000], %get3A_998 : memref<125x8x33xf32, #tpu.memory_space<vmem>>[vector<16xi32>, vector<16xi32>, vector<16xi32>], vector<16xf32>,
        %get3A_1001 = arith.constant 30 : i32
        %get3A_1002 = arith.index_cast %get3A_1001 : i32 to index
        %get3A_1003 = arith.index_cast %mul3A_765 : i32 to index
        %get3A_1004 = tpu.vector_load %arg9[%get3A_1002, %get3A_1003] {strides = array<i32>} : memref<32x1000xf32, #tpu.memory_space<vmem>>, vector<16xf32>,
        %broadcast_in_dim3A_1005 = arith.constant 30 : i32
        %broadcast_in_dim3A_1006 = vector.broadcast %broadcast_in_dim3A_1005 : i32 to vector<16xi32>
        tpu.vector_store_idx %arg11[%select_n3A_798, %select_n3A_820, %broadcast_in_dim3A_1006], %get3A_1004 : memref<125x8x33xf32, #tpu.memory_space<vmem>>[vector<16xi32>, vector<16xi32>, vector<16xi32>], vector<16xf32>,
        %get3A_1007 = arith.constant 31 : i32
        %get3A_1008 = arith.index_cast %get3A_1007 : i32 to index
        %get3A_1009 = arith.index_cast %mul3A_765 : i32 to index
        %get3A_1010 = tpu.vector_load %arg9[%get3A_1008, %get3A_1009] {strides = array<i32>} : memref<32x1000xf32, #tpu.memory_space<vmem>>, vector<16xf32>,
        %broadcast_in_dim3A_1011 = arith.constant 31 : i32
        %broadcast_in_dim3A_1012 = vector.broadcast %broadcast_in_dim3A_1011 : i32 to vector<16xi32>
        tpu.vector_store_idx %arg11[%select_n3A_798, %select_n3A_820, %broadcast_in_dim3A_1012], %get3A_1010 : memref<125x8x33xf32, #tpu.memory_space<vmem>>[vector<16xi32>, vector<16xi32>, vector<16xi32>], vector<16xf32>,
        %mul3A_1013 = arith.constant 32 : i32
        %mul3A_1014 = arith.muli %scan3A_763, %mul3A_1013 : i32
        %add3A_1015 = arith.constant 16 : i32
        %add3A_1016 = arith.addi %mul3A_1014, %add3A_1015 : i32
        %add3A_1017 = vector.broadcast %add3A_1016 : i32 to vector<16xi32>
        %add3A_1018 = arith.addi %iota3A, %add3A_1017 : vector<16xi32>
        %jit3A_1019 = arith.constant 8 : i32
        %div3A_1020 = vector.broadcast %jit3A_1019 : i32 to vector<16xi32>
        %div3A_1021 = arith.divsi %add3A_1018, %div3A_1020 : vector<16xi32>
        %sign3A_1022 = arith.constant 0 : i32
        %sign3A_1023 = vector.broadcast %sign3A_1022 : i32 to vector<16xi32>
        %sign3A_1024 = arith.cmpi sgt, %add3A_1018, %sign3A_1023 : vector<16xi32>
        %sign3A_1025 = arith.extui %sign3A_1024 : vector<16xi1> to vector<16xi32>
        %sign3A_1026 = arith.constant 0 : i32
        %sign3A_1027 = vector.broadcast %sign3A_1026 : i32 to vector<16xi32>
        %sign3A_1028 = arith.cmpi slt, %add3A_1018, %sign3A_1027 : vector<16xi32>
        %sign3A_1029 = arith.extui %sign3A_1028 : vector<16xi1> to vector<16xi32>
        %sign3A_1030 = arith.subi %sign3A_1025, %sign3A_1029 : vector<16xi32>
        %sign3A_1031 = arith.constant 0 : i32
        %sign3A_1032 = arith.cmpi sgt, %jit3A_1019, %sign3A_1031 : i32
        %sign3A_1033 = arith.extui %sign3A_1032 : i1 to i32
        %sign3A_1034 = arith.constant 0 : i32
        %sign3A_1035 = arith.cmpi slt, %jit3A_1019, %sign3A_1034 : i32
        %sign3A_1036 = arith.extui %sign3A_1035 : i1 to i32
        %sign3A_1037 = arith.subi %sign3A_1033, %sign3A_1036 : i32
        %ne3A_1038 = vector.broadcast %sign3A_1037 : i32 to vector<16xi32>
        %ne3A_1039 = arith.cmpi ne, %sign3A_1030, %ne3A_1038 : vector<16xi32>
        %rem3A_1040 = vector.broadcast %jit3A_1019 : i32 to vector<16xi32>
        %rem3A_1041 = arith.remsi %add3A_1018, %rem3A_1040 : vector<16xi32>
        %ne3A_1042 = arith.constant 0 : i32
        %ne3A_1043 = vector.broadcast %ne3A_1042 : i32 to vector<16xi32>
        %ne3A_1044 = arith.cmpi ne, %rem3A_1041, %ne3A_1043 : vector<16xi32>
        %and3A_1045 = arith.andi %ne3A_1039, %ne3A_1044 : vector<16xi1>
        %sub3A_1046 = arith.constant 1 : i32
        %sub3A_1047 = vector.broadcast %sub3A_1046 : i32 to vector<16xi32>
        %sub3A_1048 = arith.subi %div3A_1021, %sub3A_1047 : vector<16xi32>
        %select_n3A_1049 = arith.select %and3A_1045, %sub3A_1048, %div3A_1021 : vector<16xi1>, vector<16xi32>
        %jit3A_1050 = arith.constant 8 : i32
        %eq3A_1051 = arith.constant 0 : i32
        %eq3A_1052 = arith.cmpi eq, %jit3A_1050, %eq3A_1051 : i32
        %jit3A_1053 = arith.constant 1 : i32
        %select_n3A_1054 = arith.select %eq3A_1052, %jit3A_1053, %jit3A_1050 : i32
        %rem3A_1055 = vector.broadcast %select_n3A_1054 : i32 to vector<16xi32>
        %rem3A_1056 = arith.remsi %add3A_1018, %rem3A_1055 : vector<16xi32>
        %ne3A_1057 = arith.constant 0 : i32
        %ne3A_1058 = vector.broadcast %ne3A_1057 : i32 to vector<16xi32>
        %ne3A_1059 = arith.cmpi ne, %rem3A_1056, %ne3A_1058 : vector<16xi32>
        %lt3A_1060 = arith.constant 0 : i32
        %lt3A_1061 = vector.broadcast %lt3A_1060 : i32 to vector<16xi32>
        %lt3A_1062 = arith.cmpi slt, %rem3A_1056, %lt3A_1061 : vector<16xi32>
        %lt3A_1063 = arith.constant 0 : i32
        %lt3A_1064 = arith.cmpi slt, %select_n3A_1054, %lt3A_1063 : i32
        %ne3A_1065 = vector.broadcast %lt3A_1064 : i1 to vector<16xi1>
        %ne3A_1066 = vector.broadcast %ne3A_1065 : vector<16xi1> to vector<16xi1>
        %ne3A_1067 = arith.xori %lt3A_1062, %ne3A_1066 : vector<16xi1>
        %and3A_1068 = arith.andi %ne3A_1067, %ne3A_1059 : vector<16xi1>
        %add3A_1069 = vector.broadcast %select_n3A_1054 : i32 to vector<16xi32>
        %add3A_1070 = arith.addi %rem3A_1056, %add3A_1069 : vector<16xi32>
        %select_n3A_1071 = arith.select %and3A_1068, %add3A_1070, %rem3A_1056 : vector<16xi1>, vector<16xi32>
        %get3A_1072 = arith.constant 0 : i32
        %get3A_1073 = arith.index_cast %get3A_1072 : i32 to index
        %get3A_1074 = arith.index_cast %add3A_1016 : i32 to index
        %get3A_1075 = tpu.vector_load %arg9[%get3A_1073, %get3A_1074] {strides = array<i32>} : memref<32x1000xf32, #tpu.memory_space<vmem>>, vector<16xf32>,
        %broadcast_in_dim3A_1076 = arith.constant 0 : i32
        %broadcast_in_dim3A_1077 = vector.broadcast %broadcast_in_dim3A_1076 : i32 to vector<16xi32>
        tpu.vector_store_idx %arg11[%select_n3A_1049, %select_n3A_1071, %broadcast_in_dim3A_1077], %get3A_1075 : memref<125x8x33xf32, #tpu.memory_space<vmem>>[vector<16xi32>, vector<16xi32>, vector<16xi32>], vector<16xf32>,
        %get3A_1078 = arith.constant 1 : i32
        %get3A_1079 = arith.index_cast %get3A_1078 : i32 to index
        %get3A_1080 = arith.index_cast %add3A_1016 : i32 to index
        %get3A_1081 = tpu.vector_load %arg9[%get3A_1079, %get3A_1080] {strides = array<i32>} : memref<32x1000xf32, #tpu.memory_space<vmem>>, vector<16xf32>,
        %broadcast_in_dim3A_1082 = arith.constant 1 : i32
        %broadcast_in_dim3A_1083 = vector.broadcast %broadcast_in_dim3A_1082 : i32 to vector<16xi32>
        tpu.vector_store_idx %arg11[%select_n3A_1049, %select_n3A_1071, %broadcast_in_dim3A_1083], %get3A_1081 : memref<125x8x33xf32, #tpu.memory_space<vmem>>[vector<16xi32>, vector<16xi32>, vector<16xi32>], vector<16xf32>,
        %get3A_1084 = arith.constant 2 : i32
        %get3A_1085 = arith.index_cast %get3A_1084 : i32 to index
        %get3A_1086 = arith.index_cast %add3A_1016 : i32 to index
        %get3A_1087 = tpu.vector_load %arg9[%get3A_1085, %get3A_1086] {strides = array<i32>} : memref<32x1000xf32, #tpu.memory_space<vmem>>, vector<16xf32>,
        %broadcast_in_dim3A_1088 = arith.constant 2 : i32
        %broadcast_in_dim3A_1089 = vector.broadcast %broadcast_in_dim3A_1088 : i32 to vector<16xi32>
        tpu.vector_store_idx %arg11[%select_n3A_1049, %select_n3A_1071, %broadcast_in_dim3A_1089], %get3A_1087 : memref<125x8x33xf32, #tpu.memory_space<vmem>>[vector<16xi32>, vector<16xi32>, vector<16xi32>], vector<16xf32>,
        %get3A_1090 = arith.constant 3 : i32
        %get3A_1091 = arith.index_cast %get3A_1090 : i32 to index
        %get3A_1092 = arith.index_cast %add3A_1016 : i32 to index
        %get3A_1093 = tpu.vector_load %arg9[%get3A_1091, %get3A_1092] {strides = array<i32>} : memref<32x1000xf32, #tpu.memory_space<vmem>>, vector<16xf32>,
        %broadcast_in_dim3A_1094 = arith.constant 3 : i32
        %broadcast_in_dim3A_1095 = vector.broadcast %broadcast_in_dim3A_1094 : i32 to vector<16xi32>
        tpu.vector_store_idx %arg11[%select_n3A_1049, %select_n3A_1071, %broadcast_in_dim3A_1095], %get3A_1093 : memref<125x8x33xf32, #tpu.memory_space<vmem>>[vector<16xi32>, vector<16xi32>, vector<16xi32>], vector<16xf32>,
        %get3A_1096 = arith.constant 4 : i32
        %get3A_1097 = arith.index_cast %get3A_1096 : i32 to index
        %get3A_1098 = arith.index_cast %add3A_1016 : i32 to index
        %get3A_1099 = tpu.vector_load %arg9[%get3A_1097, %get3A_1098] {strides = array<i32>} : memref<32x1000xf32, #tpu.memory_space<vmem>>, vector<16xf32>,
        %broadcast_in_dim3A_1100 = arith.constant 4 : i32
        %broadcast_in_dim3A_1101 = vector.broadcast %broadcast_in_dim3A_1100 : i32 to vector<16xi32>
        tpu.vector_store_idx %arg11[%select_n3A_1049, %select_n3A_1071, %broadcast_in_dim3A_1101], %get3A_1099 : memref<125x8x33xf32, #tpu.memory_space<vmem>>[vector<16xi32>, vector<16xi32>, vector<16xi32>], vector<16xf32>,
        %get3A_1102 = arith.constant 5 : i32
        %get3A_1103 = arith.index_cast %get3A_1102 : i32 to index
        %get3A_1104 = arith.index_cast %add3A_1016 : i32 to index
        %get3A_1105 = tpu.vector_load %arg9[%get3A_1103, %get3A_1104] {strides = array<i32>} : memref<32x1000xf32, #tpu.memory_space<vmem>>, vector<16xf32>,
        %broadcast_in_dim3A_1106 = arith.constant 5 : i32
        %broadcast_in_dim3A_1107 = vector.broadcast %broadcast_in_dim3A_1106 : i32 to vector<16xi32>
        tpu.vector_store_idx %arg11[%select_n3A_1049, %select_n3A_1071, %broadcast_in_dim3A_1107], %get3A_1105 : memref<125x8x33xf32, #tpu.memory_space<vmem>>[vector<16xi32>, vector<16xi32>, vector<16xi32>], vector<16xf32>,
        %get3A_1108 = arith.constant 6 : i32
        %get3A_1109 = arith.index_cast %get3A_1108 : i32 to index
        %get3A_1110 = arith.index_cast %add3A_1016 : i32 to index
        %get3A_1111 = tpu.vector_load %arg9[%get3A_1109, %get3A_1110] {strides = array<i32>} : memref<32x1000xf32, #tpu.memory_space<vmem>>, vector<16xf32>,
        %broadcast_in_dim3A_1112 = arith.constant 6 : i32
        %broadcast_in_dim3A_1113 = vector.broadcast %broadcast_in_dim3A_1112 : i32 to vector<16xi32>
        tpu.vector_store_idx %arg11[%select_n3A_1049, %select_n3A_1071, %broadcast_in_dim3A_1113], %get3A_1111 : memref<125x8x33xf32, #tpu.memory_space<vmem>>[vector<16xi32>, vector<16xi32>, vector<16xi32>], vector<16xf32>,
        %get3A_1114 = arith.constant 7 : i32
        %get3A_1115 = arith.index_cast %get3A_1114 : i32 to index
        %get3A_1116 = arith.index_cast %add3A_1016 : i32 to index
        %get3A_1117 = tpu.vector_load %arg9[%get3A_1115, %get3A_1116] {strides = array<i32>} : memref<32x1000xf32, #tpu.memory_space<vmem>>, vector<16xf32>,
        %broadcast_in_dim3A_1118 = arith.constant 7 : i32
        %broadcast_in_dim3A_1119 = vector.broadcast %broadcast_in_dim3A_1118 : i32 to vector<16xi32>
        tpu.vector_store_idx %arg11[%select_n3A_1049, %select_n3A_1071, %broadcast_in_dim3A_1119], %get3A_1117 : memref<125x8x33xf32, #tpu.memory_space<vmem>>[vector<16xi32>, vector<16xi32>, vector<16xi32>], vector<16xf32>,
        %get3A_1120 = arith.constant 8 : i32
        %get3A_1121 = arith.index_cast %get3A_1120 : i32 to index
        %get3A_1122 = arith.index_cast %add3A_1016 : i32 to index
        %get3A_1123 = tpu.vector_load %arg9[%get3A_1121, %get3A_1122] {strides = array<i32>} : memref<32x1000xf32, #tpu.memory_space<vmem>>, vector<16xf32>,
        %broadcast_in_dim3A_1124 = arith.constant 8 : i32
        %broadcast_in_dim3A_1125 = vector.broadcast %broadcast_in_dim3A_1124 : i32 to vector<16xi32>
        tpu.vector_store_idx %arg11[%select_n3A_1049, %select_n3A_1071, %broadcast_in_dim3A_1125], %get3A_1123 : memref<125x8x33xf32, #tpu.memory_space<vmem>>[vector<16xi32>, vector<16xi32>, vector<16xi32>], vector<16xf32>,
        %get3A_1126 = arith.constant 9 : i32
        %get3A_1127 = arith.index_cast %get3A_1126 : i32 to index
        %get3A_1128 = arith.index_cast %add3A_1016 : i32 to index
        %get3A_1129 = tpu.vector_load %arg9[%get3A_1127, %get3A_1128] {strides = array<i32>} : memref<32x1000xf32, #tpu.memory_space<vmem>>, vector<16xf32>,
        %broadcast_in_dim3A_1130 = arith.constant 9 : i32
        %broadcast_in_dim3A_1131 = vector.broadcast %broadcast_in_dim3A_1130 : i32 to vector<16xi32>
        tpu.vector_store_idx %arg11[%select_n3A_1049, %select_n3A_1071, %broadcast_in_dim3A_1131], %get3A_1129 : memref<125x8x33xf32, #tpu.memory_space<vmem>>[vector<16xi32>, vector<16xi32>, vector<16xi32>], vector<16xf32>,
        %get3A_1132 = arith.constant 10 : i32
        %get3A_1133 = arith.index_cast %get3A_1132 : i32 to index
        %get3A_1134 = arith.index_cast %add3A_1016 : i32 to index
        %get3A_1135 = tpu.vector_load %arg9[%get3A_1133, %get3A_1134] {strides = array<i32>} : memref<32x1000xf32, #tpu.memory_space<vmem>>, vector<16xf32>,
        %broadcast_in_dim3A_1136 = arith.constant 10 : i32
        %broadcast_in_dim3A_1137 = vector.broadcast %broadcast_in_dim3A_1136 : i32 to vector<16xi32>
        tpu.vector_store_idx %arg11[%select_n3A_1049, %select_n3A_1071, %broadcast_in_dim3A_1137], %get3A_1135 : memref<125x8x33xf32, #tpu.memory_space<vmem>>[vector<16xi32>, vector<16xi32>, vector<16xi32>], vector<16xf32>,
        %get3A_1138 = arith.constant 11 : i32
        %get3A_1139 = arith.index_cast %get3A_1138 : i32 to index
        %get3A_1140 = arith.index_cast %add3A_1016 : i32 to index
        %get3A_1141 = tpu.vector_load %arg9[%get3A_1139, %get3A_1140] {strides = array<i32>} : memref<32x1000xf32, #tpu.memory_space<vmem>>, vector<16xf32>,
        %broadcast_in_dim3A_1142 = arith.constant 11 : i32
        %broadcast_in_dim3A_1143 = vector.broadcast %broadcast_in_dim3A_1142 : i32 to vector<16xi32>
        tpu.vector_store_idx %arg11[%select_n3A_1049, %select_n3A_1071, %broadcast_in_dim3A_1143], %get3A_1141 : memref<125x8x33xf32, #tpu.memory_space<vmem>>[vector<16xi32>, vector<16xi32>, vector<16xi32>], vector<16xf32>,
        %get3A_1144 = arith.constant 12 : i32
        %get3A_1145 = arith.index_cast %get3A_1144 : i32 to index
        %get3A_1146 = arith.index_cast %add3A_1016 : i32 to index
        %get3A_1147 = tpu.vector_load %arg9[%get3A_1145, %get3A_1146] {strides = array<i32>} : memref<32x1000xf32, #tpu.memory_space<vmem>>, vector<16xf32>,
        %broadcast_in_dim3A_1148 = arith.constant 12 : i32
        %broadcast_in_dim3A_1149 = vector.broadcast %broadcast_in_dim3A_1148 : i32 to vector<16xi32>
        tpu.vector_store_idx %arg11[%select_n3A_1049, %select_n3A_1071, %broadcast_in_dim3A_1149], %get3A_1147 : memref<125x8x33xf32, #tpu.memory_space<vmem>>[vector<16xi32>, vector<16xi32>, vector<16xi32>], vector<16xf32>,
        %get3A_1150 = arith.constant 13 : i32
        %get3A_1151 = arith.index_cast %get3A_1150 : i32 to index
        %get3A_1152 = arith.index_cast %add3A_1016 : i32 to index
        %get3A_1153 = tpu.vector_load %arg9[%get3A_1151, %get3A_1152] {strides = array<i32>} : memref<32x1000xf32, #tpu.memory_space<vmem>>, vector<16xf32>,
        %broadcast_in_dim3A_1154 = arith.constant 13 : i32
        %broadcast_in_dim3A_1155 = vector.broadcast %broadcast_in_dim3A_1154 : i32 to vector<16xi32>
        tpu.vector_store_idx %arg11[%select_n3A_1049, %select_n3A_1071, %broadcast_in_dim3A_1155], %get3A_1153 : memref<125x8x33xf32, #tpu.memory_space<vmem>>[vector<16xi32>, vector<16xi32>, vector<16xi32>], vector<16xf32>,
        %get3A_1156 = arith.constant 14 : i32
        %get3A_1157 = arith.index_cast %get3A_1156 : i32 to index
        %get3A_1158 = arith.index_cast %add3A_1016 : i32 to index
        %get3A_1159 = tpu.vector_load %arg9[%get3A_1157, %get3A_1158] {strides = array<i32>} : memref<32x1000xf32, #tpu.memory_space<vmem>>, vector<16xf32>,
        %broadcast_in_dim3A_1160 = arith.constant 14 : i32
        %broadcast_in_dim3A_1161 = vector.broadcast %broadcast_in_dim3A_1160 : i32 to vector<16xi32>
        tpu.vector_store_idx %arg11[%select_n3A_1049, %select_n3A_1071, %broadcast_in_dim3A_1161], %get3A_1159 : memref<125x8x33xf32, #tpu.memory_space<vmem>>[vector<16xi32>, vector<16xi32>, vector<16xi32>], vector<16xf32>,
        %get3A_1162 = arith.constant 15 : i32
        %get3A_1163 = arith.index_cast %get3A_1162 : i32 to index
        %get3A_1164 = arith.index_cast %add3A_1016 : i32 to index
        %get3A_1165 = tpu.vector_load %arg9[%get3A_1163, %get3A_1164] {strides = array<i32>} : memref<32x1000xf32, #tpu.memory_space<vmem>>, vector<16xf32>,
        %broadcast_in_dim3A_1166 = arith.constant 15 : i32
        %broadcast_in_dim3A_1167 = vector.broadcast %broadcast_in_dim3A_1166 : i32 to vector<16xi32>
        tpu.vector_store_idx %arg11[%select_n3A_1049, %select_n3A_1071, %broadcast_in_dim3A_1167], %get3A_1165 : memref<125x8x33xf32, #tpu.memory_space<vmem>>[vector<16xi32>, vector<16xi32>, vector<16xi32>], vector<16xf32>,
        %get3A_1168 = arith.constant 16 : i32
        %get3A_1169 = arith.index_cast %get3A_1168 : i32 to index
        %get3A_1170 = arith.index_cast %add3A_1016 : i32 to index
        %get3A_1171 = tpu.vector_load %arg9[%get3A_1169, %get3A_1170] {strides = array<i32>} : memref<32x1000xf32, #tpu.memory_space<vmem>>, vector<16xf32>,
        %broadcast_in_dim3A_1172 = arith.constant 16 : i32
        %broadcast_in_dim3A_1173 = vector.broadcast %broadcast_in_dim3A_1172 : i32 to vector<16xi32>
        tpu.vector_store_idx %arg11[%select_n3A_1049, %select_n3A_1071, %broadcast_in_dim3A_1173], %get3A_1171 : memref<125x8x33xf32, #tpu.memory_space<vmem>>[vector<16xi32>, vector<16xi32>, vector<16xi32>], vector<16xf32>,
        %get3A_1174 = arith.constant 17 : i32
        %get3A_1175 = arith.index_cast %get3A_1174 : i32 to index
        %get3A_1176 = arith.index_cast %add3A_1016 : i32 to index
        %get3A_1177 = tpu.vector_load %arg9[%get3A_1175, %get3A_1176] {strides = array<i32>} : memref<32x1000xf32, #tpu.memory_space<vmem>>, vector<16xf32>,
        %broadcast_in_dim3A_1178 = arith.constant 17 : i32
        %broadcast_in_dim3A_1179 = vector.broadcast %broadcast_in_dim3A_1178 : i32 to vector<16xi32>
        tpu.vector_store_idx %arg11[%select_n3A_1049, %select_n3A_1071, %broadcast_in_dim3A_1179], %get3A_1177 : memref<125x8x33xf32, #tpu.memory_space<vmem>>[vector<16xi32>, vector<16xi32>, vector<16xi32>], vector<16xf32>,
        %get3A_1180 = arith.constant 18 : i32
        %get3A_1181 = arith.index_cast %get3A_1180 : i32 to index
        %get3A_1182 = arith.index_cast %add3A_1016 : i32 to index
        %get3A_1183 = tpu.vector_load %arg9[%get3A_1181, %get3A_1182] {strides = array<i32>} : memref<32x1000xf32, #tpu.memory_space<vmem>>, vector<16xf32>,
        %broadcast_in_dim3A_1184 = arith.constant 18 : i32
        %broadcast_in_dim3A_1185 = vector.broadcast %broadcast_in_dim3A_1184 : i32 to vector<16xi32>
        tpu.vector_store_idx %arg11[%select_n3A_1049, %select_n3A_1071, %broadcast_in_dim3A_1185], %get3A_1183 : memref<125x8x33xf32, #tpu.memory_space<vmem>>[vector<16xi32>, vector<16xi32>, vector<16xi32>], vector<16xf32>,
        %get3A_1186 = arith.constant 19 : i32
        %get3A_1187 = arith.index_cast %get3A_1186 : i32 to index
        %get3A_1188 = arith.index_cast %add3A_1016 : i32 to index
        %get3A_1189 = tpu.vector_load %arg9[%get3A_1187, %get3A_1188] {strides = array<i32>} : memref<32x1000xf32, #tpu.memory_space<vmem>>, vector<16xf32>,
        %broadcast_in_dim3A_1190 = arith.constant 19 : i32
        %broadcast_in_dim3A_1191 = vector.broadcast %broadcast_in_dim3A_1190 : i32 to vector<16xi32>
        tpu.vector_store_idx %arg11[%select_n3A_1049, %select_n3A_1071, %broadcast_in_dim3A_1191], %get3A_1189 : memref<125x8x33xf32, #tpu.memory_space<vmem>>[vector<16xi32>, vector<16xi32>, vector<16xi32>], vector<16xf32>,
        %get3A_1192 = arith.constant 20 : i32
        %get3A_1193 = arith.index_cast %get3A_1192 : i32 to index
        %get3A_1194 = arith.index_cast %add3A_1016 : i32 to index
        %get3A_1195 = tpu.vector_load %arg9[%get3A_1193, %get3A_1194] {strides = array<i32>} : memref<32x1000xf32, #tpu.memory_space<vmem>>, vector<16xf32>,
        %broadcast_in_dim3A_1196 = arith.constant 20 : i32
        %broadcast_in_dim3A_1197 = vector.broadcast %broadcast_in_dim3A_1196 : i32 to vector<16xi32>
        tpu.vector_store_idx %arg11[%select_n3A_1049, %select_n3A_1071, %broadcast_in_dim3A_1197], %get3A_1195 : memref<125x8x33xf32, #tpu.memory_space<vmem>>[vector<16xi32>, vector<16xi32>, vector<16xi32>], vector<16xf32>,
        %get3A_1198 = arith.constant 21 : i32
        %get3A_1199 = arith.index_cast %get3A_1198 : i32 to index
        %get3A_1200 = arith.index_cast %add3A_1016 : i32 to index
        %get3A_1201 = tpu.vector_load %arg9[%get3A_1199, %get3A_1200] {strides = array<i32>} : memref<32x1000xf32, #tpu.memory_space<vmem>>, vector<16xf32>,
        %broadcast_in_dim3A_1202 = arith.constant 21 : i32
        %broadcast_in_dim3A_1203 = vector.broadcast %broadcast_in_dim3A_1202 : i32 to vector<16xi32>
        tpu.vector_store_idx %arg11[%select_n3A_1049, %select_n3A_1071, %broadcast_in_dim3A_1203], %get3A_1201 : memref<125x8x33xf32, #tpu.memory_space<vmem>>[vector<16xi32>, vector<16xi32>, vector<16xi32>], vector<16xf32>,
        %get3A_1204 = arith.constant 22 : i32
        %get3A_1205 = arith.index_cast %get3A_1204 : i32 to index
        %get3A_1206 = arith.index_cast %add3A_1016 : i32 to index
        %get3A_1207 = tpu.vector_load %arg9[%get3A_1205, %get3A_1206] {strides = array<i32>} : memref<32x1000xf32, #tpu.memory_space<vmem>>, vector<16xf32>,
        %broadcast_in_dim3A_1208 = arith.constant 22 : i32
        %broadcast_in_dim3A_1209 = vector.broadcast %broadcast_in_dim3A_1208 : i32 to vector<16xi32>
        tpu.vector_store_idx %arg11[%select_n3A_1049, %select_n3A_1071, %broadcast_in_dim3A_1209], %get3A_1207 : memref<125x8x33xf32, #tpu.memory_space<vmem>>[vector<16xi32>, vector<16xi32>, vector<16xi32>], vector<16xf32>,
        %get3A_1210 = arith.constant 23 : i32
        %get3A_1211 = arith.index_cast %get3A_1210 : i32 to index
        %get3A_1212 = arith.index_cast %add3A_1016 : i32 to index
        %get3A_1213 = tpu.vector_load %arg9[%get3A_1211, %get3A_1212] {strides = array<i32>} : memref<32x1000xf32, #tpu.memory_space<vmem>>, vector<16xf32>,
        %broadcast_in_dim3A_1214 = arith.constant 23 : i32
        %broadcast_in_dim3A_1215 = vector.broadcast %broadcast_in_dim3A_1214 : i32 to vector<16xi32>
        tpu.vector_store_idx %arg11[%select_n3A_1049, %select_n3A_1071, %broadcast_in_dim3A_1215], %get3A_1213 : memref<125x8x33xf32, #tpu.memory_space<vmem>>[vector<16xi32>, vector<16xi32>, vector<16xi32>], vector<16xf32>,
        %get3A_1216 = arith.constant 24 : i32
        %get3A_1217 = arith.index_cast %get3A_1216 : i32 to index
        %get3A_1218 = arith.index_cast %add3A_1016 : i32 to index
        %get3A_1219 = tpu.vector_load %arg9[%get3A_1217, %get3A_1218] {strides = array<i32>} : memref<32x1000xf32, #tpu.memory_space<vmem>>, vector<16xf32>,
        %broadcast_in_dim3A_1220 = arith.constant 24 : i32
        %broadcast_in_dim3A_1221 = vector.broadcast %broadcast_in_dim3A_1220 : i32 to vector<16xi32>
        tpu.vector_store_idx %arg11[%select_n3A_1049, %select_n3A_1071, %broadcast_in_dim3A_1221], %get3A_1219 : memref<125x8x33xf32, #tpu.memory_space<vmem>>[vector<16xi32>, vector<16xi32>, vector<16xi32>], vector<16xf32>,
        %get3A_1222 = arith.constant 25 : i32
        %get3A_1223 = arith.index_cast %get3A_1222 : i32 to index
        %get3A_1224 = arith.index_cast %add3A_1016 : i32 to index
        %get3A_1225 = tpu.vector_load %arg9[%get3A_1223, %get3A_1224] {strides = array<i32>} : memref<32x1000xf32, #tpu.memory_space<vmem>>, vector<16xf32>,
        %broadcast_in_dim3A_1226 = arith.constant 25 : i32
        %broadcast_in_dim3A_1227 = vector.broadcast %broadcast_in_dim3A_1226 : i32 to vector<16xi32>
        tpu.vector_store_idx %arg11[%select_n3A_1049, %select_n3A_1071, %broadcast_in_dim3A_1227], %get3A_1225 : memref<125x8x33xf32, #tpu.memory_space<vmem>>[vector<16xi32>, vector<16xi32>, vector<16xi32>], vector<16xf32>,
        %get3A_1228 = arith.constant 26 : i32
        %get3A_1229 = arith.index_cast %get3A_1228 : i32 to index
        %get3A_1230 = arith.index_cast %add3A_1016 : i32 to index
        %get3A_1231 = tpu.vector_load %arg9[%get3A_1229, %get3A_1230] {strides = array<i32>} : memref<32x1000xf32, #tpu.memory_space<vmem>>, vector<16xf32>,
        %broadcast_in_dim3A_1232 = arith.constant 26 : i32
        %broadcast_in_dim3A_1233 = vector.broadcast %broadcast_in_dim3A_1232 : i32 to vector<16xi32>
        tpu.vector_store_idx %arg11[%select_n3A_1049, %select_n3A_1071, %broadcast_in_dim3A_1233], %get3A_1231 : memref<125x8x33xf32, #tpu.memory_space<vmem>>[vector<16xi32>, vector<16xi32>, vector<16xi32>], vector<16xf32>,
        %get3A_1234 = arith.constant 27 : i32
        %get3A_1235 = arith.index_cast %get3A_1234 : i32 to index
        %get3A_1236 = arith.index_cast %add3A_1016 : i32 to index
        %get3A_1237 = tpu.vector_load %arg9[%get3A_1235, %get3A_1236] {strides = array<i32>} : memref<32x1000xf32, #tpu.memory_space<vmem>>, vector<16xf32>,
        %broadcast_in_dim3A_1238 = arith.constant 27 : i32
        %broadcast_in_dim3A_1239 = vector.broadcast %broadcast_in_dim3A_1238 : i32 to vector<16xi32>
        tpu.vector_store_idx %arg11[%select_n3A_1049, %select_n3A_1071, %broadcast_in_dim3A_1239], %get3A_1237 : memref<125x8x33xf32, #tpu.memory_space<vmem>>[vector<16xi32>, vector<16xi32>, vector<16xi32>], vector<16xf32>,
        %get3A_1240 = arith.constant 28 : i32
        %get3A_1241 = arith.index_cast %get3A_1240 : i32 to index
        %get3A_1242 = arith.index_cast %add3A_1016 : i32 to index
        %get3A_1243 = tpu.vector_load %arg9[%get3A_1241, %get3A_1242] {strides = array<i32>} : memref<32x1000xf32, #tpu.memory_space<vmem>>, vector<16xf32>,
        %broadcast_in_dim3A_1244 = arith.constant 28 : i32
        %broadcast_in_dim3A_1245 = vector.broadcast %broadcast_in_dim3A_1244 : i32 to vector<16xi32>
        tpu.vector_store_idx %arg11[%select_n3A_1049, %select_n3A_1071, %broadcast_in_dim3A_1245], %get3A_1243 : memref<125x8x33xf32, #tpu.memory_space<vmem>>[vector<16xi32>, vector<16xi32>, vector<16xi32>], vector<16xf32>,
        %get3A_1246 = arith.constant 29 : i32
        %get3A_1247 = arith.index_cast %get3A_1246 : i32 to index
        %get3A_1248 = arith.index_cast %add3A_1016 : i32 to index
        %get3A_1249 = tpu.vector_load %arg9[%get3A_1247, %get3A_1248] {strides = array<i32>} : memref<32x1000xf32, #tpu.memory_space<vmem>>, vector<16xf32>,
        %broadcast_in_dim3A_1250 = arith.constant 29 : i32
        %broadcast_in_dim3A_1251 = vector.broadcast %broadcast_in_dim3A_1250 : i32 to vector<16xi32>
        tpu.vector_store_idx %arg11[%select_n3A_1049, %select_n3A_1071, %broadcast_in_dim3A_1251], %get3A_1249 : memref<125x8x33xf32, #tpu.memory_space<vmem>>[vector<16xi32>, vector<16xi32>, vector<16xi32>], vector<16xf32>,
        %get3A_1252 = arith.constant 30 : i32
        %get3A_1253 = arith.index_cast %get3A_1252 : i32 to index
        %get3A_1254 = arith.index_cast %add3A_1016 : i32 to index
        %get3A_1255 = tpu.vector_load %arg9[%get3A_1253, %get3A_1254] {strides = array<i32>} : memref<32x1000xf32, #tpu.memory_space<vmem>>, vector<16xf32>,
        %broadcast_in_dim3A_1256 = arith.constant 30 : i32
        %broadcast_in_dim3A_1257 = vector.broadcast %broadcast_in_dim3A_1256 : i32 to vector<16xi32>
        tpu.vector_store_idx %arg11[%select_n3A_1049, %select_n3A_1071, %broadcast_in_dim3A_1257], %get3A_1255 : memref<125x8x33xf32, #tpu.memory_space<vmem>>[vector<16xi32>, vector<16xi32>, vector<16xi32>], vector<16xf32>,
        %get3A_1258 = arith.constant 31 : i32
        %get3A_1259 = arith.index_cast %get3A_1258 : i32 to index
        %get3A_1260 = arith.index_cast %add3A_1016 : i32 to index
        %get3A_1261 = tpu.vector_load %arg9[%get3A_1259, %get3A_1260] {strides = array<i32>} : memref<32x1000xf32, #tpu.memory_space<vmem>>, vector<16xf32>,
        %broadcast_in_dim3A_1262 = arith.constant 31 : i32
        %broadcast_in_dim3A_1263 = vector.broadcast %broadcast_in_dim3A_1262 : i32 to vector<16xi32>
        tpu.vector_store_idx %arg11[%select_n3A_1049, %select_n3A_1071, %broadcast_in_dim3A_1263], %get3A_1261 : memref<125x8x33xf32, #tpu.memory_space<vmem>>[vector<16xi32>, vector<16xi32>, vector<16xi32>], vector<16xf32>,
      }
      %scan3A_97 = arith.constant 31 : i32
      %add3A_98 = arith.constant 984 : i32
      %add3A_99 = vector.broadcast %add3A_98 : i32 to vector<16xi32>
      %add3A_100 = arith.addi %iota3A, %add3A_99 : vector<16xi32>
      %jit3A = arith.constant 8 : i32
      %div3A = vector.broadcast %jit3A : i32 to vector<16xi32>
      %div3A_101 = arith.divsi %add3A_100, %div3A : vector<16xi32>
      %sign3A = arith.constant 0 : i32
      %sign3A_102 = vector.broadcast %sign3A : i32 to vector<16xi32>
      %sign3A_103 = arith.cmpi sgt, %add3A_100, %sign3A_102 : vector<16xi32>
      %sign3A_104 = arith.extui %sign3A_103 : vector<16xi1> to vector<16xi32>
      %sign3A_105 = arith.constant 0 : i32
      %sign3A_106 = vector.broadcast %sign3A_105 : i32 to vector<16xi32>
      %sign3A_107 = arith.cmpi slt, %add3A_100, %sign3A_106 : vector<16xi32>
      %sign3A_108 = arith.extui %sign3A_107 : vector<16xi1> to vector<16xi32>
      %sign3A_109 = arith.subi %sign3A_104, %sign3A_108 : vector<16xi32>
      %sign3A_110 = arith.constant 0 : i32
      %sign3A_111 = arith.cmpi sgt, %jit3A, %sign3A_110 : i32
      %sign3A_112 = arith.extui %sign3A_111 : i1 to i32
      %sign3A_113 = arith.constant 0 : i32
      %sign3A_114 = arith.cmpi slt, %jit3A, %sign3A_113 : i32
      %sign3A_115 = arith.extui %sign3A_114 : i1 to i32
      %sign3A_116 = arith.subi %sign3A_112, %sign3A_115 : i32
      %ne3A = vector.broadcast %sign3A_116 : i32 to vector<16xi32>
      %ne3A_117 = arith.cmpi ne, %sign3A_109, %ne3A : vector<16xi32>
      %rem3A = vector.broadcast %jit3A : i32 to vector<16xi32>
      %rem3A_118 = arith.remsi %add3A_100, %rem3A : vector<16xi32>
      %ne3A_119 = arith.constant 0 : i32
      %ne3A_120 = vector.broadcast %ne3A_119 : i32 to vector<16xi32>
      %ne3A_121 = arith.cmpi ne, %rem3A_118, %ne3A_120 : vector<16xi32>
      %and3A = arith.andi %ne3A_117, %ne3A_121 : vector<16xi1>
      %sub3A_122 = arith.constant 1 : i32
      %sub3A_123 = vector.broadcast %sub3A_122 : i32 to vector<16xi32>
      %sub3A_124 = arith.subi %div3A_101, %sub3A_123 : vector<16xi32>
      %select_n3A = arith.select %and3A, %sub3A_124, %div3A_101 : vector<16xi1>, vector<16xi32>
      %jit3A_125 = arith.constant 8 : i32
      %eq3A = arith.constant 0 : i32
      %eq3A_126 = arith.cmpi eq, %jit3A_125, %eq3A : i32
      %jit3A_127 = arith.constant 1 : i32
      %select_n3A_128 = arith.select %eq3A_126, %jit3A_127, %jit3A_125 : i32
      %rem3A_129 = vector.broadcast %select_n3A_128 : i32 to vector<16xi32>
      %rem3A_130 = arith.remsi %add3A_100, %rem3A_129 : vector<16xi32>
      %ne3A_131 = arith.constant 0 : i32
      %ne3A_132 = vector.broadcast %ne3A_131 : i32 to vector<16xi32>
      %ne3A_133 = arith.cmpi ne, %rem3A_130, %ne3A_132 : vector<16xi32>
      %lt3A = arith.constant 0 : i32
      %lt3A_134 = vector.broadcast %lt3A : i32 to vector<16xi32>
      %lt3A_135 = arith.cmpi slt, %rem3A_130, %lt3A_134 : vector<16xi32>
      %lt3A_136 = arith.constant 0 : i32
      %lt3A_137 = arith.cmpi slt, %select_n3A_128, %lt3A_136 : i32
      %ne3A_138 = vector.broadcast %lt3A_137 : i1 to vector<16xi1>
      %ne3A_139 = vector.broadcast %ne3A_138 : vector<16xi1> to vector<16xi1>
      %ne3A_140 = arith.xori %lt3A_135, %ne3A_139 : vector<16xi1>
      %and3A_141 = arith.andi %ne3A_140, %ne3A_133 : vector<16xi1>
      %add3A_142 = vector.broadcast %select_n3A_128 : i32 to vector<16xi32>
      %add3A_143 = arith.addi %rem3A_130, %add3A_142 : vector<16xi32>
      %select_n3A_144 = arith.select %and3A_141, %add3A_143, %rem3A_130 : vector<16xi1>, vector<16xi32>
      %get3A_145 = arith.constant 0 : i32
      %get3A_146 = arith.index_cast %get3A_145 : i32 to index
      %get3A_147 = arith.constant 984 : index
      %get3A_148 = tpu.vector_load %arg9[%get3A_146, %get3A_147] {strides = array<i32>} : memref<32x1000xf32, #tpu.memory_space<vmem>>, vector<16xf32>,
      %broadcast_in_dim3A_149 = arith.constant 0 : i32
      %broadcast_in_dim3A_150 = vector.broadcast %broadcast_in_dim3A_149 : i32 to vector<16xi32>
      tpu.vector_store_idx %arg11[%select_n3A, %select_n3A_144, %broadcast_in_dim3A_150], %get3A_148 : memref<125x8x33xf32, #tpu.memory_space<vmem>>[vector<16xi32>, vector<16xi32>, vector<16xi32>], vector<16xf32>,
      %get3A_151 = arith.constant 1 : i32
      %get3A_152 = arith.index_cast %get3A_151 : i32 to index
      %get3A_153 = arith.constant 984 : index
      %get3A_154 = tpu.vector_load %arg9[%get3A_152, %get3A_153] {strides = array<i32>} : memref<32x1000xf32, #tpu.memory_space<vmem>>, vector<16xf32>,
      %broadcast_in_dim3A_155 = arith.constant 1 : i32
      %broadcast_in_dim3A_156 = vector.broadcast %broadcast_in_dim3A_155 : i32 to vector<16xi32>
      tpu.vector_store_idx %arg11[%select_n3A, %select_n3A_144, %broadcast_in_dim3A_156], %get3A_154 : memref<125x8x33xf32, #tpu.memory_space<vmem>>[vector<16xi32>, vector<16xi32>, vector<16xi32>], vector<16xf32>,
      %get3A_157 = arith.constant 2 : i32
      %get3A_158 = arith.index_cast %get3A_157 : i32 to index
      %get3A_159 = arith.constant 984 : index
      %get3A_160 = tpu.vector_load %arg9[%get3A_158, %get3A_159] {strides = array<i32>} : memref<32x1000xf32, #tpu.memory_space<vmem>>, vector<16xf32>,
      %broadcast_in_dim3A_161 = arith.constant 2 : i32
      %broadcast_in_dim3A_162 = vector.broadcast %broadcast_in_dim3A_161 : i32 to vector<16xi32>
      tpu.vector_store_idx %arg11[%select_n3A, %select_n3A_144, %broadcast_in_dim3A_162], %get3A_160 : memref<125x8x33xf32, #tpu.memory_space<vmem>>[vector<16xi32>, vector<16xi32>, vector<16xi32>], vector<16xf32>,
      %get3A_163 = arith.constant 3 : i32
      %get3A_164 = arith.index_cast %get3A_163 : i32 to index
      %get3A_165 = arith.constant 984 : index
      %get3A_166 = tpu.vector_load %arg9[%get3A_164, %get3A_165] {strides = array<i32>} : memref<32x1000xf32, #tpu.memory_space<vmem>>, vector<16xf32>,
      %broadcast_in_dim3A_167 = arith.constant 3 : i32
      %broadcast_in_dim3A_168 = vector.broadcast %broadcast_in_dim3A_167 : i32 to vector<16xi32>
      tpu.vector_store_idx %arg11[%select_n3A, %select_n3A_144, %broadcast_in_dim3A_168], %get3A_166 : memref<125x8x33xf32, #tpu.memory_space<vmem>>[vector<16xi32>, vector<16xi32>, vector<16xi32>], vector<16xf32>,
      %get3A_169 = arith.constant 4 : i32
      %get3A_170 = arith.index_cast %get3A_169 : i32 to index
      %get3A_171 = arith.constant 984 : index
      %get3A_172 = tpu.vector_load %arg9[%get3A_170, %get3A_171] {strides = array<i32>} : memref<32x1000xf32, #tpu.memory_space<vmem>>, vector<16xf32>,
      %broadcast_in_dim3A_173 = arith.constant 4 : i32
      %broadcast_in_dim3A_174 = vector.broadcast %broadcast_in_dim3A_173 : i32 to vector<16xi32>
      tpu.vector_store_idx %arg11[%select_n3A, %select_n3A_144, %broadcast_in_dim3A_174], %get3A_172 : memref<125x8x33xf32, #tpu.memory_space<vmem>>[vector<16xi32>, vector<16xi32>, vector<16xi32>], vector<16xf32>,
      %get3A_175 = arith.constant 5 : i32
      %get3A_176 = arith.index_cast %get3A_175 : i32 to index
      %get3A_177 = arith.constant 984 : index
      %get3A_178 = tpu.vector_load %arg9[%get3A_176, %get3A_177] {strides = array<i32>} : memref<32x1000xf32, #tpu.memory_space<vmem>>, vector<16xf32>,
      %broadcast_in_dim3A_179 = arith.constant 5 : i32
      %broadcast_in_dim3A_180 = vector.broadcast %broadcast_in_dim3A_179 : i32 to vector<16xi32>
      tpu.vector_store_idx %arg11[%select_n3A, %select_n3A_144, %broadcast_in_dim3A_180], %get3A_178 : memref<125x8x33xf32, #tpu.memory_space<vmem>>[vector<16xi32>, vector<16xi32>, vector<16xi32>], vector<16xf32>,
      %get3A_181 = arith.constant 6 : i32
      %get3A_182 = arith.index_cast %get3A_181 : i32 to index
      %get3A_183 = arith.constant 984 : index
      %get3A_184 = tpu.vector_load %arg9[%get3A_182, %get3A_183] {strides = array<i32>} : memref<32x1000xf32, #tpu.memory_space<vmem>>, vector<16xf32>,
      %broadcast_in_dim3A_185 = arith.constant 6 : i32
      %broadcast_in_dim3A_186 = vector.broadcast %broadcast_in_dim3A_185 : i32 to vector<16xi32>
      tpu.vector_store_idx %arg11[%select_n3A, %select_n3A_144, %broadcast_in_dim3A_186], %get3A_184 : memref<125x8x33xf32, #tpu.memory_space<vmem>>[vector<16xi32>, vector<16xi32>, vector<16xi32>], vector<16xf32>,
      %get3A_187 = arith.constant 7 : i32
      %get3A_188 = arith.index_cast %get3A_187 : i32 to index
      %get3A_189 = arith.constant 984 : index
      %get3A_190 = tpu.vector_load %arg9[%get3A_188, %get3A_189] {strides = array<i32>} : memref<32x1000xf32, #tpu.memory_space<vmem>>, vector<16xf32>,
      %broadcast_in_dim3A_191 = arith.constant 7 : i32
      %broadcast_in_dim3A_192 = vector.broadcast %broadcast_in_dim3A_191 : i32 to vector<16xi32>
      tpu.vector_store_idx %arg11[%select_n3A, %select_n3A_144, %broadcast_in_dim3A_192], %get3A_190 : memref<125x8x33xf32, #tpu.memory_space<vmem>>[vector<16xi32>, vector<16xi32>, vector<16xi32>], vector<16xf32>,
      %get3A_193 = arith.constant 8 : i32
      %get3A_194 = arith.index_cast %get3A_193 : i32 to index
      %get3A_195 = arith.constant 984 : index
      %get3A_196 = tpu.vector_load %arg9[%get3A_194, %get3A_195] {strides = array<i32>} : memref<32x1000xf32, #tpu.memory_space<vmem>>, vector<16xf32>,
      %broadcast_in_dim3A_197 = arith.constant 8 : i32
      %broadcast_in_dim3A_198 = vector.broadcast %broadcast_in_dim3A_197 : i32 to vector<16xi32>
      tpu.vector_store_idx %arg11[%select_n3A, %select_n3A_144, %broadcast_in_dim3A_198], %get3A_196 : memref<125x8x33xf32, #tpu.memory_space<vmem>>[vector<16xi32>, vector<16xi32>, vector<16xi32>], vector<16xf32>,
      %get3A_199 = arith.constant 9 : i32
      %get3A_200 = arith.index_cast %get3A_199 : i32 to index
      %get3A_201 = arith.constant 984 : index
      %get3A_202 = tpu.vector_load %arg9[%get3A_200, %get3A_201] {strides = array<i32>} : memref<32x1000xf32, #tpu.memory_space<vmem>>, vector<16xf32>,
      %broadcast_in_dim3A_203 = arith.constant 9 : i32
      %broadcast_in_dim3A_204 = vector.broadcast %broadcast_in_dim3A_203 : i32 to vector<16xi32>
      tpu.vector_store_idx %arg11[%select_n3A, %select_n3A_144, %broadcast_in_dim3A_204], %get3A_202 : memref<125x8x33xf32, #tpu.memory_space<vmem>>[vector<16xi32>, vector<16xi32>, vector<16xi32>], vector<16xf32>,
      %get3A_205 = arith.constant 10 : i32
      %get3A_206 = arith.index_cast %get3A_205 : i32 to index
      %get3A_207 = arith.constant 984 : index
      %get3A_208 = tpu.vector_load %arg9[%get3A_206, %get3A_207] {strides = array<i32>} : memref<32x1000xf32, #tpu.memory_space<vmem>>, vector<16xf32>,
      %broadcast_in_dim3A_209 = arith.constant 10 : i32
      %broadcast_in_dim3A_210 = vector.broadcast %broadcast_in_dim3A_209 : i32 to vector<16xi32>
      tpu.vector_store_idx %arg11[%select_n3A, %select_n3A_144, %broadcast_in_dim3A_210], %get3A_208 : memref<125x8x33xf32, #tpu.memory_space<vmem>>[vector<16xi32>, vector<16xi32>, vector<16xi32>], vector<16xf32>,
      %get3A_211 = arith.constant 11 : i32
      %get3A_212 = arith.index_cast %get3A_211 : i32 to index
      %get3A_213 = arith.constant 984 : index
      %get3A_214 = tpu.vector_load %arg9[%get3A_212, %get3A_213] {strides = array<i32>} : memref<32x1000xf32, #tpu.memory_space<vmem>>, vector<16xf32>,
      %broadcast_in_dim3A_215 = arith.constant 11 : i32
      %broadcast_in_dim3A_216 = vector.broadcast %broadcast_in_dim3A_215 : i32 to vector<16xi32>
      tpu.vector_store_idx %arg11[%select_n3A, %select_n3A_144, %broadcast_in_dim3A_216], %get3A_214 : memref<125x8x33xf32, #tpu.memory_space<vmem>>[vector<16xi32>, vector<16xi32>, vector<16xi32>], vector<16xf32>,
      %get3A_217 = arith.constant 12 : i32
      %get3A_218 = arith.index_cast %get3A_217 : i32 to index
      %get3A_219 = arith.constant 984 : index
      %get3A_220 = tpu.vector_load %arg9[%get3A_218, %get3A_219] {strides = array<i32>} : memref<32x1000xf32, #tpu.memory_space<vmem>>, vector<16xf32>,
      %broadcast_in_dim3A_221 = arith.constant 12 : i32
      %broadcast_in_dim3A_222 = vector.broadcast %broadcast_in_dim3A_221 : i32 to vector<16xi32>
      tpu.vector_store_idx %arg11[%select_n3A, %select_n3A_144, %broadcast_in_dim3A_222], %get3A_220 : memref<125x8x33xf32, #tpu.memory_space<vmem>>[vector<16xi32>, vector<16xi32>, vector<16xi32>], vector<16xf32>,
      %get3A_223 = arith.constant 13 : i32
      %get3A_224 = arith.index_cast %get3A_223 : i32 to index
      %get3A_225 = arith.constant 984 : index
      %get3A_226 = tpu.vector_load %arg9[%get3A_224, %get3A_225] {strides = array<i32>} : memref<32x1000xf32, #tpu.memory_space<vmem>>, vector<16xf32>,
      %broadcast_in_dim3A_227 = arith.constant 13 : i32
      %broadcast_in_dim3A_228 = vector.broadcast %broadcast_in_dim3A_227 : i32 to vector<16xi32>
      tpu.vector_store_idx %arg11[%select_n3A, %select_n3A_144, %broadcast_in_dim3A_228], %get3A_226 : memref<125x8x33xf32, #tpu.memory_space<vmem>>[vector<16xi32>, vector<16xi32>, vector<16xi32>], vector<16xf32>,
      %get3A_229 = arith.constant 14 : i32
      %get3A_230 = arith.index_cast %get3A_229 : i32 to index
      %get3A_231 = arith.constant 984 : index
      %get3A_232 = tpu.vector_load %arg9[%get3A_230, %get3A_231] {strides = array<i32>} : memref<32x1000xf32, #tpu.memory_space<vmem>>, vector<16xf32>,
      %broadcast_in_dim3A_233 = arith.constant 14 : i32
      %broadcast_in_dim3A_234 = vector.broadcast %broadcast_in_dim3A_233 : i32 to vector<16xi32>
      tpu.vector_store_idx %arg11[%select_n3A, %select_n3A_144, %broadcast_in_dim3A_234], %get3A_232 : memref<125x8x33xf32, #tpu.memory_space<vmem>>[vector<16xi32>, vector<16xi32>, vector<16xi32>], vector<16xf32>,
      %get3A_235 = arith.constant 15 : i32
      %get3A_236 = arith.index_cast %get3A_235 : i32 to index
      %get3A_237 = arith.constant 984 : index
      %get3A_238 = tpu.vector_load %arg9[%get3A_236, %get3A_237] {strides = array<i32>} : memref<32x1000xf32, #tpu.memory_space<vmem>>, vector<16xf32>,
      %broadcast_in_dim3A_239 = arith.constant 15 : i32
      %broadcast_in_dim3A_240 = vector.broadcast %broadcast_in_dim3A_239 : i32 to vector<16xi32>
      tpu.vector_store_idx %arg11[%select_n3A, %select_n3A_144, %broadcast_in_dim3A_240], %get3A_238 : memref<125x8x33xf32, #tpu.memory_space<vmem>>[vector<16xi32>, vector<16xi32>, vector<16xi32>], vector<16xf32>,
      %get3A_241 = arith.constant 16 : i32
      %get3A_242 = arith.index_cast %get3A_241 : i32 to index
      %get3A_243 = arith.constant 984 : index
      %get3A_244 = tpu.vector_load %arg9[%get3A_242, %get3A_243] {strides = array<i32>} : memref<32x1000xf32, #tpu.memory_space<vmem>>, vector<16xf32>,
      %broadcast_in_dim3A_245 = arith.constant 16 : i32
      %broadcast_in_dim3A_246 = vector.broadcast %broadcast_in_dim3A_245 : i32 to vector<16xi32>
      tpu.vector_store_idx %arg11[%select_n3A, %select_n3A_144, %broadcast_in_dim3A_246], %get3A_244 : memref<125x8x33xf32, #tpu.memory_space<vmem>>[vector<16xi32>, vector<16xi32>, vector<16xi32>], vector<16xf32>,
      %get3A_247 = arith.constant 17 : i32
      %get3A_248 = arith.index_cast %get3A_247 : i32 to index
      %get3A_249 = arith.constant 984 : index
      %get3A_250 = tpu.vector_load %arg9[%get3A_248, %get3A_249] {strides = array<i32>} : memref<32x1000xf32, #tpu.memory_space<vmem>>, vector<16xf32>,
      %broadcast_in_dim3A_251 = arith.constant 17 : i32
      %broadcast_in_dim3A_252 = vector.broadcast %broadcast_in_dim3A_251 : i32 to vector<16xi32>
      tpu.vector_store_idx %arg11[%select_n3A, %select_n3A_144, %broadcast_in_dim3A_252], %get3A_250 : memref<125x8x33xf32, #tpu.memory_space<vmem>>[vector<16xi32>, vector<16xi32>, vector<16xi32>], vector<16xf32>,
      %get3A_253 = arith.constant 18 : i32
      %get3A_254 = arith.index_cast %get3A_253 : i32 to index
      %get3A_255 = arith.constant 984 : index
      %get3A_256 = tpu.vector_load %arg9[%get3A_254, %get3A_255] {strides = array<i32>} : memref<32x1000xf32, #tpu.memory_space<vmem>>, vector<16xf32>,
      %broadcast_in_dim3A_257 = arith.constant 18 : i32
      %broadcast_in_dim3A_258 = vector.broadcast %broadcast_in_dim3A_257 : i32 to vector<16xi32>
      tpu.vector_store_idx %arg11[%select_n3A, %select_n3A_144, %broadcast_in_dim3A_258], %get3A_256 : memref<125x8x33xf32, #tpu.memory_space<vmem>>[vector<16xi32>, vector<16xi32>, vector<16xi32>], vector<16xf32>,
      %get3A_259 = arith.constant 19 : i32
      %get3A_260 = arith.index_cast %get3A_259 : i32 to index
      %get3A_261 = arith.constant 984 : index
      %get3A_262 = tpu.vector_load %arg9[%get3A_260, %get3A_261] {strides = array<i32>} : memref<32x1000xf32, #tpu.memory_space<vmem>>, vector<16xf32>,
      %broadcast_in_dim3A_263 = arith.constant 19 : i32
      %broadcast_in_dim3A_264 = vector.broadcast %broadcast_in_dim3A_263 : i32 to vector<16xi32>
      tpu.vector_store_idx %arg11[%select_n3A, %select_n3A_144, %broadcast_in_dim3A_264], %get3A_262 : memref<125x8x33xf32, #tpu.memory_space<vmem>>[vector<16xi32>, vector<16xi32>, vector<16xi32>], vector<16xf32>,
      %get3A_265 = arith.constant 20 : i32
      %get3A_266 = arith.index_cast %get3A_265 : i32 to index
      %get3A_267 = arith.constant 984 : index
      %get3A_268 = tpu.vector_load %arg9[%get3A_266, %get3A_267] {strides = array<i32>} : memref<32x1000xf32, #tpu.memory_space<vmem>>, vector<16xf32>,
      %broadcast_in_dim3A_269 = arith.constant 20 : i32
      %broadcast_in_dim3A_270 = vector.broadcast %broadcast_in_dim3A_269 : i32 to vector<16xi32>
      tpu.vector_store_idx %arg11[%select_n3A, %select_n3A_144, %broadcast_in_dim3A_270], %get3A_268 : memref<125x8x33xf32, #tpu.memory_space<vmem>>[vector<16xi32>, vector<16xi32>, vector<16xi32>], vector<16xf32>,
      %get3A_271 = arith.constant 21 : i32
      %get3A_272 = arith.index_cast %get3A_271 : i32 to index
      %get3A_273 = arith.constant 984 : index
      %get3A_274 = tpu.vector_load %arg9[%get3A_272, %get3A_273] {strides = array<i32>} : memref<32x1000xf32, #tpu.memory_space<vmem>>, vector<16xf32>,
      %broadcast_in_dim3A_275 = arith.constant 21 : i32
      %broadcast_in_dim3A_276 = vector.broadcast %broadcast_in_dim3A_275 : i32 to vector<16xi32>
      tpu.vector_store_idx %arg11[%select_n3A, %select_n3A_144, %broadcast_in_dim3A_276], %get3A_274 : memref<125x8x33xf32, #tpu.memory_space<vmem>>[vector<16xi32>, vector<16xi32>, vector<16xi32>], vector<16xf32>,
      %get3A_277 = arith.constant 22 : i32
      %get3A_278 = arith.index_cast %get3A_277 : i32 to index
      %get3A_279 = arith.constant 984 : index
      %get3A_280 = tpu.vector_load %arg9[%get3A_278, %get3A_279] {strides = array<i32>} : memref<32x1000xf32, #tpu.memory_space<vmem>>, vector<16xf32>,
      %broadcast_in_dim3A_281 = arith.constant 22 : i32
      %broadcast_in_dim3A_282 = vector.broadcast %broadcast_in_dim3A_281 : i32 to vector<16xi32>
      tpu.vector_store_idx %arg11[%select_n3A, %select_n3A_144, %broadcast_in_dim3A_282], %get3A_280 : memref<125x8x33xf32, #tpu.memory_space<vmem>>[vector<16xi32>, vector<16xi32>, vector<16xi32>], vector<16xf32>,
      %get3A_283 = arith.constant 23 : i32
      %get3A_284 = arith.index_cast %get3A_283 : i32 to index
      %get3A_285 = arith.constant 984 : index
      %get3A_286 = tpu.vector_load %arg9[%get3A_284, %get3A_285] {strides = array<i32>} : memref<32x1000xf32, #tpu.memory_space<vmem>>, vector<16xf32>,
      %broadcast_in_dim3A_287 = arith.constant 23 : i32
      %broadcast_in_dim3A_288 = vector.broadcast %broadcast_in_dim3A_287 : i32 to vector<16xi32>
      tpu.vector_store_idx %arg11[%select_n3A, %select_n3A_144, %broadcast_in_dim3A_288], %get3A_286 : memref<125x8x33xf32, #tpu.memory_space<vmem>>[vector<16xi32>, vector<16xi32>, vector<16xi32>], vector<16xf32>,
      %get3A_289 = arith.constant 24 : i32
      %get3A_290 = arith.index_cast %get3A_289 : i32 to index
      %get3A_291 = arith.constant 984 : index
      %get3A_292 = tpu.vector_load %arg9[%get3A_290, %get3A_291] {strides = array<i32>} : memref<32x1000xf32, #tpu.memory_space<vmem>>, vector<16xf32>,
      %broadcast_in_dim3A_293 = arith.constant 24 : i32
      %broadcast_in_dim3A_294 = vector.broadcast %broadcast_in_dim3A_293 : i32 to vector<16xi32>
      tpu.vector_store_idx %arg11[%select_n3A, %select_n3A_144, %broadcast_in_dim3A_294], %get3A_292 : memref<125x8x33xf32, #tpu.memory_space<vmem>>[vector<16xi32>, vector<16xi32>, vector<16xi32>], vector<16xf32>,
      %get3A_295 = arith.constant 25 : i32
      %get3A_296 = arith.index_cast %get3A_295 : i32 to index
      %get3A_297 = arith.constant 984 : index
      %get3A_298 = tpu.vector_load %arg9[%get3A_296, %get3A_297] {strides = array<i32>} : memref<32x1000xf32, #tpu.memory_space<vmem>>, vector<16xf32>,
      %broadcast_in_dim3A_299 = arith.constant 25 : i32
      %broadcast_in_dim3A_300 = vector.broadcast %broadcast_in_dim3A_299 : i32 to vector<16xi32>
      tpu.vector_store_idx %arg11[%select_n3A, %select_n3A_144, %broadcast_in_dim3A_300], %get3A_298 : memref<125x8x33xf32, #tpu.memory_space<vmem>>[vector<16xi32>, vector<16xi32>, vector<16xi32>], vector<16xf32>,
      %get3A_301 = arith.constant 26 : i32
      %get3A_302 = arith.index_cast %get3A_301 : i32 to index
      %get3A_303 = arith.constant 984 : index
      %get3A_304 = tpu.vector_load %arg9[%get3A_302, %get3A_303] {strides = array<i32>} : memref<32x1000xf32, #tpu.memory_space<vmem>>, vector<16xf32>,
      %broadcast_in_dim3A_305 = arith.constant 26 : i32
      %broadcast_in_dim3A_306 = vector.broadcast %broadcast_in_dim3A_305 : i32 to vector<16xi32>
      tpu.vector_store_idx %arg11[%select_n3A, %select_n3A_144, %broadcast_in_dim3A_306], %get3A_304 : memref<125x8x33xf32, #tpu.memory_space<vmem>>[vector<16xi32>, vector<16xi32>, vector<16xi32>], vector<16xf32>,
      %get3A_307 = arith.constant 27 : i32
      %get3A_308 = arith.index_cast %get3A_307 : i32 to index
      %get3A_309 = arith.constant 984 : index
      %get3A_310 = tpu.vector_load %arg9[%get3A_308, %get3A_309] {strides = array<i32>} : memref<32x1000xf32, #tpu.memory_space<vmem>>, vector<16xf32>,
      %broadcast_in_dim3A_311 = arith.constant 27 : i32
      %broadcast_in_dim3A_312 = vector.broadcast %broadcast_in_dim3A_311 : i32 to vector<16xi32>
      tpu.vector_store_idx %arg11[%select_n3A, %select_n3A_144, %broadcast_in_dim3A_312], %get3A_310 : memref<125x8x33xf32, #tpu.memory_space<vmem>>[vector<16xi32>, vector<16xi32>, vector<16xi32>], vector<16xf32>,
      %get3A_313 = arith.constant 28 : i32
      %get3A_314 = arith.index_cast %get3A_313 : i32 to index
      %get3A_315 = arith.constant 984 : index
      %get3A_316 = tpu.vector_load %arg9[%get3A_314, %get3A_315] {strides = array<i32>} : memref<32x1000xf32, #tpu.memory_space<vmem>>, vector<16xf32>,
      %broadcast_in_dim3A_317 = arith.constant 28 : i32
      %broadcast_in_dim3A_318 = vector.broadcast %broadcast_in_dim3A_317 : i32 to vector<16xi32>
      tpu.vector_store_idx %arg11[%select_n3A, %select_n3A_144, %broadcast_in_dim3A_318], %get3A_316 : memref<125x8x33xf32, #tpu.memory_space<vmem>>[vector<16xi32>, vector<16xi32>, vector<16xi32>], vector<16xf32>,
      %get3A_319 = arith.constant 29 : i32
      %get3A_320 = arith.index_cast %get3A_319 : i32 to index
      %get3A_321 = arith.constant 984 : index
      %get3A_322 = tpu.vector_load %arg9[%get3A_320, %get3A_321] {strides = array<i32>} : memref<32x1000xf32, #tpu.memory_space<vmem>>, vector<16xf32>,
      %broadcast_in_dim3A_323 = arith.constant 29 : i32
      %broadcast_in_dim3A_324 = vector.broadcast %broadcast_in_dim3A_323 : i32 to vector<16xi32>
      tpu.vector_store_idx %arg11[%select_n3A, %select_n3A_144, %broadcast_in_dim3A_324], %get3A_322 : memref<125x8x33xf32, #tpu.memory_space<vmem>>[vector<16xi32>, vector<16xi32>, vector<16xi32>], vector<16xf32>,
      %get3A_325 = arith.constant 30 : i32
      %get3A_326 = arith.index_cast %get3A_325 : i32 to index
      %get3A_327 = arith.constant 984 : index
      %get3A_328 = tpu.vector_load %arg9[%get3A_326, %get3A_327] {strides = array<i32>} : memref<32x1000xf32, #tpu.memory_space<vmem>>, vector<16xf32>,
      %broadcast_in_dim3A_329 = arith.constant 30 : i32
      %broadcast_in_dim3A_330 = vector.broadcast %broadcast_in_dim3A_329 : i32 to vector<16xi32>
      tpu.vector_store_idx %arg11[%select_n3A, %select_n3A_144, %broadcast_in_dim3A_330], %get3A_328 : memref<125x8x33xf32, #tpu.memory_space<vmem>>[vector<16xi32>, vector<16xi32>, vector<16xi32>], vector<16xf32>,
      %get3A_331 = arith.constant 31 : i32
      %get3A_332 = arith.index_cast %get3A_331 : i32 to index
      %get3A_333 = arith.constant 984 : index
      %get3A_334 = tpu.vector_load %arg9[%get3A_332, %get3A_333] {strides = array<i32>} : memref<32x1000xf32, #tpu.memory_space<vmem>>, vector<16xf32>,
      %broadcast_in_dim3A_335 = arith.constant 31 : i32
      %broadcast_in_dim3A_336 = vector.broadcast %broadcast_in_dim3A_335 : i32 to vector<16xi32>
      tpu.vector_store_idx %arg11[%select_n3A, %select_n3A_144, %broadcast_in_dim3A_336], %get3A_334 : memref<125x8x33xf32, #tpu.memory_space<vmem>>[vector<16xi32>, vector<16xi32>, vector<16xi32>], vector<16xf32>,
      %jit3A_337 = arith.constant 128 : i32
      %div3A_338 = arith.divsi %add3A_59, %jit3A_337 : i32
      %sign3A_339 = arith.constant 0 : i32
      %sign3A_340 = arith.cmpi sgt, %add3A_59, %sign3A_339 : i32
      %sign3A_341 = arith.extui %sign3A_340 : i1 to i32
      %sign3A_342 = arith.constant 0 : i32
      %sign3A_343 = arith.cmpi slt, %add3A_59, %sign3A_342 : i32
      %sign3A_344 = arith.extui %sign3A_343 : i1 to i32
      %sign3A_345 = arith.subi %sign3A_341, %sign3A_344 : i32
      %sign3A_346 = arith.constant 0 : i32
      %sign3A_347 = arith.cmpi sgt, %jit3A_337, %sign3A_346 : i32
      %sign3A_348 = arith.extui %sign3A_347 : i1 to i32
      %sign3A_349 = arith.constant 0 : i32
      %sign3A_350 = arith.cmpi slt, %jit3A_337, %sign3A_349 : i32
      %sign3A_351 = arith.extui %sign3A_350 : i1 to i32
      %sign3A_352 = arith.subi %sign3A_348, %sign3A_351 : i32
      %ne3A_353 = arith.cmpi ne, %sign3A_345, %sign3A_352 : i32
      %rem3A_354 = arith.remsi %add3A_59, %jit3A_337 : i32
      %ne3A_355 = arith.constant 0 : i32
      %ne3A_356 = arith.cmpi ne, %rem3A_354, %ne3A_355 : i32
      %and3A_357 = arith.andi %ne3A_353, %ne3A_356 : i1
      %sub3A_358 = arith.constant 1 : i32
      %sub3A_359 = arith.subi %div3A_338, %sub3A_358 : i32
      %select_n3A_360 = arith.select %and3A_357, %sub3A_359, %div3A_338 : i32
      %jit3A_361 = arith.constant 128 : i32
      %eq3A_362 = arith.constant 0 : i32
      %eq3A_363 = arith.cmpi eq, %jit3A_361, %eq3A_362 : i32
      %jit3A_364 = arith.constant 1 : i32
      %select_n3A_365 = arith.select %eq3A_363, %jit3A_364, %jit3A_361 : i32
      %rem3A_366 = arith.remsi %add3A_59, %select_n3A_365 : i32
      %ne3A_367 = arith.constant 0 : i32
      %ne3A_368 = arith.cmpi ne, %rem3A_366, %ne3A_367 : i32
      %lt3A_369 = arith.constant 0 : i32
      %lt3A_370 = arith.cmpi slt, %rem3A_366, %lt3A_369 : i32
      %lt3A_371 = arith.constant 0 : i32
      %lt3A_372 = arith.cmpi slt, %select_n3A_365, %lt3A_371 : i32
      %ne3A_373 = arith.xori %lt3A_370, %lt3A_372 : i1
      %and3A_374 = arith.andi %ne3A_373, %ne3A_368 : i1
      %add3A_375 = arith.addi %rem3A_366, %select_n3A_365 : i32
      %select_n3A_376 = arith.select %and3A_374, %add3A_375, %rem3A_366 : i32
      %dma_start3A_377 = arith.constant 0 : i32
      %dma_start3A_378 = arith.constant 0 : i32
      %dma_start3A_379 = arith.constant 0 : i32
      %dma_start3A_380 = tpu.memref_slice %arg11[%dma_start3A_377, %dma_start3A_378, %dma_start3A_379] : memref<125x8x33xf32, #tpu.memory_space<vmem>> -> memref<125x8x32xf32, #tpu.memory_space<vmem>>
      %dma_start3A_381 = arith.constant 0 : i32
      %dma_start3A_382 = arith.constant 0 : i32
      %dma_start3A_383 = tpu.memref_slice %arg6[%dma_start3A_381, %select_n3A_360, %dma_start3A_382, %select_n3A_376] : memref<125x400x8x128xf32, #tpu.memory_space<hbm>> -> memref<125x1x8x32xf32, #tpu.memory_space<hbm>>
      %dma_start3A_384 = tpu.memref_squeeze %dma_start3A_383 : memref<125x1x8x32xf32, #tpu.memory_space<hbm>> -> memref<125x8x32xf32, #tpu.memory_space<hbm>>
      %dma_start3A_385 = arith.constant 0 : i32
      %dma_start3A_386 = arith.constant 0 : i32
      %dma_start3A_387 = tpu.memref_slice %arg6[%dma_start3A_385, %select_n3A_360, %dma_start3A_386, %select_n3A_376] : memref<125x400x8x128xf32, #tpu.memory_space<hbm>> -> memref<125x1x8x32xf32, #tpu.memory_space<hbm>>
      %dma_start3A_388 = tpu.memref_squeeze %dma_start3A_387 : memref<125x1x8x32xf32, #tpu.memory_space<hbm>> -> memref<125x8x32xf32, #tpu.memory_space<hbm>>
      %dma_start3A_389 = arith.constant 0 : i32
      %dma_start3A_390 = arith.constant 0 : i32
      %dma_start3A_391 = arith.constant 0 : i32
      %dma_start3A_392 = tpu.memref_slice %arg11[%dma_start3A_389, %dma_start3A_390, %dma_start3A_391] : memref<125x8x33xf32, #tpu.memory_space<vmem>> -> memref<125x8x32xf32, #tpu.memory_space<vmem>>
      tpu.enqueue_dma source(%dma_start3A_392 : memref<125x8x32xf32, #tpu.memory_space<vmem>>) target(%dma_start3A_388 : memref<125x8x32xf32, #tpu.memory_space<hbm>>) target_semaphore(%arg19 : memref<!tpu.dma_semaphore, #tpu.memory_space<semaphore_mem>>)
      %add3A_393 = arith.constant 2 : i32
      %add3A_394 = arith.addi %add3A_55, %add3A_393 : i32
      %lt3A_395 = arith.constant 50 : i32
      %lt3A_396 = arith.cmpi slt, %add3A_394, %lt3A_395 : i32
      %convert_element_type3A_397 = arith.extui %lt3A_396 : i1 to i32
      %cond3A_398 = arith.constant 0 : i32
      %cond3A_399 = arith.cmpi ne, %convert_element_type3A_397, %cond3A_398 : i32
      scf.if %cond3A_399 {
        %add3A_763 = arith.constant 2 : i32
        %add3A_764 = arith.addi %add3A_55, %add3A_763 : i32
        %mul3A_765 = arith.constant 32 : i32
        %mul3A_766 = arith.muli %add3A_764, %mul3A_765 : i32
        %multiple_of3A_767 = tpu.assume_multiple %mul3A_766, 32 : i32
        %dma_start3A_768 = tpu.memref_slice %arg8[%multiple_of3A_767] : memref<1600xi32, #tpu.memory_space<vmem>> -> memref<32xi32, #tpu.memory_space<vmem>>
        %dma_start3A_769 = arith.constant 0 : i32
        %dma_start3A_770 = arith.constant 0 : i32
        %dma_start3A_771 = tpu.memref_slice %arg4[%dma_start3A_769, %dma_start3A_770] : memref<1000x1000xf32, #tpu.memory_space<hbm>> -> memref<1000x1000xf32, #tpu.memory_space<hbm>>
        tpu.enqueue_indirect_dma source(%dma_start3A_771 : memref<1000x1000xf32, #tpu.memory_space<hbm>>) target(%arg9 : memref<32x1000xf32, #tpu.memory_space<vmem>>) offsets(%dma_start3A_768 : memref<32xi32, #tpu.memory_space<vmem>>) semaphore(%arg17 : memref<!tpu.dma_semaphore, #tpu.memory_space<semaphore_mem>>)
        %add3A_772 = arith.addi %mul3A_2, %multiple_of3A_767 : i32
        %dma_start3A_773 = tpu.memref_slice %arg3[%add3A_772] : memref<51200xi32, #tpu.memory_space<hbm>> -> memref<32xi32, #tpu.memory_space<hbm>>
        %dma_start3A_774 = tpu.memref_slice %arg3[%add3A_772] : memref<51200xi32, #tpu.memory_space<hbm>> -> memref<32xi32, #tpu.memory_space<hbm>>
        tpu.enqueue_dma source(%dma_start3A_774 : memref<32xi32, #tpu.memory_space<hbm>>) target(%arg12 : memref<32xi32, #tpu.memory_space<vmem>>) target_semaphore(%arg20 : memref<!tpu.dma_semaphore, #tpu.memory_space<semaphore_mem>>)
        %dma_start3A_775 = tpu.memref_slice %arg8[%multiple_of3A_767] : memref<1600xi32, #tpu.memory_space<vmem>> -> memref<32xi32, #tpu.memory_space<vmem>>
        %dma_start3A_776 = arith.constant 0 : i32
        %dma_start3A_777 = tpu.memref_slice %arg5[%dma_start3A_776] : memref<1000xf32, #tpu.memory_space<hbm>> -> memref<1000xf32, #tpu.memory_space<hbm>>
        tpu.enqueue_indirect_dma source(%dma_start3A_777 : memref<1000xf32, #tpu.memory_space<hbm>>) target(%arg14 : memref<32xf32, #tpu.memory_space<vmem>>) offsets(%dma_start3A_775 : memref<32xi32, #tpu.memory_space<vmem>>) semaphore(%arg22 : memref<!tpu.dma_semaphore, #tpu.memory_space<semaphore_mem>>)
      } else {
      }
      %mul3A_400 = arith.constant 2 : i32
      %mul3A_401 = arith.muli %scan3A_50, %mul3A_400 : i32
      %add3A_402 = arith.constant 1 : i32
      %add3A_403 = arith.addi %mul3A_401, %add3A_402 : i32
      %mul3A_404 = arith.constant 32 : i32
      %mul3A_405 = arith.muli %add3A_403, %mul3A_404 : i32
      %multiple_of3A_406 = tpu.assume_multiple %mul3A_405, 32 : i32
      %add3A_407 = arith.addi %mul3A_2, %multiple_of3A_406 : i32
      %gt3A_408 = arith.constant 0 : i32
      %gt3A_409 = arith.cmpi sgt, %add3A_403, %gt3A_408 : i32
      %convert_element_type3A_410 = arith.extui %gt3A_409 : i1 to i32
      %cond3A_411 = arith.constant 0 : i32
      %cond3A_412 = arith.cmpi ne, %convert_element_type3A_410, %cond3A_411 : i32
      scf.if %cond3A_412 {
        %dma_wait3A_763 = arith.constant 0 : i32
        %dma_wait3A_764 = arith.constant 0 : i32
        %dma_wait3A_765 = arith.constant 0 : i32
        %dma_wait3A_766 = arith.constant 0 : i32
        %dma_wait3A_767 = tpu.memref_slice %arg11[%dma_wait3A_764, %dma_wait3A_765, %dma_wait3A_766] : memref<125x8x33xf32, #tpu.memory_space<vmem>> -> memref<125x8x32xf32, #tpu.memory_space<vmem>>
        %dma_wait3A_768 = arith.constant 0 : i32
        %dma_wait3A_769 = arith.constant 0 : i32
        %dma_wait3A_770 = arith.constant 0 : i32
        %dma_wait3A_771 = tpu.memref_slice %arg6[%dma_wait3A_768, %dma_wait3A_763, %dma_wait3A_769, %dma_wait3A_770] : memref<125x400x8x128xf32, #tpu.memory_space<hbm>> -> memref<125x1x8x32xf32, #tpu.memory_space<hbm>>
        %dma_wait3A_772 = tpu.memref_squeeze %dma_wait3A_771 : memref<125x1x8x32xf32, #tpu.memory_space<hbm>> -> memref<125x8x32xf32, #tpu.memory_space<hbm>>
        %dma_wait3A_773 = arith.constant 0 : i32
        %dma_wait3A_774 = arith.constant 0 : i32
        %dma_wait3A_775 = arith.constant 0 : i32
        %dma_wait3A_776 = tpu.memref_slice %arg6[%dma_wait3A_773, %dma_wait3A_763, %dma_wait3A_774, %dma_wait3A_775] : memref<125x400x8x128xf32, #tpu.memory_space<hbm>> -> memref<125x1x8x32xf32, #tpu.memory_space<hbm>>
        %dma_wait3A_777 = tpu.memref_squeeze %dma_wait3A_776 : memref<125x1x8x32xf32, #tpu.memory_space<hbm>> -> memref<125x8x32xf32, #tpu.memory_space<hbm>>
        %dma_wait3A_778 = arith.constant 0 : i32
        %dma_wait3A_779 = arith.constant 0 : i32
        %dma_wait3A_780 = arith.constant 0 : i32
        %dma_wait3A_781 = tpu.memref_slice %arg11[%dma_wait3A_778, %dma_wait3A_779, %dma_wait3A_780] : memref<125x8x33xf32, #tpu.memory_space<vmem>> -> memref<125x8x32xf32, #tpu.memory_space<vmem>>
        tpu.wait_dma2 semaphore(%arg19 : memref<!tpu.dma_semaphore, #tpu.memory_space<semaphore_mem>>) src(%dma_wait3A_781 : memref<125x8x32xf32, #tpu.memory_space<vmem>>) dst(%dma_wait3A_777 : memref<125x8x32xf32, #tpu.memory_space<hbm>>)
      } else {
      }
      %dma_wait3A_413 = arith.constant 0 : i32
      %dma_wait3A_414 = tpu.memref_slice %arg8[%dma_wait3A_413] : memref<1600xi32, #tpu.memory_space<vmem>> -> memref<32xi32, #tpu.memory_space<vmem>>
      %dma_wait3A_415 = arith.constant 0 : i32
      %dma_wait3A_416 = arith.constant 0 : i32
      %dma_wait3A_417 = tpu.memref_slice %arg4[%dma_wait3A_415, %dma_wait3A_416] : memref<1000x1000xf32, #tpu.memory_space<hbm>> -> memref<1000x1000xf32, #tpu.memory_space<hbm>>
      tpu.wait_indirect_dma semaphore(%arg18 : memref<!tpu.dma_semaphore, #tpu.memory_space<semaphore_mem>>) src(%dma_wait3A_417 : memref<1000x1000xf32, #tpu.memory_space<hbm>>) dst(%arg10 : memref<32x1000xf32, #tpu.memory_space<vmem>>)
      %dma_wait3A_418 = arith.constant 0 : i32
      %dma_wait3A_419 = tpu.memref_slice %arg3[%dma_wait3A_418] : memref<51200xi32, #tpu.memory_space<hbm>> -> memref<32xi32, #tpu.memory_space<hbm>>
      %dma_wait3A_420 = arith.constant 0 : i32
      %dma_wait3A_421 = tpu.memref_slice %arg3[%dma_wait3A_420] : memref<51200xi32, #tpu.memory_space<hbm>> -> memref<32xi32, #tpu.memory_space<hbm>>
      tpu.wait_dma2 semaphore(%arg21 : memref<!tpu.dma_semaphore, #tpu.memory_space<semaphore_mem>>) src(%dma_wait3A_421 : memref<32xi32, #tpu.memory_space<hbm>>) dst(%arg13 : memref<32xi32, #tpu.memory_space<vmem>>)
      %dma_wait3A_422 = arith.constant 0 : i32
      %dma_wait3A_423 = tpu.memref_slice %arg8[%dma_wait3A_422] : memref<1600xi32, #tpu.memory_space<vmem>> -> memref<32xi32, #tpu.memory_space<vmem>>
      %dma_wait3A_424 = arith.constant 0 : i32
      %dma_wait3A_425 = tpu.memref_slice %arg5[%dma_wait3A_424] : memref<1000xf32, #tpu.memory_space<hbm>> -> memref<1000xf32, #tpu.memory_space<hbm>>
      tpu.wait_indirect_dma semaphore(%arg23 : memref<!tpu.dma_semaphore, #tpu.memory_space<semaphore_mem>>) src(%dma_wait3A_425 : memref<1000xf32, #tpu.memory_space<hbm>>) dst(%arg15 : memref<32xf32, #tpu.memory_space<vmem>>)
      %get3A_426 = arith.constant 0 : index
      %get3A_427 = tpu.vector_load %arg13[%get3A_426] {strides = array<i32>} : memref<32xi32, #tpu.memory_space<vmem>>, vector<16xi32>,
      %add3A_428 = arith.constant 0 : i32
      %add3A_429 = vector.broadcast %add3A_428 : i32 to vector<16xi32>
      %add3A_430 = arith.addi %iota3A, %add3A_429 : vector<16xi32>
      %gather3A_431 = tpu.vector_load_idx %arg10[%add3A_430, %get3A_427] : memref<32x1000xf32, #tpu.memory_space<vmem>>[vector<16xi32>, vector<16xi32>], vector<16xf32>,
      %get3A_432 = arith.constant 0 : index
      %get3A_433 = tpu.vector_load %arg15[%get3A_432] {strides = array<i32>} : memref<32xf32, #tpu.memory_space<vmem>>, vector<16xf32>,
      %sub3A_434 = arith.subf %get3A_433, %gather3A_431 : vector<16xf32>
      %add3A_435 = arith.addf %add3A_91, %sub3A_434 : vector<16xf32>
      %get3A_436 = arith.constant 16 : index
      %get3A_437 = tpu.vector_load %arg13[%get3A_436] {strides = array<i32>} : memref<32xi32, #tpu.memory_space<vmem>>, vector<16xi32>,
      %add3A_438 = arith.constant 16 : i32
      %add3A_439 = vector.broadcast %add3A_438 : i32 to vector<16xi32>
      %add3A_440 = arith.addi %iota3A, %add3A_439 : vector<16xi32>
      %gather3A_441 = tpu.vector_load_idx %arg10[%add3A_440, %get3A_437] : memref<32x1000xf32, #tpu.memory_space<vmem>>[vector<16xi32>, vector<16xi32>], vector<16xf32>,
      %get3A_442 = arith.constant 16 : index
      %get3A_443 = tpu.vector_load %arg15[%get3A_442] {strides = array<i32>} : memref<32xf32, #tpu.memory_space<vmem>>, vector<16xf32>,
      %sub3A_444 = arith.subf %get3A_443, %gather3A_441 : vector<16xf32>
      %add3A_445 = arith.addf %add3A_435, %sub3A_444 : vector<16xf32>
      %scan3A_446 = arith.constant 0 : i32
      %scan3A_447 = arith.constant 0 : i32
      %scan3A_448 = arith.constant 31 : i32
      %scan3A_449 = arith.addi %scan3A_447, %scan3A_448 : i32
      %scan3A_450 = arith.constant 1 : i32
      scf.for %scan3A_763 = %scan3A_447 to %scan3A_449 step %scan3A_450  : i32 {
        %mul3A_764 = arith.constant 32 : i32
        %mul3A_765 = arith.muli %scan3A_763, %mul3A_764 : i32
        %add3A_766 = vector.broadcast %mul3A_765 : i32 to vector<16xi32>
        %add3A_767 = arith.addi %iota3A, %add3A_766 : vector<16xi32>
        %jit3A_768 = arith.constant 8 : i32
        %div3A_769 = vector.broadcast %jit3A_768 : i32 to vector<16xi32>
        %div3A_770 = arith.divsi %add3A_767, %div3A_769 : vector<16xi32>
        %sign3A_771 = arith.constant 0 : i32
        %sign3A_772 = vector.broadcast %sign3A_771 : i32 to vector<16xi32>
        %sign3A_773 = arith.cmpi sgt, %add3A_767, %sign3A_772 : vector<16xi32>
        %sign3A_774 = arith.extui %sign3A_773 : vector<16xi1> to vector<16xi32>
        %sign3A_775 = arith.constant 0 : i32
        %sign3A_776 = vector.broadcast %sign3A_775 : i32 to vector<16xi32>
        %sign3A_777 = arith.cmpi slt, %add3A_767, %sign3A_776 : vector<16xi32>
        %sign3A_778 = arith.extui %sign3A_777 : vector<16xi1> to vector<16xi32>
        %sign3A_779 = arith.subi %sign3A_774, %sign3A_778 : vector<16xi32>
        %sign3A_780 = arith.constant 0 : i32
        %sign3A_781 = arith.cmpi sgt, %jit3A_768, %sign3A_780 : i32
        %sign3A_782 = arith.extui %sign3A_781 : i1 to i32
        %sign3A_783 = arith.constant 0 : i32
        %sign3A_784 = arith.cmpi slt, %jit3A_768, %sign3A_783 : i32
        %sign3A_785 = arith.extui %sign3A_784 : i1 to i32
        %sign3A_786 = arith.subi %sign3A_782, %sign3A_785 : i32
        %ne3A_787 = vector.broadcast %sign3A_786 : i32 to vector<16xi32>
        %ne3A_788 = arith.cmpi ne, %sign3A_779, %ne3A_787 : vector<16xi32>
        %rem3A_789 = vector.broadcast %jit3A_768 : i32 to vector<16xi32>
        %rem3A_790 = arith.remsi %add3A_767, %rem3A_789 : vector<16xi32>
        %ne3A_791 = arith.constant 0 : i32
        %ne3A_792 = vector.broadcast %ne3A_791 : i32 to vector<16xi32>
        %ne3A_793 = arith.cmpi ne, %rem3A_790, %ne3A_792 : vector<16xi32>
        %and3A_794 = arith.andi %ne3A_788, %ne3A_793 : vector<16xi1>
        %sub3A_795 = arith.constant 1 : i32
        %sub3A_796 = vector.broadcast %sub3A_795 : i32 to vector<16xi32>
        %sub3A_797 = arith.subi %div3A_770, %sub3A_796 : vector<16xi32>
        %select_n3A_798 = arith.select %and3A_794, %sub3A_797, %div3A_770 : vector<16xi1>, vector<16xi32>
        %jit3A_799 = arith.constant 8 : i32
        %eq3A_800 = arith.constant 0 : i32
        %eq3A_801 = arith.cmpi eq, %jit3A_799, %eq3A_800 : i32
        %jit3A_802 = arith.constant 1 : i32
        %select_n3A_803 = arith.select %eq3A_801, %jit3A_802, %jit3A_799 : i32
        %rem3A_804 = vector.broadcast %select_n3A_803 : i32 to vector<16xi32>
        %rem3A_805 = arith.remsi %add3A_767, %rem3A_804 : vector<16xi32>
        %ne3A_806 = arith.constant 0 : i32
        %ne3A_807 = vector.broadcast %ne3A_806 : i32 to vector<16xi32>
        %ne3A_808 = arith.cmpi ne, %rem3A_805, %ne3A_807 : vector<16xi32>
        %lt3A_809 = arith.constant 0 : i32
        %lt3A_810 = vector.broadcast %lt3A_809 : i32 to vector<16xi32>
        %lt3A_811 = arith.cmpi slt, %rem3A_805, %lt3A_810 : vector<16xi32>
        %lt3A_812 = arith.constant 0 : i32
        %lt3A_813 = arith.cmpi slt, %select_n3A_803, %lt3A_812 : i32
        %ne3A_814 = vector.broadcast %lt3A_813 : i1 to vector<16xi1>
        %ne3A_815 = vector.broadcast %ne3A_814 : vector<16xi1> to vector<16xi1>
        %ne3A_816 = arith.xori %lt3A_811, %ne3A_815 : vector<16xi1>
        %and3A_817 = arith.andi %ne3A_816, %ne3A_808 : vector<16xi1>
        %add3A_818 = vector.broadcast %select_n3A_803 : i32 to vector<16xi32>
        %add3A_819 = arith.addi %rem3A_805, %add3A_818 : vector<16xi32>
        %select_n3A_820 = arith.select %and3A_817, %add3A_819, %rem3A_805 : vector<16xi1>, vector<16xi32>
        %get3A_821 = arith.constant 0 : i32
        %get3A_822 = arith.index_cast %get3A_821 : i32 to index
        %get3A_823 = arith.index_cast %mul3A_765 : i32 to index
        %get3A_824 = tpu.vector_load %arg10[%get3A_822, %get3A_823] {strides = array<i32>} : memref<32x1000xf32, #tpu.memory_space<vmem>>, vector<16xf32>,
        %broadcast_in_dim3A_825 = arith.constant 0 : i32
        %broadcast_in_dim3A_826 = vector.broadcast %broadcast_in_dim3A_825 : i32 to vector<16xi32>
        tpu.vector_store_idx %arg11[%select_n3A_798, %select_n3A_820, %broadcast_in_dim3A_826], %get3A_824 : memref<125x8x33xf32, #tpu.memory_space<vmem>>[vector<16xi32>, vector<16xi32>, vector<16xi32>], vector<16xf32>,
        %get3A_827 = arith.constant 1 : i32
        %get3A_828 = arith.index_cast %get3A_827 : i32 to index
        %get3A_829 = arith.index_cast %mul3A_765 : i32 to index
        %get3A_830 = tpu.vector_load %arg10[%get3A_828, %get3A_829] {strides = array<i32>} : memref<32x1000xf32, #tpu.memory_space<vmem>>, vector<16xf32>,
        %broadcast_in_dim3A_831 = arith.constant 1 : i32
        %broadcast_in_dim3A_832 = vector.broadcast %broadcast_in_dim3A_831 : i32 to vector<16xi32>
        tpu.vector_store_idx %arg11[%select_n3A_798, %select_n3A_820, %broadcast_in_dim3A_832], %get3A_830 : memref<125x8x33xf32, #tpu.memory_space<vmem>>[vector<16xi32>, vector<16xi32>, vector<16xi32>], vector<16xf32>,
        %get3A_833 = arith.constant 2 : i32
        %get3A_834 = arith.index_cast %get3A_833 : i32 to index
        %get3A_835 = arith.index_cast %mul3A_765 : i32 to index
        %get3A_836 = tpu.vector_load %arg10[%get3A_834, %get3A_835] {strides = array<i32>} : memref<32x1000xf32, #tpu.memory_space<vmem>>, vector<16xf32>,
        %broadcast_in_dim3A_837 = arith.constant 2 : i32
        %broadcast_in_dim3A_838 = vector.broadcast %broadcast_in_dim3A_837 : i32 to vector<16xi32>
        tpu.vector_store_idx %arg11[%select_n3A_798, %select_n3A_820, %broadcast_in_dim3A_838], %get3A_836 : memref<125x8x33xf32, #tpu.memory_space<vmem>>[vector<16xi32>, vector<16xi32>, vector<16xi32>], vector<16xf32>,
        %get3A_839 = arith.constant 3 : i32
        %get3A_840 = arith.index_cast %get3A_839 : i32 to index
        %get3A_841 = arith.index_cast %mul3A_765 : i32 to index
        %get3A_842 = tpu.vector_load %arg10[%get3A_840, %get3A_841] {strides = array<i32>} : memref<32x1000xf32, #tpu.memory_space<vmem>>, vector<16xf32>,
        %broadcast_in_dim3A_843 = arith.constant 3 : i32
        %broadcast_in_dim3A_844 = vector.broadcast %broadcast_in_dim3A_843 : i32 to vector<16xi32>
        tpu.vector_store_idx %arg11[%select_n3A_798, %select_n3A_820, %broadcast_in_dim3A_844], %get3A_842 : memref<125x8x33xf32, #tpu.memory_space<vmem>>[vector<16xi32>, vector<16xi32>, vector<16xi32>], vector<16xf32>,
        %get3A_845 = arith.constant 4 : i32
        %get3A_846 = arith.index_cast %get3A_845 : i32 to index
        %get3A_847 = arith.index_cast %mul3A_765 : i32 to index
        %get3A_848 = tpu.vector_load %arg10[%get3A_846, %get3A_847] {strides = array<i32>} : memref<32x1000xf32, #tpu.memory_space<vmem>>, vector<16xf32>,
        %broadcast_in_dim3A_849 = arith.constant 4 : i32
        %broadcast_in_dim3A_850 = vector.broadcast %broadcast_in_dim3A_849 : i32 to vector<16xi32>
        tpu.vector_store_idx %arg11[%select_n3A_798, %select_n3A_820, %broadcast_in_dim3A_850], %get3A_848 : memref<125x8x33xf32, #tpu.memory_space<vmem>>[vector<16xi32>, vector<16xi32>, vector<16xi32>], vector<16xf32>,
        %get3A_851 = arith.constant 5 : i32
        %get3A_852 = arith.index_cast %get3A_851 : i32 to index
        %get3A_853 = arith.index_cast %mul3A_765 : i32 to index
        %get3A_854 = tpu.vector_load %arg10[%get3A_852, %get3A_853] {strides = array<i32>} : memref<32x1000xf32, #tpu.memory_space<vmem>>, vector<16xf32>,
        %broadcast_in_dim3A_855 = arith.constant 5 : i32
        %broadcast_in_dim3A_856 = vector.broadcast %broadcast_in_dim3A_855 : i32 to vector<16xi32>
        tpu.vector_store_idx %arg11[%select_n3A_798, %select_n3A_820, %broadcast_in_dim3A_856], %get3A_854 : memref<125x8x33xf32, #tpu.memory_space<vmem>>[vector<16xi32>, vector<16xi32>, vector<16xi32>], vector<16xf32>,
        %get3A_857 = arith.constant 6 : i32
        %get3A_858 = arith.index_cast %get3A_857 : i32 to index
        %get3A_859 = arith.index_cast %mul3A_765 : i32 to index
        %get3A_860 = tpu.vector_load %arg10[%get3A_858, %get3A_859] {strides = array<i32>} : memref<32x1000xf32, #tpu.memory_space<vmem>>, vector<16xf32>,
        %broadcast_in_dim3A_861 = arith.constant 6 : i32
        %broadcast_in_dim3A_862 = vector.broadcast %broadcast_in_dim3A_861 : i32 to vector<16xi32>
        tpu.vector_store_idx %arg11[%select_n3A_798, %select_n3A_820, %broadcast_in_dim3A_862], %get3A_860 : memref<125x8x33xf32, #tpu.memory_space<vmem>>[vector<16xi32>, vector<16xi32>, vector<16xi32>], vector<16xf32>,
        %get3A_863 = arith.constant 7 : i32
        %get3A_864 = arith.index_cast %get3A_863 : i32 to index
        %get3A_865 = arith.index_cast %mul3A_765 : i32 to index
        %get3A_866 = tpu.vector_load %arg10[%get3A_864, %get3A_865] {strides = array<i32>} : memref<32x1000xf32, #tpu.memory_space<vmem>>, vector<16xf32>,
        %broadcast_in_dim3A_867 = arith.constant 7 : i32
        %broadcast_in_dim3A_868 = vector.broadcast %broadcast_in_dim3A_867 : i32 to vector<16xi32>
        tpu.vector_store_idx %arg11[%select_n3A_798, %select_n3A_820, %broadcast_in_dim3A_868], %get3A_866 : memref<125x8x33xf32, #tpu.memory_space<vmem>>[vector<16xi32>, vector<16xi32>, vector<16xi32>], vector<16xf32>,
        %get3A_869 = arith.constant 8 : i32
        %get3A_870 = arith.index_cast %get3A_869 : i32 to index
        %get3A_871 = arith.index_cast %mul3A_765 : i32 to index
        %get3A_872 = tpu.vector_load %arg10[%get3A_870, %get3A_871] {strides = array<i32>} : memref<32x1000xf32, #tpu.memory_space<vmem>>, vector<16xf32>,
        %broadcast_in_dim3A_873 = arith.constant 8 : i32
        %broadcast_in_dim3A_874 = vector.broadcast %broadcast_in_dim3A_873 : i32 to vector<16xi32>
        tpu.vector_store_idx %arg11[%select_n3A_798, %select_n3A_820, %broadcast_in_dim3A_874], %get3A_872 : memref<125x8x33xf32, #tpu.memory_space<vmem>>[vector<16xi32>, vector<16xi32>, vector<16xi32>], vector<16xf32>,
        %get3A_875 = arith.constant 9 : i32
        %get3A_876 = arith.index_cast %get3A_875 : i32 to index
        %get3A_877 = arith.index_cast %mul3A_765 : i32 to index
        %get3A_878 = tpu.vector_load %arg10[%get3A_876, %get3A_877] {strides = array<i32>} : memref<32x1000xf32, #tpu.memory_space<vmem>>, vector<16xf32>,
        %broadcast_in_dim3A_879 = arith.constant 9 : i32
        %broadcast_in_dim3A_880 = vector.broadcast %broadcast_in_dim3A_879 : i32 to vector<16xi32>
        tpu.vector_store_idx %arg11[%select_n3A_798, %select_n3A_820, %broadcast_in_dim3A_880], %get3A_878 : memref<125x8x33xf32, #tpu.memory_space<vmem>>[vector<16xi32>, vector<16xi32>, vector<16xi32>], vector<16xf32>,
        %get3A_881 = arith.constant 10 : i32
        %get3A_882 = arith.index_cast %get3A_881 : i32 to index
        %get3A_883 = arith.index_cast %mul3A_765 : i32 to index
        %get3A_884 = tpu.vector_load %arg10[%get3A_882, %get3A_883] {strides = array<i32>} : memref<32x1000xf32, #tpu.memory_space<vmem>>, vector<16xf32>,
        %broadcast_in_dim3A_885 = arith.constant 10 : i32
        %broadcast_in_dim3A_886 = vector.broadcast %broadcast_in_dim3A_885 : i32 to vector<16xi32>
        tpu.vector_store_idx %arg11[%select_n3A_798, %select_n3A_820, %broadcast_in_dim3A_886], %get3A_884 : memref<125x8x33xf32, #tpu.memory_space<vmem>>[vector<16xi32>, vector<16xi32>, vector<16xi32>], vector<16xf32>,
        %get3A_887 = arith.constant 11 : i32
        %get3A_888 = arith.index_cast %get3A_887 : i32 to index
        %get3A_889 = arith.index_cast %mul3A_765 : i32 to index
        %get3A_890 = tpu.vector_load %arg10[%get3A_888, %get3A_889] {strides = array<i32>} : memref<32x1000xf32, #tpu.memory_space<vmem>>, vector<16xf32>,
        %broadcast_in_dim3A_891 = arith.constant 11 : i32
        %broadcast_in_dim3A_892 = vector.broadcast %broadcast_in_dim3A_891 : i32 to vector<16xi32>
        tpu.vector_store_idx %arg11[%select_n3A_798, %select_n3A_820, %broadcast_in_dim3A_892], %get3A_890 : memref<125x8x33xf32, #tpu.memory_space<vmem>>[vector<16xi32>, vector<16xi32>, vector<16xi32>], vector<16xf32>,
        %get3A_893 = arith.constant 12 : i32
        %get3A_894 = arith.index_cast %get3A_893 : i32 to index
        %get3A_895 = arith.index_cast %mul3A_765 : i32 to index
        %get3A_896 = tpu.vector_load %arg10[%get3A_894, %get3A_895] {strides = array<i32>} : memref<32x1000xf32, #tpu.memory_space<vmem>>, vector<16xf32>,
        %broadcast_in_dim3A_897 = arith.constant 12 : i32
        %broadcast_in_dim3A_898 = vector.broadcast %broadcast_in_dim3A_897 : i32 to vector<16xi32>
        tpu.vector_store_idx %arg11[%select_n3A_798, %select_n3A_820, %broadcast_in_dim3A_898], %get3A_896 : memref<125x8x33xf32, #tpu.memory_space<vmem>>[vector<16xi32>, vector<16xi32>, vector<16xi32>], vector<16xf32>,
        %get3A_899 = arith.constant 13 : i32
        %get3A_900 = arith.index_cast %get3A_899 : i32 to index
        %get3A_901 = arith.index_cast %mul3A_765 : i32 to index
        %get3A_902 = tpu.vector_load %arg10[%get3A_900, %get3A_901] {strides = array<i32>} : memref<32x1000xf32, #tpu.memory_space<vmem>>, vector<16xf32>,
        %broadcast_in_dim3A_903 = arith.constant 13 : i32
        %broadcast_in_dim3A_904 = vector.broadcast %broadcast_in_dim3A_903 : i32 to vector<16xi32>
        tpu.vector_store_idx %arg11[%select_n3A_798, %select_n3A_820, %broadcast_in_dim3A_904], %get3A_902 : memref<125x8x33xf32, #tpu.memory_space<vmem>>[vector<16xi32>, vector<16xi32>, vector<16xi32>], vector<16xf32>,
        %get3A_905 = arith.constant 14 : i32
        %get3A_906 = arith.index_cast %get3A_905 : i32 to index
        %get3A_907 = arith.index_cast %mul3A_765 : i32 to index
        %get3A_908 = tpu.vector_load %arg10[%get3A_906, %get3A_907] {strides = array<i32>} : memref<32x1000xf32, #tpu.memory_space<vmem>>, vector<16xf32>,
        %broadcast_in_dim3A_909 = arith.constant 14 : i32
        %broadcast_in_dim3A_910 = vector.broadcast %broadcast_in_dim3A_909 : i32 to vector<16xi32>
        tpu.vector_store_idx %arg11[%select_n3A_798, %select_n3A_820, %broadcast_in_dim3A_910], %get3A_908 : memref<125x8x33xf32, #tpu.memory_space<vmem>>[vector<16xi32>, vector<16xi32>, vector<16xi32>], vector<16xf32>,
        %get3A_911 = arith.constant 15 : i32
        %get3A_912 = arith.index_cast %get3A_911 : i32 to index
        %get3A_913 = arith.index_cast %mul3A_765 : i32 to index
        %get3A_914 = tpu.vector_load %arg10[%get3A_912, %get3A_913] {strides = array<i32>} : memref<32x1000xf32, #tpu.memory_space<vmem>>, vector<16xf32>,
        %broadcast_in_dim3A_915 = arith.constant 15 : i32
        %broadcast_in_dim3A_916 = vector.broadcast %broadcast_in_dim3A_915 : i32 to vector<16xi32>
        tpu.vector_store_idx %arg11[%select_n3A_798, %select_n3A_820, %broadcast_in_dim3A_916], %get3A_914 : memref<125x8x33xf32, #tpu.memory_space<vmem>>[vector<16xi32>, vector<16xi32>, vector<16xi32>], vector<16xf32>,
        %get3A_917 = arith.constant 16 : i32
        %get3A_918 = arith.index_cast %get3A_917 : i32 to index
        %get3A_919 = arith.index_cast %mul3A_765 : i32 to index
        %get3A_920 = tpu.vector_load %arg10[%get3A_918, %get3A_919] {strides = array<i32>} : memref<32x1000xf32, #tpu.memory_space<vmem>>, vector<16xf32>,
        %broadcast_in_dim3A_921 = arith.constant 16 : i32
        %broadcast_in_dim3A_922 = vector.broadcast %broadcast_in_dim3A_921 : i32 to vector<16xi32>
        tpu.vector_store_idx %arg11[%select_n3A_798, %select_n3A_820, %broadcast_in_dim3A_922], %get3A_920 : memref<125x8x33xf32, #tpu.memory_space<vmem>>[vector<16xi32>, vector<16xi32>, vector<16xi32>], vector<16xf32>,
        %get3A_923 = arith.constant 17 : i32
        %get3A_924 = arith.index_cast %get3A_923 : i32 to index
        %get3A_925 = arith.index_cast %mul3A_765 : i32 to index
        %get3A_926 = tpu.vector_load %arg10[%get3A_924, %get3A_925] {strides = array<i32>} : memref<32x1000xf32, #tpu.memory_space<vmem>>, vector<16xf32>,
        %broadcast_in_dim3A_927 = arith.constant 17 : i32
        %broadcast_in_dim3A_928 = vector.broadcast %broadcast_in_dim3A_927 : i32 to vector<16xi32>
        tpu.vector_store_idx %arg11[%select_n3A_798, %select_n3A_820, %broadcast_in_dim3A_928], %get3A_926 : memref<125x8x33xf32, #tpu.memory_space<vmem>>[vector<16xi32>, vector<16xi32>, vector<16xi32>], vector<16xf32>,
        %get3A_929 = arith.constant 18 : i32
        %get3A_930 = arith.index_cast %get3A_929 : i32 to index
        %get3A_931 = arith.index_cast %mul3A_765 : i32 to index
        %get3A_932 = tpu.vector_load %arg10[%get3A_930, %get3A_931] {strides = array<i32>} : memref<32x1000xf32, #tpu.memory_space<vmem>>, vector<16xf32>,
        %broadcast_in_dim3A_933 = arith.constant 18 : i32
        %broadcast_in_dim3A_934 = vector.broadcast %broadcast_in_dim3A_933 : i32 to vector<16xi32>
        tpu.vector_store_idx %arg11[%select_n3A_798, %select_n3A_820, %broadcast_in_dim3A_934], %get3A_932 : memref<125x8x33xf32, #tpu.memory_space<vmem>>[vector<16xi32>, vector<16xi32>, vector<16xi32>], vector<16xf32>,
        %get3A_935 = arith.constant 19 : i32
        %get3A_936 = arith.index_cast %get3A_935 : i32 to index
        %get3A_937 = arith.index_cast %mul3A_765 : i32 to index
        %get3A_938 = tpu.vector_load %arg10[%get3A_936, %get3A_937] {strides = array<i32>} : memref<32x1000xf32, #tpu.memory_space<vmem>>, vector<16xf32>,
        %broadcast_in_dim3A_939 = arith.constant 19 : i32
        %broadcast_in_dim3A_940 = vector.broadcast %broadcast_in_dim3A_939 : i32 to vector<16xi32>
        tpu.vector_store_idx %arg11[%select_n3A_798, %select_n3A_820, %broadcast_in_dim3A_940], %get3A_938 : memref<125x8x33xf32, #tpu.memory_space<vmem>>[vector<16xi32>, vector<16xi32>, vector<16xi32>], vector<16xf32>,
        %get3A_941 = arith.constant 20 : i32
        %get3A_942 = arith.index_cast %get3A_941 : i32 to index
        %get3A_943 = arith.index_cast %mul3A_765 : i32 to index
        %get3A_944 = tpu.vector_load %arg10[%get3A_942, %get3A_943] {strides = array<i32>} : memref<32x1000xf32, #tpu.memory_space<vmem>>, vector<16xf32>,
        %broadcast_in_dim3A_945 = arith.constant 20 : i32
        %broadcast_in_dim3A_946 = vector.broadcast %broadcast_in_dim3A_945 : i32 to vector<16xi32>
        tpu.vector_store_idx %arg11[%select_n3A_798, %select_n3A_820, %broadcast_in_dim3A_946], %get3A_944 : memref<125x8x33xf32, #tpu.memory_space<vmem>>[vector<16xi32>, vector<16xi32>, vector<16xi32>], vector<16xf32>,
        %get3A_947 = arith.constant 21 : i32
        %get3A_948 = arith.index_cast %get3A_947 : i32 to index
        %get3A_949 = arith.index_cast %mul3A_765 : i32 to index
        %get3A_950 = tpu.vector_load %arg10[%get3A_948, %get3A_949] {strides = array<i32>} : memref<32x1000xf32, #tpu.memory_space<vmem>>, vector<16xf32>,
        %broadcast_in_dim3A_951 = arith.constant 21 : i32
        %broadcast_in_dim3A_952 = vector.broadcast %broadcast_in_dim3A_951 : i32 to vector<16xi32>
        tpu.vector_store_idx %arg11[%select_n3A_798, %select_n3A_820, %broadcast_in_dim3A_952], %get3A_950 : memref<125x8x33xf32, #tpu.memory_space<vmem>>[vector<16xi32>, vector<16xi32>, vector<16xi32>], vector<16xf32>,
        %get3A_953 = arith.constant 22 : i32
        %get3A_954 = arith.index_cast %get3A_953 : i32 to index
        %get3A_955 = arith.index_cast %mul3A_765 : i32 to index
        %get3A_956 = tpu.vector_load %arg10[%get3A_954, %get3A_955] {strides = array<i32>} : memref<32x1000xf32, #tpu.memory_space<vmem>>, vector<16xf32>,
        %broadcast_in_dim3A_957 = arith.constant 22 : i32
        %broadcast_in_dim3A_958 = vector.broadcast %broadcast_in_dim3A_957 : i32 to vector<16xi32>
        tpu.vector_store_idx %arg11[%select_n3A_798, %select_n3A_820, %broadcast_in_dim3A_958], %get3A_956 : memref<125x8x33xf32, #tpu.memory_space<vmem>>[vector<16xi32>, vector<16xi32>, vector<16xi32>], vector<16xf32>,
        %get3A_959 = arith.constant 23 : i32
        %get3A_960 = arith.index_cast %get3A_959 : i32 to index
        %get3A_961 = arith.index_cast %mul3A_765 : i32 to index
        %get3A_962 = tpu.vector_load %arg10[%get3A_960, %get3A_961] {strides = array<i32>} : memref<32x1000xf32, #tpu.memory_space<vmem>>, vector<16xf32>,
        %broadcast_in_dim3A_963 = arith.constant 23 : i32
        %broadcast_in_dim3A_964 = vector.broadcast %broadcast_in_dim3A_963 : i32 to vector<16xi32>
        tpu.vector_store_idx %arg11[%select_n3A_798, %select_n3A_820, %broadcast_in_dim3A_964], %get3A_962 : memref<125x8x33xf32, #tpu.memory_space<vmem>>[vector<16xi32>, vector<16xi32>, vector<16xi32>], vector<16xf32>,
        %get3A_965 = arith.constant 24 : i32
        %get3A_966 = arith.index_cast %get3A_965 : i32 to index
        %get3A_967 = arith.index_cast %mul3A_765 : i32 to index
        %get3A_968 = tpu.vector_load %arg10[%get3A_966, %get3A_967] {strides = array<i32>} : memref<32x1000xf32, #tpu.memory_space<vmem>>, vector<16xf32>,
        %broadcast_in_dim3A_969 = arith.constant 24 : i32
        %broadcast_in_dim3A_970 = vector.broadcast %broadcast_in_dim3A_969 : i32 to vector<16xi32>
        tpu.vector_store_idx %arg11[%select_n3A_798, %select_n3A_820, %broadcast_in_dim3A_970], %get3A_968 : memref<125x8x33xf32, #tpu.memory_space<vmem>>[vector<16xi32>, vector<16xi32>, vector<16xi32>], vector<16xf32>,
        %get3A_971 = arith.constant 25 : i32
        %get3A_972 = arith.index_cast %get3A_971 : i32 to index
        %get3A_973 = arith.index_cast %mul3A_765 : i32 to index
        %get3A_974 = tpu.vector_load %arg10[%get3A_972, %get3A_973] {strides = array<i32>} : memref<32x1000xf32, #tpu.memory_space<vmem>>, vector<16xf32>,
        %broadcast_in_dim3A_975 = arith.constant 25 : i32
        %broadcast_in_dim3A_976 = vector.broadcast %broadcast_in_dim3A_975 : i32 to vector<16xi32>
        tpu.vector_store_idx %arg11[%select_n3A_798, %select_n3A_820, %broadcast_in_dim3A_976], %get3A_974 : memref<125x8x33xf32, #tpu.memory_space<vmem>>[vector<16xi32>, vector<16xi32>, vector<16xi32>], vector<16xf32>,
        %get3A_977 = arith.constant 26 : i32
        %get3A_978 = arith.index_cast %get3A_977 : i32 to index
        %get3A_979 = arith.index_cast %mul3A_765 : i32 to index
        %get3A_980 = tpu.vector_load %arg10[%get3A_978, %get3A_979] {strides = array<i32>} : memref<32x1000xf32, #tpu.memory_space<vmem>>, vector<16xf32>,
        %broadcast_in_dim3A_981 = arith.constant 26 : i32
        %broadcast_in_dim3A_982 = vector.broadcast %broadcast_in_dim3A_981 : i32 to vector<16xi32>
        tpu.vector_store_idx %arg11[%select_n3A_798, %select_n3A_820, %broadcast_in_dim3A_982], %get3A_980 : memref<125x8x33xf32, #tpu.memory_space<vmem>>[vector<16xi32>, vector<16xi32>, vector<16xi32>], vector<16xf32>,
        %get3A_983 = arith.constant 27 : i32
        %get3A_984 = arith.index_cast %get3A_983 : i32 to index
        %get3A_985 = arith.index_cast %mul3A_765 : i32 to index
        %get3A_986 = tpu.vector_load %arg10[%get3A_984, %get3A_985] {strides = array<i32>} : memref<32x1000xf32, #tpu.memory_space<vmem>>, vector<16xf32>,
        %broadcast_in_dim3A_987 = arith.constant 27 : i32
        %broadcast_in_dim3A_988 = vector.broadcast %broadcast_in_dim3A_987 : i32 to vector<16xi32>
        tpu.vector_store_idx %arg11[%select_n3A_798, %select_n3A_820, %broadcast_in_dim3A_988], %get3A_986 : memref<125x8x33xf32, #tpu.memory_space<vmem>>[vector<16xi32>, vector<16xi32>, vector<16xi32>], vector<16xf32>,
        %get3A_989 = arith.constant 28 : i32
        %get3A_990 = arith.index_cast %get3A_989 : i32 to index
        %get3A_991 = arith.index_cast %mul3A_765 : i32 to index
        %get3A_992 = tpu.vector_load %arg10[%get3A_990, %get3A_991] {strides = array<i32>} : memref<32x1000xf32, #tpu.memory_space<vmem>>, vector<16xf32>,
        %broadcast_in_dim3A_993 = arith.constant 28 : i32
        %broadcast_in_dim3A_994 = vector.broadcast %broadcast_in_dim3A_993 : i32 to vector<16xi32>
        tpu.vector_store_idx %arg11[%select_n3A_798, %select_n3A_820, %broadcast_in_dim3A_994], %get3A_992 : memref<125x8x33xf32, #tpu.memory_space<vmem>>[vector<16xi32>, vector<16xi32>, vector<16xi32>], vector<16xf32>,
        %get3A_995 = arith.constant 29 : i32
        %get3A_996 = arith.index_cast %get3A_995 : i32 to index
        %get3A_997 = arith.index_cast %mul3A_765 : i32 to index
        %get3A_998 = tpu.vector_load %arg10[%get3A_996, %get3A_997] {strides = array<i32>} : memref<32x1000xf32, #tpu.memory_space<vmem>>, vector<16xf32>,
        %broadcast_in_dim3A_999 = arith.constant 29 : i32
        %broadcast_in_dim3A_1000 = vector.broadcast %broadcast_in_dim3A_999 : i32 to vector<16xi32>
        tpu.vector_store_idx %arg11[%select_n3A_798, %select_n3A_820, %broadcast_in_dim3A_1000], %get3A_998 : memref<125x8x33xf32, #tpu.memory_space<vmem>>[vector<16xi32>, vector<16xi32>, vector<16xi32>], vector<16xf32>,
        %get3A_1001 = arith.constant 30 : i32
        %get3A_1002 = arith.index_cast %get3A_1001 : i32 to index
        %get3A_1003 = arith.index_cast %mul3A_765 : i32 to index
        %get3A_1004 = tpu.vector_load %arg10[%get3A_1002, %get3A_1003] {strides = array<i32>} : memref<32x1000xf32, #tpu.memory_space<vmem>>, vector<16xf32>,
        %broadcast_in_dim3A_1005 = arith.constant 30 : i32
        %broadcast_in_dim3A_1006 = vector.broadcast %broadcast_in_dim3A_1005 : i32 to vector<16xi32>
        tpu.vector_store_idx %arg11[%select_n3A_798, %select_n3A_820, %broadcast_in_dim3A_1006], %get3A_1004 : memref<125x8x33xf32, #tpu.memory_space<vmem>>[vector<16xi32>, vector<16xi32>, vector<16xi32>], vector<16xf32>,
        %get3A_1007 = arith.constant 31 : i32
        %get3A_1008 = arith.index_cast %get3A_1007 : i32 to index
        %get3A_1009 = arith.index_cast %mul3A_765 : i32 to index
        %get3A_1010 = tpu.vector_load %arg10[%get3A_1008, %get3A_1009] {strides = array<i32>} : memref<32x1000xf32, #tpu.memory_space<vmem>>, vector<16xf32>,
        %broadcast_in_dim3A_1011 = arith.constant 31 : i32
        %broadcast_in_dim3A_1012 = vector.broadcast %broadcast_in_dim3A_1011 : i32 to vector<16xi32>
        tpu.vector_store_idx %arg11[%select_n3A_798, %select_n3A_820, %broadcast_in_dim3A_1012], %get3A_1010 : memref<125x8x33xf32, #tpu.memory_space<vmem>>[vector<16xi32>, vector<16xi32>, vector<16xi32>], vector<16xf32>,
        %mul3A_1013 = arith.constant 32 : i32
        %mul3A_1014 = arith.muli %scan3A_763, %mul3A_1013 : i32
        %add3A_1015 = arith.constant 16 : i32
        %add3A_1016 = arith.addi %mul3A_1014, %add3A_1015 : i32
        %add3A_1017 = vector.broadcast %add3A_1016 : i32 to vector<16xi32>
        %add3A_1018 = arith.addi %iota3A, %add3A_1017 : vector<16xi32>
        %jit3A_1019 = arith.constant 8 : i32
        %div3A_1020 = vector.broadcast %jit3A_1019 : i32 to vector<16xi32>
        %div3A_1021 = arith.divsi %add3A_1018, %div3A_1020 : vector<16xi32>
        %sign3A_1022 = arith.constant 0 : i32
        %sign3A_1023 = vector.broadcast %sign3A_1022 : i32 to vector<16xi32>
        %sign3A_1024 = arith.cmpi sgt, %add3A_1018, %sign3A_1023 : vector<16xi32>
        %sign3A_1025 = arith.extui %sign3A_1024 : vector<16xi1> to vector<16xi32>
        %sign3A_1026 = arith.constant 0 : i32
        %sign3A_1027 = vector.broadcast %sign3A_1026 : i32 to vector<16xi32>
        %sign3A_1028 = arith.cmpi slt, %add3A_1018, %sign3A_1027 : vector<16xi32>
        %sign3A_1029 = arith.extui %sign3A_1028 : vector<16xi1> to vector<16xi32>
        %sign3A_1030 = arith.subi %sign3A_1025, %sign3A_1029 : vector<16xi32>
        %sign3A_1031 = arith.constant 0 : i32
        %sign3A_1032 = arith.cmpi sgt, %jit3A_1019, %sign3A_1031 : i32
        %sign3A_1033 = arith.extui %sign3A_1032 : i1 to i32
        %sign3A_1034 = arith.constant 0 : i32
        %sign3A_1035 = arith.cmpi slt, %jit3A_1019, %sign3A_1034 : i32
        %sign3A_1036 = arith.extui %sign3A_1035 : i1 to i32
        %sign3A_1037 = arith.subi %sign3A_1033, %sign3A_1036 : i32
        %ne3A_1038 = vector.broadcast %sign3A_1037 : i32 to vector<16xi32>
        %ne3A_1039 = arith.cmpi ne, %sign3A_1030, %ne3A_1038 : vector<16xi32>
        %rem3A_1040 = vector.broadcast %jit3A_1019 : i32 to vector<16xi32>
        %rem3A_1041 = arith.remsi %add3A_1018, %rem3A_1040 : vector<16xi32>
        %ne3A_1042 = arith.constant 0 : i32
        %ne3A_1043 = vector.broadcast %ne3A_1042 : i32 to vector<16xi32>
        %ne3A_1044 = arith.cmpi ne, %rem3A_1041, %ne3A_1043 : vector<16xi32>
        %and3A_1045 = arith.andi %ne3A_1039, %ne3A_1044 : vector<16xi1>
        %sub3A_1046 = arith.constant 1 : i32
        %sub3A_1047 = vector.broadcast %sub3A_1046 : i32 to vector<16xi32>
        %sub3A_1048 = arith.subi %div3A_1021, %sub3A_1047 : vector<16xi32>
        %select_n3A_1049 = arith.select %and3A_1045, %sub3A_1048, %div3A_1021 : vector<16xi1>, vector<16xi32>
        %jit3A_1050 = arith.constant 8 : i32
        %eq3A_1051 = arith.constant 0 : i32
        %eq3A_1052 = arith.cmpi eq, %jit3A_1050, %eq3A_1051 : i32
        %jit3A_1053 = arith.constant 1 : i32
        %select_n3A_1054 = arith.select %eq3A_1052, %jit3A_1053, %jit3A_1050 : i32
        %rem3A_1055 = vector.broadcast %select_n3A_1054 : i32 to vector<16xi32>
        %rem3A_1056 = arith.remsi %add3A_1018, %rem3A_1055 : vector<16xi32>
        %ne3A_1057 = arith.constant 0 : i32
        %ne3A_1058 = vector.broadcast %ne3A_1057 : i32 to vector<16xi32>
        %ne3A_1059 = arith.cmpi ne, %rem3A_1056, %ne3A_1058 : vector<16xi32>
        %lt3A_1060 = arith.constant 0 : i32
        %lt3A_1061 = vector.broadcast %lt3A_1060 : i32 to vector<16xi32>
        %lt3A_1062 = arith.cmpi slt, %rem3A_1056, %lt3A_1061 : vector<16xi32>
        %lt3A_1063 = arith.constant 0 : i32
        %lt3A_1064 = arith.cmpi slt, %select_n3A_1054, %lt3A_1063 : i32
        %ne3A_1065 = vector.broadcast %lt3A_1064 : i1 to vector<16xi1>
        %ne3A_1066 = vector.broadcast %ne3A_1065 : vector<16xi1> to vector<16xi1>
        %ne3A_1067 = arith.xori %lt3A_1062, %ne3A_1066 : vector<16xi1>
        %and3A_1068 = arith.andi %ne3A_1067, %ne3A_1059 : vector<16xi1>
        %add3A_1069 = vector.broadcast %select_n3A_1054 : i32 to vector<16xi32>
        %add3A_1070 = arith.addi %rem3A_1056, %add3A_1069 : vector<16xi32>
        %select_n3A_1071 = arith.select %and3A_1068, %add3A_1070, %rem3A_1056 : vector<16xi1>, vector<16xi32>
        %get3A_1072 = arith.constant 0 : i32
        %get3A_1073 = arith.index_cast %get3A_1072 : i32 to index
        %get3A_1074 = arith.index_cast %add3A_1016 : i32 to index
        %get3A_1075 = tpu.vector_load %arg10[%get3A_1073, %get3A_1074] {strides = array<i32>} : memref<32x1000xf32, #tpu.memory_space<vmem>>, vector<16xf32>,
        %broadcast_in_dim3A_1076 = arith.constant 0 : i32
        %broadcast_in_dim3A_1077 = vector.broadcast %broadcast_in_dim3A_1076 : i32 to vector<16xi32>
        tpu.vector_store_idx %arg11[%select_n3A_1049, %select_n3A_1071, %broadcast_in_dim3A_1077], %get3A_1075 : memref<125x8x33xf32, #tpu.memory_space<vmem>>[vector<16xi32>, vector<16xi32>, vector<16xi32>], vector<16xf32>,
        %get3A_1078 = arith.constant 1 : i32
        %get3A_1079 = arith.index_cast %get3A_1078 : i32 to index
        %get3A_1080 = arith.index_cast %add3A_1016 : i32 to index
        %get3A_1081 = tpu.vector_load %arg10[%get3A_1079, %get3A_1080] {strides = array<i32>} : memref<32x1000xf32, #tpu.memory_space<vmem>>, vector<16xf32>,
        %broadcast_in_dim3A_1082 = arith.constant 1 : i32
        %broadcast_in_dim3A_1083 = vector.broadcast %broadcast_in_dim3A_1082 : i32 to vector<16xi32>
        tpu.vector_store_idx %arg11[%select_n3A_1049, %select_n3A_1071, %broadcast_in_dim3A_1083], %get3A_1081 : memref<125x8x33xf32, #tpu.memory_space<vmem>>[vector<16xi32>, vector<16xi32>, vector<16xi32>], vector<16xf32>,
        %get3A_1084 = arith.constant 2 : i32
        %get3A_1085 = arith.index_cast %get3A_1084 : i32 to index
        %get3A_1086 = arith.index_cast %add3A_1016 : i32 to index
        %get3A_1087 = tpu.vector_load %arg10[%get3A_1085, %get3A_1086] {strides = array<i32>} : memref<32x1000xf32, #tpu.memory_space<vmem>>, vector<16xf32>,
        %broadcast_in_dim3A_1088 = arith.constant 2 : i32
        %broadcast_in_dim3A_1089 = vector.broadcast %broadcast_in_dim3A_1088 : i32 to vector<16xi32>
        tpu.vector_store_idx %arg11[%select_n3A_1049, %select_n3A_1071, %broadcast_in_dim3A_1089], %get3A_1087 : memref<125x8x33xf32, #tpu.memory_space<vmem>>[vector<16xi32>, vector<16xi32>, vector<16xi32>], vector<16xf32>,
        %get3A_1090 = arith.constant 3 : i32
        %get3A_1091 = arith.index_cast %get3A_1090 : i32 to index
        %get3A_1092 = arith.index_cast %add3A_1016 : i32 to index
        %get3A_1093 = tpu.vector_load %arg10[%get3A_1091, %get3A_1092] {strides = array<i32>} : memref<32x1000xf32, #tpu.memory_space<vmem>>, vector<16xf32>,
        %broadcast_in_dim3A_1094 = arith.constant 3 : i32
        %broadcast_in_dim3A_1095 = vector.broadcast %broadcast_in_dim3A_1094 : i32 to vector<16xi32>
        tpu.vector_store_idx %arg11[%select_n3A_1049, %select_n3A_1071, %broadcast_in_dim3A_1095], %get3A_1093 : memref<125x8x33xf32, #tpu.memory_space<vmem>>[vector<16xi32>, vector<16xi32>, vector<16xi32>], vector<16xf32>,
        %get3A_1096 = arith.constant 4 : i32
        %get3A_1097 = arith.index_cast %get3A_1096 : i32 to index
        %get3A_1098 = arith.index_cast %add3A_1016 : i32 to index
        %get3A_1099 = tpu.vector_load %arg10[%get3A_1097, %get3A_1098] {strides = array<i32>} : memref<32x1000xf32, #tpu.memory_space<vmem>>, vector<16xf32>,
        %broadcast_in_dim3A_1100 = arith.constant 4 : i32
        %broadcast_in_dim3A_1101 = vector.broadcast %broadcast_in_dim3A_1100 : i32 to vector<16xi32>
        tpu.vector_store_idx %arg11[%select_n3A_1049, %select_n3A_1071, %broadcast_in_dim3A_1101], %get3A_1099 : memref<125x8x33xf32, #tpu.memory_space<vmem>>[vector<16xi32>, vector<16xi32>, vector<16xi32>], vector<16xf32>,
        %get3A_1102 = arith.constant 5 : i32
        %get3A_1103 = arith.index_cast %get3A_1102 : i32 to index
        %get3A_1104 = arith.index_cast %add3A_1016 : i32 to index
        %get3A_1105 = tpu.vector_load %arg10[%get3A_1103, %get3A_1104] {strides = array<i32>} : memref<32x1000xf32, #tpu.memory_space<vmem>>, vector<16xf32>,
        %broadcast_in_dim3A_1106 = arith.constant 5 : i32
        %broadcast_in_dim3A_1107 = vector.broadcast %broadcast_in_dim3A_1106 : i32 to vector<16xi32>
        tpu.vector_store_idx %arg11[%select_n3A_1049, %select_n3A_1071, %broadcast_in_dim3A_1107], %get3A_1105 : memref<125x8x33xf32, #tpu.memory_space<vmem>>[vector<16xi32>, vector<16xi32>, vector<16xi32>], vector<16xf32>,
        %get3A_1108 = arith.constant 6 : i32
        %get3A_1109 = arith.index_cast %get3A_1108 : i32 to index
        %get3A_1110 = arith.index_cast %add3A_1016 : i32 to index
        %get3A_1111 = tpu.vector_load %arg10[%get3A_1109, %get3A_1110] {strides = array<i32>} : memref<32x1000xf32, #tpu.memory_space<vmem>>, vector<16xf32>,
        %broadcast_in_dim3A_1112 = arith.constant 6 : i32
        %broadcast_in_dim3A_1113 = vector.broadcast %broadcast_in_dim3A_1112 : i32 to vector<16xi32>
        tpu.vector_store_idx %arg11[%select_n3A_1049, %select_n3A_1071, %broadcast_in_dim3A_1113], %get3A_1111 : memref<125x8x33xf32, #tpu.memory_space<vmem>>[vector<16xi32>, vector<16xi32>, vector<16xi32>], vector<16xf32>,
        %get3A_1114 = arith.constant 7 : i32
        %get3A_1115 = arith.index_cast %get3A_1114 : i32 to index
        %get3A_1116 = arith.index_cast %add3A_1016 : i32 to index
        %get3A_1117 = tpu.vector_load %arg10[%get3A_1115, %get3A_1116] {strides = array<i32>} : memref<32x1000xf32, #tpu.memory_space<vmem>>, vector<16xf32>,
        %broadcast_in_dim3A_1118 = arith.constant 7 : i32
        %broadcast_in_dim3A_1119 = vector.broadcast %broadcast_in_dim3A_1118 : i32 to vector<16xi32>
        tpu.vector_store_idx %arg11[%select_n3A_1049, %select_n3A_1071, %broadcast_in_dim3A_1119], %get3A_1117 : memref<125x8x33xf32, #tpu.memory_space<vmem>>[vector<16xi32>, vector<16xi32>, vector<16xi32>], vector<16xf32>,
        %get3A_1120 = arith.constant 8 : i32
        %get3A_1121 = arith.index_cast %get3A_1120 : i32 to index
        %get3A_1122 = arith.index_cast %add3A_1016 : i32 to index
        %get3A_1123 = tpu.vector_load %arg10[%get3A_1121, %get3A_1122] {strides = array<i32>} : memref<32x1000xf32, #tpu.memory_space<vmem>>, vector<16xf32>,
        %broadcast_in_dim3A_1124 = arith.constant 8 : i32
        %broadcast_in_dim3A_1125 = vector.broadcast %broadcast_in_dim3A_1124 : i32 to vector<16xi32>
        tpu.vector_store_idx %arg11[%select_n3A_1049, %select_n3A_1071, %broadcast_in_dim3A_1125], %get3A_1123 : memref<125x8x33xf32, #tpu.memory_space<vmem>>[vector<16xi32>, vector<16xi32>, vector<16xi32>], vector<16xf32>,
        %get3A_1126 = arith.constant 9 : i32
        %get3A_1127 = arith.index_cast %get3A_1126 : i32 to index
        %get3A_1128 = arith.index_cast %add3A_1016 : i32 to index
        %get3A_1129 = tpu.vector_load %arg10[%get3A_1127, %get3A_1128] {strides = array<i32>} : memref<32x1000xf32, #tpu.memory_space<vmem>>, vector<16xf32>,
        %broadcast_in_dim3A_1130 = arith.constant 9 : i32
        %broadcast_in_dim3A_1131 = vector.broadcast %broadcast_in_dim3A_1130 : i32 to vector<16xi32>
        tpu.vector_store_idx %arg11[%select_n3A_1049, %select_n3A_1071, %broadcast_in_dim3A_1131], %get3A_1129 : memref<125x8x33xf32, #tpu.memory_space<vmem>>[vector<16xi32>, vector<16xi32>, vector<16xi32>], vector<16xf32>,
        %get3A_1132 = arith.constant 10 : i32
        %get3A_1133 = arith.index_cast %get3A_1132 : i32 to index
        %get3A_1134 = arith.index_cast %add3A_1016 : i32 to index
        %get3A_1135 = tpu.vector_load %arg10[%get3A_1133, %get3A_1134] {strides = array<i32>} : memref<32x1000xf32, #tpu.memory_space<vmem>>, vector<16xf32>,
        %broadcast_in_dim3A_1136 = arith.constant 10 : i32
        %broadcast_in_dim3A_1137 = vector.broadcast %broadcast_in_dim3A_1136 : i32 to vector<16xi32>
        tpu.vector_store_idx %arg11[%select_n3A_1049, %select_n3A_1071, %broadcast_in_dim3A_1137], %get3A_1135 : memref<125x8x33xf32, #tpu.memory_space<vmem>>[vector<16xi32>, vector<16xi32>, vector<16xi32>], vector<16xf32>,
        %get3A_1138 = arith.constant 11 : i32
        %get3A_1139 = arith.index_cast %get3A_1138 : i32 to index
        %get3A_1140 = arith.index_cast %add3A_1016 : i32 to index
        %get3A_1141 = tpu.vector_load %arg10[%get3A_1139, %get3A_1140] {strides = array<i32>} : memref<32x1000xf32, #tpu.memory_space<vmem>>, vector<16xf32>,
        %broadcast_in_dim3A_1142 = arith.constant 11 : i32
        %broadcast_in_dim3A_1143 = vector.broadcast %broadcast_in_dim3A_1142 : i32 to vector<16xi32>
        tpu.vector_store_idx %arg11[%select_n3A_1049, %select_n3A_1071, %broadcast_in_dim3A_1143], %get3A_1141 : memref<125x8x33xf32, #tpu.memory_space<vmem>>[vector<16xi32>, vector<16xi32>, vector<16xi32>], vector<16xf32>,
        %get3A_1144 = arith.constant 12 : i32
        %get3A_1145 = arith.index_cast %get3A_1144 : i32 to index
        %get3A_1146 = arith.index_cast %add3A_1016 : i32 to index
        %get3A_1147 = tpu.vector_load %arg10[%get3A_1145, %get3A_1146] {strides = array<i32>} : memref<32x1000xf32, #tpu.memory_space<vmem>>, vector<16xf32>,
        %broadcast_in_dim3A_1148 = arith.constant 12 : i32
        %broadcast_in_dim3A_1149 = vector.broadcast %broadcast_in_dim3A_1148 : i32 to vector<16xi32>
        tpu.vector_store_idx %arg11[%select_n3A_1049, %select_n3A_1071, %broadcast_in_dim3A_1149], %get3A_1147 : memref<125x8x33xf32, #tpu.memory_space<vmem>>[vector<16xi32>, vector<16xi32>, vector<16xi32>], vector<16xf32>,
        %get3A_1150 = arith.constant 13 : i32
        %get3A_1151 = arith.index_cast %get3A_1150 : i32 to index
        %get3A_1152 = arith.index_cast %add3A_1016 : i32 to index
        %get3A_1153 = tpu.vector_load %arg10[%get3A_1151, %get3A_1152] {strides = array<i32>} : memref<32x1000xf32, #tpu.memory_space<vmem>>, vector<16xf32>,
        %broadcast_in_dim3A_1154 = arith.constant 13 : i32
        %broadcast_in_dim3A_1155 = vector.broadcast %broadcast_in_dim3A_1154 : i32 to vector<16xi32>
        tpu.vector_store_idx %arg11[%select_n3A_1049, %select_n3A_1071, %broadcast_in_dim3A_1155], %get3A_1153 : memref<125x8x33xf32, #tpu.memory_space<vmem>>[vector<16xi32>, vector<16xi32>, vector<16xi32>], vector<16xf32>,
        %get3A_1156 = arith.constant 14 : i32
        %get3A_1157 = arith.index_cast %get3A_1156 : i32 to index
        %get3A_1158 = arith.index_cast %add3A_1016 : i32 to index
        %get3A_1159 = tpu.vector_load %arg10[%get3A_1157, %get3A_1158] {strides = array<i32>} : memref<32x1000xf32, #tpu.memory_space<vmem>>, vector<16xf32>,
        %broadcast_in_dim3A_1160 = arith.constant 14 : i32
        %broadcast_in_dim3A_1161 = vector.broadcast %broadcast_in_dim3A_1160 : i32 to vector<16xi32>
        tpu.vector_store_idx %arg11[%select_n3A_1049, %select_n3A_1071, %broadcast_in_dim3A_1161], %get3A_1159 : memref<125x8x33xf32, #tpu.memory_space<vmem>>[vector<16xi32>, vector<16xi32>, vector<16xi32>], vector<16xf32>,
        %get3A_1162 = arith.constant 15 : i32
        %get3A_1163 = arith.index_cast %get3A_1162 : i32 to index
        %get3A_1164 = arith.index_cast %add3A_1016 : i32 to index
        %get3A_1165 = tpu.vector_load %arg10[%get3A_1163, %get3A_1164] {strides = array<i32>} : memref<32x1000xf32, #tpu.memory_space<vmem>>, vector<16xf32>,
        %broadcast_in_dim3A_1166 = arith.constant 15 : i32
        %broadcast_in_dim3A_1167 = vector.broadcast %broadcast_in_dim3A_1166 : i32 to vector<16xi32>
        tpu.vector_store_idx %arg11[%select_n3A_1049, %select_n3A_1071, %broadcast_in_dim3A_1167], %get3A_1165 : memref<125x8x33xf32, #tpu.memory_space<vmem>>[vector<16xi32>, vector<16xi32>, vector<16xi32>], vector<16xf32>,
        %get3A_1168 = arith.constant 16 : i32
        %get3A_1169 = arith.index_cast %get3A_1168 : i32 to index
        %get3A_1170 = arith.index_cast %add3A_1016 : i32 to index
        %get3A_1171 = tpu.vector_load %arg10[%get3A_1169, %get3A_1170] {strides = array<i32>} : memref<32x1000xf32, #tpu.memory_space<vmem>>, vector<16xf32>,
        %broadcast_in_dim3A_1172 = arith.constant 16 : i32
        %broadcast_in_dim3A_1173 = vector.broadcast %broadcast_in_dim3A_1172 : i32 to vector<16xi32>
        tpu.vector_store_idx %arg11[%select_n3A_1049, %select_n3A_1071, %broadcast_in_dim3A_1173], %get3A_1171 : memref<125x8x33xf32, #tpu.memory_space<vmem>>[vector<16xi32>, vector<16xi32>, vector<16xi32>], vector<16xf32>,
        %get3A_1174 = arith.constant 17 : i32
        %get3A_1175 = arith.index_cast %get3A_1174 : i32 to index
        %get3A_1176 = arith.index_cast %add3A_1016 : i32 to index
        %get3A_1177 = tpu.vector_load %arg10[%get3A_1175, %get3A_1176] {strides = array<i32>} : memref<32x1000xf32, #tpu.memory_space<vmem>>, vector<16xf32>,
        %broadcast_in_dim3A_1178 = arith.constant 17 : i32
        %broadcast_in_dim3A_1179 = vector.broadcast %broadcast_in_dim3A_1178 : i32 to vector<16xi32>
        tpu.vector_store_idx %arg11[%select_n3A_1049, %select_n3A_1071, %broadcast_in_dim3A_1179], %get3A_1177 : memref<125x8x33xf32, #tpu.memory_space<vmem>>[vector<16xi32>, vector<16xi32>, vector<16xi32>], vector<16xf32>,
        %get3A_1180 = arith.constant 18 : i32
        %get3A_1181 = arith.index_cast %get3A_1180 : i32 to index
        %get3A_1182 = arith.index_cast %add3A_1016 : i32 to index
        %get3A_1183 = tpu.vector_load %arg10[%get3A_1181, %get3A_1182] {strides = array<i32>} : memref<32x1000xf32, #tpu.memory_space<vmem>>, vector<16xf32>,
        %broadcast_in_dim3A_1184 = arith.constant 18 : i32
        %broadcast_in_dim3A_1185 = vector.broadcast %broadcast_in_dim3A_1184 : i32 to vector<16xi32>
        tpu.vector_store_idx %arg11[%select_n3A_1049, %select_n3A_1071, %broadcast_in_dim3A_1185], %get3A_1183 : memref<125x8x33xf32, #tpu.memory_space<vmem>>[vector<16xi32>, vector<16xi32>, vector<16xi32>], vector<16xf32>,
        %get3A_1186 = arith.constant 19 : i32
        %get3A_1187 = arith.index_cast %get3A_1186 : i32 to index
        %get3A_1188 = arith.index_cast %add3A_1016 : i32 to index
        %get3A_1189 = tpu.vector_load %arg10[%get3A_1187, %get3A_1188] {strides = array<i32>} : memref<32x1000xf32, #tpu.memory_space<vmem>>, vector<16xf32>,
        %broadcast_in_dim3A_1190 = arith.constant 19 : i32
        %broadcast_in_dim3A_1191 = vector.broadcast %broadcast_in_dim3A_1190 : i32 to vector<16xi32>
        tpu.vector_store_idx %arg11[%select_n3A_1049, %select_n3A_1071, %broadcast_in_dim3A_1191], %get3A_1189 : memref<125x8x33xf32, #tpu.memory_space<vmem>>[vector<16xi32>, vector<16xi32>, vector<16xi32>], vector<16xf32>,
        %get3A_1192 = arith.constant 20 : i32
        %get3A_1193 = arith.index_cast %get3A_1192 : i32 to index
        %get3A_1194 = arith.index_cast %add3A_1016 : i32 to index
        %get3A_1195 = tpu.vector_load %arg10[%get3A_1193, %get3A_1194] {strides = array<i32>} : memref<32x1000xf32, #tpu.memory_space<vmem>>, vector<16xf32>,
        %broadcast_in_dim3A_1196 = arith.constant 20 : i32
        %broadcast_in_dim3A_1197 = vector.broadcast %broadcast_in_dim3A_1196 : i32 to vector<16xi32>
        tpu.vector_store_idx %arg11[%select_n3A_1049, %select_n3A_1071, %broadcast_in_dim3A_1197], %get3A_1195 : memref<125x8x33xf32, #tpu.memory_space<vmem>>[vector<16xi32>, vector<16xi32>, vector<16xi32>], vector<16xf32>,
        %get3A_1198 = arith.constant 21 : i32
        %get3A_1199 = arith.index_cast %get3A_1198 : i32 to index
        %get3A_1200 = arith.index_cast %add3A_1016 : i32 to index
        %get3A_1201 = tpu.vector_load %arg10[%get3A_1199, %get3A_1200] {strides = array<i32>} : memref<32x1000xf32, #tpu.memory_space<vmem>>, vector<16xf32>,
        %broadcast_in_dim3A_1202 = arith.constant 21 : i32
        %broadcast_in_dim3A_1203 = vector.broadcast %broadcast_in_dim3A_1202 : i32 to vector<16xi32>
        tpu.vector_store_idx %arg11[%select_n3A_1049, %select_n3A_1071, %broadcast_in_dim3A_1203], %get3A_1201 : memref<125x8x33xf32, #tpu.memory_space<vmem>>[vector<16xi32>, vector<16xi32>, vector<16xi32>], vector<16xf32>,
        %get3A_1204 = arith.constant 22 : i32
        %get3A_1205 = arith.index_cast %get3A_1204 : i32 to index
        %get3A_1206 = arith.index_cast %add3A_1016 : i32 to index
        %get3A_1207 = tpu.vector_load %arg10[%get3A_1205, %get3A_1206] {strides = array<i32>} : memref<32x1000xf32, #tpu.memory_space<vmem>>, vector<16xf32>,
        %broadcast_in_dim3A_1208 = arith.constant 22 : i32
        %broadcast_in_dim3A_1209 = vector.broadcast %broadcast_in_dim3A_1208 : i32 to vector<16xi32>
        tpu.vector_store_idx %arg11[%select_n3A_1049, %select_n3A_1071, %broadcast_in_dim3A_1209], %get3A_1207 : memref<125x8x33xf32, #tpu.memory_space<vmem>>[vector<16xi32>, vector<16xi32>, vector<16xi32>], vector<16xf32>,
        %get3A_1210 = arith.constant 23 : i32
        %get3A_1211 = arith.index_cast %get3A_1210 : i32 to index
        %get3A_1212 = arith.index_cast %add3A_1016 : i32 to index
        %get3A_1213 = tpu.vector_load %arg10[%get3A_1211, %get3A_1212] {strides = array<i32>} : memref<32x1000xf32, #tpu.memory_space<vmem>>, vector<16xf32>,
        %broadcast_in_dim3A_1214 = arith.constant 23 : i32
        %broadcast_in_dim3A_1215 = vector.broadcast %broadcast_in_dim3A_1214 : i32 to vector<16xi32>
        tpu.vector_store_idx %arg11[%select_n3A_1049, %select_n3A_1071, %broadcast_in_dim3A_1215], %get3A_1213 : memref<125x8x33xf32, #tpu.memory_space<vmem>>[vector<16xi32>, vector<16xi32>, vector<16xi32>], vector<16xf32>,
        %get3A_1216 = arith.constant 24 : i32
        %get3A_1217 = arith.index_cast %get3A_1216 : i32 to index
        %get3A_1218 = arith.index_cast %add3A_1016 : i32 to index
        %get3A_1219 = tpu.vector_load %arg10[%get3A_1217, %get3A_1218] {strides = array<i32>} : memref<32x1000xf32, #tpu.memory_space<vmem>>, vector<16xf32>,
        %broadcast_in_dim3A_1220 = arith.constant 24 : i32
        %broadcast_in_dim3A_1221 = vector.broadcast %broadcast_in_dim3A_1220 : i32 to vector<16xi32>
        tpu.vector_store_idx %arg11[%select_n3A_1049, %select_n3A_1071, %broadcast_in_dim3A_1221], %get3A_1219 : memref<125x8x33xf32, #tpu.memory_space<vmem>>[vector<16xi32>, vector<16xi32>, vector<16xi32>], vector<16xf32>,
        %get3A_1222 = arith.constant 25 : i32
        %get3A_1223 = arith.index_cast %get3A_1222 : i32 to index
        %get3A_1224 = arith.index_cast %add3A_1016 : i32 to index
        %get3A_1225 = tpu.vector_load %arg10[%get3A_1223, %get3A_1224] {strides = array<i32>} : memref<32x1000xf32, #tpu.memory_space<vmem>>, vector<16xf32>,
        %broadcast_in_dim3A_1226 = arith.constant 25 : i32
        %broadcast_in_dim3A_1227 = vector.broadcast %broadcast_in_dim3A_1226 : i32 to vector<16xi32>
        tpu.vector_store_idx %arg11[%select_n3A_1049, %select_n3A_1071, %broadcast_in_dim3A_1227], %get3A_1225 : memref<125x8x33xf32, #tpu.memory_space<vmem>>[vector<16xi32>, vector<16xi32>, vector<16xi32>], vector<16xf32>,
        %get3A_1228 = arith.constant 26 : i32
        %get3A_1229 = arith.index_cast %get3A_1228 : i32 to index
        %get3A_1230 = arith.index_cast %add3A_1016 : i32 to index
        %get3A_1231 = tpu.vector_load %arg10[%get3A_1229, %get3A_1230] {strides = array<i32>} : memref<32x1000xf32, #tpu.memory_space<vmem>>, vector<16xf32>,
        %broadcast_in_dim3A_1232 = arith.constant 26 : i32
        %broadcast_in_dim3A_1233 = vector.broadcast %broadcast_in_dim3A_1232 : i32 to vector<16xi32>
        tpu.vector_store_idx %arg11[%select_n3A_1049, %select_n3A_1071, %broadcast_in_dim3A_1233], %get3A_1231 : memref<125x8x33xf32, #tpu.memory_space<vmem>>[vector<16xi32>, vector<16xi32>, vector<16xi32>], vector<16xf32>,
        %get3A_1234 = arith.constant 27 : i32
        %get3A_1235 = arith.index_cast %get3A_1234 : i32 to index
        %get3A_1236 = arith.index_cast %add3A_1016 : i32 to index
        %get3A_1237 = tpu.vector_load %arg10[%get3A_1235, %get3A_1236] {strides = array<i32>} : memref<32x1000xf32, #tpu.memory_space<vmem>>, vector<16xf32>,
        %broadcast_in_dim3A_1238 = arith.constant 27 : i32
        %broadcast_in_dim3A_1239 = vector.broadcast %broadcast_in_dim3A_1238 : i32 to vector<16xi32>
        tpu.vector_store_idx %arg11[%select_n3A_1049, %select_n3A_1071, %broadcast_in_dim3A_1239], %get3A_1237 : memref<125x8x33xf32, #tpu.memory_space<vmem>>[vector<16xi32>, vector<16xi32>, vector<16xi32>], vector<16xf32>,
        %get3A_1240 = arith.constant 28 : i32
        %get3A_1241 = arith.index_cast %get3A_1240 : i32 to index
        %get3A_1242 = arith.index_cast %add3A_1016 : i32 to index
        %get3A_1243 = tpu.vector_load %arg10[%get3A_1241, %get3A_1242] {strides = array<i32>} : memref<32x1000xf32, #tpu.memory_space<vmem>>, vector<16xf32>,
        %broadcast_in_dim3A_1244 = arith.constant 28 : i32
        %broadcast_in_dim3A_1245 = vector.broadcast %broadcast_in_dim3A_1244 : i32 to vector<16xi32>
        tpu.vector_store_idx %arg11[%select_n3A_1049, %select_n3A_1071, %broadcast_in_dim3A_1245], %get3A_1243 : memref<125x8x33xf32, #tpu.memory_space<vmem>>[vector<16xi32>, vector<16xi32>, vector<16xi32>], vector<16xf32>,
        %get3A_1246 = arith.constant 29 : i32
        %get3A_1247 = arith.index_cast %get3A_1246 : i32 to index
        %get3A_1248 = arith.index_cast %add3A_1016 : i32 to index
        %get3A_1249 = tpu.vector_load %arg10[%get3A_1247, %get3A_1248] {strides = array<i32>} : memref<32x1000xf32, #tpu.memory_space<vmem>>, vector<16xf32>,
        %broadcast_in_dim3A_1250 = arith.constant 29 : i32
        %broadcast_in_dim3A_1251 = vector.broadcast %broadcast_in_dim3A_1250 : i32 to vector<16xi32>
        tpu.vector_store_idx %arg11[%select_n3A_1049, %select_n3A_1071, %broadcast_in_dim3A_1251], %get3A_1249 : memref<125x8x33xf32, #tpu.memory_space<vmem>>[vector<16xi32>, vector<16xi32>, vector<16xi32>], vector<16xf32>,
        %get3A_1252 = arith.constant 30 : i32
        %get3A_1253 = arith.index_cast %get3A_1252 : i32 to index
        %get3A_1254 = arith.index_cast %add3A_1016 : i32 to index
        %get3A_1255 = tpu.vector_load %arg10[%get3A_1253, %get3A_1254] {strides = array<i32>} : memref<32x1000xf32, #tpu.memory_space<vmem>>, vector<16xf32>,
        %broadcast_in_dim3A_1256 = arith.constant 30 : i32
        %broadcast_in_dim3A_1257 = vector.broadcast %broadcast_in_dim3A_1256 : i32 to vector<16xi32>
        tpu.vector_store_idx %arg11[%select_n3A_1049, %select_n3A_1071, %broadcast_in_dim3A_1257], %get3A_1255 : memref<125x8x33xf32, #tpu.memory_space<vmem>>[vector<16xi32>, vector<16xi32>, vector<16xi32>], vector<16xf32>,
        %get3A_1258 = arith.constant 31 : i32
        %get3A_1259 = arith.index_cast %get3A_1258 : i32 to index
        %get3A_1260 = arith.index_cast %add3A_1016 : i32 to index
        %get3A_1261 = tpu.vector_load %arg10[%get3A_1259, %get3A_1260] {strides = array<i32>} : memref<32x1000xf32, #tpu.memory_space<vmem>>, vector<16xf32>,
        %broadcast_in_dim3A_1262 = arith.constant 31 : i32
        %broadcast_in_dim3A_1263 = vector.broadcast %broadcast_in_dim3A_1262 : i32 to vector<16xi32>
        tpu.vector_store_idx %arg11[%select_n3A_1049, %select_n3A_1071, %broadcast_in_dim3A_1263], %get3A_1261 : memref<125x8x33xf32, #tpu.memory_space<vmem>>[vector<16xi32>, vector<16xi32>, vector<16xi32>], vector<16xf32>,
      }
      %scan3A_451 = arith.constant 31 : i32
      %add3A_452 = arith.constant 984 : i32
      %add3A_453 = vector.broadcast %add3A_452 : i32 to vector<16xi32>
      %add3A_454 = arith.addi %iota3A, %add3A_453 : vector<16xi32>
      %jit3A_455 = arith.constant 8 : i32
      %div3A_456 = vector.broadcast %jit3A_455 : i32 to vector<16xi32>
      %div3A_457 = arith.divsi %add3A_454, %div3A_456 : vector<16xi32>
      %sign3A_458 = arith.constant 0 : i32
      %sign3A_459 = vector.broadcast %sign3A_458 : i32 to vector<16xi32>
      %sign3A_460 = arith.cmpi sgt, %add3A_454, %sign3A_459 : vector<16xi32>
      %sign3A_461 = arith.extui %sign3A_460 : vector<16xi1> to vector<16xi32>
      %sign3A_462 = arith.constant 0 : i32
      %sign3A_463 = vector.broadcast %sign3A_462 : i32 to vector<16xi32>
      %sign3A_464 = arith.cmpi slt, %add3A_454, %sign3A_463 : vector<16xi32>
      %sign3A_465 = arith.extui %sign3A_464 : vector<16xi1> to vector<16xi32>
      %sign3A_466 = arith.subi %sign3A_461, %sign3A_465 : vector<16xi32>
      %sign3A_467 = arith.constant 0 : i32
      %sign3A_468 = arith.cmpi sgt, %jit3A_455, %sign3A_467 : i32
      %sign3A_469 = arith.extui %sign3A_468 : i1 to i32
      %sign3A_470 = arith.constant 0 : i32
      %sign3A_471 = arith.cmpi slt, %jit3A_455, %sign3A_470 : i32
      %sign3A_472 = arith.extui %sign3A_471 : i1 to i32
      %sign3A_473 = arith.subi %sign3A_469, %sign3A_472 : i32
      %ne3A_474 = vector.broadcast %sign3A_473 : i32 to vector<16xi32>
      %ne3A_475 = arith.cmpi ne, %sign3A_466, %ne3A_474 : vector<16xi32>
      %rem3A_476 = vector.broadcast %jit3A_455 : i32 to vector<16xi32>
      %rem3A_477 = arith.remsi %add3A_454, %rem3A_476 : vector<16xi32>
      %ne3A_478 = arith.constant 0 : i32
      %ne3A_479 = vector.broadcast %ne3A_478 : i32 to vector<16xi32>
      %ne3A_480 = arith.cmpi ne, %rem3A_477, %ne3A_479 : vector<16xi32>
      %and3A_481 = arith.andi %ne3A_475, %ne3A_480 : vector<16xi1>
      %sub3A_482 = arith.constant 1 : i32
      %sub3A_483 = vector.broadcast %sub3A_482 : i32 to vector<16xi32>
      %sub3A_484 = arith.subi %div3A_457, %sub3A_483 : vector<16xi32>
      %select_n3A_485 = arith.select %and3A_481, %sub3A_484, %div3A_457 : vector<16xi1>, vector<16xi32>
      %jit3A_486 = arith.constant 8 : i32
      %eq3A_487 = arith.constant 0 : i32
      %eq3A_488 = arith.cmpi eq, %jit3A_486, %eq3A_487 : i32
      %jit3A_489 = arith.constant 1 : i32
      %select_n3A_490 = arith.select %eq3A_488, %jit3A_489, %jit3A_486 : i32
      %rem3A_491 = vector.broadcast %select_n3A_490 : i32 to vector<16xi32>
      %rem3A_492 = arith.remsi %add3A_454, %rem3A_491 : vector<16xi32>
      %ne3A_493 = arith.constant 0 : i32
      %ne3A_494 = vector.broadcast %ne3A_493 : i32 to vector<16xi32>
      %ne3A_495 = arith.cmpi ne, %rem3A_492, %ne3A_494 : vector<16xi32>
      %lt3A_496 = arith.constant 0 : i32
      %lt3A_497 = vector.broadcast %lt3A_496 : i32 to vector<16xi32>
      %lt3A_498 = arith.cmpi slt, %rem3A_492, %lt3A_497 : vector<16xi32>
      %lt3A_499 = arith.constant 0 : i32
      %lt3A_500 = arith.cmpi slt, %select_n3A_490, %lt3A_499 : i32
      %ne3A_501 = vector.broadcast %lt3A_500 : i1 to vector<16xi1>
      %ne3A_502 = vector.broadcast %ne3A_501 : vector<16xi1> to vector<16xi1>
      %ne3A_503 = arith.xori %lt3A_498, %ne3A_502 : vector<16xi1>
      %and3A_504 = arith.andi %ne3A_503, %ne3A_495 : vector<16xi1>
      %add3A_505 = vector.broadcast %select_n3A_490 : i32 to vector<16xi32>
      %add3A_506 = arith.addi %rem3A_492, %add3A_505 : vector<16xi32>
      %select_n3A_507 = arith.select %and3A_504, %add3A_506, %rem3A_492 : vector<16xi1>, vector<16xi32>
      %get3A_508 = arith.constant 0 : i32
      %get3A_509 = arith.index_cast %get3A_508 : i32 to index
      %get3A_510 = arith.constant 984 : index
      %get3A_511 = tpu.vector_load %arg10[%get3A_509, %get3A_510] {strides = array<i32>} : memref<32x1000xf32, #tpu.memory_space<vmem>>, vector<16xf32>,
      %broadcast_in_dim3A_512 = arith.constant 0 : i32
      %broadcast_in_dim3A_513 = vector.broadcast %broadcast_in_dim3A_512 : i32 to vector<16xi32>
      tpu.vector_store_idx %arg11[%select_n3A_485, %select_n3A_507, %broadcast_in_dim3A_513], %get3A_511 : memref<125x8x33xf32, #tpu.memory_space<vmem>>[vector<16xi32>, vector<16xi32>, vector<16xi32>], vector<16xf32>,
      %get3A_514 = arith.constant 1 : i32
      %get3A_515 = arith.index_cast %get3A_514 : i32 to index
      %get3A_516 = arith.constant 984 : index
      %get3A_517 = tpu.vector_load %arg10[%get3A_515, %get3A_516] {strides = array<i32>} : memref<32x1000xf32, #tpu.memory_space<vmem>>, vector<16xf32>,
      %broadcast_in_dim3A_518 = arith.constant 1 : i32
      %broadcast_in_dim3A_519 = vector.broadcast %broadcast_in_dim3A_518 : i32 to vector<16xi32>
      tpu.vector_store_idx %arg11[%select_n3A_485, %select_n3A_507, %broadcast_in_dim3A_519], %get3A_517 : memref<125x8x33xf32, #tpu.memory_space<vmem>>[vector<16xi32>, vector<16xi32>, vector<16xi32>], vector<16xf32>,
      %get3A_520 = arith.constant 2 : i32
      %get3A_521 = arith.index_cast %get3A_520 : i32 to index
      %get3A_522 = arith.constant 984 : index
      %get3A_523 = tpu.vector_load %arg10[%get3A_521, %get3A_522] {strides = array<i32>} : memref<32x1000xf32, #tpu.memory_space<vmem>>, vector<16xf32>,
      %broadcast_in_dim3A_524 = arith.constant 2 : i32
      %broadcast_in_dim3A_525 = vector.broadcast %broadcast_in_dim3A_524 : i32 to vector<16xi32>
      tpu.vector_store_idx %arg11[%select_n3A_485, %select_n3A_507, %broadcast_in_dim3A_525], %get3A_523 : memref<125x8x33xf32, #tpu.memory_space<vmem>>[vector<16xi32>, vector<16xi32>, vector<16xi32>], vector<16xf32>,
      %get3A_526 = arith.constant 3 : i32
      %get3A_527 = arith.index_cast %get3A_526 : i32 to index
      %get3A_528 = arith.constant 984 : index
      %get3A_529 = tpu.vector_load %arg10[%get3A_527, %get3A_528] {strides = array<i32>} : memref<32x1000xf32, #tpu.memory_space<vmem>>, vector<16xf32>,
      %broadcast_in_dim3A_530 = arith.constant 3 : i32
      %broadcast_in_dim3A_531 = vector.broadcast %broadcast_in_dim3A_530 : i32 to vector<16xi32>
      tpu.vector_store_idx %arg11[%select_n3A_485, %select_n3A_507, %broadcast_in_dim3A_531], %get3A_529 : memref<125x8x33xf32, #tpu.memory_space<vmem>>[vector<16xi32>, vector<16xi32>, vector<16xi32>], vector<16xf32>,
      %get3A_532 = arith.constant 4 : i32
      %get3A_533 = arith.index_cast %get3A_532 : i32 to index
      %get3A_534 = arith.constant 984 : index
      %get3A_535 = tpu.vector_load %arg10[%get3A_533, %get3A_534] {strides = array<i32>} : memref<32x1000xf32, #tpu.memory_space<vmem>>, vector<16xf32>,
      %broadcast_in_dim3A_536 = arith.constant 4 : i32
      %broadcast_in_dim3A_537 = vector.broadcast %broadcast_in_dim3A_536 : i32 to vector<16xi32>
      tpu.vector_store_idx %arg11[%select_n3A_485, %select_n3A_507, %broadcast_in_dim3A_537], %get3A_535 : memref<125x8x33xf32, #tpu.memory_space<vmem>>[vector<16xi32>, vector<16xi32>, vector<16xi32>], vector<16xf32>,
      %get3A_538 = arith.constant 5 : i32
      %get3A_539 = arith.index_cast %get3A_538 : i32 to index
      %get3A_540 = arith.constant 984 : index
      %get3A_541 = tpu.vector_load %arg10[%get3A_539, %get3A_540] {strides = array<i32>} : memref<32x1000xf32, #tpu.memory_space<vmem>>, vector<16xf32>,
      %broadcast_in_dim3A_542 = arith.constant 5 : i32
      %broadcast_in_dim3A_543 = vector.broadcast %broadcast_in_dim3A_542 : i32 to vector<16xi32>
      tpu.vector_store_idx %arg11[%select_n3A_485, %select_n3A_507, %broadcast_in_dim3A_543], %get3A_541 : memref<125x8x33xf32, #tpu.memory_space<vmem>>[vector<16xi32>, vector<16xi32>, vector<16xi32>], vector<16xf32>,
      %get3A_544 = arith.constant 6 : i32
      %get3A_545 = arith.index_cast %get3A_544 : i32 to index
      %get3A_546 = arith.constant 984 : index
      %get3A_547 = tpu.vector_load %arg10[%get3A_545, %get3A_546] {strides = array<i32>} : memref<32x1000xf32, #tpu.memory_space<vmem>>, vector<16xf32>,
      %broadcast_in_dim3A_548 = arith.constant 6 : i32
      %broadcast_in_dim3A_549 = vector.broadcast %broadcast_in_dim3A_548 : i32 to vector<16xi32>
      tpu.vector_store_idx %arg11[%select_n3A_485, %select_n3A_507, %broadcast_in_dim3A_549], %get3A_547 : memref<125x8x33xf32, #tpu.memory_space<vmem>>[vector<16xi32>, vector<16xi32>, vector<16xi32>], vector<16xf32>,
      %get3A_550 = arith.constant 7 : i32
      %get3A_551 = arith.index_cast %get3A_550 : i32 to index
      %get3A_552 = arith.constant 984 : index
      %get3A_553 = tpu.vector_load %arg10[%get3A_551, %get3A_552] {strides = array<i32>} : memref<32x1000xf32, #tpu.memory_space<vmem>>, vector<16xf32>,
      %broadcast_in_dim3A_554 = arith.constant 7 : i32
      %broadcast_in_dim3A_555 = vector.broadcast %broadcast_in_dim3A_554 : i32 to vector<16xi32>
      tpu.vector_store_idx %arg11[%select_n3A_485, %select_n3A_507, %broadcast_in_dim3A_555], %get3A_553 : memref<125x8x33xf32, #tpu.memory_space<vmem>>[vector<16xi32>, vector<16xi32>, vector<16xi32>], vector<16xf32>,
      %get3A_556 = arith.constant 8 : i32
      %get3A_557 = arith.index_cast %get3A_556 : i32 to index
      %get3A_558 = arith.constant 984 : index
      %get3A_559 = tpu.vector_load %arg10[%get3A_557, %get3A_558] {strides = array<i32>} : memref<32x1000xf32, #tpu.memory_space<vmem>>, vector<16xf32>,
      %broadcast_in_dim3A_560 = arith.constant 8 : i32
      %broadcast_in_dim3A_561 = vector.broadcast %broadcast_in_dim3A_560 : i32 to vector<16xi32>
      tpu.vector_store_idx %arg11[%select_n3A_485, %select_n3A_507, %broadcast_in_dim3A_561], %get3A_559 : memref<125x8x33xf32, #tpu.memory_space<vmem>>[vector<16xi32>, vector<16xi32>, vector<16xi32>], vector<16xf32>,
      %get3A_562 = arith.constant 9 : i32
      %get3A_563 = arith.index_cast %get3A_562 : i32 to index
      %get3A_564 = arith.constant 984 : index
      %get3A_565 = tpu.vector_load %arg10[%get3A_563, %get3A_564] {strides = array<i32>} : memref<32x1000xf32, #tpu.memory_space<vmem>>, vector<16xf32>,
      %broadcast_in_dim3A_566 = arith.constant 9 : i32
      %broadcast_in_dim3A_567 = vector.broadcast %broadcast_in_dim3A_566 : i32 to vector<16xi32>
      tpu.vector_store_idx %arg11[%select_n3A_485, %select_n3A_507, %broadcast_in_dim3A_567], %get3A_565 : memref<125x8x33xf32, #tpu.memory_space<vmem>>[vector<16xi32>, vector<16xi32>, vector<16xi32>], vector<16xf32>,
      %get3A_568 = arith.constant 10 : i32
      %get3A_569 = arith.index_cast %get3A_568 : i32 to index
      %get3A_570 = arith.constant 984 : index
      %get3A_571 = tpu.vector_load %arg10[%get3A_569, %get3A_570] {strides = array<i32>} : memref<32x1000xf32, #tpu.memory_space<vmem>>, vector<16xf32>,
      %broadcast_in_dim3A_572 = arith.constant 10 : i32
      %broadcast_in_dim3A_573 = vector.broadcast %broadcast_in_dim3A_572 : i32 to vector<16xi32>
      tpu.vector_store_idx %arg11[%select_n3A_485, %select_n3A_507, %broadcast_in_dim3A_573], %get3A_571 : memref<125x8x33xf32, #tpu.memory_space<vmem>>[vector<16xi32>, vector<16xi32>, vector<16xi32>], vector<16xf32>,
      %get3A_574 = arith.constant 11 : i32
      %get3A_575 = arith.index_cast %get3A_574 : i32 to index
      %get3A_576 = arith.constant 984 : index
      %get3A_577 = tpu.vector_load %arg10[%get3A_575, %get3A_576] {strides = array<i32>} : memref<32x1000xf32, #tpu.memory_space<vmem>>, vector<16xf32>,
      %broadcast_in_dim3A_578 = arith.constant 11 : i32
      %broadcast_in_dim3A_579 = vector.broadcast %broadcast_in_dim3A_578 : i32 to vector<16xi32>
      tpu.vector_store_idx %arg11[%select_n3A_485, %select_n3A_507, %broadcast_in_dim3A_579], %get3A_577 : memref<125x8x33xf32, #tpu.memory_space<vmem>>[vector<16xi32>, vector<16xi32>, vector<16xi32>], vector<16xf32>,
      %get3A_580 = arith.constant 12 : i32
      %get3A_581 = arith.index_cast %get3A_580 : i32 to index
      %get3A_582 = arith.constant 984 : index
      %get3A_583 = tpu.vector_load %arg10[%get3A_581, %get3A_582] {strides = array<i32>} : memref<32x1000xf32, #tpu.memory_space<vmem>>, vector<16xf32>,
      %broadcast_in_dim3A_584 = arith.constant 12 : i32
      %broadcast_in_dim3A_585 = vector.broadcast %broadcast_in_dim3A_584 : i32 to vector<16xi32>
      tpu.vector_store_idx %arg11[%select_n3A_485, %select_n3A_507, %broadcast_in_dim3A_585], %get3A_583 : memref<125x8x33xf32, #tpu.memory_space<vmem>>[vector<16xi32>, vector<16xi32>, vector<16xi32>], vector<16xf32>,
      %get3A_586 = arith.constant 13 : i32
      %get3A_587 = arith.index_cast %get3A_586 : i32 to index
      %get3A_588 = arith.constant 984 : index
      %get3A_589 = tpu.vector_load %arg10[%get3A_587, %get3A_588] {strides = array<i32>} : memref<32x1000xf32, #tpu.memory_space<vmem>>, vector<16xf32>,
      %broadcast_in_dim3A_590 = arith.constant 13 : i32
      %broadcast_in_dim3A_591 = vector.broadcast %broadcast_in_dim3A_590 : i32 to vector<16xi32>
      tpu.vector_store_idx %arg11[%select_n3A_485, %select_n3A_507, %broadcast_in_dim3A_591], %get3A_589 : memref<125x8x33xf32, #tpu.memory_space<vmem>>[vector<16xi32>, vector<16xi32>, vector<16xi32>], vector<16xf32>,
      %get3A_592 = arith.constant 14 : i32
      %get3A_593 = arith.index_cast %get3A_592 : i32 to index
      %get3A_594 = arith.constant 984 : index
      %get3A_595 = tpu.vector_load %arg10[%get3A_593, %get3A_594] {strides = array<i32>} : memref<32x1000xf32, #tpu.memory_space<vmem>>, vector<16xf32>,
      %broadcast_in_dim3A_596 = arith.constant 14 : i32
      %broadcast_in_dim3A_597 = vector.broadcast %broadcast_in_dim3A_596 : i32 to vector<16xi32>
      tpu.vector_store_idx %arg11[%select_n3A_485, %select_n3A_507, %broadcast_in_dim3A_597], %get3A_595 : memref<125x8x33xf32, #tpu.memory_space<vmem>>[vector<16xi32>, vector<16xi32>, vector<16xi32>], vector<16xf32>,
      %get3A_598 = arith.constant 15 : i32
      %get3A_599 = arith.index_cast %get3A_598 : i32 to index
      %get3A_600 = arith.constant 984 : index
      %get3A_601 = tpu.vector_load %arg10[%get3A_599, %get3A_600] {strides = array<i32>} : memref<32x1000xf32, #tpu.memory_space<vmem>>, vector<16xf32>,
      %broadcast_in_dim3A_602 = arith.constant 15 : i32
      %broadcast_in_dim3A_603 = vector.broadcast %broadcast_in_dim3A_602 : i32 to vector<16xi32>
      tpu.vector_store_idx %arg11[%select_n3A_485, %select_n3A_507, %broadcast_in_dim3A_603], %get3A_601 : memref<125x8x33xf32, #tpu.memory_space<vmem>>[vector<16xi32>, vector<16xi32>, vector<16xi32>], vector<16xf32>,
      %get3A_604 = arith.constant 16 : i32
      %get3A_605 = arith.index_cast %get3A_604 : i32 to index
      %get3A_606 = arith.constant 984 : index
      %get3A_607 = tpu.vector_load %arg10[%get3A_605, %get3A_606] {strides = array<i32>} : memref<32x1000xf32, #tpu.memory_space<vmem>>, vector<16xf32>,
      %broadcast_in_dim3A_608 = arith.constant 16 : i32
      %broadcast_in_dim3A_609 = vector.broadcast %broadcast_in_dim3A_608 : i32 to vector<16xi32>
      tpu.vector_store_idx %arg11[%select_n3A_485, %select_n3A_507, %broadcast_in_dim3A_609], %get3A_607 : memref<125x8x33xf32, #tpu.memory_space<vmem>>[vector<16xi32>, vector<16xi32>, vector<16xi32>], vector<16xf32>,
      %get3A_610 = arith.constant 17 : i32
      %get3A_611 = arith.index_cast %get3A_610 : i32 to index
      %get3A_612 = arith.constant 984 : index
      %get3A_613 = tpu.vector_load %arg10[%get3A_611, %get3A_612] {strides = array<i32>} : memref<32x1000xf32, #tpu.memory_space<vmem>>, vector<16xf32>,
      %broadcast_in_dim3A_614 = arith.constant 17 : i32
      %broadcast_in_dim3A_615 = vector.broadcast %broadcast_in_dim3A_614 : i32 to vector<16xi32>
      tpu.vector_store_idx %arg11[%select_n3A_485, %select_n3A_507, %broadcast_in_dim3A_615], %get3A_613 : memref<125x8x33xf32, #tpu.memory_space<vmem>>[vector<16xi32>, vector<16xi32>, vector<16xi32>], vector<16xf32>,
      %get3A_616 = arith.constant 18 : i32
      %get3A_617 = arith.index_cast %get3A_616 : i32 to index
      %get3A_618 = arith.constant 984 : index
      %get3A_619 = tpu.vector_load %arg10[%get3A_617, %get3A_618] {strides = array<i32>} : memref<32x1000xf32, #tpu.memory_space<vmem>>, vector<16xf32>,
      %broadcast_in_dim3A_620 = arith.constant 18 : i32
      %broadcast_in_dim3A_621 = vector.broadcast %broadcast_in_dim3A_620 : i32 to vector<16xi32>
      tpu.vector_store_idx %arg11[%select_n3A_485, %select_n3A_507, %broadcast_in_dim3A_621], %get3A_619 : memref<125x8x33xf32, #tpu.memory_space<vmem>>[vector<16xi32>, vector<16xi32>, vector<16xi32>], vector<16xf32>,
      %get3A_622 = arith.constant 19 : i32
      %get3A_623 = arith.index_cast %get3A_622 : i32 to index
      %get3A_624 = arith.constant 984 : index
      %get3A_625 = tpu.vector_load %arg10[%get3A_623, %get3A_624] {strides = array<i32>} : memref<32x1000xf32, #tpu.memory_space<vmem>>, vector<16xf32>,
      %broadcast_in_dim3A_626 = arith.constant 19 : i32
      %broadcast_in_dim3A_627 = vector.broadcast %broadcast_in_dim3A_626 : i32 to vector<16xi32>
      tpu.vector_store_idx %arg11[%select_n3A_485, %select_n3A_507, %broadcast_in_dim3A_627], %get3A_625 : memref<125x8x33xf32, #tpu.memory_space<vmem>>[vector<16xi32>, vector<16xi32>, vector<16xi32>], vector<16xf32>,
      %get3A_628 = arith.constant 20 : i32
      %get3A_629 = arith.index_cast %get3A_628 : i32 to index
      %get3A_630 = arith.constant 984 : index
      %get3A_631 = tpu.vector_load %arg10[%get3A_629, %get3A_630] {strides = array<i32>} : memref<32x1000xf32, #tpu.memory_space<vmem>>, vector<16xf32>,
      %broadcast_in_dim3A_632 = arith.constant 20 : i32
      %broadcast_in_dim3A_633 = vector.broadcast %broadcast_in_dim3A_632 : i32 to vector<16xi32>
      tpu.vector_store_idx %arg11[%select_n3A_485, %select_n3A_507, %broadcast_in_dim3A_633], %get3A_631 : memref<125x8x33xf32, #tpu.memory_space<vmem>>[vector<16xi32>, vector<16xi32>, vector<16xi32>], vector<16xf32>,
      %get3A_634 = arith.constant 21 : i32
      %get3A_635 = arith.index_cast %get3A_634 : i32 to index
      %get3A_636 = arith.constant 984 : index
      %get3A_637 = tpu.vector_load %arg10[%get3A_635, %get3A_636] {strides = array<i32>} : memref<32x1000xf32, #tpu.memory_space<vmem>>, vector<16xf32>,
      %broadcast_in_dim3A_638 = arith.constant 21 : i32
      %broadcast_in_dim3A_639 = vector.broadcast %broadcast_in_dim3A_638 : i32 to vector<16xi32>
      tpu.vector_store_idx %arg11[%select_n3A_485, %select_n3A_507, %broadcast_in_dim3A_639], %get3A_637 : memref<125x8x33xf32, #tpu.memory_space<vmem>>[vector<16xi32>, vector<16xi32>, vector<16xi32>], vector<16xf32>,
      %get3A_640 = arith.constant 22 : i32
      %get3A_641 = arith.index_cast %get3A_640 : i32 to index
      %get3A_642 = arith.constant 984 : index
      %get3A_643 = tpu.vector_load %arg10[%get3A_641, %get3A_642] {strides = array<i32>} : memref<32x1000xf32, #tpu.memory_space<vmem>>, vector<16xf32>,
      %broadcast_in_dim3A_644 = arith.constant 22 : i32
      %broadcast_in_dim3A_645 = vector.broadcast %broadcast_in_dim3A_644 : i32 to vector<16xi32>
      tpu.vector_store_idx %arg11[%select_n3A_485, %select_n3A_507, %broadcast_in_dim3A_645], %get3A_643 : memref<125x8x33xf32, #tpu.memory_space<vmem>>[vector<16xi32>, vector<16xi32>, vector<16xi32>], vector<16xf32>,
      %get3A_646 = arith.constant 23 : i32
      %get3A_647 = arith.index_cast %get3A_646 : i32 to index
      %get3A_648 = arith.constant 984 : index
      %get3A_649 = tpu.vector_load %arg10[%get3A_647, %get3A_648] {strides = array<i32>} : memref<32x1000xf32, #tpu.memory_space<vmem>>, vector<16xf32>,
      %broadcast_in_dim3A_650 = arith.constant 23 : i32
      %broadcast_in_dim3A_651 = vector.broadcast %broadcast_in_dim3A_650 : i32 to vector<16xi32>
      tpu.vector_store_idx %arg11[%select_n3A_485, %select_n3A_507, %broadcast_in_dim3A_651], %get3A_649 : memref<125x8x33xf32, #tpu.memory_space<vmem>>[vector<16xi32>, vector<16xi32>, vector<16xi32>], vector<16xf32>,
      %get3A_652 = arith.constant 24 : i32
      %get3A_653 = arith.index_cast %get3A_652 : i32 to index
      %get3A_654 = arith.constant 984 : index
      %get3A_655 = tpu.vector_load %arg10[%get3A_653, %get3A_654] {strides = array<i32>} : memref<32x1000xf32, #tpu.memory_space<vmem>>, vector<16xf32>,
      %broadcast_in_dim3A_656 = arith.constant 24 : i32
      %broadcast_in_dim3A_657 = vector.broadcast %broadcast_in_dim3A_656 : i32 to vector<16xi32>
      tpu.vector_store_idx %arg11[%select_n3A_485, %select_n3A_507, %broadcast_in_dim3A_657], %get3A_655 : memref<125x8x33xf32, #tpu.memory_space<vmem>>[vector<16xi32>, vector<16xi32>, vector<16xi32>], vector<16xf32>,
      %get3A_658 = arith.constant 25 : i32
      %get3A_659 = arith.index_cast %get3A_658 : i32 to index
      %get3A_660 = arith.constant 984 : index
      %get3A_661 = tpu.vector_load %arg10[%get3A_659, %get3A_660] {strides = array<i32>} : memref<32x1000xf32, #tpu.memory_space<vmem>>, vector<16xf32>,
      %broadcast_in_dim3A_662 = arith.constant 25 : i32
      %broadcast_in_dim3A_663 = vector.broadcast %broadcast_in_dim3A_662 : i32 to vector<16xi32>
      tpu.vector_store_idx %arg11[%select_n3A_485, %select_n3A_507, %broadcast_in_dim3A_663], %get3A_661 : memref<125x8x33xf32, #tpu.memory_space<vmem>>[vector<16xi32>, vector<16xi32>, vector<16xi32>], vector<16xf32>,
      %get3A_664 = arith.constant 26 : i32
      %get3A_665 = arith.index_cast %get3A_664 : i32 to index
      %get3A_666 = arith.constant 984 : index
      %get3A_667 = tpu.vector_load %arg10[%get3A_665, %get3A_666] {strides = array<i32>} : memref<32x1000xf32, #tpu.memory_space<vmem>>, vector<16xf32>,
      %broadcast_in_dim3A_668 = arith.constant 26 : i32
      %broadcast_in_dim3A_669 = vector.broadcast %broadcast_in_dim3A_668 : i32 to vector<16xi32>
      tpu.vector_store_idx %arg11[%select_n3A_485, %select_n3A_507, %broadcast_in_dim3A_669], %get3A_667 : memref<125x8x33xf32, #tpu.memory_space<vmem>>[vector<16xi32>, vector<16xi32>, vector<16xi32>], vector<16xf32>,
      %get3A_670 = arith.constant 27 : i32
      %get3A_671 = arith.index_cast %get3A_670 : i32 to index
      %get3A_672 = arith.constant 984 : index
      %get3A_673 = tpu.vector_load %arg10[%get3A_671, %get3A_672] {strides = array<i32>} : memref<32x1000xf32, #tpu.memory_space<vmem>>, vector<16xf32>,
      %broadcast_in_dim3A_674 = arith.constant 27 : i32
      %broadcast_in_dim3A_675 = vector.broadcast %broadcast_in_dim3A_674 : i32 to vector<16xi32>
      tpu.vector_store_idx %arg11[%select_n3A_485, %select_n3A_507, %broadcast_in_dim3A_675], %get3A_673 : memref<125x8x33xf32, #tpu.memory_space<vmem>>[vector<16xi32>, vector<16xi32>, vector<16xi32>], vector<16xf32>,
      %get3A_676 = arith.constant 28 : i32
      %get3A_677 = arith.index_cast %get3A_676 : i32 to index
      %get3A_678 = arith.constant 984 : index
      %get3A_679 = tpu.vector_load %arg10[%get3A_677, %get3A_678] {strides = array<i32>} : memref<32x1000xf32, #tpu.memory_space<vmem>>, vector<16xf32>,
      %broadcast_in_dim3A_680 = arith.constant 28 : i32
      %broadcast_in_dim3A_681 = vector.broadcast %broadcast_in_dim3A_680 : i32 to vector<16xi32>
      tpu.vector_store_idx %arg11[%select_n3A_485, %select_n3A_507, %broadcast_in_dim3A_681], %get3A_679 : memref<125x8x33xf32, #tpu.memory_space<vmem>>[vector<16xi32>, vector<16xi32>, vector<16xi32>], vector<16xf32>,
      %get3A_682 = arith.constant 29 : i32
      %get3A_683 = arith.index_cast %get3A_682 : i32 to index
      %get3A_684 = arith.constant 984 : index
      %get3A_685 = tpu.vector_load %arg10[%get3A_683, %get3A_684] {strides = array<i32>} : memref<32x1000xf32, #tpu.memory_space<vmem>>, vector<16xf32>,
      %broadcast_in_dim3A_686 = arith.constant 29 : i32
      %broadcast_in_dim3A_687 = vector.broadcast %broadcast_in_dim3A_686 : i32 to vector<16xi32>
      tpu.vector_store_idx %arg11[%select_n3A_485, %select_n3A_507, %broadcast_in_dim3A_687], %get3A_685 : memref<125x8x33xf32, #tpu.memory_space<vmem>>[vector<16xi32>, vector<16xi32>, vector<16xi32>], vector<16xf32>,
      %get3A_688 = arith.constant 30 : i32
      %get3A_689 = arith.index_cast %get3A_688 : i32 to index
      %get3A_690 = arith.constant 984 : index
      %get3A_691 = tpu.vector_load %arg10[%get3A_689, %get3A_690] {strides = array<i32>} : memref<32x1000xf32, #tpu.memory_space<vmem>>, vector<16xf32>,
      %broadcast_in_dim3A_692 = arith.constant 30 : i32
      %broadcast_in_dim3A_693 = vector.broadcast %broadcast_in_dim3A_692 : i32 to vector<16xi32>
      tpu.vector_store_idx %arg11[%select_n3A_485, %select_n3A_507, %broadcast_in_dim3A_693], %get3A_691 : memref<125x8x33xf32, #tpu.memory_space<vmem>>[vector<16xi32>, vector<16xi32>, vector<16xi32>], vector<16xf32>,
      %get3A_694 = arith.constant 31 : i32
      %get3A_695 = arith.index_cast %get3A_694 : i32 to index
      %get3A_696 = arith.constant 984 : index
      %get3A_697 = tpu.vector_load %arg10[%get3A_695, %get3A_696] {strides = array<i32>} : memref<32x1000xf32, #tpu.memory_space<vmem>>, vector<16xf32>,
      %broadcast_in_dim3A_698 = arith.constant 31 : i32
      %broadcast_in_dim3A_699 = vector.broadcast %broadcast_in_dim3A_698 : i32 to vector<16xi32>
      tpu.vector_store_idx %arg11[%select_n3A_485, %select_n3A_507, %broadcast_in_dim3A_699], %get3A_697 : memref<125x8x33xf32, #tpu.memory_space<vmem>>[vector<16xi32>, vector<16xi32>, vector<16xi32>], vector<16xf32>,
      %jit3A_700 = arith.constant 128 : i32
      %div3A_701 = arith.divsi %add3A_407, %jit3A_700 : i32
      %sign3A_702 = arith.constant 0 : i32
      %sign3A_703 = arith.cmpi sgt, %add3A_407, %sign3A_702 : i32
      %sign3A_704 = arith.extui %sign3A_703 : i1 to i32
      %sign3A_705 = arith.constant 0 : i32
      %sign3A_706 = arith.cmpi slt, %add3A_407, %sign3A_705 : i32
      %sign3A_707 = arith.extui %sign3A_706 : i1 to i32
      %sign3A_708 = arith.subi %sign3A_704, %sign3A_707 : i32
      %sign3A_709 = arith.constant 0 : i32
      %sign3A_710 = arith.cmpi sgt, %jit3A_700, %sign3A_709 : i32
      %sign3A_711 = arith.extui %sign3A_710 : i1 to i32
      %sign3A_712 = arith.constant 0 : i32
      %sign3A_713 = arith.cmpi slt, %jit3A_700, %sign3A_712 : i32
      %sign3A_714 = arith.extui %sign3A_713 : i1 to i32
      %sign3A_715 = arith.subi %sign3A_711, %sign3A_714 : i32
      %ne3A_716 = arith.cmpi ne, %sign3A_708, %sign3A_715 : i32
      %rem3A_717 = arith.remsi %add3A_407, %jit3A_700 : i32
      %ne3A_718 = arith.constant 0 : i32
      %ne3A_719 = arith.cmpi ne, %rem3A_717, %ne3A_718 : i32
      %and3A_720 = arith.andi %ne3A_716, %ne3A_719 : i1
      %sub3A_721 = arith.constant 1 : i32
      %sub3A_722 = arith.subi %div3A_701, %sub3A_721 : i32
      %select_n3A_723 = arith.select %and3A_720, %sub3A_722, %div3A_701 : i32
      %jit3A_724 = arith.constant 128 : i32
      %eq3A_725 = arith.constant 0 : i32
      %eq3A_726 = arith.cmpi eq, %jit3A_724, %eq3A_725 : i32
      %jit3A_727 = arith.constant 1 : i32
      %select_n3A_728 = arith.select %eq3A_726, %jit3A_727, %jit3A_724 : i32
      %rem3A_729 = arith.remsi %add3A_407, %select_n3A_728 : i32
      %ne3A_730 = arith.constant 0 : i32
      %ne3A_731 = arith.cmpi ne, %rem3A_729, %ne3A_730 : i32
      %lt3A_732 = arith.constant 0 : i32
      %lt3A_733 = arith.cmpi slt, %rem3A_729, %lt3A_732 : i32
      %lt3A_734 = arith.constant 0 : i32
      %lt3A_735 = arith.cmpi slt, %select_n3A_728, %lt3A_734 : i32
      %ne3A_736 = arith.xori %lt3A_733, %lt3A_735 : i1
      %and3A_737 = arith.andi %ne3A_736, %ne3A_731 : i1
      %add3A_738 = arith.addi %rem3A_729, %select_n3A_728 : i32
      %select_n3A_739 = arith.select %and3A_737, %add3A_738, %rem3A_729 : i32
      %dma_start3A_740 = arith.constant 0 : i32
      %dma_start3A_741 = arith.constant 0 : i32
      %dma_start3A_742 = arith.constant 0 : i32
      %dma_start3A_743 = tpu.memref_slice %arg11[%dma_start3A_740, %dma_start3A_741, %dma_start3A_742] : memref<125x8x33xf32, #tpu.memory_space<vmem>> -> memref<125x8x32xf32, #tpu.memory_space<vmem>>
      %dma_start3A_744 = arith.constant 0 : i32
      %dma_start3A_745 = arith.constant 0 : i32
      %dma_start3A_746 = tpu.memref_slice %arg6[%dma_start3A_744, %select_n3A_723, %dma_start3A_745, %select_n3A_739] : memref<125x400x8x128xf32, #tpu.memory_space<hbm>> -> memref<125x1x8x32xf32, #tpu.memory_space<hbm>>
      %dma_start3A_747 = tpu.memref_squeeze %dma_start3A_746 : memref<125x1x8x32xf32, #tpu.memory_space<hbm>> -> memref<125x8x32xf32, #tpu.memory_space<hbm>>
      %dma_start3A_748 = arith.constant 0 : i32
      %dma_start3A_749 = arith.constant 0 : i32
      %dma_start3A_750 = tpu.memref_slice %arg6[%dma_start3A_748, %select_n3A_723, %dma_start3A_749, %select_n3A_739] : memref<125x400x8x128xf32, #tpu.memory_space<hbm>> -> memref<125x1x8x32xf32, #tpu.memory_space<hbm>>
      %dma_start3A_751 = tpu.memref_squeeze %dma_start3A_750 : memref<125x1x8x32xf32, #tpu.memory_space<hbm>> -> memref<125x8x32xf32, #tpu.memory_space<hbm>>
      %dma_start3A_752 = arith.constant 0 : i32
      %dma_start3A_753 = arith.constant 0 : i32
      %dma_start3A_754 = arith.constant 0 : i32
      %dma_start3A_755 = tpu.memref_slice %arg11[%dma_start3A_752, %dma_start3A_753, %dma_start3A_754] : memref<125x8x33xf32, #tpu.memory_space<vmem>> -> memref<125x8x32xf32, #tpu.memory_space<vmem>>
      tpu.enqueue_dma source(%dma_start3A_755 : memref<125x8x32xf32, #tpu.memory_space<vmem>>) target(%dma_start3A_751 : memref<125x8x32xf32, #tpu.memory_space<hbm>>) target_semaphore(%arg19 : memref<!tpu.dma_semaphore, #tpu.memory_space<semaphore_mem>>)
      %add3A_756 = arith.constant 2 : i32
      %add3A_757 = arith.addi %add3A_403, %add3A_756 : i32
      %lt3A_758 = arith.constant 50 : i32
      %lt3A_759 = arith.cmpi slt, %add3A_757, %lt3A_758 : i32
      %convert_element_type3A_760 = arith.extui %lt3A_759 : i1 to i32
      %cond3A_761 = arith.constant 0 : i32
      %cond3A_762 = arith.cmpi ne, %convert_element_type3A_760, %cond3A_761 : i32
      scf.if %cond3A_762 {
        %add3A_763 = arith.constant 2 : i32
        %add3A_764 = arith.addi %add3A_403, %add3A_763 : i32
        %mul3A_765 = arith.constant 32 : i32
        %mul3A_766 = arith.muli %add3A_764, %mul3A_765 : i32
        %multiple_of3A_767 = tpu.assume_multiple %mul3A_766, 32 : i32
        %dma_start3A_768 = tpu.memref_slice %arg8[%multiple_of3A_767] : memref<1600xi32, #tpu.memory_space<vmem>> -> memref<32xi32, #tpu.memory_space<vmem>>
        %dma_start3A_769 = arith.constant 0 : i32
        %dma_start3A_770 = arith.constant 0 : i32
        %dma_start3A_771 = tpu.memref_slice %arg4[%dma_start3A_769, %dma_start3A_770] : memref<1000x1000xf32, #tpu.memory_space<hbm>> -> memref<1000x1000xf32, #tpu.memory_space<hbm>>
        tpu.enqueue_indirect_dma source(%dma_start3A_771 : memref<1000x1000xf32, #tpu.memory_space<hbm>>) target(%arg10 : memref<32x1000xf32, #tpu.memory_space<vmem>>) offsets(%dma_start3A_768 : memref<32xi32, #tpu.memory_space<vmem>>) semaphore(%arg18 : memref<!tpu.dma_semaphore, #tpu.memory_space<semaphore_mem>>)
        %add3A_772 = arith.addi %mul3A_2, %multiple_of3A_767 : i32
        %dma_start3A_773 = tpu.memref_slice %arg3[%add3A_772] : memref<51200xi32, #tpu.memory_space<hbm>> -> memref<32xi32, #tpu.memory_space<hbm>>
        %dma_start3A_774 = tpu.memref_slice %arg3[%add3A_772] : memref<51200xi32, #tpu.memory_space<hbm>> -> memref<32xi32, #tpu.memory_space<hbm>>
        tpu.enqueue_dma source(%dma_start3A_774 : memref<32xi32, #tpu.memory_space<hbm>>) target(%arg13 : memref<32xi32, #tpu.memory_space<vmem>>) target_semaphore(%arg21 : memref<!tpu.dma_semaphore, #tpu.memory_space<semaphore_mem>>)
        %dma_start3A_775 = tpu.memref_slice %arg8[%multiple_of3A_767] : memref<1600xi32, #tpu.memory_space<vmem>> -> memref<32xi32, #tpu.memory_space<vmem>>
        %dma_start3A_776 = arith.constant 0 : i32
        %dma_start3A_777 = tpu.memref_slice %arg5[%dma_start3A_776] : memref<1000xf32, #tpu.memory_space<hbm>> -> memref<1000xf32, #tpu.memory_space<hbm>>
        tpu.enqueue_indirect_dma source(%dma_start3A_777 : memref<1000xf32, #tpu.memory_space<hbm>>) target(%arg15 : memref<32xf32, #tpu.memory_space<vmem>>) offsets(%dma_start3A_775 : memref<32xi32, #tpu.memory_space<vmem>>) semaphore(%arg23 : memref<!tpu.dma_semaphore, #tpu.memory_space<semaphore_mem>>)
      } else {
      }
      scf.yield %add3A_445 : vector<16xf32>
    }
    %scan3A_30 = arith.constant 25 : i32
    %dma_wait3A = arith.constant 0 : i32
    %dma_wait3A_31 = arith.constant 0 : i32
    %dma_wait3A_32 = arith.constant 0 : i32
    %dma_wait3A_33 = arith.constant 0 : i32
    %dma_wait3A_34 = tpu.memref_slice %arg11[%dma_wait3A_31, %dma_wait3A_32, %dma_wait3A_33] : memref<125x8x33xf32, #tpu.memory_space<vmem>> -> memref<125x8x32xf32, #tpu.memory_space<vmem>>
    %dma_wait3A_35 = arith.constant 0 : i32
    %dma_wait3A_36 = arith.constant 0 : i32
    %dma_wait3A_37 = arith.constant 0 : i32
    %dma_wait3A_38 = tpu.memref_slice %arg6[%dma_wait3A_35, %dma_wait3A, %dma_wait3A_36, %dma_wait3A_37] : memref<125x400x8x128xf32, #tpu.memory_space<hbm>> -> memref<125x1x8x32xf32, #tpu.memory_space<hbm>>
    %dma_wait3A_39 = tpu.memref_squeeze %dma_wait3A_38 : memref<125x1x8x32xf32, #tpu.memory_space<hbm>> -> memref<125x8x32xf32, #tpu.memory_space<hbm>>
    %dma_wait3A_40 = arith.constant 0 : i32
    %dma_wait3A_41 = arith.constant 0 : i32
    %dma_wait3A_42 = arith.constant 0 : i32
    %dma_wait3A_43 = tpu.memref_slice %arg6[%dma_wait3A_40, %dma_wait3A, %dma_wait3A_41, %dma_wait3A_42] : memref<125x400x8x128xf32, #tpu.memory_space<hbm>> -> memref<125x1x8x32xf32, #tpu.memory_space<hbm>>
    %dma_wait3A_44 = tpu.memref_squeeze %dma_wait3A_43 : memref<125x1x8x32xf32, #tpu.memory_space<hbm>> -> memref<125x8x32xf32, #tpu.memory_space<hbm>>
    %dma_wait3A_45 = arith.constant 0 : i32
    %dma_wait3A_46 = arith.constant 0 : i32
    %dma_wait3A_47 = arith.constant 0 : i32
    %dma_wait3A_48 = tpu.memref_slice %arg11[%dma_wait3A_45, %dma_wait3A_46, %dma_wait3A_47] : memref<125x8x33xf32, #tpu.memory_space<vmem>> -> memref<125x8x32xf32, #tpu.memory_space<vmem>>
    tpu.wait_dma2 semaphore(%arg19 : memref<!tpu.dma_semaphore, #tpu.memory_space<semaphore_mem>>) src(%dma_wait3A_48 : memref<125x8x32xf32, #tpu.memory_space<vmem>>) dst(%dma_wait3A_44 : memref<125x8x32xf32, #tpu.memory_space<hbm>>)
    %swap3A = arith.constant 0 : index
    %swap3A_49 = tpu.vector_load %arg16[%swap3A] {strides = array<i32>} : memref<16xf32, #tpu.memory_space<vmem>>, vector<16xf32>,
    tpu.vector_store %arg16[%swap3A], %scan3A_29 {strides = array<i32>} : memref<16xf32, #tpu.memory_space<vmem>>, vector<16xf32>,
    "tpu.region"() ({
      %run_scoped3A = tpu.sem_alloc : memref<!tpu.dma_semaphore, #tpu.memory_space<semaphore_mem>>
      %dma_start3A_50 = arith.constant 0 : i32
      %dma_start3A_51 = tpu.memref_slice %arg7[%add3A, %dma_start3A_50] : memref<32x16xf32, #tpu.memory_space<hbm>> -> memref<1x16xf32, #tpu.memory_space<hbm>>
      %dma_start3A_52 = tpu.memref_squeeze %dma_start3A_51 : memref<1x16xf32, #tpu.memory_space<hbm>> -> memref<16xf32, #tpu.memory_space<hbm>>
      %dma_start3A_53 = arith.constant 0 : i32
      %dma_start3A_54 = tpu.memref_slice %arg7[%add3A, %dma_start3A_53] : memref<32x16xf32, #tpu.memory_space<hbm>> -> memref<1x16xf32, #tpu.memory_space<hbm>>
      %dma_start3A_55 = tpu.memref_squeeze %dma_start3A_54 : memref<1x16xf32, #tpu.memory_space<hbm>> -> memref<16xf32, #tpu.memory_space<hbm>>
      tpu.enqueue_dma source(%arg16 : memref<16xf32, #tpu.memory_space<vmem>>) target(%dma_start3A_55 : memref<16xf32, #tpu.memory_space<hbm>>) target_semaphore(%run_scoped3A : memref<!tpu.dma_semaphore, #tpu.memory_space<semaphore_mem>>)
      %dma_wait3A_56 = arith.constant 0 : i32
      %dma_wait3A_57 = tpu.memref_slice %arg7[%add3A, %dma_wait3A_56] : memref<32x16xf32, #tpu.memory_space<hbm>> -> memref<1x16xf32, #tpu.memory_space<hbm>>
      %dma_wait3A_58 = tpu.memref_squeeze %dma_wait3A_57 : memref<1x16xf32, #tpu.memory_space<hbm>> -> memref<16xf32, #tpu.memory_space<hbm>>
      %dma_wait3A_59 = arith.constant 0 : i32
      %dma_wait3A_60 = tpu.memref_slice %arg7[%add3A, %dma_wait3A_59] : memref<32x16xf32, #tpu.memory_space<hbm>> -> memref<1x16xf32, #tpu.memory_space<hbm>>
      %dma_wait3A_61 = tpu.memref_squeeze %dma_wait3A_60 : memref<1x16xf32, #tpu.memory_space<hbm>> -> memref<16xf32, #tpu.memory_space<hbm>>
      tpu.wait_dma2 semaphore(%run_scoped3A : memref<!tpu.dma_semaphore, #tpu.memory_space<semaphore_mem>>) src(%arg16 : memref<16xf32, #tpu.memory_space<vmem>>) dst(%dma_wait3A_61 : memref<16xf32, #tpu.memory_space<hbm>>)
      tpu.yield
    }) : () -> ()
    return
  }
}

module attributes {stable_mosaic.version = 14 : i64} {
  func.func @_lse_body(%arg0: memref<1000x1000xf32, #tpu.memory_space<vmem>>, %arg1: memref<1000xf32, #tpu.memory_space<vmem>>) attributes {dimension_semantics = [], scalar_prefetch = 0 : i64, scratch_operands = 0 : i64, tpu.core_type = #tpu.core_type<tc>} {
    %get3A = arith.constant 0 : index
    %get3A_0 = arith.constant 0 : index
    %get3A_1 = vector.load %arg0[%get3A, %get3A_0] : memref<1000x1000xf32, #tpu.memory_space<vmem>>, vector<1000x1000xf32>
    %reduce_max3A = arith.constant dense<0xFF800000> : vector<1000xf32>
    %reduce_max3A_2 = vector.multi_reduction <maximumf>, %get3A_1, %reduce_max3A [1] : vector<1000x1000xf32> to vector<1000xf32>
    %broadcast_in_dim3A = vector.shape_cast %reduce_max3A_2 : vector<1000xf32> to vector<1000x1xf32>
    %sub3A = vector.broadcast %broadcast_in_dim3A : vector<1000x1xf32> to vector<1000x1000xf32>
    %sub3A_3 = arith.subf %get3A_1, %sub3A : vector<1000x1000xf32>
    %exp3A = math.exp %sub3A_3 : vector<1000x1000xf32>
    %reduce_sum3A = arith.constant dense<0.000000e+00> : vector<1000xf32>
    %reduce_sum3A_4 = vector.multi_reduction <add>, %exp3A, %reduce_sum3A [1] : vector<1000x1000xf32> to vector<1000xf32>
    %log3A = math.log %reduce_sum3A_4 : vector<1000xf32>
    %add3A = arith.addf %reduce_max3A_2, %log3A : vector<1000xf32>
    %swap3A = arith.constant 0 : index
    %swap3A_5 = vector.load %arg1[%swap3A] : memref<1000xf32, #tpu.memory_space<vmem>>, vector<1000xf32>
    tpu.vector_store %arg1[%swap3A], %add3A {strides = array<i32>} : memref<1000xf32, #tpu.memory_space<vmem>>, vector<1000xf32>,
    return
  }
}

</mosaic_0001>

<sc_bundles>
// kernel: kernel.4.cloned.1.call-start
scs
__scs_entry_jumppad:
0x0: {  	(pc) =	sbr.rel $0x88, $3  }
0x1: {  	(tag) =	ssettag $0x0;
	lr =	simm.s32 $0x1  }
0x2: {  	[smem:$0x3F9E] =	sst lr;
	_ =	strace $0xD0000000  }
0x3: {  	_ = 	snop  }
0x4: {  	_ = 	snop  }
0x5: {  	_ = 	snop  }
0x6: {  	_ = 	snop  }
0x7: {  	_ = 	snop  }
__scs_overlays_trampoline_lowered:
0x8: {  	[smem:$0x3FAD] =	sst s0  }
0x9: {  	[smem:$0x3FAE] =	sst s1  }
0xa: {  	[smem:$0x3FAF] =	sst s2  }
0xb: {  	[smem:$0x3FB0] =	sst s3  }
0xc: {  	[smem:$0x3FB1] =	sst s4  }
0xd: {  	[smem:$0x3FB2] =	sst s5  }
0xe: {  	[smem:$0x3FB3] =	sst s6  }
0xf: {  	[smem:$0x3FB4] =	sst s7  }
0x10: {  	[smem:$0x3FB5] =	sst s8  }
0x11: {  	[smem:$0x3FB6] =	sst s9;
	s0 =	simm.s32 @!p0 $0x0  }
0x12: {  	s1 =	sld [smem:$0x3F9C];
	s0 =	simm.s32 @p0 $0x1  }
0x13: {  	[smem:$0x3FB7] =	sst s0;
	s0 =	simm.s32 @!p1 $0x0  }
0x14: {  	s2 =	sld [smem:$0x3F9B];
	s0 =	simm.s32 @p1 $0x1  }
0x15: {  	[smem:$0x3FB8] =	sst s0;
	s0 =	simm.s32 @!p2 $0x0  }
0x16: {  	s3 =	sld [smem:$0x3FDB];
	s0 =	simm.s32 @p2 $0x1  }
0x17: {  	s4 =	simm.s32 $0x1BF5;
	[smem:$0x3FBA] =	sst s0  }
0x18: {  	s0 =	sld [smem:$0x3F9D];
	_ =	swait.ge [sflag:s4], $0x0  }
0x19: {  	s7 =	sld [smem:$0x3F9E]  }
0x1a: {  	s8 =	sadd.s32 $0xFFFFE003, lr  }
0x1b: {  	s9 =	sadd.s32 $0xFFFFFEF7, lr;
	s5 =	simm.s32 $0xFFFFFFFF;
	p2 =	slt.u32 s8, $0xFFFFF086  }
0x1c: {  	p1 =	slt.u32 s9, $0xF7A;
	s5 =	simm.s32 @!p2 $0x0  }
0x1d: {  	s5 =	simm.s32 @p1 $0x1;
	p0 =	seq.s32 s7, s2  }
0x1e: {  	s7 =	smul.u32 @!p0 $0xF7A, s2;
	p2 =	seq.s32 @!p0 s5, $0x0  }
0x1f: {  	s9 =	smul.u32 $0xF7A, s1;
	s8 =	simm.s32 @!p0 $0x1BF5;
	p2 =	por !p2, p0  }
0x20: {  	[sflag:s8] =	ssyncset.s32 @!p0 $0xFFFFF086;
	s6 =	sadd.s32 @!p0 s3, s7;
	s7 =	simm.s32 @!p0 $0x108  }
0x21: {  	s3 =	sadd.s32 s3, s9;
	s6 =	sadd.s32 @!p0 $0x88, s6;
	s7 =	simm.s32 @p2 $0x1082  }
0x22: {  	[simem:s7], [sflag:s8] =	dma.local @!p0 [hbm:s6], $0xF7A  }
0x23: {  	s9 =	sor.u32 $0xD0000000, s2;
	s6 =	simm.s32 $0x108;
	_ =	swait.ge @!p0 [sflag:s8], $0x0  }
0x24: {  	s3 =	sadd.s32 $0x88, s3;
	s6 =	simm.s32 @!p1 $0x1082;
	[sflag:s4] =	ssyncset.s32 $0xFFFFF086  }
0x25: {  	[simem:s6], [sflag:s4] =	dma.local [hbm:s3], $0xF7A  }
0x26: {  	[smem:$0x3F9E] =	sst s1;
	(tag) =	ssettag s2;
	_ =	strace s9  }
0x27: {  	s1 =	sld [smem:$0x3FAE]  }
0x28: {  	s2 =	sld [smem:$0x3FAF]  }
0x29: {  	s4 =	sld [smem:$0x3FB1]  }
0x2a: {  	p0 =	seq.s32 s5, $0x0;
	s5 =	sld [smem:$0x3FB2]  }
0x2b: {  	s6 =	sld [smem:$0x3FB3]  }
0x2c: {  	s7 =	sld [smem:$0x3FB4]  }
0x2d: {  	s3 =	simm.s32 $0x108;
	s8 =	sld [smem:$0x3FB5]  }
0x2e: {  	s3 =	simm.s32 @!p0 $0x1082;
	s9 =	sld [smem:$0x3FB6]  }
0x2f: {  	lr =	sadd.s32 s0, s3;
	s0 =	sld [smem:$0x3FAD]  }
0x30: {  	s3 =	sld [smem:$0x3FB0]  }
0x31: {  	[smem:$0x3FB9] =	sst s10  }
0x32: {  	s10 =	sld [smem:$0x3FB7];
	_ =	sdelay $0x3  }
0x33: {  	p0 =	seq.s32 s10, $0x1;
	s10 =	sld [smem:$0x3FB9];
	_ =	sdelay $0x3  }
0x34: {  	[smem:$0x3FB9] =	sst s10  }
0x35: {  	s10 =	sld [smem:$0x3FB8];
	_ =	sdelay $0x3  }
0x36: {  	p1 =	seq.s32 s10, $0x1;
	s10 =	sld [smem:$0x3FB9];
	_ =	sdelay $0x3  }
0x37: {  	[smem:$0x3FB9] =	sst s10  }
0x38: {  	s10 =	sld [smem:$0x3FBA]  }
0x39: {  	_ = 	snop;
	(pc) =	sbr.ind lr, $3  }
0x3a: {  	_ = 	snop  }
0x3b: {  	_ = 	snop  }
0x3c: {  	p2 =	seq.s32 s10, $0x1;
	s10 =	sld [smem:$0x3FB9]  }
0x3d: {  	_ =	shalt  }
0x3e: {  	_ =	shalt  }
0x3f: {  	_ =	shalt  }
0x40: {  	_ =	shalt  }
0x41: {  	_ =	shalt  }
0x42: {  	_ =	shalt  }
0x43: {  	_ =	shalt  }
0x44: {  	_ =	shalt  }
0x45: {  	_ =	shalt  }
0x46: {  	_ =	shalt  }
0x47: {  	_ =	shalt  }
0x48: {  	_ =	shalt  }
0x49: {  	_ =	shalt  }
0x4a: {  	_ =	shalt  }
0x4b: {  	_ =	shalt  }
0x4c: {  	_ =	shalt  }
0x4d: {  	_ =	shalt  }
0x4e: {  	_ =	shalt  }
0x4f: {  	_ =	shalt  }
0x50: {  	_ =	shalt  }
0x51: {  	_ =	shalt  }
0x52: {  	_ =	shalt  }
0x53: {  	_ =	shalt  }
0x54: {  	_ =	shalt  }
0x55: {  	_ =	shalt  }
0x56: {  	_ =	shalt  }
0x57: {  	_ =	shalt  }
0x58: {  	_ =	shalt  }
0x59: {  	_ =	shalt  }
0x5a: {  	_ =	shalt  }
0x5b: {  	_ =	shalt  }
0x5c: {  	_ =	shalt  }
0x5d: {  	_ =	shalt  }
0x5e: {  	_ =	shalt  }
0x5f: {  	_ =	shalt  }
0x60: {  	_ =	shalt  }
0x61: {  	_ =	shalt  }
0x62: {  	_ =	shalt  }
0x63: {  	_ =	shalt  }
0x64: {  	_ =	shalt  }
0x65: {  	_ =	shalt  }
0x66: {  	_ =	shalt  }
0x67: {  	_ =	shalt  }
0x68: {  	_ =	shalt  }
0x69: {  	_ =	shalt  }
0x6a: {  	_ =	shalt  }
0x6b: {  	_ =	shalt  }
0x6c: {  	_ =	shalt  }
0x6d: {  	_ =	shalt  }
0x6e: {  	_ =	shalt  }
0x6f: {  	_ =	shalt  }
0x70: {  	_ =	shalt  }
0x71: {  	_ =	shalt  }
0x72: {  	_ =	shalt  }
0x73: {  	_ =	shalt  }
0x74: {  	_ =	shalt  }
0x75: {  	_ =	shalt  }
0x76: {  	_ =	shalt  }
0x77: {  	_ =	shalt  }
0x78: {  	_ =	shalt  }
0x79: {  	_ =	shalt  }
0x7a: {  	_ =	shalt  }
0x7b: {  	_ =	shalt  }
0x7c: {  	_ =	shalt  }
0x7d: {  	_ =	shalt  }
0x7e: {  	_ =	shalt  }
0x7f: {  	_ =	shalt  }
0x80: {  	_ =	shalt  }
0x81: {  	_ =	shalt  }
0x82: {  	_ =	shalt  }
0x83: {  	_ =	shalt  }
0x84: {  	_ =	shalt  }
0x85: {  	_ =	shalt  }
0x86: {  	_ =	shalt  }
0x87: {  	_ =	shalt  }
.Lfunc_end0:
.L_simem_size_0:
called_computation_lowered:
.L_overlay_start_0:
0x88: {  	s2 =	sld [smem:$0x3FD9]  }
0x89: {  	s3 =	sld [smem:$0x3FFE];
	_ =	sdelay $0x1  }
0x8a: {  	s1 =	srdreg.scid  }
0x8b: {  	s0 =	sand.u32 $0x1, s1  }
0x8c: {  	s14 =	sshll.u32 s0, $0xA;
	s2 =	sadd.s32 s3, s2  }
0x8d: {  	s2 =	sadd.s32 s2, s14  }
0x8e: {  	[smem:$0x3FC5] =	sst s2  }
0x8f: {  	_ = 	snop  }
0x90: {  	s2 =	sld [smem:$0x3FD0];
	_ =	sdelay $0x2  }
0x91: {  	s15 =	simm.s32 $0xA;
	s4 =	simm.s32 $0x10  }
0x92: {  	[smem:s4], [sflag:s15] =	dma.local [hbm:s2], $0x1  }
0x93: {  	_ =	swait.eq [sflag:s15], $0x1  }
0x94: {  	[sflag:s15] =	ssyncset.done $0x0  }
0x95: {  	[sflag:s15] =	ssyncadd.s32 $0xFFFFFFFF  }
0x96: {  	s16 =	sld [smem:$0x10];
	(tm) =	ssettm $0x1  }
0x97: {  	s17 =	sld [smem:$0x3FFB];
	_ =	sdelay $0x3  }
0x98: {  	_ =	strace s17  }
0x99: {  	s3 =	sld [smem:$0x3FFC];
	_ =	sdelay $0x3  }
0x9a: {  	_ =	strace s3  }
0x9b: {  	s3 =	sld [smem:$0x3FFD];
	_ =	sdelay $0x3  }
0x9c: {  	_ =	strace s3  }
0x9d: {  	_ =	strace $0x8FFFFFFF  }
0x9e: {  	s18 =	sld [smem:$0x3FDB];
	_ =	sdelay $0x1  }
0x9f: {  	s19 =	simm.s32 $_scs_section_size  }
0xa0: {  	s5 =	simm.s32 $_size__tile_overlayer_lowered;
	s6 =	simm.s32 $_tile_overlayer_lowered  }
0xa1: {  	s22 =	simm.s32 $0x1BFF;
	s21 =	sshll.u32 s6, $0x1;
	s3 =	sadd.s32 s19, s18  }
0xa2: {  	s7 =	simm.s32 $0x0;
	s20 =	sshll.u32 s5, $0x1;
	s5 =	sadd.s32 s21, s3  }
0xa3: {  	[timem:s7], [sflag:s22] =	dma.local [hbm:s5], s20  }
0xa4: {  	_ =	swait.ge [sflag:s22], s20  }
0xa5: {  	s4 =	ssub.s32 $0x0, s20;
	[sflag:s22] =	ssyncset.done $0x0  }
0xa6: {  	[sflag:s22] =	ssyncadd.s32 s4;
	_ =	sdelay $0x1  }
0xa7: {  	s23 =	simm.s32 $0x1B8B  }
0xa8: {  	_ =	swait.ge [sflag:s23], $0x1  }
0xa9: {  	[sflag:s23] =	ssyncset.done $0x0  }
0xaa: {  	s25 =	simm.s32 $0x1B8E;
	s24 =	sld [smem:$0x3FFE];
	[sflag:s23] =	ssyncadd.s32 $0xFFFFFFFF  }
0xab: {  	s26 =	simm.s32 $execute0_lowered;
	[smem:$0x3FD2] =	sst s25  }
0xac: {  	s5 =	sshll.u32 s26, $0x1;
	_ =	strace $0x80000046;
	[dreg:$0x1] =	wrdreg $0xFFFFFFFF  }
0xad: {  	s28 =	simm.s32 $_size_execute0_lowered;
	s3 =	sadd.s32 s3, s5;
	[dreg:$0x0] =	wrdreg $0x0  }
0xae: {  	s5 =	sshll.u32 s28, $0x1;
	[dreg:$0x2] =	wrdreg s3  }
0xaf: {  	[dreg:$0x3] =	wrdreg s5  }
0xb0: {  	[dreg:$0x4] =	wrdreg $0xC0  }
0xb1: {  	_ =	task [dreg:s7], $0x5FFFF  }
0xb2: {  	[dreg:$0x1] =	wrdreg $0xFFFFFFFF  }
0xb3: {  	[dreg:$0x0] =	wrdreg $0x60  }
0xb4: {  	[dreg:$0x2] =	wrdreg s24  }
0xb5: {  	[dreg:$0x3] =	wrdreg s16  }
0xb6: {  	[dreg:$0x4] =	wrdreg $0x9  }
0xb7: {  	_ =	task.clear_ibuf [dreg:s7], $0x5FFFF;
	_ =	strace $0x90000046  }
0xb8: {  	s29 =	simm.s32 $0x9;
	_ =	strace $0x80000048  }
0xb9: {  	_ =	swait.ge [sflag:s29], $0x1  }
0xba: {  	[sflag:s29] =	ssyncadd.s32 $0xFFFFFFFF  }
0xbb: {  	_ =	strace $0x90000048  }
0xbc: {  	_ =	sfence  }
0xbd: {  	s30 =	sld [smem:$0x0];
	_ =	sdelay $0x2  }
0xbe: {  	s31 =	sshll.u32 s1, $0xD;
	s1 =	sshrl.u32 s1, $0x2  }
0xbf: {  	s3 =	sand.u32 $0x4000, s31;
	s1 =	sadd.s32 s1, s30  }
0xc0: {  	s0 =	sor.u32 s3, s0;
	s1 =	sshll.u32 s1, $0x11  }
0xc1: {  	s0 =	sor.u32 s1, s0  }
0xc2: {  	s0 =	sadd.s32 $0x8F2B, s0  }
0xc3: {  	[sflag:s0] =	ssyncadd.remote.s32 $0x1  }
0xc4: {  	_ =	sfence.sel $0xFFFF  }
0xc5: {  	[dreg:$0x0] =	wrdreg $0xFFFFFFFF;
	(pc) =	sbr.abs _section_cstart, $3  }
0xc6: {  	[dreg:$0x1] =	wrdreg $0xFFFFFFFF  }
0xc7: {  	_ =	task.clear_ibuf [dreg:s7], $0x2FFFF;
	_ =	strace $0x9FFFFFFF  }
0xc8: {  	(tm) =	ssettm $0x7FFFFFFF  }
0xc9: {  	_ =	shalt  }
tec
execute0_lowered:
.L_overlay_start_1:
0x0: {  	(tag) =	ssettag $0x1  }
0x1: {  	v0 =	vlaneseq.u32;
	vm0 =	vcmask $0x3F24;
	vm1 =	vcmask $0x1F04  }
0x2: {  	v48 =	vmul.u32 $0x3E8, v0;
	v1 =	vand.u32 $0x7, v0;
	v31 =	vmul.u32 $0x28, v0  }
0x3: {  	v4 =	vimm.s32 $0x0;
	s8 =	rddreg [dreg:$0x0];
	s4 =	simm.s32 $0x0;
	vm0 =	vmor vm1, vm0;
	v2 =	vmul.u32 $0x28, v1  }
0x4: {  	[smem:$0x7FF] =	sst s4;
	v49 =	vadd.s32 $0x3E80, v48;
	v50 =	vadd.s32 $0x99C0, v31;
	v1 =	vadd.s32 $0x99C2, v31  }
0x5: {  	s2 =	rddreg [dreg:$0x1];
	_ =	strace $0x80000047;
	v51 =	vadd.s32 $0x99C1, v31;
	v56 =	vadd.s32 $0x99D3, v31;
	[tilespmem:$0x1FEF0] =	vst v1;
	v1 =	vadd.s32 $0x99C3, v31  }
0x6: {  	v57 =	vadd.s32 $0x99D4, v31;
	v58 =	vadd.s32 $0x99D5, v31;
	[tilespmem:$0x1FF00] =	vst v1;
	v1 =	vadd.s32 $0x99C4, v31  }
0x7: {  	v5 =	vor.u32 $0x1, v2;
	v6 =	vor.u32 $0x2, v2;
	[tilespmem:$0x1FF10] =	vst v1;
	v1 =	vadd.s32 $0x99C5, v31  }
0x8: {  	s0 =	srdreg.scid;
	s1 =	stileid.u32;
	v7 =	vor.u32 $0x3, v2;
	v8 =	vor.u32 $0x4, v2;
	[tilespmem:$0x1FF20] =	vst v1;
	v1 =	vadd.s32 $0x99C6, v31  }
0x9: {  	s13 =	simm.s32 $0x8;
	s14 =	simm.s32 $0x20;
	s15 =	simm.s32 $0x640;
	v9 =	vor.u32 $0x5, v2;
	v10 =	vor.u32 $0x6, v2;
	[tilespmem:$0x1FF30] =	vst v1;
	v1 =	vadd.s32 $0x99C7, v31  }
0xa: {  	s18 =	simm.s32 $0x8340;
	s19 =	simm.s32 $0x19CA0;
	s20 =	simm.s32 $0x19CE0;
	v11 =	vor.u32 $0x7, v2;
	v12 =	vadd.s32 $0x8, v2;
	[tilespmem:$0x1FF40] =	vst v1;
	v1 =	vadd.s32 $0x99C8, v31  }
0xb: {  	s21 =	simm.s32 $0x1;
	s22 =	simm.s32 $0x4;
	s23 =	simm.s32 $0x6;
	v13 =	vadd.s32 $0x9, v2;
	v14 =	vadd.s32 $0xA, v2;
	[tilespmem:$0x1FF50] =	vst v1;
	v1 =	vadd.s32 $0x99C9, v31  }
0xc: {  	s24 =	simm.s32 $0x10040;
	s28 =	simm.s32 $0x5;
	s29 =	simm.s32 $0x7;
	v15 =	vadd.s32 $0xB, v2;
	v16 =	vadd.s32 $0xC, v2;
	[tilespmem:$0x1FF60] =	vst v1;
	v1 =	vadd.s32 $0x99CA, v31  }
0xd: {  	s31 =	simm.s32 $0x0;
	s0 =	sand.u32 $0x1, s0;
	s1 =	sshll.u32 s1, $0x1;
	v17 =	vadd.s32 $0xD, v2;
	v18 =	vadd.s32 $0xE, v2;
	[tilespmem:$0x1FF70] =	vst v1;
	v1 =	vadd.s32 $0x99CB, v31  }
0xe: {  	s5 =	sadd.s32 $0x21200, s8;
	s1 =	sor.u32 s0, s1;
	s0 =	ssub.s32 $0x2, s0;
	v19 =	vadd.s32 $0xF, v2;
	v20 =	vadd.s32 $0x10, v2;
	[tilespmem:$0x1FF80] =	vst v1;
	v1 =	vadd.s32 $0x99CC, v31  }
0xf: {  	s3 =	smul.u32 $0x640, s1;
	s1 =	sshll.u32 s1, $0x1;
	s25 =	sshrl.u32 s0, $0x1;
	v21 =	vadd.s32 $0x11, v2;
	v22 =	vadd.s32 $0x12, v2;
	[tilespmem:$0x1FF90] =	vst v1;
	v1 =	vadd.s32 $0x99CD, v31  }
0x10: {  	s6 =	sadd.s32 $0xE00, s8;
	v23 =	vadd.s32 $0x13, v2;
	v24 =	vadd.s32 $0x14, v2;
	s1 =	sadd.s32 s1, s8;
	s0 =	ssub.s32 s0, s25;
	[tilespmem:$0x1FFA0] =	vst v1;
	v1 =	vadd.s32 $0x99CE, v31  }
.Ltmp0:
0x11: {  	v25 =	vadd.s32 $0x15, v2;
	v26 =	vadd.s32 $0x16, v2;
	s9 =	sshrl.u32 s3, $0x3;
	s1 =	sadd.s32 $0x22C00, s1;
	[tilespmem:$0x1FFB0] =	vst v1;
	v1 =	vadd.s32 $0x99CF, v31;
	(pc) =	sbr.rel .LBB2_1-.Ltmp0, $4  }
0x12: {  	v27 =	vadd.s32 $0x17, v2;
	v28 =	vadd.s32 $0x18, v2;
	s0 =	smax.u32 s0, $0x1;
	s10 =	sadd.s32 s9, s8;
	[dreg:$0x5] =	wrdreg s1;
	[tilespmem:$0x1FFC0] =	vst v1;
	v1 =	vadd.s32 $0x99D0, v31  }
0x13: {  	v29 =	vadd.s32 $0x19, v2;
	v30 =	vadd.s32 $0x1A, v2;
	s9 =	sadd.s32 s5, s9;
	[dreg:$0x6] =	wrdreg s0;
	s26 =	sadd.s32 $0x1F800, s10;
	[tilespmem:$0x1FFD0] =	vst v1;
	v1 =	vadd.s32 $0x99D1, v31  }
0x14: {  	s7 =	sadd.s32 $0xC00, s8;
	v32 =	vadd.s32 $0x1B, v2;
	v33 =	vadd.s32 $0x1C, v2;
	s30 =	sadd.s32 $0x4, s9;
	[dreg:$0x3] =	wrdreg s26;
	[tilespmem:$0x1FFE0] =	vst v1;
	v1 =	vadd.s32 $0x99D2, v31  }
0x15: {  	v34 =	vadd.s32 $0x1D, v2;
	v35 =	vadd.s32 $0x1E, v2;
	v36 =	vadd.s32 $0x1F, v2;
	s25 =	simm.s32 $0x3;
	[dreg:$0x4] =	wrdreg s30;
	s26 =	simm.s32 $0x2;
	[tilespmem:$0x1FFF0] =	vst v1  }
.LBB2_12:
0x16: {  	_ =	swait.ge [sflag:s25], $0x7D00  }
0x17: {  	[sflag:s25] =	ssyncset.done $0x0  }
0x18: {  	[sflag:s25] =	ssyncadd.s32 $0xFFFF8300  }
0x19: {  	s1 =	simm.s32 $0x19D00;
	s0 =	rddreg [dreg:$0x5];
	[tilespmem:$0x19D00] =	vst v59  }
0x1a: {  	[hbm4b:s0+s4] =	stream.linear.scatter [tilespmem:s1], [sflag:$0x8], $0x10, $0x38;
	[tilespmem:$0x19D10] =	vst v63  }
0x1b: {  	_ =	swait.ge [sflag:s13], $0x10  }
0x1c: {  	s31 =	sadd.s32 $0x1, s31;
	s30 =	rddreg [dreg:$0x6]  }
0x1d: {  	p0 =	sne.s32 s31, s30  }
.Ltmp1:
0x1e: {  	_ = 	snop;
	(pc) =	sbr.rel @!p0 .LBB2_13-.Ltmp1, $3  }
0x1f: {  	_ =	sdelay $0x1  }
0x20: {  	[sflag:s13] =	ssyncset.done $0x0  }
0x21: {  	v48 =	vmov v52;
	[sflag:s13] =	ssyncadd.s32 $0xFFFFFFF0  }
.LBB2_1:
0x22: {  	s0 =	rddreg [dreg:$0x3]  }
0x23: {  	[tilespmem:s4], [sflag:$0x8] =	stream.linear.gather [hbm4b:s0+s4], $0x640, $0x38;
	[tilespmem:$0x19D10] =	vst v63  }
0x24: {  	_ =	swait.ge [sflag:s13], $0x640  }
0x25: {  	[sflag:s13] =	ssyncset.done $0x0  }
0x26: {  	[sflag:s13] =	ssyncadd.s32 $0xFFFFF9C0  }
0x27: {  	[tilespmem:s15], [sflag:$0x1] =	stream.indirect.gather [hbm4b:s6+s14], $0x3E8, s4, s14, $0xb8;
	[tilespmem:$0x19D10] =	vst v63  }
0x28: {  	s16 =	simm.s32 $0x19C80  }
0x29: {  	[tilespmem:s16], [sflag:$0x4] =	stream.linear.gather [hbm4b:s9+s4], $0x20, $0x38;
	[tilespmem:$0x19D10] =	vst v63  }
0x2a: {  	s17 =	simm.s32 $0x19CC0  }
0x2b: {  	[tilespmem:s17], [sflag:$0x6] =	stream.indirect.gather [hbm4b:s7+s14], $0x1, s4, s14, $0xb8;
	[tilespmem:$0x19D10] =	vst v63  }
0x2c: {  	_ = 	snop  }
0x2d: {  	[tilespmem:s18], [sflag:$0x2] =	stream.indirect.gather [hbm4b:s6+s14], $0x3E8, s14, s14, $0xb8;
	[tilespmem:$0x19D10] =	vst v63  }
0x2e: {  	s30 =	rddreg [dreg:$0x4]  }
0x2f: {  	[tilespmem:s19], [sflag:$0x5] =	stream.linear.gather [hbm4b:s30+s4], $0x20, $0x38;
	[tilespmem:$0x19D10] =	vst v63  }
0x30: {  	s1 =	simm.s32 $0x0  }
0x31: {  	v59 =	vimm.f32 $0.0e+00;
	[tilespmem:s20], [sflag:$0x7] =	stream.indirect.gather [hbm4b:s7+s14], $0x1, s14, s14, $0xb8;
	[tilespmem:$0x19D10] =	vst v63  }
.LBB2_2:
0x32: {  	p0 =	seq.s32 s1, $0x0  }
0x33: {  	s0 =	simm.s32 @!p0 $0x3  }
0x34: {  	_ =	swait.ge @!p0 [sflag:s0], $0x7D00  }
0x35: {  	[sflag:s0] =	ssyncset.done @!p0 $0x0  }
0x36: {  	[sflag:s0] =	ssyncadd.s32 @!p0 $0xFFFF8300  }
0x37: {  	_ =	swait.ge [sflag:s21], $0x7D00  }
0x38: {  	[sflag:s21] =	ssyncset.done $0x0  }
0x39: {  	[sflag:s21] =	ssyncadd.s32 $0xFFFF8300  }
0x3a: {  	_ =	swait.ge [sflag:s22], $0x20  }
0x3b: {  	[sflag:s22] =	ssyncset.done $0x0  }
0x3c: {  	[sflag:s22] =	ssyncadd.s32 $0xFFFFFFE0  }
0x3d: {  	_ =	swait.ge [sflag:s23], $0x20  }
0x3e: {  	s12 =	simm.s32 $0x0;
	[sflag:s23] =	ssyncset.done $0x0  }
0x3f: {  	v37 =	vmov s12;
	[sflag:s23] =	ssyncadd.s32 $0xFFFFFFE0  }
0x40: {  	vm1 =	veq.s32 v37, v0;
	v1 =	vld [tilespmem:$0x19C80]  }
0x41: {  	v43 =	vor.u32 s12, v0;
	vm1 =	vmand vm1, vm0;
	v3 =	vld [tilespmem:$0x19C90]  }
0x42: {  	v37 =	vshrl.u32 v43, $0x3;
	v38 =	vsel vm1, $0xFFFFFFFF, v4  }
0x43: {  	v37 =	vadd.s32 v38, v37  }
0x44: {  	v37 =	vmul.u32 $0x140, v37  }
0x45: {  	s17 =	simm.s32 $0x0;
	v1 =	vadd.s32 v48, v1  }
0x46: {  	v39 =	vadd.s32 v2, v37;
	v44 =	vld [tilespmem:s17+$0x640];
	v3 =	vadd.s32 v49, v3;
	_ =	sdelay $0x1  }
0x47: {  	v62 =	vld [tilespmem:$0x19CC0]  }
0x48: {  	v63 =	vld [tilespmem:$0x19CD0]  }
0x49: {  	v60 =	vld.idx.msk [tilespmem:v1+s15+$0x0], $0xffff  }
0x4a: {  	v61 =	vld.idx.msk [tilespmem:v3+s15+$0x0], $0xffff;
	[tilespmem:v39+s24+$0x0] =	vst.idx.msk $0xffff, v44  }
0x4b: {  	v3 =	vadd.s32 v5, v37;
	v1 =	vld [tilespmem:s17+$0xA28];
	_ =	sdelay $0x4  }
0x4c: {  	[tilespmem:v3+s24+$0x0] =	vst.idx.msk $0xffff, v1  }
0x4d: {  	v3 =	vadd.s32 v6, v37;
	v1 =	vld [tilespmem:s17+$0xE10];
	_ =	sdelay $0x4  }
0x4e: {  	[tilespmem:v3+s24+$0x0] =	vst.idx.msk $0xffff, v1  }
0x4f: {  	v3 =	vadd.s32 v7, v37;
	v1 =	vld [tilespmem:s17+$0x11F8];
	_ =	sdelay $0x4  }
0x50: {  	[tilespmem:v3+s24+$0x0] =	vst.idx.msk $0xffff, v1  }
0x51: {  	v3 =	vadd.s32 v8, v37;
	v1 =	vld [tilespmem:s17+$0x15E0];
	_ =	sdelay $0x4  }
0x52: {  	[tilespmem:v3+s24+$0x0] =	vst.idx.msk $0xffff, v1  }
0x53: {  	v3 =	vadd.s32 v9, v37;
	v1 =	vld [tilespmem:s17+$0x19C8];
	_ =	sdelay $0x4  }
0x54: {  	[tilespmem:v3+s24+$0x0] =	vst.idx.msk $0xffff, v1  }
0x55: {  	v3 =	vadd.s32 v10, v37;
	v1 =	vld [tilespmem:s17+$0x1DB0];
	_ =	sdelay $0x4  }
0x56: {  	[tilespmem:v3+s24+$0x0] =	vst.idx.msk $0xffff, v1  }
0x57: {  	v3 =	vadd.s32 v11, v37;
	v1 =	vld [tilespmem:s17+$0x2198];
	_ =	sdelay $0x4  }
0x58: {  	[tilespmem:v3+s24+$0x0] =	vst.idx.msk $0xffff, v1  }
0x59: {  	v3 =	vadd.s32 v12, v37;
	v1 =	vld [tilespmem:s17+$0x2580];
	_ =	sdelay $0x4  }
0x5a: {  	[tilespmem:v3+s24+$0x0] =	vst.idx.msk $0xffff, v1  }
0x5b: {  	v3 =	vadd.s32 v13, v37;
	v1 =	vld [tilespmem:s17+$0x2968];
	_ =	sdelay $0x4  }
0x5c: {  	[tilespmem:v3+s24+$0x0] =	vst.idx.msk $0xffff, v1  }
0x5d: {  	v3 =	vadd.s32 v14, v37;
	v1 =	vld [tilespmem:s17+$0x2D50];
	_ =	sdelay $0x4  }
0x5e: {  	[tilespmem:v3+s24+$0x0] =	vst.idx.msk $0xffff, v1  }
0x5f: {  	v3 =	vadd.s32 v15, v37;
	v1 =	vld [tilespmem:s17+$0x3138];
	_ =	sdelay $0x4  }
0x60: {  	[tilespmem:v3+s24+$0x0] =	vst.idx.msk $0xffff, v1  }
0x61: {  	v3 =	vadd.s32 v16, v37;
	v1 =	vld [tilespmem:s17+$0x3520];
	_ =	sdelay $0x4  }
0x62: {  	[tilespmem:v3+s24+$0x0] =	vst.idx.msk $0xffff, v1  }
0x63: {  	v3 =	vadd.s32 v17, v37;
	v1 =	vld [tilespmem:s17+$0x3908];
	_ =	sdelay $0x4  }
0x64: {  	[tilespmem:v3+s24+$0x0] =	vst.idx.msk $0xffff, v1  }
0x65: {  	v3 =	vadd.s32 v18, v37;
	v1 =	vld [tilespmem:s17+$0x3CF0];
	_ =	sdelay $0x4  }
0x66: {  	[tilespmem:v3+s24+$0x0] =	vst.idx.msk $0xffff, v1  }
0x67: {  	v3 =	vadd.s32 v19, v37;
	v1 =	vld [tilespmem:s17+$0x40D8];
	_ =	sdelay $0x4  }
0x68: {  	[tilespmem:v3+s24+$0x0] =	vst.idx.msk $0xffff, v1  }
0x69: {  	v3 =	vadd.s32 v20, v37;
	v1 =	vld [tilespmem:s17+$0x44C0];
	_ =	sdelay $0x4  }
0x6a: {  	[tilespmem:v3+s24+$0x0] =	vst.idx.msk $0xffff, v1  }
0x6b: {  	v3 =	vadd.s32 v21, v37;
	v1 =	vld [tilespmem:s17+$0x48A8];
	_ =	sdelay $0x4  }
0x6c: {  	[tilespmem:v3+s24+$0x0] =	vst.idx.msk $0xffff, v1  }
0x6d: {  	v3 =	vadd.s32 v22, v37;
	v1 =	vld [tilespmem:s17+$0x4C90];
	_ =	sdelay $0x4  }
0x6e: {  	[tilespmem:v3+s24+$0x0] =	vst.idx.msk $0xffff, v1  }
0x6f: {  	v3 =	vadd.s32 v23, v37;
	v1 =	vld [tilespmem:s17+$0x5078];
	_ =	sdelay $0x4  }
0x70: {  	[tilespmem:v3+s24+$0x0] =	vst.idx.msk $0xffff, v1  }
0x71: {  	v3 =	vadd.s32 v24, v37;
	v1 =	vld [tilespmem:s17+$0x5460];
	_ =	sdelay $0x4  }
0x72: {  	[tilespmem:v3+s24+$0x0] =	vst.idx.msk $0xffff, v1  }
0x73: {  	v3 =	vadd.s32 v25, v37;
	v1 =	vld [tilespmem:s17+$0x5848];
	_ =	sdelay $0x4  }
0x74: {  	[tilespmem:v3+s24+$0x0] =	vst.idx.msk $0xffff, v1  }
0x75: {  	v3 =	vadd.s32 v26, v37;
	v1 =	vld [tilespmem:s17+$0x5C30];
	_ =	sdelay $0x4  }
0x76: {  	[tilespmem:v3+s24+$0x0] =	vst.idx.msk $0xffff, v1  }
0x77: {  	v3 =	vadd.s32 v27, v37;
	v1 =	vld [tilespmem:s17+$0x6018];
	_ =	sdelay $0x4  }
0x78: {  	[tilespmem:v3+s24+$0x0] =	vst.idx.msk $0xffff, v1  }
0x79: {  	v3 =	vadd.s32 v28, v37;
	v1 =	vld [tilespmem:s17+$0x6400];
	_ =	sdelay $0x4  }
0x7a: {  	[tilespmem:v3+s24+$0x0] =	vst.idx.msk $0xffff, v1  }
0x7b: {  	v3 =	vadd.s32 v29, v37;
	v1 =	vld [tilespmem:s17+$0x67E8];
	_ =	sdelay $0x4  }
0x7c: {  	[tilespmem:v3+s24+$0x0] =	vst.idx.msk $0xffff, v1  }
0x7d: {  	v3 =	vadd.s32 v30, v37;
	v1 =	vld [tilespmem:s17+$0x6BD0];
	_ =	sdelay $0x4  }
0x7e: {  	[tilespmem:v3+s24+$0x0] =	vst.idx.msk $0xffff, v1  }
0x7f: {  	v3 =	vadd.s32 v32, v37;
	v1 =	vld [tilespmem:s17+$0x6FB8];
	_ =	sdelay $0x4  }
0x80: {  	[tilespmem:v3+s24+$0x0] =	vst.idx.msk $0xffff, v1  }
0x81: {  	v3 =	vadd.s32 v33, v37;
	v1 =	vld [tilespmem:s17+$0x73A0];
	_ =	sdelay $0x4  }
0x82: {  	[tilespmem:v3+s24+$0x0] =	vst.idx.msk $0xffff, v1  }
0x83: {  	v3 =	vadd.s32 v34, v37;
	v1 =	vld [tilespmem:s17+$0x7788];
	_ =	sdelay $0x4  }
0x84: {  	[tilespmem:v3+s24+$0x0] =	vst.idx.msk $0xffff, v1  }
0x85: {  	v3 =	vadd.s32 v35, v37;
	v1 =	vld [tilespmem:s17+$0x7B70];
	_ =	sdelay $0x4  }
0x86: {  	[tilespmem:v3+s24+$0x0] =	vst.idx.msk $0xffff, v1  }
0x87: {  	v37 =	vadd.s32 v36, v37;
	v3 =	vld [tilespmem:s17+$0x7F58]  }
0x88: {  	s16 =	simm.s32 $0x10  }
0x89: {  	v1 =	vor.u32 s16, v0  }
0x8a: {  	v1 =	vshrl.u32 v1, $0x3  }
0x8b: {  	v1 =	vmul.u32 $0x140, v1  }
0x8c: {  	[tilespmem:v37+s24+$0x0] =	vst.idx.msk $0xffff, v3  }
0x8d: {  	v45 =	vadd.s32 v2, v1;
	v3 =	vld [tilespmem:s17+$0x650];
	_ =	sdelay $0x4  }
0x8e: {  	[tilespmem:v45+s24+$0x0] =	vst.idx.msk $0xffff, v3  }
0x8f: {  	v46 =	vadd.s32 v5, v1;
	v3 =	vld [tilespmem:s17+$0xA38];
	_ =	sdelay $0x4  }
0x90: {  	[tilespmem:v46+s24+$0x0] =	vst.idx.msk $0xffff, v3  }
0x91: {  	v47 =	vadd.s32 v6, v1;
	v3 =	vld [tilespmem:s17+$0xE20];
	_ =	sdelay $0x4  }
0x92: {  	[tilespmem:v47+s24+$0x0] =	vst.idx.msk $0xffff, v3  }
0x93: {  	v52 =	vadd.s32 v7, v1;
	v3 =	vld [tilespmem:s17+$0x1208];
	_ =	sdelay $0x4  }
0x94: {  	[tilespmem:v52+s24+$0x0] =	vst.idx.msk $0xffff, v3  }
0x95: {  	v53 =	vadd.s32 v8, v1;
	v3 =	vld [tilespmem:s17+$0x15F0];
	_ =	sdelay $0x4  }
0x96: {  	[tilespmem:v53+s24+$0x0] =	vst.idx.msk $0xffff, v3  }
0x97: {  	v54 =	vadd.s32 v9, v1;
	v3 =	vld [tilespmem:s17+$0x19D8];
	_ =	sdelay $0x4  }
0x98: {  	[tilespmem:v54+s24+$0x0] =	vst.idx.msk $0xffff, v3  }
0x99: {  	v55 =	vadd.s32 v10, v1;
	v3 =	vld [tilespmem:s17+$0x1DC0];
	_ =	sdelay $0x4  }
0x9a: {  	[tilespmem:v55+s24+$0x0] =	vst.idx.msk $0xffff, v3  }
0x9b: {  	v40 =	vadd.s32 v11, v1;
	v3 =	vld [tilespmem:s17+$0x21A8];
	_ =	sdelay $0x4  }
0x9c: {  	[tilespmem:v40+s24+$0x0] =	vst.idx.msk $0xffff, v3  }
0x9d: {  	v41 =	vadd.s32 v12, v1;
	v3 =	vld [tilespmem:s17+$0x2590];
	_ =	sdelay $0x4  }
0x9e: {  	[tilespmem:v41+s24+$0x0] =	vst.idx.msk $0xffff, v3  }
0x9f: {  	v42 =	vadd.s32 v13, v1;
	v3 =	vld [tilespmem:s17+$0x2978];
	_ =	sdelay $0x4  }
0xa0: {  	[tilespmem:v42+s24+$0x0] =	vst.idx.msk $0xffff, v3  }
0xa1: {  	v43 =	vadd.s32 v14, v1;
	v3 =	vld [tilespmem:s17+$0x2D60];
	_ =	sdelay $0x4  }
0xa2: {  	[tilespmem:v43+s24+$0x0] =	vst.idx.msk $0xffff, v3  }
0xa3: {  	v44 =	vadd.s32 v15, v1;
	v3 =	vld [tilespmem:s17+$0x3148];
	_ =	sdelay $0x4  }
0xa4: {  	[tilespmem:v44+s24+$0x0] =	vst.idx.msk $0xffff, v3  }
0xa5: {  	v45 =	vadd.s32 v16, v1;
	v3 =	vld [tilespmem:s17+$0x3530];
	_ =	sdelay $0x4  }
0xa6: {  	[tilespmem:v45+s24+$0x0] =	vst.idx.msk $0xffff, v3  }
0xa7: {  	v46 =	vadd.s32 v17, v1;
	v3 =	vld [tilespmem:s17+$0x3918];
	_ =	sdelay $0x4  }
0xa8: {  	[tilespmem:v46+s24+$0x0] =	vst.idx.msk $0xffff, v3  }
0xa9: {  	v47 =	vadd.s32 v18, v1;
	v3 =	vld [tilespmem:s17+$0x3D00];
	_ =	sdelay $0x4  }
0xaa: {  	[tilespmem:v47+s24+$0x0] =	vst.idx.msk $0xffff, v3  }
0xab: {  	v52 =	vadd.s32 v19, v1;
	v3 =	vld [tilespmem:s17+$0x40E8];
	_ =	sdelay $0x4  }
0xac: {  	[tilespmem:v52+s24+$0x0] =	vst.idx.msk $0xffff, v3  }
0xad: {  	v53 =	vadd.s32 v20, v1;
	v3 =	vld [tilespmem:s17+$0x44D0];
	_ =	sdelay $0x4  }
0xae: {  	[tilespmem:v53+s24+$0x0] =	vst.idx.msk $0xffff, v3  }
0xaf: {  	v54 =	vadd.s32 v21, v1;
	v3 =	vld [tilespmem:s17+$0x48B8];
	_ =	sdelay $0x4  }
0xb0: {  	[tilespmem:v54+s24+$0x0] =	vst.idx.msk $0xffff, v3  }
0xb1: {  	v55 =	vadd.s32 v22, v1;
	v3 =	vld [tilespmem:s17+$0x4CA0];
	_ =	sdelay $0x4  }
0xb2: {  	[tilespmem:v55+s24+$0x0] =	vst.idx.msk $0xffff, v3  }
0xb3: {  	v40 =	vadd.s32 v23, v1;
	v3 =	vld [tilespmem:s17+$0x5088];
	_ =	sdelay $0x4  }
0xb4: {  	[tilespmem:v40+s24+$0x0] =	vst.idx.msk $0xffff, v3  }
0xb5: {  	v41 =	vadd.s32 v24, v1;
	v3 =	vld [tilespmem:s17+$0x5470];
	_ =	sdelay $0x4  }
0xb6: {  	[tilespmem:v41+s24+$0x0] =	vst.idx.msk $0xffff, v3  }
0xb7: {  	v42 =	vadd.s32 v25, v1;
	v3 =	vld [tilespmem:s17+$0x5858];
	_ =	sdelay $0x4  }
0xb8: {  	[tilespmem:v42+s24+$0x0] =	vst.idx.msk $0xffff, v3  }
0xb9: {  	v43 =	vadd.s32 v26, v1;
	v3 =	vld [tilespmem:s17+$0x5C40];
	_ =	sdelay $0x4  }
0xba: {  	[tilespmem:v43+s24+$0x0] =	vst.idx.msk $0xffff, v3  }
0xbb: {  	v44 =	vadd.s32 v27, v1;
	v3 =	vld [tilespmem:s17+$0x6028];
	_ =	sdelay $0x4  }
0xbc: {  	[tilespmem:v44+s24+$0x0] =	vst.idx.msk $0xffff, v3  }
0xbd: {  	v45 =	vadd.s32 v28, v1;
	v3 =	vld [tilespmem:s17+$0x6410];
	_ =	sdelay $0x4  }
0xbe: {  	[tilespmem:v45+s24+$0x0] =	vst.idx.msk $0xffff, v3  }
0xbf: {  	v46 =	vadd.s32 v29, v1;
	v3 =	vld [tilespmem:s17+$0x67F8];
	_ =	sdelay $0x4  }
0xc0: {  	[tilespmem:v46+s24+$0x0] =	vst.idx.msk $0xffff, v3  }
0xc1: {  	v47 =	vadd.s32 v30, v1;
	v3 =	vld [tilespmem:s17+$0x6BE0];
	_ =	sdelay $0x4  }
0xc2: {  	[tilespmem:v47+s24+$0x0] =	vst.idx.msk $0xffff, v3  }
0xc3: {  	v52 =	vadd.s32 v32, v1;
	v3 =	vld [tilespmem:s17+$0x6FC8];
	_ =	sdelay $0x4  }
0xc4: {  	[tilespmem:v52+s24+$0x0] =	vst.idx.msk $0xffff, v3  }
0xc5: {  	v53 =	vadd.s32 v33, v1;
	v3 =	vld [tilespmem:s17+$0x73B0];
	_ =	sdelay $0x4  }
0xc6: {  	[tilespmem:v53+s24+$0x0] =	vst.idx.msk $0xffff, v3  }
0xc7: {  	v54 =	vadd.s32 v34, v1;
	v3 =	vld [tilespmem:s17+$0x7798];
	_ =	sdelay $0x4  }
0xc8: {  	[tilespmem:v54+s24+$0x0] =	vst.idx.msk $0xffff, v3  }
0xc9: {  	v55 =	vadd.s32 v35, v1;
	v37 =	vld [tilespmem:s17+$0x7B80];
	_ =	sdelay $0x3  }
0xca: {  	s30 =	simm.s32 $0x20;
	s0 =	sshll.u32 s1, $0x6  }
0xcb: {  	s8 =	simm.s32 $0x80;
	s10 =	simm.s32 $0x100;
	s16 =	sadd.s32 s3, s0;
	v3 =	vmov s30;
	[tilespmem:v55+s24+$0x0] =	vst.idx.msk $0xffff, v37  }
.LBB2_3:
0xcc: {  	p0 =	sne.s32 s10, $0xF00;
	vm1 =	veq.s32 v3, v0;
	v3 =	vld [tilespmem:s17+$0x7F68];
	v37 =	vadd.s32 v36, v1  }
0xcd: {  	v1 =	vor.u32 s30, v0;
	vm1 =	vmand vm1, vm0  }
0xce: {  	v1 =	vshrl.u32 v1, $0x3;
	v38 =	vsel vm1, $0xFFFFFFFF, v4  }
0xcf: {  	v1 =	vadd.s32 v38, v1  }
0xd0: {  	v1 =	vmul.u32 $0x140, v1  }
0xd1: {  	s17 =	sshra.s32 s8, $0x2;
	s8 =	smov.u32 s10;
	[tilespmem:v37+s24+$0x0] =	vst.idx.msk $0xffff, v3  }
0xd2: {  	v3 =	vld [tilespmem:s17+$0x640];
	v37 =	vadd.s32 v2, v1;
	_ =	sdelay $0x4  }
0xd3: {  	[tilespmem:v37+s24+$0x0] =	vst.idx.msk $0xffff, v3  }
0xd4: {  	v37 =	vadd.s32 v5, v1;
	v3 =	vld [tilespmem:s17+$0xA28];
	_ =	sdelay $0x4  }
0xd5: {  	[tilespmem:v37+s24+$0x0] =	vst.idx.msk $0xffff, v3  }
0xd6: {  	v37 =	vadd.s32 v6, v1;
	v3 =	vld [tilespmem:s17+$0xE10];
	_ =	sdelay $0x4  }
0xd7: {  	[tilespmem:v37+s24+$0x0] =	vst.idx.msk $0xffff, v3  }
0xd8: {  	v37 =	vadd.s32 v7, v1;
	v3 =	vld [tilespmem:s17+$0x11F8];
	_ =	sdelay $0x4  }
0xd9: {  	[tilespmem:v37+s24+$0x0] =	vst.idx.msk $0xffff, v3  }
0xda: {  	v37 =	vadd.s32 v8, v1;
	v3 =	vld [tilespmem:s17+$0x15E0];
	_ =	sdelay $0x4  }
0xdb: {  	[tilespmem:v37+s24+$0x0] =	vst.idx.msk $0xffff, v3  }
0xdc: {  	v37 =	vadd.s32 v9, v1;
	v3 =	vld [tilespmem:s17+$0x19C8];
	_ =	sdelay $0x4  }
0xdd: {  	[tilespmem:v37+s24+$0x0] =	vst.idx.msk $0xffff, v3  }
0xde: {  	v37 =	vadd.s32 v10, v1;
	v3 =	vld [tilespmem:s17+$0x1DB0];
	_ =	sdelay $0x4  }
0xdf: {  	[tilespmem:v37+s24+$0x0] =	vst.idx.msk $0xffff, v3  }
0xe0: {  	v37 =	vadd.s32 v11, v1;
	v3 =	vld [tilespmem:s17+$0x2198];
	_ =	sdelay $0x4  }
0xe1: {  	[tilespmem:v37+s24+$0x0] =	vst.idx.msk $0xffff, v3  }
0xe2: {  	v37 =	vadd.s32 v12, v1;
	v3 =	vld [tilespmem:s17+$0x2580];
	_ =	sdelay $0x4  }
0xe3: {  	[tilespmem:v37+s24+$0x0] =	vst.idx.msk $0xffff, v3  }
0xe4: {  	v37 =	vadd.s32 v13, v1;
	v3 =	vld [tilespmem:s17+$0x2968];
	_ =	sdelay $0x4  }
0xe5: {  	[tilespmem:v37+s24+$0x0] =	vst.idx.msk $0xffff, v3  }
0xe6: {  	v37 =	vadd.s32 v14, v1;
	v3 =	vld [tilespmem:s17+$0x2D50];
	_ =	sdelay $0x4  }
0xe7: {  	[tilespmem:v37+s24+$0x0] =	vst.idx.msk $0xffff, v3  }
0xe8: {  	v37 =	vadd.s32 v15, v1;
	v3 =	vld [tilespmem:s17+$0x3138];
	_ =	sdelay $0x4  }
0xe9: {  	[tilespmem:v37+s24+$0x0] =	vst.idx.msk $0xffff, v3  }
0xea: {  	v37 =	vadd.s32 v16, v1;
	v3 =	vld [tilespmem:s17+$0x3520];
	_ =	sdelay $0x4  }
0xeb: {  	[tilespmem:v37+s24+$0x0] =	vst.idx.msk $0xffff, v3  }
0xec: {  	v37 =	vadd.s32 v17, v1;
	v3 =	vld [tilespmem:s17+$0x3908];
	_ =	sdelay $0x4  }
0xed: {  	[tilespmem:v37+s24+$0x0] =	vst.idx.msk $0xffff, v3  }
0xee: {  	v37 =	vadd.s32 v18, v1;
	v3 =	vld [tilespmem:s17+$0x3CF0];
	_ =	sdelay $0x4  }
0xef: {  	[tilespmem:v37+s24+$0x0] =	vst.idx.msk $0xffff, v3  }
0xf0: {  	v37 =	vadd.s32 v19, v1;
	v3 =	vld [tilespmem:s17+$0x40D8];
	_ =	sdelay $0x4  }
0xf1: {  	[tilespmem:v37+s24+$0x0] =	vst.idx.msk $0xffff, v3  }
0xf2: {  	v37 =	vadd.s32 v20, v1;
	v3 =	vld [tilespmem:s17+$0x44C0];
	_ =	sdelay $0x4  }
0xf3: {  	[tilespmem:v37+s24+$0x0] =	vst.idx.msk $0xffff, v3  }
0xf4: {  	v37 =	vadd.s32 v21, v1;
	v3 =	vld [tilespmem:s17+$0x48A8];
	_ =	sdelay $0x4  }
0xf5: {  	[tilespmem:v37+s24+$0x0] =	vst.idx.msk $0xffff, v3  }
0xf6: {  	v37 =	vadd.s32 v22, v1;
	v3 =	vld [tilespmem:s17+$0x4C90];
	_ =	sdelay $0x4  }
0xf7: {  	[tilespmem:v37+s24+$0x0] =	vst.idx.msk $0xffff, v3  }
0xf8: {  	v37 =	vadd.s32 v23, v1;
	v3 =	vld [tilespmem:s17+$0x5078];
	_ =	sdelay $0x4  }
0xf9: {  	[tilespmem:v37+s24+$0x0] =	vst.idx.msk $0xffff, v3  }
0xfa: {  	v37 =	vadd.s32 v24, v1;
	v3 =	vld [tilespmem:s17+$0x5460];
	_ =	sdelay $0x4  }
0xfb: {  	[tilespmem:v37+s24+$0x0] =	vst.idx.msk $0xffff, v3  }
0xfc: {  	v37 =	vadd.s32 v25, v1;
	v3 =	vld [tilespmem:s17+$0x5848];
	_ =	sdelay $0x4  }
0xfd: {  	[tilespmem:v37+s24+$0x0] =	vst.idx.msk $0xffff, v3  }
0xfe: {  	v37 =	vadd.s32 v26, v1;
	v3 =	vld [tilespmem:s17+$0x5C30];
	_ =	sdelay $0x4  }
0xff: {  	[tilespmem:v37+s24+$0x0] =	vst.idx.msk $0xffff, v3  }
0x100: {  	v37 =	vadd.s32 v27, v1;
	v3 =	vld [tilespmem:s17+$0x6018];
	_ =	sdelay $0x4  }
0x101: {  	[tilespmem:v37+s24+$0x0] =	vst.idx.msk $0xffff, v3  }
0x102: {  	v37 =	vadd.s32 v28, v1;
	v3 =	vld [tilespmem:s17+$0x6400];
	_ =	sdelay $0x4  }
0x103: {  	[tilespmem:v37+s24+$0x0] =	vst.idx.msk $0xffff, v3  }
0x104: {  	v37 =	vadd.s32 v29, v1;
	v3 =	vld [tilespmem:s17+$0x67E8];
	_ =	sdelay $0x4  }
0x105: {  	[tilespmem:v37+s24+$0x0] =	vst.idx.msk $0xffff, v3  }
0x106: {  	v37 =	vadd.s32 v30, v1;
	v3 =	vld [tilespmem:s17+$0x6BD0];
	_ =	sdelay $0x4  }
0x107: {  	[tilespmem:v37+s24+$0x0] =	vst.idx.msk $0xffff, v3  }
0x108: {  	v37 =	vadd.s32 v32, v1;
	v3 =	vld [tilespmem:s17+$0x6FB8];
	_ =	sdelay $0x4  }
0x109: {  	[tilespmem:v37+s24+$0x0] =	vst.idx.msk $0xffff, v3  }
0x10a: {  	v37 =	vadd.s32 v33, v1;
	v3 =	vld [tilespmem:s17+$0x73A0];
	_ =	sdelay $0x4  }
0x10b: {  	[tilespmem:v37+s24+$0x0] =	vst.idx.msk $0xffff, v3  }
0x10c: {  	v37 =	vadd.s32 v34, v1;
	v3 =	vld [tilespmem:s17+$0x7788];
	_ =	sdelay $0x4  }
0x10d: {  	[tilespmem:v37+s24+$0x0] =	vst.idx.msk $0xffff, v3  }
0x10e: {  	v37 =	vadd.s32 v35, v1;
	v3 =	vld [tilespmem:s17+$0x7B70];
	_ =	sdelay $0x4  }
0x10f: {  	[tilespmem:v37+s24+$0x0] =	vst.idx.msk $0xffff, v3  }
0x110: {  	v37 =	vadd.s32 v36, v1;
	v3 =	vld [tilespmem:s17+$0x7F58]  }
0x111: {  	s11 =	sadd.s32 $0x10, s30  }
0x112: {  	v1 =	vor.u32 s11, v0  }
0x113: {  	v1 =	vshrl.u32 v1, $0x3  }
0x114: {  	v1 =	vmul.u32 $0x140, v1  }
0x115: {  	[tilespmem:v37+s24+$0x0] =	vst.idx.msk $0xffff, v3  }
0x116: {  	v37 =	vadd.s32 v2, v1;
	v3 =	vld [tilespmem:s17+$0x650];
	_ =	sdelay $0x4  }
0x117: {  	[tilespmem:v37+s24+$0x0] =	vst.idx.msk $0xffff, v3  }
0x118: {  	v37 =	vadd.s32 v5, v1;
	v3 =	vld [tilespmem:s17+$0xA38];
	_ =	sdelay $0x4  }
0x119: {  	[tilespmem:v37+s24+$0x0] =	vst.idx.msk $0xffff, v3  }
0x11a: {  	v37 =	vadd.s32 v6, v1;
	v3 =	vld [tilespmem:s17+$0xE20];
	_ =	sdelay $0x4  }
0x11b: {  	[tilespmem:v37+s24+$0x0] =	vst.idx.msk $0xffff, v3  }
0x11c: {  	v37 =	vadd.s32 v7, v1;
	v3 =	vld [tilespmem:s17+$0x1208];
	_ =	sdelay $0x4  }
0x11d: {  	[tilespmem:v37+s24+$0x0] =	vst.idx.msk $0xffff, v3  }
0x11e: {  	v37 =	vadd.s32 v8, v1;
	v3 =	vld [tilespmem:s17+$0x15F0];
	_ =	sdelay $0x4  }
0x11f: {  	[tilespmem:v37+s24+$0x0] =	vst.idx.msk $0xffff, v3  }
0x120: {  	v37 =	vadd.s32 v9, v1;
	v3 =	vld [tilespmem:s17+$0x19D8];
	_ =	sdelay $0x4  }
0x121: {  	[tilespmem:v37+s24+$0x0] =	vst.idx.msk $0xffff, v3  }
0x122: {  	v37 =	vadd.s32 v10, v1;
	v3 =	vld [tilespmem:s17+$0x1DC0];
	_ =	sdelay $0x4  }
0x123: {  	[tilespmem:v37+s24+$0x0] =	vst.idx.msk $0xffff, v3  }
0x124: {  	v37 =	vadd.s32 v11, v1;
	v3 =	vld [tilespmem:s17+$0x21A8];
	_ =	sdelay $0x4  }
0x125: {  	[tilespmem:v37+s24+$0x0] =	vst.idx.msk $0xffff, v3  }
0x126: {  	v37 =	vadd.s32 v12, v1;
	v3 =	vld [tilespmem:s17+$0x2590];
	_ =	sdelay $0x4  }
0x127: {  	[tilespmem:v37+s24+$0x0] =	vst.idx.msk $0xffff, v3  }
0x128: {  	v37 =	vadd.s32 v13, v1;
	v3 =	vld [tilespmem:s17+$0x2978];
	_ =	sdelay $0x4  }
0x129: {  	[tilespmem:v37+s24+$0x0] =	vst.idx.msk $0xffff, v3  }
0x12a: {  	v37 =	vadd.s32 v14, v1;
	v3 =	vld [tilespmem:s17+$0x2D60];
	_ =	sdelay $0x4  }
0x12b: {  	[tilespmem:v37+s24+$0x0] =	vst.idx.msk $0xffff, v3  }
0x12c: {  	v37 =	vadd.s32 v15, v1;
	v3 =	vld [tilespmem:s17+$0x3148];
	_ =	sdelay $0x4  }
0x12d: {  	[tilespmem:v37+s24+$0x0] =	vst.idx.msk $0xffff, v3  }
0x12e: {  	v37 =	vadd.s32 v16, v1;
	v3 =	vld [tilespmem:s17+$0x3530];
	_ =	sdelay $0x4  }
0x12f: {  	[tilespmem:v37+s24+$0x0] =	vst.idx.msk $0xffff, v3  }
0x130: {  	v37 =	vadd.s32 v17, v1;
	v3 =	vld [tilespmem:s17+$0x3918];
	_ =	sdelay $0x4  }
0x131: {  	[tilespmem:v37+s24+$0x0] =	vst.idx.msk $0xffff, v3  }
0x132: {  	v37 =	vadd.s32 v18, v1;
	v3 =	vld [tilespmem:s17+$0x3D00];
	_ =	sdelay $0x4  }
0x133: {  	[tilespmem:v37+s24+$0x0] =	vst.idx.msk $0xffff, v3  }
0x134: {  	v37 =	vadd.s32 v19, v1;
	v3 =	vld [tilespmem:s17+$0x40E8];
	_ =	sdelay $0x4  }
0x135: {  	[tilespmem:v37+s24+$0x0] =	vst.idx.msk $0xffff, v3  }
0x136: {  	v37 =	vadd.s32 v20, v1;
	v3 =	vld [tilespmem:s17+$0x44D0];
	_ =	sdelay $0x4  }
0x137: {  	[tilespmem:v37+s24+$0x0] =	vst.idx.msk $0xffff, v3  }
0x138: {  	v37 =	vadd.s32 v21, v1;
	v3 =	vld [tilespmem:s17+$0x48B8];
	_ =	sdelay $0x4  }
0x139: {  	[tilespmem:v37+s24+$0x0] =	vst.idx.msk $0xffff, v3  }
0x13a: {  	v37 =	vadd.s32 v22, v1;
	v3 =	vld [tilespmem:s17+$0x4CA0];
	_ =	sdelay $0x4  }
0x13b: {  	[tilespmem:v37+s24+$0x0] =	vst.idx.msk $0xffff, v3  }
0x13c: {  	v37 =	vadd.s32 v23, v1;
	v3 =	vld [tilespmem:s17+$0x5088];
	_ =	sdelay $0x4  }
0x13d: {  	[tilespmem:v37+s24+$0x0] =	vst.idx.msk $0xffff, v3  }
0x13e: {  	v37 =	vadd.s32 v24, v1;
	v3 =	vld [tilespmem:s17+$0x5470];
	_ =	sdelay $0x4  }
0x13f: {  	[tilespmem:v37+s24+$0x0] =	vst.idx.msk $0xffff, v3  }
0x140: {  	v37 =	vadd.s32 v25, v1;
	v3 =	vld [tilespmem:s17+$0x5858];
	_ =	sdelay $0x4  }
0x141: {  	[tilespmem:v37+s24+$0x0] =	vst.idx.msk $0xffff, v3  }
0x142: {  	v37 =	vadd.s32 v26, v1;
	v3 =	vld [tilespmem:s17+$0x5C40];
	_ =	sdelay $0x4  }
0x143: {  	[tilespmem:v37+s24+$0x0] =	vst.idx.msk $0xffff, v3  }
0x144: {  	v37 =	vadd.s32 v27, v1;
	v3 =	vld [tilespmem:s17+$0x6028];
	_ =	sdelay $0x4  }
0x145: {  	[tilespmem:v37+s24+$0x0] =	vst.idx.msk $0xffff, v3  }
0x146: {  	v37 =	vadd.s32 v28, v1;
	v3 =	vld [tilespmem:s17+$0x6410];
	_ =	sdelay $0x4  }
0x147: {  	[tilespmem:v37+s24+$0x0] =	vst.idx.msk $0xffff, v3  }
0x148: {  	v37 =	vadd.s32 v29, v1;
	v3 =	vld [tilespmem:s17+$0x67F8];
	_ =	sdelay $0x4  }
0x149: {  	[tilespmem:v37+s24+$0x0] =	vst.idx.msk $0xffff, v3  }
0x14a: {  	v37 =	vadd.s32 v30, v1;
	v3 =	vld [tilespmem:s17+$0x6BE0];
	_ =	sdelay $0x4  }
0x14b: {  	[tilespmem:v37+s24+$0x0] =	vst.idx.msk $0xffff, v3  }
0x14c: {  	v37 =	vadd.s32 v32, v1;
	v3 =	vld [tilespmem:s17+$0x6FC8];
	_ =	sdelay $0x4  }
0x14d: {  	[tilespmem:v37+s24+$0x0] =	vst.idx.msk $0xffff, v3  }
0x14e: {  	v37 =	vadd.s32 v33, v1;
	v3 =	vld [tilespmem:s17+$0x73B0];
	_ =	sdelay $0x4  }
0x14f: {  	[tilespmem:v37+s24+$0x0] =	vst.idx.msk $0xffff, v3  }
0x150: {  	v37 =	vadd.s32 v34, v1;
	v3 =	vld [tilespmem:s17+$0x7798];
	_ =	sdelay $0x4  }
0x151: {  	[tilespmem:v37+s24+$0x0] =	vst.idx.msk $0xffff, v3  }
0x152: {  	v38 =	vadd.s32 v35, v1;
	v37 =	vld [tilespmem:s17+$0x7B80]  }
.Ltmp2:
0x153: {  	(pc) =	sbr.rel @p0 .LBB2_3-.Ltmp2, $3  }
0x154: {  	_ =	sdelay $0x1  }
0x155: {  	s30 =	sadd.s32 $0x20, s30  }
0x156: {  	s10 =	sadd.s32 $0x80, s10;
	v3 =	vmov s30;
	[tilespmem:v38+s24+$0x0] =	vst.idx.msk $0xffff, v37  }
0x157: {  	vm1 =	veq.s32 v3, v0;
	v3 =	vld [tilespmem:s17+$0x7F68];
	v1 =	vadd.s32 v36, v1  }
0x158: {  	v37 =	vor.u32 s30, v0;
	vm1 =	vmand vm1, vm0  }
0x159: {  	v37 =	vshrl.u32 v37, $0x3;
	v38 =	vsel vm1, $0xFFFFFFFF, v4  }
0x15a: {  	v37 =	vadd.s32 v38, v37  }
0x15b: {  	v37 =	vmul.u32 $0x140, v37  }
0x15c: {  	s8 =	sshra.s32 s8, $0x2;
	[tilespmem:v1+s24+$0x0] =	vst.idx.msk $0xffff, v3  }
0x15d: {  	v1 =	vld [tilespmem:s8+$0x640];
	v3 =	vadd.s32 v2, v37;
	_ =	sdelay $0x4  }
0x15e: {  	[tilespmem:v3+s24+$0x0] =	vst.idx.msk $0xffff, v1  }
0x15f: {  	v3 =	vadd.s32 v5, v37;
	v1 =	vld [tilespmem:s8+$0xA28];
	_ =	sdelay $0x4  }
0x160: {  	[tilespmem:v3+s24+$0x0] =	vst.idx.msk $0xffff, v1  }
0x161: {  	v3 =	vadd.s32 v6, v37;
	v1 =	vld [tilespmem:s8+$0xE10];
	_ =	sdelay $0x4  }
0x162: {  	[tilespmem:v3+s24+$0x0] =	vst.idx.msk $0xffff, v1  }
0x163: {  	v3 =	vadd.s32 v7, v37;
	v1 =	vld [tilespmem:s8+$0x11F8];
	_ =	sdelay $0x4  }
0x164: {  	[tilespmem:v3+s24+$0x0] =	vst.idx.msk $0xffff, v1  }
0x165: {  	v3 =	vadd.s32 v8, v37;
	v1 =	vld [tilespmem:s8+$0x15E0];
	_ =	sdelay $0x4  }
0x166: {  	[tilespmem:v3+s24+$0x0] =	vst.idx.msk $0xffff, v1  }
0x167: {  	v3 =	vadd.s32 v9, v37;
	v1 =	vld [tilespmem:s8+$0x19C8];
	_ =	sdelay $0x4  }
0x168: {  	[tilespmem:v3+s24+$0x0] =	vst.idx.msk $0xffff, v1  }
0x169: {  	v3 =	vadd.s32 v10, v37;
	v1 =	vld [tilespmem:s8+$0x1DB0];
	_ =	sdelay $0x4  }
0x16a: {  	[tilespmem:v3+s24+$0x0] =	vst.idx.msk $0xffff, v1  }
0x16b: {  	v3 =	vadd.s32 v11, v37;
	v1 =	vld [tilespmem:s8+$0x2198];
	_ =	sdelay $0x4  }
0x16c: {  	[tilespmem:v3+s24+$0x0] =	vst.idx.msk $0xffff, v1  }
0x16d: {  	v3 =	vadd.s32 v12, v37;
	v1 =	vld [tilespmem:s8+$0x2580];
	_ =	sdelay $0x4  }
0x16e: {  	[tilespmem:v3+s24+$0x0] =	vst.idx.msk $0xffff, v1  }
0x16f: {  	v3 =	vadd.s32 v13, v37;
	v1 =	vld [tilespmem:s8+$0x2968];
	_ =	sdelay $0x4  }
0x170: {  	[tilespmem:v3+s24+$0x0] =	vst.idx.msk $0xffff, v1  }
0x171: {  	v3 =	vadd.s32 v14, v37;
	v1 =	vld [tilespmem:s8+$0x2D50];
	_ =	sdelay $0x4  }
0x172: {  	[tilespmem:v3+s24+$0x0] =	vst.idx.msk $0xffff, v1  }
0x173: {  	v3 =	vadd.s32 v15, v37;
	v1 =	vld [tilespmem:s8+$0x3138];
	_ =	sdelay $0x4  }
0x174: {  	[tilespmem:v3+s24+$0x0] =	vst.idx.msk $0xffff, v1  }
0x175: {  	v3 =	vadd.s32 v16, v37;
	v1 =	vld [tilespmem:s8+$0x3520];
	_ =	sdelay $0x4  }
0x176: {  	[tilespmem:v3+s24+$0x0] =	vst.idx.msk $0xffff, v1  }
0x177: {  	v3 =	vadd.s32 v17, v37;
	v1 =	vld [tilespmem:s8+$0x3908];
	_ =	sdelay $0x4  }
0x178: {  	[tilespmem:v3+s24+$0x0] =	vst.idx.msk $0xffff, v1  }
0x179: {  	v3 =	vadd.s32 v18, v37;
	v1 =	vld [tilespmem:s8+$0x3CF0];
	_ =	sdelay $0x4  }
0x17a: {  	[tilespmem:v3+s24+$0x0] =	vst.idx.msk $0xffff, v1  }
0x17b: {  	v3 =	vadd.s32 v19, v37;
	v1 =	vld [tilespmem:s8+$0x40D8];
	_ =	sdelay $0x4  }
0x17c: {  	[tilespmem:v3+s24+$0x0] =	vst.idx.msk $0xffff, v1  }
0x17d: {  	v3 =	vadd.s32 v20, v37;
	v1 =	vld [tilespmem:s8+$0x44C0];
	_ =	sdelay $0x4  }
0x17e: {  	[tilespmem:v3+s24+$0x0] =	vst.idx.msk $0xffff, v1  }
0x17f: {  	v3 =	vadd.s32 v21, v37;
	v1 =	vld [tilespmem:s8+$0x48A8];
	_ =	sdelay $0x4  }
0x180: {  	[tilespmem:v3+s24+$0x0] =	vst.idx.msk $0xffff, v1  }
0x181: {  	v3 =	vadd.s32 v22, v37;
	v1 =	vld [tilespmem:s8+$0x4C90];
	_ =	sdelay $0x4  }
0x182: {  	[tilespmem:v3+s24+$0x0] =	vst.idx.msk $0xffff, v1  }
0x183: {  	v3 =	vadd.s32 v23, v37;
	v1 =	vld [tilespmem:s8+$0x5078];
	_ =	sdelay $0x4  }
0x184: {  	[tilespmem:v3+s24+$0x0] =	vst.idx.msk $0xffff, v1  }
0x185: {  	v3 =	vadd.s32 v24, v37;
	v1 =	vld [tilespmem:s8+$0x5460];
	_ =	sdelay $0x4  }
0x186: {  	[tilespmem:v3+s24+$0x0] =	vst.idx.msk $0xffff, v1  }
0x187: {  	v3 =	vadd.s32 v25, v37;
	v1 =	vld [tilespmem:s8+$0x5848];
	_ =	sdelay $0x4  }
0x188: {  	[tilespmem:v3+s24+$0x0] =	vst.idx.msk $0xffff, v1  }
0x189: {  	v3 =	vadd.s32 v26, v37;
	v1 =	vld [tilespmem:s8+$0x5C30];
	_ =	sdelay $0x4  }
0x18a: {  	[tilespmem:v3+s24+$0x0] =	vst.idx.msk $0xffff, v1  }
0x18b: {  	v3 =	vadd.s32 v27, v37;
	v1 =	vld [tilespmem:s8+$0x6018];
	_ =	sdelay $0x4  }
0x18c: {  	[tilespmem:v3+s24+$0x0] =	vst.idx.msk $0xffff, v1  }
0x18d: {  	v3 =	vadd.s32 v28, v37;
	v1 =	vld [tilespmem:s8+$0x6400];
	_ =	sdelay $0x4  }
0x18e: {  	[tilespmem:v3+s24+$0x0] =	vst.idx.msk $0xffff, v1  }
0x18f: {  	v3 =	vadd.s32 v29, v37;
	v1 =	vld [tilespmem:s8+$0x67E8];
	_ =	sdelay $0x4  }
0x190: {  	[tilespmem:v3+s24+$0x0] =	vst.idx.msk $0xffff, v1  }
0x191: {  	v3 =	vadd.s32 v30, v37;
	v1 =	vld [tilespmem:s8+$0x6BD0];
	_ =	sdelay $0x4  }
0x192: {  	[tilespmem:v3+s24+$0x0] =	vst.idx.msk $0xffff, v1  }
0x193: {  	v3 =	vadd.s32 v32, v37;
	v1 =	vld [tilespmem:s8+$0x6FB8];
	_ =	sdelay $0x4  }
0x194: {  	[tilespmem:v3+s24+$0x0] =	vst.idx.msk $0xffff, v1  }
0x195: {  	v3 =	vadd.s32 v33, v37;
	v1 =	vld [tilespmem:s8+$0x73A0];
	_ =	sdelay $0x4  }
0x196: {  	[tilespmem:v3+s24+$0x0] =	vst.idx.msk $0xffff, v1  }
0x197: {  	v3 =	vadd.s32 v34, v37;
	v1 =	vld [tilespmem:s8+$0x7788];
	_ =	sdelay $0x4  }
0x198: {  	[tilespmem:v3+s24+$0x0] =	vst.idx.msk $0xffff, v1  }
0x199: {  	v3 =	vadd.s32 v35, v37;
	v1 =	vld [tilespmem:s8+$0x7B70];
	_ =	sdelay $0x4  }
0x19a: {  	[tilespmem:v3+s24+$0x0] =	vst.idx.msk $0xffff, v1  }
0x19b: {  	v3 =	vadd.s32 v36, v37;
	v1 =	vld [tilespmem:s8+$0x7F58]  }
0x19c: {  	s10 =	sadd.s32 $0x10, s30  }
0x19d: {  	v47 =	vor.u32 s10, v0  }
0x19e: {  	v37 =	vshrl.u32 v47, $0x3  }
0x19f: {  	v37 =	vmul.u32 $0x140, v37  }
0x1a0: {  	[tilespmem:v3+s24+$0x0] =	vst.idx.msk $0xffff, v1  }
0x1a1: {  	v3 =	vadd.s32 v2, v37;
	v1 =	vld [tilespmem:s8+$0x650];
	_ =	sdelay $0x4  }
0x1a2: {  	[tilespmem:v3+s24+$0x0] =	vst.idx.msk $0xffff, v1  }
0x1a3: {  	v3 =	vadd.s32 v5, v37;
	v1 =	vld [tilespmem:s8+$0xA38];
	_ =	sdelay $0x4  }
0x1a4: {  	[tilespmem:v3+s24+$0x0] =	vst.idx.msk $0xffff, v1  }
0x1a5: {  	v3 =	vadd.s32 v6, v37;
	v1 =	vld [tilespmem:s8+$0xE20];
	_ =	sdelay $0x4  }
0x1a6: {  	[tilespmem:v3+s24+$0x0] =	vst.idx.msk $0xffff, v1  }
0x1a7: {  	v3 =	vadd.s32 v7, v37;
	v1 =	vld [tilespmem:s8+$0x1208];
	_ =	sdelay $0x4  }
0x1a8: {  	[tilespmem:v3+s24+$0x0] =	vst.idx.msk $0xffff, v1  }
0x1a9: {  	v3 =	vadd.s32 v8, v37;
	v1 =	vld [tilespmem:s8+$0x15F0];
	_ =	sdelay $0x4  }
0x1aa: {  	[tilespmem:v3+s24+$0x0] =	vst.idx.msk $0xffff, v1  }
0x1ab: {  	v3 =	vadd.s32 v9, v37;
	v1 =	vld [tilespmem:s8+$0x19D8];
	_ =	sdelay $0x4  }
0x1ac: {  	[tilespmem:v3+s24+$0x0] =	vst.idx.msk $0xffff, v1  }
0x1ad: {  	v3 =	vadd.s32 v10, v37;
	v1 =	vld [tilespmem:s8+$0x1DC0];
	_ =	sdelay $0x4  }
0x1ae: {  	[tilespmem:v3+s24+$0x0] =	vst.idx.msk $0xffff, v1  }
0x1af: {  	v3 =	vadd.s32 v11, v37;
	v1 =	vld [tilespmem:s8+$0x21A8];
	_ =	sdelay $0x4  }
0x1b0: {  	[tilespmem:v3+s24+$0x0] =	vst.idx.msk $0xffff, v1  }
0x1b1: {  	v3 =	vadd.s32 v12, v37;
	v1 =	vld [tilespmem:s8+$0x2590];
	_ =	sdelay $0x4  }
0x1b2: {  	[tilespmem:v3+s24+$0x0] =	vst.idx.msk $0xffff, v1  }
0x1b3: {  	v3 =	vadd.s32 v13, v37;
	v1 =	vld [tilespmem:s8+$0x2978];
	_ =	sdelay $0x4  }
0x1b4: {  	[tilespmem:v3+s24+$0x0] =	vst.idx.msk $0xffff, v1  }
0x1b5: {  	v3 =	vadd.s32 v14, v37;
	v1 =	vld [tilespmem:s8+$0x2D60];
	_ =	sdelay $0x4  }
0x1b6: {  	[tilespmem:v3+s24+$0x0] =	vst.idx.msk $0xffff, v1  }
0x1b7: {  	v3 =	vadd.s32 v15, v37;
	v1 =	vld [tilespmem:s8+$0x3148];
	_ =	sdelay $0x4  }
0x1b8: {  	[tilespmem:v3+s24+$0x0] =	vst.idx.msk $0xffff, v1  }
0x1b9: {  	v3 =	vadd.s32 v16, v37;
	v1 =	vld [tilespmem:s8+$0x3530];
	_ =	sdelay $0x4  }
0x1ba: {  	[tilespmem:v3+s24+$0x0] =	vst.idx.msk $0xffff, v1  }
0x1bb: {  	v3 =	vadd.s32 v17, v37;
	v1 =	vld [tilespmem:s8+$0x3918];
	_ =	sdelay $0x4  }
0x1bc: {  	[tilespmem:v3+s24+$0x0] =	vst.idx.msk $0xffff, v1  }
0x1bd: {  	v3 =	vadd.s32 v18, v37;
	v1 =	vld [tilespmem:s8+$0x3D00];
	_ =	sdelay $0x4  }
0x1be: {  	[tilespmem:v3+s24+$0x0] =	vst.idx.msk $0xffff, v1  }
0x1bf: {  	v3 =	vadd.s32 v19, v37;
	v1 =	vld [tilespmem:s8+$0x40E8];
	_ =	sdelay $0x4  }
0x1c0: {  	[tilespmem:v3+s24+$0x0] =	vst.idx.msk $0xffff, v1  }
0x1c1: {  	v3 =	vadd.s32 v20, v37;
	v1 =	vld [tilespmem:s8+$0x44D0];
	_ =	sdelay $0x4  }
0x1c2: {  	[tilespmem:v3+s24+$0x0] =	vst.idx.msk $0xffff, v1  }
0x1c3: {  	v3 =	vadd.s32 v21, v37;
	v1 =	vld [tilespmem:s8+$0x48B8];
	_ =	sdelay $0x4  }
0x1c4: {  	[tilespmem:v3+s24+$0x0] =	vst.idx.msk $0xffff, v1  }
0x1c5: {  	v3 =	vadd.s32 v22, v37;
	v1 =	vld [tilespmem:s8+$0x4CA0];
	_ =	sdelay $0x4  }
0x1c6: {  	[tilespmem:v3+s24+$0x0] =	vst.idx.msk $0xffff, v1  }
0x1c7: {  	v3 =	vadd.s32 v23, v37;
	v1 =	vld [tilespmem:s8+$0x5088];
	_ =	sdelay $0x4  }
0x1c8: {  	[tilespmem:v3+s24+$0x0] =	vst.idx.msk $0xffff, v1  }
0x1c9: {  	v3 =	vadd.s32 v24, v37;
	v1 =	vld [tilespmem:s8+$0x5470];
	_ =	sdelay $0x4  }
0x1ca: {  	[tilespmem:v3+s24+$0x0] =	vst.idx.msk $0xffff, v1  }
0x1cb: {  	v3 =	vadd.s32 v25, v37;
	v1 =	vld [tilespmem:s8+$0x5858];
	_ =	sdelay $0x4  }
0x1cc: {  	[tilespmem:v3+s24+$0x0] =	vst.idx.msk $0xffff, v1  }
0x1cd: {  	v3 =	vadd.s32 v26, v37;
	v1 =	vld [tilespmem:s8+$0x5C40];
	_ =	sdelay $0x4  }
0x1ce: {  	[tilespmem:v3+s24+$0x0] =	vst.idx.msk $0xffff, v1  }
0x1cf: {  	v3 =	vadd.s32 v27, v37;
	v1 =	vld [tilespmem:s8+$0x6028];
	_ =	sdelay $0x4  }
0x1d0: {  	[tilespmem:v3+s24+$0x0] =	vst.idx.msk $0xffff, v1  }
0x1d1: {  	v3 =	vadd.s32 v28, v37;
	v1 =	vld [tilespmem:s8+$0x6410];
	_ =	sdelay $0x4  }
0x1d2: {  	[tilespmem:v3+s24+$0x0] =	vst.idx.msk $0xffff, v1  }
0x1d3: {  	v3 =	vadd.s32 v29, v37;
	v1 =	vld [tilespmem:s8+$0x67F8];
	_ =	sdelay $0x4  }
0x1d4: {  	[tilespmem:v3+s24+$0x0] =	vst.idx.msk $0xffff, v1  }
0x1d5: {  	v3 =	vadd.s32 v30, v37;
	v1 =	vld [tilespmem:s8+$0x6BE0];
	_ =	sdelay $0x4  }
0x1d6: {  	[tilespmem:v3+s24+$0x0] =	vst.idx.msk $0xffff, v1  }
0x1d7: {  	v3 =	vadd.s32 v32, v37;
	v1 =	vld [tilespmem:s8+$0x6FC8];
	_ =	sdelay $0x4  }
0x1d8: {  	[tilespmem:v3+s24+$0x0] =	vst.idx.msk $0xffff, v1  }
0x1d9: {  	v3 =	vadd.s32 v33, v37;
	v1 =	vld [tilespmem:s8+$0x73B0];
	_ =	sdelay $0x4  }
0x1da: {  	[tilespmem:v3+s24+$0x0] =	vst.idx.msk $0xffff, v1  }
0x1db: {  	v3 =	vadd.s32 v34, v37;
	v1 =	vld [tilespmem:s8+$0x7798];
	_ =	sdelay $0x4  }
0x1dc: {  	[tilespmem:v3+s24+$0x0] =	vst.idx.msk $0xffff, v1  }
0x1dd: {  	v3 =	vadd.s32 v35, v37;
	v1 =	vld [tilespmem:s8+$0x7B80];
	_ =	sdelay $0x4  }
0x1de: {  	[tilespmem:v3+s24+$0x0] =	vst.idx.msk $0xffff, v1  }
0x1df: {  	v3 =	vadd.s32 v36, v37;
	v1 =	vld [tilespmem:s8+$0x7F68];
	_ =	sdelay $0x4  }
0x1e0: {  	[tilespmem:v3+s24+$0x0] =	vst.idx.msk $0xffff, v1  }
0x1e1: {  	v1 =	vld [tilespmem:$0xA18];
	_ =	sdelay $0x4  }
0x1e2: {  	[tilespmem:v50+s24+$0x0] =	vst.idx.msk $0xffff, v1  }
0x1e3: {  	v1 =	vld [tilespmem:$0xE00];
	_ =	sdelay $0x2  }
0x1e4: {  	v3 =	vld [tilespmem:$0x1FEF0];
	_ =	sdelay $0x1  }
0x1e5: {  	[tilespmem:v51+s24+$0x0] =	vst.idx.msk $0xffff, v1  }
0x1e6: {  	v1 =	vld [tilespmem:$0x11E8];
	_ =	sdelay $0x4  }
0x1e7: {  	[tilespmem:v3+s24+$0x0] =	vst.idx.msk $0xffff, v1;
	v3 =	vld [tilespmem:$0x1FF00];
	_ =	sdelay $0x2  }
0x1e8: {  	v1 =	vld [tilespmem:$0x15D0];
	_ =	sdelay $0x4  }
0x1e9: {  	[tilespmem:v3+s24+$0x0] =	vst.idx.msk $0xffff, v1;
	v3 =	vld [tilespmem:$0x1FF10];
	_ =	sdelay $0x2  }
0x1ea: {  	v1 =	vld [tilespmem:$0x19B8];
	_ =	sdelay $0x4  }
0x1eb: {  	[tilespmem:v3+s24+$0x0] =	vst.idx.msk $0xffff, v1;
	v3 =	vld [tilespmem:$0x1FF20];
	_ =	sdelay $0x2  }
0x1ec: {  	v1 =	vld [tilespmem:$0x1DA0];
	_ =	sdelay $0x4  }
0x1ed: {  	[tilespmem:v3+s24+$0x0] =	vst.idx.msk $0xffff, v1;
	v3 =	vld [tilespmem:$0x1FF30];
	_ =	sdelay $0x2  }
0x1ee: {  	v1 =	vld [tilespmem:$0x2188];
	_ =	sdelay $0x4  }
0x1ef: {  	[tilespmem:v3+s24+$0x0] =	vst.idx.msk $0xffff, v1;
	v3 =	vld [tilespmem:$0x1FF40];
	_ =	sdelay $0x2  }
0x1f0: {  	v1 =	vld [tilespmem:$0x2570];
	_ =	sdelay $0x4  }
0x1f1: {  	[tilespmem:v3+s24+$0x0] =	vst.idx.msk $0xffff, v1;
	v3 =	vld [tilespmem:$0x1FF50];
	_ =	sdelay $0x2  }
0x1f2: {  	v1 =	vld [tilespmem:$0x2958];
	_ =	sdelay $0x4  }
0x1f3: {  	[tilespmem:v3+s24+$0x0] =	vst.idx.msk $0xffff, v1;
	v3 =	vld [tilespmem:$0x1FF60];
	_ =	sdelay $0x2  }
0x1f4: {  	v1 =	vld [tilespmem:$0x2D40];
	_ =	sdelay $0x4  }
0x1f5: {  	[tilespmem:v3+s24+$0x0] =	vst.idx.msk $0xffff, v1;
	v3 =	vld [tilespmem:$0x1FF70];
	_ =	sdelay $0x2  }
0x1f6: {  	v1 =	vld [tilespmem:$0x3128];
	_ =	sdelay $0x4  }
0x1f7: {  	[tilespmem:v3+s24+$0x0] =	vst.idx.msk $0xffff, v1;
	v3 =	vld [tilespmem:$0x1FF80];
	_ =	sdelay $0x2  }
0x1f8: {  	v1 =	vld [tilespmem:$0x3510];
	_ =	sdelay $0x4  }
0x1f9: {  	[tilespmem:v3+s24+$0x0] =	vst.idx.msk $0xffff, v1;
	v3 =	vld [tilespmem:$0x1FF90];
	_ =	sdelay $0x2  }
0x1fa: {  	v1 =	vld [tilespmem:$0x38F8];
	_ =	sdelay $0x4  }
0x1fb: {  	[tilespmem:v3+s24+$0x0] =	vst.idx.msk $0xffff, v1;
	v3 =	vld [tilespmem:$0x1FFA0];
	_ =	sdelay $0x2  }
0x1fc: {  	v1 =	vld [tilespmem:$0x3CE0];
	_ =	sdelay $0x4  }
0x1fd: {  	[tilespmem:v3+s24+$0x0] =	vst.idx.msk $0xffff, v1;
	v3 =	vld [tilespmem:$0x1FFB0];
	_ =	sdelay $0x2  }
0x1fe: {  	v1 =	vld [tilespmem:$0x40C8];
	_ =	sdelay $0x4  }
0x1ff: {  	[tilespmem:v3+s24+$0x0] =	vst.idx.msk $0xffff, v1;
	v3 =	vld [tilespmem:$0x1FFC0];
	_ =	sdelay $0x2  }
0x200: {  	v1 =	vld [tilespmem:$0x44B0];
	_ =	sdelay $0x4  }
0x201: {  	[tilespmem:v3+s24+$0x0] =	vst.idx.msk $0xffff, v1;
	v3 =	vld [tilespmem:$0x1FFD0];
	_ =	sdelay $0x2  }
0x202: {  	v1 =	vld [tilespmem:$0x4898];
	_ =	sdelay $0x4  }
0x203: {  	[tilespmem:v3+s24+$0x0] =	vst.idx.msk $0xffff, v1;
	v3 =	vld [tilespmem:$0x1FFE0];
	_ =	sdelay $0x2  }
0x204: {  	v1 =	vld [tilespmem:$0x4C80];
	_ =	sdelay $0x4  }
0x205: {  	[tilespmem:v3+s24+$0x0] =	vst.idx.msk $0xffff, v1;
	v3 =	vld [tilespmem:$0x1FFF0];
	_ =	sdelay $0x2  }
0x206: {  	v1 =	vld [tilespmem:$0x5068];
	_ =	sdelay $0x4  }
0x207: {  	[tilespmem:v3+s24+$0x0] =	vst.idx.msk $0xffff, v1  }
0x208: {  	v1 =	vld [tilespmem:$0x5450];
	_ =	sdelay $0x4  }
0x209: {  	[tilespmem:v56+s24+$0x0] =	vst.idx.msk $0xffff, v1  }
0x20a: {  	v1 =	vld [tilespmem:$0x5838];
	_ =	sdelay $0x4  }
0x20b: {  	[tilespmem:v57+s24+$0x0] =	vst.idx.msk $0xffff, v1  }
0x20c: {  	v1 =	vld [tilespmem:$0x5C20];
	_ =	sdelay $0x4  }
0x20d: {  	[tilespmem:v58+s24+$0x0] =	vst.idx.msk $0xffff, v1  }
0x20e: {  	v1 =	vadd.s32 $0x99D6, v31;
	v3 =	vld [tilespmem:$0x6008];
	_ =	sdelay $0x4  }
0x20f: {  	[tilespmem:v1+s24+$0x0] =	vst.idx.msk $0xffff, v3  }
0x210: {  	v3 =	vadd.s32 $0x99D7, v31;
	v52 =	vld [tilespmem:$0x63F0];
	_ =	sdelay $0x4  }
0x211: {  	[tilespmem:v3+s24+$0x0] =	vst.idx.msk $0xffff, v52  }
0x212: {  	v37 =	vadd.s32 $0x99D8, v31;
	v53 =	vld [tilespmem:$0x67D8];
	_ =	sdelay $0x4  }
0x213: {  	[tilespmem:v37+s24+$0x0] =	vst.idx.msk $0xffff, v53  }
0x214: {  	v39 =	vadd.s32 $0x99D9, v31;
	v38 =	vld [tilespmem:$0x6BC0];
	_ =	sdelay $0x4  }
0x215: {  	[tilespmem:v39+s24+$0x0] =	vst.idx.msk $0xffff, v38  }
0x216: {  	v40 =	vadd.s32 $0x99DA, v31;
	v38 =	vld [tilespmem:$0x6FA8];
	_ =	sdelay $0x4  }
0x217: {  	[tilespmem:v40+s24+$0x0] =	vst.idx.msk $0xffff, v38  }
0x218: {  	v41 =	vadd.s32 $0x99DB, v31;
	v38 =	vld [tilespmem:$0x7390];
	_ =	sdelay $0x4  }
0x219: {  	[tilespmem:v41+s24+$0x0] =	vst.idx.msk $0xffff, v38  }
0x21a: {  	v42 =	vadd.s32 $0x99DC, v31;
	v38 =	vld [tilespmem:$0x7778];
	_ =	sdelay $0x4  }
0x21b: {  	[tilespmem:v42+s24+$0x0] =	vst.idx.msk $0xffff, v38  }
0x21c: {  	v43 =	vadd.s32 $0x99DD, v31;
	v38 =	vld [tilespmem:$0x7B60];
	_ =	sdelay $0x4  }
0x21d: {  	[tilespmem:v43+s24+$0x0] =	vst.idx.msk $0xffff, v38  }
0x21e: {  	v44 =	vadd.s32 $0x99DE, v31;
	v38 =	vld [tilespmem:$0x7F48];
	_ =	sdelay $0x4  }
0x21f: {  	[tilespmem:v44+s24+$0x0] =	vst.idx.msk $0xffff, v38  }
0x220: {  	v38 =	vadd.s32 $0x99DF, v31;
	v45 =	vld [tilespmem:$0x8330]  }
0x221: {  	s12 =	sshll.u32 s16, $0x3  }
0x222: {  	s17 =	sand.u32 $0x40, s16;
	s8 =	sand.u32 $0x7FFFFC00, s12  }
0x223: {  	s8 =	sor.u32 s17, s8  }
0x224: {  	s8 =	sshrl.u32 s8, $0x3  }
0x225: {  	s11 =	simm.s32 $0x10040;
	s10 =	sadd.s32 s2, s8;
	[tilespmem:v38+s24+$0x0] =	vst.idx.msk $0xffff, v45  }
0x226: {  	[hbm4b:s10+s4] =	stream.linear.scatter [tilespmem:s11], [sflag:$0x3], $0x20, $0x38;
	[tilespmem:$0x19D10] =	vst v63  }
0x227: {  	s12 =	simm.s32 $0x10068;
	s11 =	sadd.s32 $0x10, s10  }
0x228: {  	[hbm4b:s11+s4] =	stream.linear.scatter [tilespmem:s12], [sflag:$0x3], $0x20, $0x38;
	[tilespmem:$0x19D10] =	vst v63  }
0x229: {  	s16 =	simm.s32 $0x10090;
	s17 =	sadd.s32 $0x20, s10  }
0x22a: {  	[hbm4b:s17+s4] =	stream.linear.scatter [tilespmem:s16], [sflag:$0x3], $0x20, $0x38;
	[tilespmem:$0x19D10] =	vst v63  }
0x22b: {  	s11 =	simm.s32 $0x100B8;
	s12 =	sadd.s32 $0x30, s10  }
0x22c: {  	[hbm4b:s12+s4] =	stream.linear.scatter [tilespmem:s11], [sflag:$0x3], $0x20, $0x38;
	[tilespmem:$0x19D10] =	vst v63  }
0x22d: {  	s16 =	simm.s32 $0x100E0;
	s17 =	sadd.s32 $0x40, s10  }
0x22e: {  	[hbm4b:s17+s4] =	stream.linear.scatter [tilespmem:s16], [sflag:$0x3], $0x20, $0x38;
	[tilespmem:$0x19D10] =	vst v63  }
0x22f: {  	s8 =	simm.s32 $0x140;
	s11 =	simm.s32 $0x10108;
	s12 =	sadd.s32 $0x50, s10  }
0x230: {  	[hbm4b:s12+s4] =	stream.linear.scatter [tilespmem:s11], [sflag:$0x3], $0x20, $0x38;
	[tilespmem:$0x19D10] =	vst v63  }
0x231: {  	s30 =	sadd.s32 $0x70, s10;
	s16 =	simm.s32 $0x10130;
	s17 =	sadd.s32 $0x60, s10  }
0x232: {  	[hbm4b:s17+s4] =	stream.linear.scatter [tilespmem:s16], [sflag:$0x3], $0x20, $0x38;
	[tilespmem:$0x19D10] =	vst v63  }
0x233: {  	v54 =	vmov v50;
	v55 =	vmov v51;
	s10 =	sadd.s32 $0xC800, s10;
	s16 =	simm.s32 $0xA00;
	s17 =	simm.s32 $0x10158  }
.LBB2_5:
0x234: {  	[hbm4b:s30+s4] =	stream.linear.scatter [tilespmem:s17], [sflag:$0x3], $0x20, $0x38;
	[tilespmem:$0x19D10] =	vst v63  }
0x235: {  	s11 =	smov.u32 s8;
	s8 =	smov.u32 s16  }
0x236: {  	s12 =	sadd.s32 $0x500, s16;
	s8 =	sshra.s32 s8, $0x2;
	s17 =	sadd.s32 $0x10040, s11  }
0x237: {  	[hbm4b:s10+s4] =	stream.linear.scatter [tilespmem:s17], [sflag:$0x3], $0x20, $0x38;
	[tilespmem:$0x19D10] =	vst v63  }
0x238: {  	p0 =	sne.s32 s16, $0x26C00;
	s16 =	sadd.s32 $0x10068, s11;
	s17 =	sadd.s32 $0x10, s10  }
0x239: {  	[hbm4b:s17+s4] =	stream.linear.scatter [tilespmem:s16], [sflag:$0x3], $0x20, $0x38;
	[tilespmem:$0x19D10] =	vst v63  }
0x23a: {  	s16 =	sadd.s32 $0x10090, s11;
	s17 =	sadd.s32 $0x20, s10  }
0x23b: {  	[hbm4b:s17+s4] =	stream.linear.scatter [tilespmem:s16], [sflag:$0x3], $0x20, $0x38;
	[tilespmem:$0x19D10] =	vst v63  }
0x23c: {  	s16 =	sadd.s32 $0x100B8, s11;
	s17 =	sadd.s32 $0x30, s10  }
0x23d: {  	[hbm4b:s17+s4] =	stream.linear.scatter [tilespmem:s16], [sflag:$0x3], $0x20, $0x38;
	[tilespmem:$0x19D10] =	vst v63  }
0x23e: {  	s16 =	sadd.s32 $0x100E0, s11;
	s17 =	sadd.s32 $0x40, s10  }
0x23f: {  	[hbm4b:s17+s4] =	stream.linear.scatter [tilespmem:s16], [sflag:$0x3], $0x20, $0x38;
	[tilespmem:$0x19D10] =	vst v63  }
.Ltmp3:
0x240: {  	s16 =	sadd.s32 $0x10108, s11;
	s17 =	sadd.s32 $0x50, s10;
	(pc) =	sbr.rel @p0 .LBB2_5-.Ltmp3, $4  }
0x241: {  	[hbm4b:s17+s4] =	stream.linear.scatter [tilespmem:s16], [sflag:$0x3], $0x20, $0x38;
	[tilespmem:$0x19D10] =	vst v63  }
0x242: {  	s30 =	sadd.s32 $0x70, s10;
	s16 =	sadd.s32 $0x10130, s11;
	s17 =	sadd.s32 $0x60, s10  }
0x243: {  	[hbm4b:s17+s4] =	stream.linear.scatter [tilespmem:s16], [sflag:$0x3], $0x20, $0x38;
	[tilespmem:$0x19D10] =	vst v63  }
0x244: {  	s10 =	sadd.s32 $0xC800, s10;
	s17 =	sadd.s32 $0x10158, s11;
	s16 =	smov.u32 s12  }
0x245: {  	[hbm4b:s30+s4] =	stream.linear.scatter [tilespmem:s17], [sflag:$0x3], $0x20, $0x38;
	[tilespmem:$0x19D10] =	vst v63  }
0x246: {  	s11 =	sadd.s32 $0x10040, s8  }
0x247: {  	[hbm4b:s10+s4] =	stream.linear.scatter [tilespmem:s11], [sflag:$0x3], $0x20, $0x38;
	[tilespmem:$0x19D10] =	vst v63  }
0x248: {  	s16 =	sadd.s32 $0x10068, s8;
	s12 =	sadd.s32 $0x10, s10  }
0x249: {  	[hbm4b:s12+s4] =	stream.linear.scatter [tilespmem:s16], [sflag:$0x3], $0x20, $0x38;
	[tilespmem:$0x19D10] =	vst v63  }
0x24a: {  	s17 =	sadd.s32 $0x10090, s8;
	s30 =	sadd.s32 $0x20, s10  }
0x24b: {  	[hbm4b:s30+s4] =	stream.linear.scatter [tilespmem:s17], [sflag:$0x3], $0x20, $0x38;
	[tilespmem:$0x19D10] =	vst v63  }
0x24c: {  	s12 =	sadd.s32 $0x100B8, s8;
	s16 =	sadd.s32 $0x30, s10  }
0x24d: {  	[hbm4b:s16+s4] =	stream.linear.scatter [tilespmem:s12], [sflag:$0x3], $0x20, $0x38;
	[tilespmem:$0x19D10] =	vst v63  }
0x24e: {  	s17 =	sadd.s32 $0x100E0, s8;
	s30 =	sadd.s32 $0x40, s10  }
0x24f: {  	[hbm4b:s30+s4] =	stream.linear.scatter [tilespmem:s17], [sflag:$0x3], $0x20, $0x38;
	[tilespmem:$0x19D10] =	vst v63  }
0x250: {  	s12 =	sadd.s32 $0x10108, s8;
	s16 =	sadd.s32 $0x50, s10  }
0x251: {  	[hbm4b:s16+s4] =	stream.linear.scatter [tilespmem:s12], [sflag:$0x3], $0x20, $0x38;
	[tilespmem:$0x19D10] =	vst v63  }
0x252: {  	s17 =	sadd.s32 $0x10130, s8;
	s30 =	sadd.s32 $0x60, s10  }
0x253: {  	[hbm4b:s30+s4] =	stream.linear.scatter [tilespmem:s17], [sflag:$0x3], $0x20, $0x38;
	[tilespmem:$0x19D10] =	vst v63  }
0x254: {  	p0 =	seq.s32 s1, $0x18;
	s12 =	sadd.s32 $0x10158, s8;
	s16 =	sadd.s32 $0x70, s10  }
0x255: {  	[hbm4b:s16+s4] =	stream.linear.scatter [tilespmem:s12], [sflag:$0x3], $0x20, $0x38;
	[tilespmem:$0x19D10] =	vst v63  }
0x256: {  	s11 =	simm.s32 @!p0 $0x640;
	s8 =	sadd.s32 @!p0 $0x40, s0;
	s10 =	simm.s32 @!p0 $0x20  }
0x257: {  	[tilespmem:s11], [sflag:$0x1] =	stream.indirect.gather @!p0 [hbm4b:s6+s10], $0x3E8, s8, s10, $0xb8;
	[tilespmem:$0x19D10] =	vst v63  }
0x258: {  	s11 =	sadd.s32 @!p0 s3, s8  }
0x259: {  	s11 =	sshrl.u32 @!p0 s11, $0x3  }
0x25a: {  	s12 =	simm.s32 @!p0 $0x0;
	s16 =	simm.s32 @!p0 $0x19C80;
	s11 =	sadd.s32 @!p0 s5, s11  }
0x25b: {  	[tilespmem:s16], [sflag:$0x4] =	stream.linear.gather @!p0 [hbm4b:s11+s12], $0x20, $0x38;
	[tilespmem:$0x19D10] =	vst v63  }
0x25c: {  	s11 =	simm.s32 @!p0 $0x19CC0  }
0x25d: {  	[tilespmem:s11], [sflag:$0x6] =	stream.indirect.gather @!p0 [hbm4b:s7+s10], $0x1, s8, s10, $0xb8;
	[tilespmem:$0x19D10] =	vst v63  }
0x25e: {  	_ =	swait.ge [sflag:s25], $0x7D00  }
0x25f: {  	[sflag:s25] =	ssyncset.done $0x0  }
0x260: {  	[sflag:s25] =	ssyncadd.s32 $0xFFFF8300  }
0x261: {  	_ =	swait.ge [sflag:s26], $0x7D00  }
0x262: {  	[sflag:s26] =	ssyncset.done $0x0  }
0x263: {  	[sflag:s26] =	ssyncadd.s32 $0xFFFF8300  }
0x264: {  	_ =	swait.ge [sflag:s28], $0x20  }
0x265: {  	[sflag:s28] =	ssyncset.done $0x0  }
0x266: {  	[sflag:s28] =	ssyncadd.s32 $0xFFFFFFE0  }
0x267: {  	_ =	swait.ge [sflag:s29], $0x20  }
0x268: {  	[sflag:s29] =	ssyncset.done $0x0  }
0x269: {  	s17 =	simm.s32 $0x0;
	[sflag:s29] =	ssyncadd.s32 $0xFFFFFFE0  }
0x26a: {  	v47 =	vmov s17;
	v45 =	vld [tilespmem:$0x19CA0]  }
0x26b: {  	vm1 =	veq.s32 v47, v0;
	v46 =	vld [tilespmem:$0x19CB0]  }
0x26c: {  	vm1 =	vmand vm1, vm0  }
0x26d: {  	v50 =	vor.u32 s17, v0;
	v53 =	vsel vm1, $0xFFFFFFFF, v4  }
0x26e: {  	v47 =	vshrl.u32 v50, $0x3  }
0x26f: {  	v47 =	vadd.s32 v53, v47  }
0x270: {  	v53 =	vmovc v49;
	v45 =	vadd.s32 v48, v45;
	v46 =	vadd.s32 v49, v46;
	v49 =	vmul.u32 $0x140, v47  }
0x271: {  	s16 =	simm.s32 $0x0  }
0x272: {  	v50 =	vld [tilespmem:s16+$0x8340];
	v51 =	vadd.s32 v2, v49;
	_ =	sdelay $0x1  }
0x273: {  	v52 =	vmov v48;
	v48 =	vld [tilespmem:$0x19CE0]  }
0x274: {  	v47 =	vld.idx.msk [tilespmem:v45+s18+$0x0], $0xffff  }
0x275: {  	v45 =	vld.idx.msk [tilespmem:v46+s18+$0x0], $0xffff  }
0x276: {  	v46 =	vld [tilespmem:$0x19CF0];
	[tilespmem:v51+s24+$0x0] =	vst.idx.msk $0xffff, v50  }
0x277: {  	v51 =	vadd.s32 v5, v49;
	v50 =	vld [tilespmem:s16+$0x8728];
	_ =	sdelay $0x4  }
0x278: {  	[tilespmem:v51+s24+$0x0] =	vst.idx.msk $0xffff, v50  }
0x279: {  	v51 =	vadd.s32 v6, v49;
	v50 =	vld [tilespmem:s16+$0x8B10];
	_ =	sdelay $0x4  }
0x27a: {  	[tilespmem:v51+s24+$0x0] =	vst.idx.msk $0xffff, v50  }
0x27b: {  	v51 =	vadd.s32 v7, v49;
	v50 =	vld [tilespmem:s16+$0x8EF8];
	_ =	sdelay $0x4  }
0x27c: {  	[tilespmem:v51+s24+$0x0] =	vst.idx.msk $0xffff, v50  }
0x27d: {  	v51 =	vadd.s32 v8, v49;
	v50 =	vld [tilespmem:s16+$0x92E0];
	_ =	sdelay $0x4  }
0x27e: {  	[tilespmem:v51+s24+$0x0] =	vst.idx.msk $0xffff, v50  }
0x27f: {  	v51 =	vadd.s32 v9, v49;
	v50 =	vld [tilespmem:s16+$0x96C8];
	_ =	sdelay $0x4  }
0x280: {  	[tilespmem:v51+s24+$0x0] =	vst.idx.msk $0xffff, v50  }
0x281: {  	v51 =	vadd.s32 v10, v49;
	v50 =	vld [tilespmem:s16+$0x9AB0];
	_ =	sdelay $0x4  }
0x282: {  	[tilespmem:v51+s24+$0x0] =	vst.idx.msk $0xffff, v50  }
0x283: {  	v51 =	vadd.s32 v11, v49;
	v50 =	vld [tilespmem:s16+$0x9E98];
	_ =	sdelay $0x4  }
0x284: {  	[tilespmem:v51+s24+$0x0] =	vst.idx.msk $0xffff, v50  }
0x285: {  	v51 =	vadd.s32 v12, v49;
	v50 =	vld [tilespmem:s16+$0xA280];
	_ =	sdelay $0x4  }
0x286: {  	[tilespmem:v51+s24+$0x0] =	vst.idx.msk $0xffff, v50  }
0x287: {  	v51 =	vadd.s32 v13, v49;
	v50 =	vld [tilespmem:s16+$0xA668];
	_ =	sdelay $0x4  }
0x288: {  	[tilespmem:v51+s24+$0x0] =	vst.idx.msk $0xffff, v50  }
0x289: {  	v51 =	vadd.s32 v14, v49;
	v50 =	vld [tilespmem:s16+$0xAA50];
	_ =	sdelay $0x4  }
0x28a: {  	[tilespmem:v51+s24+$0x0] =	vst.idx.msk $0xffff, v50  }
0x28b: {  	v51 =	vadd.s32 v15, v49;
	v50 =	vld [tilespmem:s16+$0xAE38];
	_ =	sdelay $0x4  }
0x28c: {  	[tilespmem:v51+s24+$0x0] =	vst.idx.msk $0xffff, v50  }
0x28d: {  	v51 =	vadd.s32 v16, v49;
	v50 =	vld [tilespmem:s16+$0xB220];
	_ =	sdelay $0x4  }
0x28e: {  	[tilespmem:v51+s24+$0x0] =	vst.idx.msk $0xffff, v50  }
0x28f: {  	v51 =	vadd.s32 v17, v49;
	v50 =	vld [tilespmem:s16+$0xB608];
	_ =	sdelay $0x4  }
0x290: {  	[tilespmem:v51+s24+$0x0] =	vst.idx.msk $0xffff, v50  }
0x291: {  	v51 =	vadd.s32 v18, v49;
	v50 =	vld [tilespmem:s16+$0xB9F0];
	_ =	sdelay $0x4  }
0x292: {  	[tilespmem:v51+s24+$0x0] =	vst.idx.msk $0xffff, v50  }
0x293: {  	v51 =	vadd.s32 v19, v49;
	v50 =	vld [tilespmem:s16+$0xBDD8];
	_ =	sdelay $0x4  }
0x294: {  	[tilespmem:v51+s24+$0x0] =	vst.idx.msk $0xffff, v50  }
0x295: {  	v51 =	vadd.s32 v20, v49;
	v50 =	vld [tilespmem:s16+$0xC1C0];
	_ =	sdelay $0x4  }
0x296: {  	[tilespmem:v51+s24+$0x0] =	vst.idx.msk $0xffff, v50  }
0x297: {  	v51 =	vadd.s32 v21, v49;
	v50 =	vld [tilespmem:s16+$0xC5A8];
	_ =	sdelay $0x4  }
0x298: {  	[tilespmem:v51+s24+$0x0] =	vst.idx.msk $0xffff, v50  }
0x299: {  	v51 =	vadd.s32 v22, v49;
	v50 =	vld [tilespmem:s16+$0xC990];
	_ =	sdelay $0x4  }
0x29a: {  	[tilespmem:v51+s24+$0x0] =	vst.idx.msk $0xffff, v50  }
0x29b: {  	v51 =	vadd.s32 v23, v49;
	v50 =	vld [tilespmem:s16+$0xCD78];
	_ =	sdelay $0x4  }
0x29c: {  	[tilespmem:v51+s24+$0x0] =	vst.idx.msk $0xffff, v50  }
0x29d: {  	v51 =	vadd.s32 v24, v49;
	v50 =	vld [tilespmem:s16+$0xD160];
	_ =	sdelay $0x4  }
0x29e: {  	[tilespmem:v51+s24+$0x0] =	vst.idx.msk $0xffff, v50  }
0x29f: {  	v51 =	vadd.s32 v25, v49;
	v50 =	vld [tilespmem:s16+$0xD548];
	_ =	sdelay $0x4  }
0x2a0: {  	[tilespmem:v51+s24+$0x0] =	vst.idx.msk $0xffff, v50  }
0x2a1: {  	v51 =	vadd.s32 v26, v49;
	v50 =	vld [tilespmem:s16+$0xD930];
	_ =	sdelay $0x4  }
0x2a2: {  	[tilespmem:v51+s24+$0x0] =	vst.idx.msk $0xffff, v50  }
0x2a3: {  	v51 =	vadd.s32 v27, v49;
	v50 =	vld [tilespmem:s16+$0xDD18];
	_ =	sdelay $0x4  }
0x2a4: {  	[tilespmem:v51+s24+$0x0] =	vst.idx.msk $0xffff, v50  }
0x2a5: {  	v51 =	vadd.s32 v28, v49;
	v50 =	vld [tilespmem:s16+$0xE100];
	_ =	sdelay $0x4  }
0x2a6: {  	[tilespmem:v51+s24+$0x0] =	vst.idx.msk $0xffff, v50  }
0x2a7: {  	v51 =	vadd.s32 v29, v49;
	v50 =	vld [tilespmem:s16+$0xE4E8];
	_ =	sdelay $0x4  }
0x2a8: {  	[tilespmem:v51+s24+$0x0] =	vst.idx.msk $0xffff, v50  }
0x2a9: {  	v51 =	vadd.s32 v30, v49;
	v50 =	vld [tilespmem:s16+$0xE8D0];
	_ =	sdelay $0x4  }
0x2aa: {  	[tilespmem:v51+s24+$0x0] =	vst.idx.msk $0xffff, v50  }
0x2ab: {  	v51 =	vadd.s32 v32, v49;
	v50 =	vld [tilespmem:s16+$0xECB8];
	_ =	sdelay $0x4  }
0x2ac: {  	[tilespmem:v51+s24+$0x0] =	vst.idx.msk $0xffff, v50  }
0x2ad: {  	v51 =	vadd.s32 v33, v49;
	v50 =	vld [tilespmem:s16+$0xF0A0];
	_ =	sdelay $0x4  }
0x2ae: {  	[tilespmem:v51+s24+$0x0] =	vst.idx.msk $0xffff, v50  }
0x2af: {  	v51 =	vadd.s32 v34, v49;
	v50 =	vld [tilespmem:s16+$0xF488];
	_ =	sdelay $0x4  }
0x2b0: {  	[tilespmem:v51+s24+$0x0] =	vst.idx.msk $0xffff, v50  }
0x2b1: {  	v51 =	vadd.s32 v35, v49;
	v50 =	vld [tilespmem:s16+$0xF870];
	_ =	sdelay $0x4  }
0x2b2: {  	[tilespmem:v51+s24+$0x0] =	vst.idx.msk $0xffff, v50  }
0x2b3: {  	v51 =	vadd.s32 v36, v49;
	v50 =	vld [tilespmem:s16+$0xFC58]  }
0x2b4: {  	s30 =	simm.s32 $0x10  }
0x2b5: {  	v49 =	vor.u32 s30, v0  }
0x2b6: {  	v49 =	vshrl.u32 v49, $0x3  }
0x2b7: {  	v49 =	vmul.u32 $0x140, v49  }
0x2b8: {  	[tilespmem:v51+s24+$0x0] =	vst.idx.msk $0xffff, v50  }
0x2b9: {  	v51 =	vadd.s32 v2, v49;
	v50 =	vld [tilespmem:s16+$0x8350];
	_ =	sdelay $0x4  }
0x2ba: {  	[tilespmem:v51+s24+$0x0] =	vst.idx.msk $0xffff, v50  }
0x2bb: {  	v51 =	vadd.s32 v5, v49;
	v50 =	vld [tilespmem:s16+$0x8738];
	_ =	sdelay $0x4  }
0x2bc: {  	[tilespmem:v51+s24+$0x0] =	vst.idx.msk $0xffff, v50  }
0x2bd: {  	v51 =	vadd.s32 v6, v49;
	v50 =	vld [tilespmem:s16+$0x8B20];
	_ =	sdelay $0x4  }
0x2be: {  	[tilespmem:v51+s24+$0x0] =	vst.idx.msk $0xffff, v50  }
0x2bf: {  	v51 =	vadd.s32 v7, v49;
	v50 =	vld [tilespmem:s16+$0x8F08];
	_ =	sdelay $0x4  }
0x2c0: {  	[tilespmem:v51+s24+$0x0] =	vst.idx.msk $0xffff, v50  }
0x2c1: {  	v51 =	vadd.s32 v8, v49;
	v50 =	vld [tilespmem:s16+$0x92F0];
	_ =	sdelay $0x4  }
0x2c2: {  	[tilespmem:v51+s24+$0x0] =	vst.idx.msk $0xffff, v50  }
0x2c3: {  	v51 =	vadd.s32 v9, v49;
	v50 =	vld [tilespmem:s16+$0x96D8];
	_ =	sdelay $0x4  }
0x2c4: {  	[tilespmem:v51+s24+$0x0] =	vst.idx.msk $0xffff, v50  }
0x2c5: {  	v51 =	vadd.s32 v10, v49;
	v50 =	vld [tilespmem:s16+$0x9AC0];
	_ =	sdelay $0x4  }
0x2c6: {  	[tilespmem:v51+s24+$0x0] =	vst.idx.msk $0xffff, v50  }
0x2c7: {  	v51 =	vadd.s32 v11, v49;
	v50 =	vld [tilespmem:s16+$0x9EA8];
	_ =	sdelay $0x4  }
0x2c8: {  	[tilespmem:v51+s24+$0x0] =	vst.idx.msk $0xffff, v50  }
0x2c9: {  	v51 =	vadd.s32 v12, v49;
	v50 =	vld [tilespmem:s16+$0xA290];
	_ =	sdelay $0x4  }
0x2ca: {  	[tilespmem:v51+s24+$0x0] =	vst.idx.msk $0xffff, v50  }
0x2cb: {  	v51 =	vadd.s32 v13, v49;
	v50 =	vld [tilespmem:s16+$0xA678];
	_ =	sdelay $0x4  }
0x2cc: {  	[tilespmem:v51+s24+$0x0] =	vst.idx.msk $0xffff, v50  }
0x2cd: {  	v51 =	vadd.s32 v14, v49;
	v50 =	vld [tilespmem:s16+$0xAA60];
	_ =	sdelay $0x4  }
0x2ce: {  	[tilespmem:v51+s24+$0x0] =	vst.idx.msk $0xffff, v50  }
0x2cf: {  	v51 =	vadd.s32 v15, v49;
	v50 =	vld [tilespmem:s16+$0xAE48];
	_ =	sdelay $0x4  }
0x2d0: {  	[tilespmem:v51+s24+$0x0] =	vst.idx.msk $0xffff, v50  }
0x2d1: {  	v51 =	vadd.s32 v16, v49;
	v50 =	vld [tilespmem:s16+$0xB230];
	_ =	sdelay $0x4  }
0x2d2: {  	[tilespmem:v51+s24+$0x0] =	vst.idx.msk $0xffff, v50  }
0x2d3: {  	v51 =	vadd.s32 v17, v49;
	v50 =	vld [tilespmem:s16+$0xB618];
	_ =	sdelay $0x4  }
0x2d4: {  	[tilespmem:v51+s24+$0x0] =	vst.idx.msk $0xffff, v50  }
0x2d5: {  	v51 =	vadd.s32 v18, v49;
	v50 =	vld [tilespmem:s16+$0xBA00];
	_ =	sdelay $0x4  }
0x2d6: {  	[tilespmem:v51+s24+$0x0] =	vst.idx.msk $0xffff, v50  }
0x2d7: {  	v51 =	vadd.s32 v19, v49;
	v50 =	vld [tilespmem:s16+$0xBDE8];
	_ =	sdelay $0x4  }
0x2d8: {  	[tilespmem:v51+s24+$0x0] =	vst.idx.msk $0xffff, v50  }
0x2d9: {  	v51 =	vadd.s32 v20, v49;
	v50 =	vld [tilespmem:s16+$0xC1D0];
	_ =	sdelay $0x4  }
0x2da: {  	[tilespmem:v51+s24+$0x0] =	vst.idx.msk $0xffff, v50  }
0x2db: {  	v51 =	vadd.s32 v21, v49;
	v50 =	vld [tilespmem:s16+$0xC5B8];
	_ =	sdelay $0x4  }
0x2dc: {  	[tilespmem:v51+s24+$0x0] =	vst.idx.msk $0xffff, v50  }
0x2dd: {  	v51 =	vadd.s32 v22, v49;
	v50 =	vld [tilespmem:s16+$0xC9A0];
	_ =	sdelay $0x4  }
0x2de: {  	[tilespmem:v51+s24+$0x0] =	vst.idx.msk $0xffff, v50  }
0x2df: {  	v51 =	vadd.s32 v23, v49;
	v50 =	vld [tilespmem:s16+$0xCD88];
	_ =	sdelay $0x4  }
0x2e0: {  	[tilespmem:v51+s24+$0x0] =	vst.idx.msk $0xffff, v50  }
0x2e1: {  	v51 =	vadd.s32 v24, v49;
	v50 =	vld [tilespmem:s16+$0xD170];
	_ =	sdelay $0x4  }
0x2e2: {  	[tilespmem:v51+s24+$0x0] =	vst.idx.msk $0xffff, v50  }
0x2e3: {  	v51 =	vadd.s32 v25, v49;
	v50 =	vld [tilespmem:s16+$0xD558];
	_ =	sdelay $0x4  }
0x2e4: {  	[tilespmem:v51+s24+$0x0] =	vst.idx.msk $0xffff, v50  }
0x2e5: {  	v51 =	vadd.s32 v26, v49;
	v50 =	vld [tilespmem:s16+$0xD940];
	_ =	sdelay $0x4  }
0x2e6: {  	[tilespmem:v51+s24+$0x0] =	vst.idx.msk $0xffff, v50  }
0x2e7: {  	v51 =	vadd.s32 v27, v49;
	v50 =	vld [tilespmem:s16+$0xDD28];
	_ =	sdelay $0x4  }
0x2e8: {  	[tilespmem:v51+s24+$0x0] =	vst.idx.msk $0xffff, v50  }
0x2e9: {  	v51 =	vadd.s32 v28, v49;
	v50 =	vld [tilespmem:s16+$0xE110];
	_ =	sdelay $0x4  }
0x2ea: {  	[tilespmem:v51+s24+$0x0] =	vst.idx.msk $0xffff, v50  }
0x2eb: {  	v51 =	vadd.s32 v29, v49;
	v50 =	vld [tilespmem:s16+$0xE4F8];
	_ =	sdelay $0x4  }
0x2ec: {  	[tilespmem:v51+s24+$0x0] =	vst.idx.msk $0xffff, v50  }
0x2ed: {  	v51 =	vadd.s32 v30, v49;
	v50 =	vld [tilespmem:s16+$0xE8E0];
	_ =	sdelay $0x4  }
0x2ee: {  	[tilespmem:v51+s24+$0x0] =	vst.idx.msk $0xffff, v50  }
0x2ef: {  	v51 =	vadd.s32 v32, v49;
	v50 =	vld [tilespmem:s16+$0xECC8];
	_ =	sdelay $0x4  }
0x2f0: {  	[tilespmem:v51+s24+$0x0] =	vst.idx.msk $0xffff, v50  }
0x2f1: {  	v51 =	vadd.s32 v33, v49;
	v50 =	vld [tilespmem:s16+$0xF0B0];
	_ =	sdelay $0x4  }
0x2f2: {  	[tilespmem:v51+s24+$0x0] =	vst.idx.msk $0xffff, v50  }
0x2f3: {  	v51 =	vadd.s32 v34, v49;
	v50 =	vld [tilespmem:s16+$0xF498];
	_ =	sdelay $0x4  }
0x2f4: {  	[tilespmem:v51+s24+$0x0] =	vst.idx.msk $0xffff, v50  }
0x2f5: {  	v51 =	vadd.s32 v35, v49;
	v50 =	vld [tilespmem:s16+$0xF880]  }
0x2f6: {  	v60 =	vsub.f32 v62, v60;
	_ =	sdelay $0x1  }
0x2f7: {  	v59 =	vadd.f32 v60, v59;
	v60 =	vsub.f32 v63, v61  }
0x2f8: {  	s17 =	simm.s32 $0x20  }
0x2f9: {  	v59 =	vadd.f32 v60, v59;
	v60 =	vmov s17;
	s8 =	simm.s32 $0x80;
	s10 =	simm.s32 $0x100;
	[tilespmem:v51+s24+$0x0] =	vst.idx.msk $0xffff, v50  }
.LBB2_7:
0x2fa: {  	p1 =	sne.s32 s10, $0xF00;
	vm1 =	veq.s32 v60, v0;
	v50 =	vld [tilespmem:s16+$0xFC68];
	v51 =	vadd.s32 v36, v49  }
0x2fb: {  	v49 =	vor.u32 s17, v0;
	vm1 =	vmand vm1, vm0  }
0x2fc: {  	v49 =	vshrl.u32 v49, $0x3;
	v60 =	vsel vm1, $0xFFFFFFFF, v4  }
0x2fd: {  	v49 =	vadd.s32 v60, v49  }
0x2fe: {  	v49 =	vmul.u32 $0x140, v49  }
0x2ff: {  	s16 =	sshra.s32 s8, $0x2;
	s8 =	smov.u32 s10;
	[tilespmem:v51+s24+$0x0] =	vst.idx.msk $0xffff, v50  }
0x300: {  	v50 =	vld [tilespmem:s16+$0x8340];
	v51 =	vadd.s32 v2, v49;
	_ =	sdelay $0x4  }
0x301: {  	[tilespmem:v51+s24+$0x0] =	vst.idx.msk $0xffff, v50  }
0x302: {  	v51 =	vadd.s32 v5, v49;
	v50 =	vld [tilespmem:s16+$0x8728];
	_ =	sdelay $0x4  }
0x303: {  	[tilespmem:v51+s24+$0x0] =	vst.idx.msk $0xffff, v50  }
0x304: {  	v51 =	vadd.s32 v6, v49;
	v50 =	vld [tilespmem:s16+$0x8B10];
	_ =	sdelay $0x4  }
0x305: {  	[tilespmem:v51+s24+$0x0] =	vst.idx.msk $0xffff, v50  }
0x306: {  	v51 =	vadd.s32 v7, v49;
	v50 =	vld [tilespmem:s16+$0x8EF8];
	_ =	sdelay $0x4  }
0x307: {  	[tilespmem:v51+s24+$0x0] =	vst.idx.msk $0xffff, v50  }
0x308: {  	v51 =	vadd.s32 v8, v49;
	v50 =	vld [tilespmem:s16+$0x92E0];
	_ =	sdelay $0x4  }
0x309: {  	[tilespmem:v51+s24+$0x0] =	vst.idx.msk $0xffff, v50  }
0x30a: {  	v51 =	vadd.s32 v9, v49;
	v50 =	vld [tilespmem:s16+$0x96C8];
	_ =	sdelay $0x4  }
0x30b: {  	[tilespmem:v51+s24+$0x0] =	vst.idx.msk $0xffff, v50  }
0x30c: {  	v51 =	vadd.s32 v10, v49;
	v50 =	vld [tilespmem:s16+$0x9AB0];
	_ =	sdelay $0x4  }
0x30d: {  	[tilespmem:v51+s24+$0x0] =	vst.idx.msk $0xffff, v50  }
0x30e: {  	v51 =	vadd.s32 v11, v49;
	v50 =	vld [tilespmem:s16+$0x9E98];
	_ =	sdelay $0x4  }
0x30f: {  	[tilespmem:v51+s24+$0x0] =	vst.idx.msk $0xffff, v50  }
0x310: {  	v51 =	vadd.s32 v12, v49;
	v50 =	vld [tilespmem:s16+$0xA280];
	_ =	sdelay $0x4  }
0x311: {  	[tilespmem:v51+s24+$0x0] =	vst.idx.msk $0xffff, v50  }
0x312: {  	v51 =	vadd.s32 v13, v49;
	v50 =	vld [tilespmem:s16+$0xA668];
	_ =	sdelay $0x4  }
0x313: {  	[tilespmem:v51+s24+$0x0] =	vst.idx.msk $0xffff, v50  }
0x314: {  	v51 =	vadd.s32 v14, v49;
	v50 =	vld [tilespmem:s16+$0xAA50];
	_ =	sdelay $0x4  }
0x315: {  	[tilespmem:v51+s24+$0x0] =	vst.idx.msk $0xffff, v50  }
0x316: {  	v51 =	vadd.s32 v15, v49;
	v50 =	vld [tilespmem:s16+$0xAE38];
	_ =	sdelay $0x4  }
0x317: {  	[tilespmem:v51+s24+$0x0] =	vst.idx.msk $0xffff, v50  }
0x318: {  	v51 =	vadd.s32 v16, v49;
	v50 =	vld [tilespmem:s16+$0xB220];
	_ =	sdelay $0x4  }
0x319: {  	[tilespmem:v51+s24+$0x0] =	vst.idx.msk $0xffff, v50  }
0x31a: {  	v51 =	vadd.s32 v17, v49;
	v50 =	vld [tilespmem:s16+$0xB608];
	_ =	sdelay $0x4  }
0x31b: {  	[tilespmem:v51+s24+$0x0] =	vst.idx.msk $0xffff, v50  }
0x31c: {  	v51 =	vadd.s32 v18, v49;
	v50 =	vld [tilespmem:s16+$0xB9F0];
	_ =	sdelay $0x4  }
0x31d: {  	[tilespmem:v51+s24+$0x0] =	vst.idx.msk $0xffff, v50  }
0x31e: {  	v51 =	vadd.s32 v19, v49;
	v50 =	vld [tilespmem:s16+$0xBDD8];
	_ =	sdelay $0x4  }
0x31f: {  	[tilespmem:v51+s24+$0x0] =	vst.idx.msk $0xffff, v50  }
0x320: {  	v51 =	vadd.s32 v20, v49;
	v50 =	vld [tilespmem:s16+$0xC1C0];
	_ =	sdelay $0x4  }
0x321: {  	[tilespmem:v51+s24+$0x0] =	vst.idx.msk $0xffff, v50  }
0x322: {  	v51 =	vadd.s32 v21, v49;
	v50 =	vld [tilespmem:s16+$0xC5A8];
	_ =	sdelay $0x4  }
0x323: {  	[tilespmem:v51+s24+$0x0] =	vst.idx.msk $0xffff, v50  }
0x324: {  	v51 =	vadd.s32 v22, v49;
	v50 =	vld [tilespmem:s16+$0xC990];
	_ =	sdelay $0x4  }
0x325: {  	[tilespmem:v51+s24+$0x0] =	vst.idx.msk $0xffff, v50  }
0x326: {  	v51 =	vadd.s32 v23, v49;
	v50 =	vld [tilespmem:s16+$0xCD78];
	_ =	sdelay $0x4  }
0x327: {  	[tilespmem:v51+s24+$0x0] =	vst.idx.msk $0xffff, v50  }
0x328: {  	v51 =	vadd.s32 v24, v49;
	v50 =	vld [tilespmem:s16+$0xD160];
	_ =	sdelay $0x4  }
0x329: {  	[tilespmem:v51+s24+$0x0] =	vst.idx.msk $0xffff, v50  }
0x32a: {  	v51 =	vadd.s32 v25, v49;
	v50 =	vld [tilespmem:s16+$0xD548];
	_ =	sdelay $0x4  }
0x32b: {  	[tilespmem:v51+s24+$0x0] =	vst.idx.msk $0xffff, v50  }
0x32c: {  	v51 =	vadd.s32 v26, v49;
	v50 =	vld [tilespmem:s16+$0xD930];
	_ =	sdelay $0x4  }
0x32d: {  	[tilespmem:v51+s24+$0x0] =	vst.idx.msk $0xffff, v50  }
0x32e: {  	v51 =	vadd.s32 v27, v49;
	v50 =	vld [tilespmem:s16+$0xDD18];
	_ =	sdelay $0x4  }
0x32f: {  	[tilespmem:v51+s24+$0x0] =	vst.idx.msk $0xffff, v50  }
0x330: {  	v51 =	vadd.s32 v28, v49;
	v50 =	vld [tilespmem:s16+$0xE100];
	_ =	sdelay $0x4  }
0x331: {  	[tilespmem:v51+s24+$0x0] =	vst.idx.msk $0xffff, v50  }
0x332: {  	v51 =	vadd.s32 v29, v49;
	v50 =	vld [tilespmem:s16+$0xE4E8];
	_ =	sdelay $0x4  }
0x333: {  	[tilespmem:v51+s24+$0x0] =	vst.idx.msk $0xffff, v50  }
0x334: {  	v51 =	vadd.s32 v30, v49;
	v50 =	vld [tilespmem:s16+$0xE8D0];
	_ =	sdelay $0x4  }
0x335: {  	[tilespmem:v51+s24+$0x0] =	vst.idx.msk $0xffff, v50  }
0x336: {  	v51 =	vadd.s32 v32, v49;
	v50 =	vld [tilespmem:s16+$0xECB8];
	_ =	sdelay $0x4  }
0x337: {  	[tilespmem:v51+s24+$0x0] =	vst.idx.msk $0xffff, v50  }
0x338: {  	v51 =	vadd.s32 v33, v49;
	v50 =	vld [tilespmem:s16+$0xF0A0];
	_ =	sdelay $0x4  }
0x339: {  	[tilespmem:v51+s24+$0x0] =	vst.idx.msk $0xffff, v50  }
0x33a: {  	v51 =	vadd.s32 v34, v49;
	v50 =	vld [tilespmem:s16+$0xF488];
	_ =	sdelay $0x4  }
0x33b: {  	[tilespmem:v51+s24+$0x0] =	vst.idx.msk $0xffff, v50  }
0x33c: {  	v51 =	vadd.s32 v35, v49;
	v50 =	vld [tilespmem:s16+$0xF870];
	_ =	sdelay $0x4  }
0x33d: {  	[tilespmem:v51+s24+$0x0] =	vst.idx.msk $0xffff, v50  }
0x33e: {  	v51 =	vadd.s32 v36, v49;
	v50 =	vld [tilespmem:s16+$0xFC58]  }
0x33f: {  	s11 =	sadd.s32 $0x10, s17  }
0x340: {  	v49 =	vor.u32 s11, v0  }
0x341: {  	v49 =	vshrl.u32 v49, $0x3  }
0x342: {  	v49 =	vmul.u32 $0x140, v49  }
0x343: {  	[tilespmem:v51+s24+$0x0] =	vst.idx.msk $0xffff, v50  }
0x344: {  	v51 =	vadd.s32 v2, v49;
	v50 =	vld [tilespmem:s16+$0x8350];
	_ =	sdelay $0x4  }
0x345: {  	[tilespmem:v51+s24+$0x0] =	vst.idx.msk $0xffff, v50  }
0x346: {  	v51 =	vadd.s32 v5, v49;
	v50 =	vld [tilespmem:s16+$0x8738];
	_ =	sdelay $0x4  }
0x347: {  	[tilespmem:v51+s24+$0x0] =	vst.idx.msk $0xffff, v50  }
0x348: {  	v51 =	vadd.s32 v6, v49;
	v50 =	vld [tilespmem:s16+$0x8B20];
	_ =	sdelay $0x4  }
0x349: {  	[tilespmem:v51+s24+$0x0] =	vst.idx.msk $0xffff, v50  }
0x34a: {  	v51 =	vadd.s32 v7, v49;
	v50 =	vld [tilespmem:s16+$0x8F08];
	_ =	sdelay $0x4  }
0x34b: {  	[tilespmem:v51+s24+$0x0] =	vst.idx.msk $0xffff, v50  }
0x34c: {  	v51 =	vadd.s32 v8, v49;
	v50 =	vld [tilespmem:s16+$0x92F0];
	_ =	sdelay $0x4  }
0x34d: {  	[tilespmem:v51+s24+$0x0] =	vst.idx.msk $0xffff, v50  }
0x34e: {  	v51 =	vadd.s32 v9, v49;
	v50 =	vld [tilespmem:s16+$0x96D8];
	_ =	sdelay $0x4  }
0x34f: {  	[tilespmem:v51+s24+$0x0] =	vst.idx.msk $0xffff, v50  }
0x350: {  	v51 =	vadd.s32 v10, v49;
	v50 =	vld [tilespmem:s16+$0x9AC0];
	_ =	sdelay $0x4  }
0x351: {  	[tilespmem:v51+s24+$0x0] =	vst.idx.msk $0xffff, v50  }
0x352: {  	v51 =	vadd.s32 v11, v49;
	v50 =	vld [tilespmem:s16+$0x9EA8];
	_ =	sdelay $0x4  }
0x353: {  	[tilespmem:v51+s24+$0x0] =	vst.idx.msk $0xffff, v50  }
0x354: {  	v51 =	vadd.s32 v12, v49;
	v50 =	vld [tilespmem:s16+$0xA290];
	_ =	sdelay $0x4  }
0x355: {  	[tilespmem:v51+s24+$0x0] =	vst.idx.msk $0xffff, v50  }
0x356: {  	v51 =	vadd.s32 v13, v49;
	v50 =	vld [tilespmem:s16+$0xA678];
	_ =	sdelay $0x4  }
0x357: {  	[tilespmem:v51+s24+$0x0] =	vst.idx.msk $0xffff, v50  }
0x358: {  	v51 =	vadd.s32 v14, v49;
	v50 =	vld [tilespmem:s16+$0xAA60];
	_ =	sdelay $0x4  }
0x359: {  	[tilespmem:v51+s24+$0x0] =	vst.idx.msk $0xffff, v50  }
0x35a: {  	v51 =	vadd.s32 v15, v49;
	v50 =	vld [tilespmem:s16+$0xAE48];
	_ =	sdelay $0x4  }
0x35b: {  	[tilespmem:v51+s24+$0x0] =	vst.idx.msk $0xffff, v50  }
0x35c: {  	v51 =	vadd.s32 v16, v49;
	v50 =	vld [tilespmem:s16+$0xB230];
	_ =	sdelay $0x4  }
0x35d: {  	[tilespmem:v51+s24+$0x0] =	vst.idx.msk $0xffff, v50  }
0x35e: {  	v51 =	vadd.s32 v17, v49;
	v50 =	vld [tilespmem:s16+$0xB618];
	_ =	sdelay $0x4  }
0x35f: {  	[tilespmem:v51+s24+$0x0] =	vst.idx.msk $0xffff, v50  }
0x360: {  	v51 =	vadd.s32 v18, v49;
	v50 =	vld [tilespmem:s16+$0xBA00];
	_ =	sdelay $0x4  }
0x361: {  	[tilespmem:v51+s24+$0x0] =	vst.idx.msk $0xffff, v50  }
0x362: {  	v51 =	vadd.s32 v19, v49;
	v50 =	vld [tilespmem:s16+$0xBDE8];
	_ =	sdelay $0x4  }
0x363: {  	[tilespmem:v51+s24+$0x0] =	vst.idx.msk $0xffff, v50  }
0x364: {  	v51 =	vadd.s32 v20, v49;
	v50 =	vld [tilespmem:s16+$0xC1D0];
	_ =	sdelay $0x4  }
0x365: {  	[tilespmem:v51+s24+$0x0] =	vst.idx.msk $0xffff, v50  }
0x366: {  	v51 =	vadd.s32 v21, v49;
	v50 =	vld [tilespmem:s16+$0xC5B8];
	_ =	sdelay $0x4  }
0x367: {  	[tilespmem:v51+s24+$0x0] =	vst.idx.msk $0xffff, v50  }
0x368: {  	v51 =	vadd.s32 v22, v49;
	v50 =	vld [tilespmem:s16+$0xC9A0];
	_ =	sdelay $0x4  }
0x369: {  	[tilespmem:v51+s24+$0x0] =	vst.idx.msk $0xffff, v50  }
0x36a: {  	v51 =	vadd.s32 v23, v49;
	v50 =	vld [tilespmem:s16+$0xCD88];
	_ =	sdelay $0x4  }
0x36b: {  	[tilespmem:v51+s24+$0x0] =	vst.idx.msk $0xffff, v50  }
0x36c: {  	v51 =	vadd.s32 v24, v49;
	v50 =	vld [tilespmem:s16+$0xD170];
	_ =	sdelay $0x4  }
0x36d: {  	[tilespmem:v51+s24+$0x0] =	vst.idx.msk $0xffff, v50  }
0x36e: {  	v51 =	vadd.s32 v25, v49;
	v50 =	vld [tilespmem:s16+$0xD558];
	_ =	sdelay $0x4  }
0x36f: {  	[tilespmem:v51+s24+$0x0] =	vst.idx.msk $0xffff, v50  }
0x370: {  	v51 =	vadd.s32 v26, v49;
	v50 =	vld [tilespmem:s16+$0xD940];
	_ =	sdelay $0x4  }
0x371: {  	[tilespmem:v51+s24+$0x0] =	vst.idx.msk $0xffff, v50  }
0x372: {  	v51 =	vadd.s32 v27, v49;
	v50 =	vld [tilespmem:s16+$0xDD28];
	_ =	sdelay $0x4  }
0x373: {  	[tilespmem:v51+s24+$0x0] =	vst.idx.msk $0xffff, v50  }
0x374: {  	v51 =	vadd.s32 v28, v49;
	v50 =	vld [tilespmem:s16+$0xE110];
	_ =	sdelay $0x4  }
0x375: {  	[tilespmem:v51+s24+$0x0] =	vst.idx.msk $0xffff, v50  }
0x376: {  	v51 =	vadd.s32 v29, v49;
	v50 =	vld [tilespmem:s16+$0xE4F8];
	_ =	sdelay $0x4  }
0x377: {  	[tilespmem:v51+s24+$0x0] =	vst.idx.msk $0xffff, v50  }
0x378: {  	v51 =	vadd.s32 v30, v49;
	v50 =	vld [tilespmem:s16+$0xE8E0];
	_ =	sdelay $0x4  }
0x379: {  	[tilespmem:v51+s24+$0x0] =	vst.idx.msk $0xffff, v50  }
0x37a: {  	v51 =	vadd.s32 v32, v49;
	v50 =	vld [tilespmem:s16+$0xECC8];
	_ =	sdelay $0x4  }
0x37b: {  	[tilespmem:v51+s24+$0x0] =	vst.idx.msk $0xffff, v50  }
0x37c: {  	v51 =	vadd.s32 v33, v49;
	v50 =	vld [tilespmem:s16+$0xF0B0];
	_ =	sdelay $0x4  }
0x37d: {  	[tilespmem:v51+s24+$0x0] =	vst.idx.msk $0xffff, v50  }
0x37e: {  	v51 =	vadd.s32 v34, v49;
	v50 =	vld [tilespmem:s16+$0xF498];
	_ =	sdelay $0x4  }
0x37f: {  	[tilespmem:v51+s24+$0x0] =	vst.idx.msk $0xffff, v50  }
0x380: {  	v51 =	vadd.s32 v35, v49;
	v50 =	vld [tilespmem:s16+$0xF880]  }
.Ltmp4:
0x381: {  	(pc) =	sbr.rel @p1 .LBB2_7-.Ltmp4, $3  }
0x382: {  	_ =	sdelay $0x1  }
0x383: {  	s17 =	sadd.s32 $0x20, s17  }
0x384: {  	s10 =	sadd.s32 $0x80, s10;
	v60 =	vmov s17;
	[tilespmem:v51+s24+$0x0] =	vst.idx.msk $0xffff, v50  }
0x385: {  	vm1 =	veq.s32 v60, v0;
	v50 =	vld [tilespmem:s16+$0xFC68];
	v49 =	vadd.s32 v36, v49  }
0x386: {  	v51 =	vor.u32 s17, v0;
	vm1 =	vmand vm1, vm0  }
0x387: {  	v51 =	vshrl.u32 v51, $0x3;
	v60 =	vsel vm1, $0xFFFFFFFF, v4  }
0x388: {  	v51 =	vadd.s32 v60, v51  }
0x389: {  	v51 =	vmul.u32 $0x140, v51  }
0x38a: {  	s8 =	sshra.s32 s8, $0x2;
	[tilespmem:v49+s24+$0x0] =	vst.idx.msk $0xffff, v50  }
0x38b: {  	v49 =	vld [tilespmem:s8+$0x8340];
	v62 =	vadd.s32 v2, v51;
	_ =	sdelay $0x4  }
0x38c: {  	[tilespmem:v62+s24+$0x0] =	vst.idx.msk $0xffff, v49  }
0x38d: {  	v63 =	vadd.s32 v5, v51;
	v49 =	vld [tilespmem:s8+$0x8728];
	_ =	sdelay $0x4  }
0x38e: {  	[tilespmem:v63+s24+$0x0] =	vst.idx.msk $0xffff, v49  }
0x38f: {  	v60 =	vadd.s32 v6, v51;
	v49 =	vld [tilespmem:s8+$0x8B10];
	_ =	sdelay $0x4  }
0x390: {  	[tilespmem:v60+s24+$0x0] =	vst.idx.msk $0xffff, v49  }
0x391: {  	v61 =	vadd.s32 v7, v51;
	v49 =	vld [tilespmem:s8+$0x8EF8];
	_ =	sdelay $0x4  }
0x392: {  	[tilespmem:v61+s24+$0x0] =	vst.idx.msk $0xffff, v49  }
0x393: {  	v62 =	vadd.s32 v8, v51;
	v49 =	vld [tilespmem:s8+$0x92E0];
	_ =	sdelay $0x4  }
0x394: {  	[tilespmem:v62+s24+$0x0] =	vst.idx.msk $0xffff, v49  }
0x395: {  	v63 =	vadd.s32 v9, v51;
	v49 =	vld [tilespmem:s8+$0x96C8];
	_ =	sdelay $0x4  }
0x396: {  	[tilespmem:v63+s24+$0x0] =	vst.idx.msk $0xffff, v49  }
0x397: {  	v60 =	vadd.s32 v10, v51;
	v49 =	vld [tilespmem:s8+$0x9AB0];
	_ =	sdelay $0x4  }
0x398: {  	[tilespmem:v60+s24+$0x0] =	vst.idx.msk $0xffff, v49  }
0x399: {  	v61 =	vadd.s32 v11, v51;
	v49 =	vld [tilespmem:s8+$0x9E98];
	_ =	sdelay $0x4  }
0x39a: {  	[tilespmem:v61+s24+$0x0] =	vst.idx.msk $0xffff, v49  }
0x39b: {  	v62 =	vadd.s32 v12, v51;
	v49 =	vld [tilespmem:s8+$0xA280];
	_ =	sdelay $0x4  }
0x39c: {  	[tilespmem:v62+s24+$0x0] =	vst.idx.msk $0xffff, v49  }
0x39d: {  	v63 =	vadd.s32 v13, v51;
	v49 =	vld [tilespmem:s8+$0xA668];
	_ =	sdelay $0x4  }
0x39e: {  	[tilespmem:v63+s24+$0x0] =	vst.idx.msk $0xffff, v49  }
0x39f: {  	v60 =	vadd.s32 v14, v51;
	v49 =	vld [tilespmem:s8+$0xAA50];
	_ =	sdelay $0x4  }
0x3a0: {  	[tilespmem:v60+s24+$0x0] =	vst.idx.msk $0xffff, v49  }
0x3a1: {  	v61 =	vadd.s32 v15, v51;
	v49 =	vld [tilespmem:s8+$0xAE38];
	_ =	sdelay $0x4  }
0x3a2: {  	[tilespmem:v61+s24+$0x0] =	vst.idx.msk $0xffff, v49  }
0x3a3: {  	v62 =	vadd.s32 v16, v51;
	v49 =	vld [tilespmem:s8+$0xB220];
	_ =	sdelay $0x4  }
0x3a4: {  	[tilespmem:v62+s24+$0x0] =	vst.idx.msk $0xffff, v49  }
0x3a5: {  	v63 =	vadd.s32 v17, v51;
	v49 =	vld [tilespmem:s8+$0xB608];
	_ =	sdelay $0x4  }
0x3a6: {  	[tilespmem:v63+s24+$0x0] =	vst.idx.msk $0xffff, v49  }
0x3a7: {  	v60 =	vadd.s32 v18, v51;
	v49 =	vld [tilespmem:s8+$0xB9F0];
	_ =	sdelay $0x4  }
0x3a8: {  	[tilespmem:v60+s24+$0x0] =	vst.idx.msk $0xffff, v49  }
0x3a9: {  	v61 =	vadd.s32 v19, v51;
	v49 =	vld [tilespmem:s8+$0xBDD8];
	_ =	sdelay $0x4  }
0x3aa: {  	[tilespmem:v61+s24+$0x0] =	vst.idx.msk $0xffff, v49  }
0x3ab: {  	v62 =	vadd.s32 v20, v51;
	v49 =	vld [tilespmem:s8+$0xC1C0];
	_ =	sdelay $0x4  }
0x3ac: {  	[tilespmem:v62+s24+$0x0] =	vst.idx.msk $0xffff, v49  }
0x3ad: {  	v63 =	vadd.s32 v21, v51;
	v49 =	vld [tilespmem:s8+$0xC5A8];
	_ =	sdelay $0x4  }
0x3ae: {  	[tilespmem:v63+s24+$0x0] =	vst.idx.msk $0xffff, v49  }
0x3af: {  	v60 =	vadd.s32 v22, v51;
	v49 =	vld [tilespmem:s8+$0xC990];
	_ =	sdelay $0x4  }
0x3b0: {  	[tilespmem:v60+s24+$0x0] =	vst.idx.msk $0xffff, v49  }
0x3b1: {  	v61 =	vadd.s32 v23, v51;
	v49 =	vld [tilespmem:s8+$0xCD78];
	_ =	sdelay $0x4  }
0x3b2: {  	[tilespmem:v61+s24+$0x0] =	vst.idx.msk $0xffff, v49  }
0x3b3: {  	v62 =	vadd.s32 v24, v51;
	v49 =	vld [tilespmem:s8+$0xD160];
	_ =	sdelay $0x4  }
0x3b4: {  	[tilespmem:v62+s24+$0x0] =	vst.idx.msk $0xffff, v49  }
0x3b5: {  	v63 =	vadd.s32 v25, v51;
	v49 =	vld [tilespmem:s8+$0xD548];
	_ =	sdelay $0x4  }
0x3b6: {  	[tilespmem:v63+s24+$0x0] =	vst.idx.msk $0xffff, v49  }
0x3b7: {  	v60 =	vadd.s32 v26, v51;
	v49 =	vld [tilespmem:s8+$0xD930];
	_ =	sdelay $0x4  }
0x3b8: {  	[tilespmem:v60+s24+$0x0] =	vst.idx.msk $0xffff, v49  }
0x3b9: {  	v61 =	vadd.s32 v27, v51;
	v49 =	vld [tilespmem:s8+$0xDD18];
	_ =	sdelay $0x4  }
0x3ba: {  	[tilespmem:v61+s24+$0x0] =	vst.idx.msk $0xffff, v49  }
0x3bb: {  	v62 =	vadd.s32 v28, v51;
	v49 =	vld [tilespmem:s8+$0xE100];
	_ =	sdelay $0x4  }
0x3bc: {  	[tilespmem:v62+s24+$0x0] =	vst.idx.msk $0xffff, v49  }
0x3bd: {  	v63 =	vadd.s32 v29, v51;
	v49 =	vld [tilespmem:s8+$0xE4E8];
	_ =	sdelay $0x4  }
0x3be: {  	[tilespmem:v63+s24+$0x0] =	vst.idx.msk $0xffff, v49  }
0x3bf: {  	v60 =	vadd.s32 v30, v51;
	v49 =	vld [tilespmem:s8+$0xE8D0];
	_ =	sdelay $0x4  }
0x3c0: {  	[tilespmem:v60+s24+$0x0] =	vst.idx.msk $0xffff, v49  }
0x3c1: {  	v61 =	vadd.s32 v32, v51;
	v49 =	vld [tilespmem:s8+$0xECB8];
	_ =	sdelay $0x4  }
0x3c2: {  	[tilespmem:v61+s24+$0x0] =	vst.idx.msk $0xffff, v49  }
0x3c3: {  	v62 =	vadd.s32 v33, v51;
	v49 =	vld [tilespmem:s8+$0xF0A0];
	_ =	sdelay $0x4  }
0x3c4: {  	[tilespmem:v62+s24+$0x0] =	vst.idx.msk $0xffff, v49  }
0x3c5: {  	v63 =	vadd.s32 v34, v51;
	v49 =	vld [tilespmem:s8+$0xF488];
	_ =	sdelay $0x4  }
0x3c6: {  	[tilespmem:v63+s24+$0x0] =	vst.idx.msk $0xffff, v49  }
0x3c7: {  	v60 =	vadd.s32 v35, v51;
	v49 =	vld [tilespmem:s8+$0xF870];
	_ =	sdelay $0x4  }
0x3c8: {  	[tilespmem:v60+s24+$0x0] =	vst.idx.msk $0xffff, v49  }
0x3c9: {  	v61 =	vadd.s32 v36, v51;
	v49 =	vld [tilespmem:s8+$0xFC58]  }
0x3ca: {  	s10 =	sadd.s32 $0x10, s17  }
0x3cb: {  	v62 =	vor.u32 s10, v0  }
0x3cc: {  	v51 =	vshrl.u32 v62, $0x3  }
0x3cd: {  	v51 =	vmul.u32 $0x140, v51  }
0x3ce: {  	[tilespmem:v61+s24+$0x0] =	vst.idx.msk $0xffff, v49  }
0x3cf: {  	v63 =	vadd.s32 v2, v51;
	v49 =	vld [tilespmem:s8+$0x8350];
	_ =	sdelay $0x4  }
0x3d0: {  	[tilespmem:v63+s24+$0x0] =	vst.idx.msk $0xffff, v49  }
0x3d1: {  	v60 =	vadd.s32 v5, v51;
	v49 =	vld [tilespmem:s8+$0x8738];
	_ =	sdelay $0x4  }
0x3d2: {  	[tilespmem:v60+s24+$0x0] =	vst.idx.msk $0xffff, v49  }
0x3d3: {  	v61 =	vadd.s32 v6, v51;
	v49 =	vld [tilespmem:s8+$0x8B20];
	_ =	sdelay $0x4  }
0x3d4: {  	[tilespmem:v61+s24+$0x0] =	vst.idx.msk $0xffff, v49  }
0x3d5: {  	v62 =	vadd.s32 v7, v51;
	v49 =	vld [tilespmem:s8+$0x8F08];
	_ =	sdelay $0x4  }
0x3d6: {  	[tilespmem:v62+s24+$0x0] =	vst.idx.msk $0xffff, v49  }
0x3d7: {  	v63 =	vadd.s32 v8, v51;
	v49 =	vld [tilespmem:s8+$0x92F0];
	_ =	sdelay $0x4  }
0x3d8: {  	[tilespmem:v63+s24+$0x0] =	vst.idx.msk $0xffff, v49  }
0x3d9: {  	v60 =	vadd.s32 v9, v51;
	v49 =	vld [tilespmem:s8+$0x96D8];
	_ =	sdelay $0x4  }
0x3da: {  	[tilespmem:v60+s24+$0x0] =	vst.idx.msk $0xffff, v49  }
0x3db: {  	v61 =	vadd.s32 v10, v51;
	v49 =	vld [tilespmem:s8+$0x9AC0];
	_ =	sdelay $0x4  }
0x3dc: {  	[tilespmem:v61+s24+$0x0] =	vst.idx.msk $0xffff, v49  }
0x3dd: {  	v62 =	vadd.s32 v11, v51;
	v49 =	vld [tilespmem:s8+$0x9EA8];
	_ =	sdelay $0x4  }
0x3de: {  	[tilespmem:v62+s24+$0x0] =	vst.idx.msk $0xffff, v49  }
0x3df: {  	v63 =	vadd.s32 v12, v51;
	v49 =	vld [tilespmem:s8+$0xA290];
	_ =	sdelay $0x4  }
0x3e0: {  	[tilespmem:v63+s24+$0x0] =	vst.idx.msk $0xffff, v49  }
0x3e1: {  	v60 =	vadd.s32 v13, v51;
	v49 =	vld [tilespmem:s8+$0xA678];
	_ =	sdelay $0x4  }
0x3e2: {  	[tilespmem:v60+s24+$0x0] =	vst.idx.msk $0xffff, v49  }
0x3e3: {  	v61 =	vadd.s32 v14, v51;
	v49 =	vld [tilespmem:s8+$0xAA60];
	_ =	sdelay $0x4  }
0x3e4: {  	[tilespmem:v61+s24+$0x0] =	vst.idx.msk $0xffff, v49  }
0x3e5: {  	v62 =	vadd.s32 v15, v51;
	v49 =	vld [tilespmem:s8+$0xAE48];
	_ =	sdelay $0x4  }
0x3e6: {  	[tilespmem:v62+s24+$0x0] =	vst.idx.msk $0xffff, v49  }
0x3e7: {  	v63 =	vadd.s32 v16, v51;
	v49 =	vld [tilespmem:s8+$0xB230];
	_ =	sdelay $0x4  }
0x3e8: {  	[tilespmem:v63+s24+$0x0] =	vst.idx.msk $0xffff, v49  }
0x3e9: {  	v60 =	vadd.s32 v17, v51;
	v49 =	vld [tilespmem:s8+$0xB618];
	_ =	sdelay $0x4  }
0x3ea: {  	[tilespmem:v60+s24+$0x0] =	vst.idx.msk $0xffff, v49  }
0x3eb: {  	v61 =	vadd.s32 v18, v51;
	v49 =	vld [tilespmem:s8+$0xBA00];
	_ =	sdelay $0x4  }
0x3ec: {  	[tilespmem:v61+s24+$0x0] =	vst.idx.msk $0xffff, v49  }
0x3ed: {  	v62 =	vadd.s32 v19, v51;
	v49 =	vld [tilespmem:s8+$0xBDE8];
	_ =	sdelay $0x4  }
0x3ee: {  	[tilespmem:v62+s24+$0x0] =	vst.idx.msk $0xffff, v49  }
0x3ef: {  	v63 =	vadd.s32 v20, v51;
	v49 =	vld [tilespmem:s8+$0xC1D0];
	_ =	sdelay $0x4  }
0x3f0: {  	[tilespmem:v63+s24+$0x0] =	vst.idx.msk $0xffff, v49  }
0x3f1: {  	v60 =	vadd.s32 v21, v51;
	v49 =	vld [tilespmem:s8+$0xC5B8];
	_ =	sdelay $0x4  }
0x3f2: {  	[tilespmem:v60+s24+$0x0] =	vst.idx.msk $0xffff, v49  }
0x3f3: {  	v61 =	vadd.s32 v22, v51;
	v49 =	vld [tilespmem:s8+$0xC9A0];
	_ =	sdelay $0x4  }
0x3f4: {  	[tilespmem:v61+s24+$0x0] =	vst.idx.msk $0xffff, v49  }
0x3f5: {  	v62 =	vadd.s32 v23, v51;
	v49 =	vld [tilespmem:s8+$0xCD88];
	_ =	sdelay $0x4  }
0x3f6: {  	[tilespmem:v62+s24+$0x0] =	vst.idx.msk $0xffff, v49  }
0x3f7: {  	v63 =	vadd.s32 v24, v51;
	v49 =	vld [tilespmem:s8+$0xD170];
	_ =	sdelay $0x4  }
0x3f8: {  	[tilespmem:v63+s24+$0x0] =	vst.idx.msk $0xffff, v49  }
0x3f9: {  	v60 =	vadd.s32 v25, v51;
	v49 =	vld [tilespmem:s8+$0xD558];
	_ =	sdelay $0x4  }
0x3fa: {  	[tilespmem:v60+s24+$0x0] =	vst.idx.msk $0xffff, v49  }
0x3fb: {  	v61 =	vadd.s32 v26, v51;
	v49 =	vld [tilespmem:s8+$0xD940];
	_ =	sdelay $0x4  }
0x3fc: {  	[tilespmem:v61+s24+$0x0] =	vst.idx.msk $0xffff, v49  }
0x3fd: {  	v62 =	vadd.s32 v27, v51;
	v49 =	vld [tilespmem:s8+$0xDD28];
	_ =	sdelay $0x4  }
0x3fe: {  	[tilespmem:v62+s24+$0x0] =	vst.idx.msk $0xffff, v49  }
0x3ff: {  	v63 =	vadd.s32 v28, v51;
	v49 =	vld [tilespmem:s8+$0xE110];
	_ =	sdelay $0x4  }
0x400: {  	[tilespmem:v63+s24+$0x0] =	vst.idx.msk $0xffff, v49  }
0x401: {  	v60 =	vadd.s32 v29, v51;
	v49 =	vld [tilespmem:s8+$0xE4F8];
	_ =	sdelay $0x4  }
0x402: {  	[tilespmem:v60+s24+$0x0] =	vst.idx.msk $0xffff, v49  }
0x403: {  	v61 =	vadd.s32 v30, v51;
	v49 =	vld [tilespmem:s8+$0xE8E0];
	_ =	sdelay $0x4  }
0x404: {  	[tilespmem:v61+s24+$0x0] =	vst.idx.msk $0xffff, v49  }
0x405: {  	v62 =	vadd.s32 v32, v51;
	v49 =	vld [tilespmem:s8+$0xECC8];
	_ =	sdelay $0x4  }
0x406: {  	[tilespmem:v62+s24+$0x0] =	vst.idx.msk $0xffff, v49  }
0x407: {  	v63 =	vadd.s32 v33, v51;
	v49 =	vld [tilespmem:s8+$0xF0B0];
	_ =	sdelay $0x4  }
0x408: {  	[tilespmem:v63+s24+$0x0] =	vst.idx.msk $0xffff, v49  }
0x409: {  	v60 =	vadd.s32 v34, v51;
	v49 =	vld [tilespmem:s8+$0xF498];
	_ =	sdelay $0x4  }
0x40a: {  	[tilespmem:v60+s24+$0x0] =	vst.idx.msk $0xffff, v49  }
0x40b: {  	v61 =	vadd.s32 v35, v51;
	v49 =	vld [tilespmem:s8+$0xF880];
	_ =	sdelay $0x4  }
0x40c: {  	[tilespmem:v61+s24+$0x0] =	vst.idx.msk $0xffff, v49  }
0x40d: {  	v62 =	vadd.s32 v36, v51;
	v49 =	vld [tilespmem:s8+$0xFC68];
	_ =	sdelay $0x4  }
0x40e: {  	[tilespmem:v62+s24+$0x0] =	vst.idx.msk $0xffff, v49  }
0x40f: {  	v49 =	vld [tilespmem:$0x8718];
	_ =	sdelay $0x4  }
0x410: {  	[tilespmem:v54+s24+$0x0] =	vst.idx.msk $0xffff, v49  }
0x411: {  	v49 =	vld [tilespmem:$0x8B00];
	_ =	sdelay $0x2  }
0x412: {  	v63 =	vld [tilespmem:$0x1FEF0];
	_ =	sdelay $0x1  }
0x413: {  	[tilespmem:v55+s24+$0x0] =	vst.idx.msk $0xffff, v49  }
0x414: {  	v49 =	vld [tilespmem:$0x8EE8];
	_ =	sdelay $0x2  }
0x415: {  	v60 =	vld [tilespmem:$0x1FF00];
	_ =	sdelay $0x1  }
0x416: {  	[tilespmem:v63+s24+$0x0] =	vst.idx.msk $0xffff, v49  }
0x417: {  	v49 =	vld [tilespmem:$0x92D0];
	_ =	sdelay $0x2  }
0x418: {  	v61 =	vld [tilespmem:$0x1FF10];
	_ =	sdelay $0x1  }
0x419: {  	[tilespmem:v60+s24+$0x0] =	vst.idx.msk $0xffff, v49  }
0x41a: {  	v49 =	vld [tilespmem:$0x96B8];
	_ =	sdelay $0x2  }
0x41b: {  	v62 =	vld [tilespmem:$0x1FF20];
	_ =	sdelay $0x1  }
0x41c: {  	[tilespmem:v61+s24+$0x0] =	vst.idx.msk $0xffff, v49  }
0x41d: {  	v49 =	vld [tilespmem:$0x9AA0];
	_ =	sdelay $0x2  }
0x41e: {  	v63 =	vld [tilespmem:$0x1FF30];
	_ =	sdelay $0x1  }
0x41f: {  	[tilespmem:v62+s24+$0x0] =	vst.idx.msk $0xffff, v49  }
0x420: {  	v49 =	vld [tilespmem:$0x9E88];
	_ =	sdelay $0x2  }
0x421: {  	v60 =	vld [tilespmem:$0x1FF40];
	_ =	sdelay $0x1  }
0x422: {  	[tilespmem:v63+s24+$0x0] =	vst.idx.msk $0xffff, v49  }
0x423: {  	v49 =	vld [tilespmem:$0xA270];
	_ =	sdelay $0x2  }
0x424: {  	v61 =	vld [tilespmem:$0x1FF50];
	_ =	sdelay $0x1  }
0x425: {  	[tilespmem:v60+s24+$0x0] =	vst.idx.msk $0xffff, v49  }
0x426: {  	v49 =	vld [tilespmem:$0xA658];
	_ =	sdelay $0x2  }
0x427: {  	v62 =	vld [tilespmem:$0x1FF60];
	_ =	sdelay $0x1  }
0x428: {  	[tilespmem:v61+s24+$0x0] =	vst.idx.msk $0xffff, v49  }
0x429: {  	v49 =	vld [tilespmem:$0xAA40];
	_ =	sdelay $0x2  }
0x42a: {  	v63 =	vld [tilespmem:$0x1FF70];
	_ =	sdelay $0x1  }
0x42b: {  	[tilespmem:v62+s24+$0x0] =	vst.idx.msk $0xffff, v49  }
0x42c: {  	v49 =	vld [tilespmem:$0xAE28];
	_ =	sdelay $0x2  }
0x42d: {  	v60 =	vld [tilespmem:$0x1FF80];
	_ =	sdelay $0x1  }
0x42e: {  	[tilespmem:v63+s24+$0x0] =	vst.idx.msk $0xffff, v49  }
0x42f: {  	v49 =	vld [tilespmem:$0xB210];
	_ =	sdelay $0x2  }
0x430: {  	v61 =	vld [tilespmem:$0x1FF90];
	_ =	sdelay $0x1  }
0x431: {  	[tilespmem:v60+s24+$0x0] =	vst.idx.msk $0xffff, v49  }
0x432: {  	v49 =	vld [tilespmem:$0xB5F8];
	_ =	sdelay $0x2  }
0x433: {  	v62 =	vld [tilespmem:$0x1FFA0];
	_ =	sdelay $0x1  }
0x434: {  	[tilespmem:v61+s24+$0x0] =	vst.idx.msk $0xffff, v49  }
0x435: {  	v49 =	vld [tilespmem:$0xB9E0];
	_ =	sdelay $0x2  }
0x436: {  	v63 =	vld [tilespmem:$0x1FFB0];
	_ =	sdelay $0x1  }
0x437: {  	[tilespmem:v62+s24+$0x0] =	vst.idx.msk $0xffff, v49  }
0x438: {  	v49 =	vld [tilespmem:$0xBDC8];
	_ =	sdelay $0x2  }
0x439: {  	v60 =	vld [tilespmem:$0x1FFC0];
	_ =	sdelay $0x1  }
0x43a: {  	[tilespmem:v63+s24+$0x0] =	vst.idx.msk $0xffff, v49  }
0x43b: {  	v49 =	vld [tilespmem:$0xC1B0];
	_ =	sdelay $0x2  }
0x43c: {  	v61 =	vld [tilespmem:$0x1FFD0];
	_ =	sdelay $0x1  }
0x43d: {  	[tilespmem:v60+s24+$0x0] =	vst.idx.msk $0xffff, v49  }
0x43e: {  	v49 =	vld [tilespmem:$0xC598];
	_ =	sdelay $0x2  }
0x43f: {  	v62 =	vld [tilespmem:$0x1FFE0];
	_ =	sdelay $0x1  }
0x440: {  	[tilespmem:v61+s24+$0x0] =	vst.idx.msk $0xffff, v49  }
0x441: {  	v49 =	vld [tilespmem:$0xC980];
	_ =	sdelay $0x2  }
0x442: {  	v63 =	vld [tilespmem:$0x1FFF0];
	_ =	sdelay $0x1  }
0x443: {  	[tilespmem:v62+s24+$0x0] =	vst.idx.msk $0xffff, v49  }
0x444: {  	v49 =	vld [tilespmem:$0xCD68];
	_ =	sdelay $0x4  }
0x445: {  	[tilespmem:v63+s24+$0x0] =	vst.idx.msk $0xffff, v49  }
0x446: {  	v49 =	vld [tilespmem:$0xD150];
	_ =	sdelay $0x4  }
0x447: {  	[tilespmem:v56+s24+$0x0] =	vst.idx.msk $0xffff, v49  }
0x448: {  	v49 =	vld [tilespmem:$0xD538];
	_ =	sdelay $0x4  }
0x449: {  	[tilespmem:v57+s24+$0x0] =	vst.idx.msk $0xffff, v49  }
0x44a: {  	v49 =	vld [tilespmem:$0xD920];
	_ =	sdelay $0x4  }
0x44b: {  	[tilespmem:v58+s24+$0x0] =	vst.idx.msk $0xffff, v49  }
0x44c: {  	v49 =	vld [tilespmem:$0xDD08];
	_ =	sdelay $0x4  }
0x44d: {  	[tilespmem:v1+s24+$0x0] =	vst.idx.msk $0xffff, v49  }
0x44e: {  	v1 =	vld [tilespmem:$0xE0F0];
	_ =	sdelay $0x4  }
0x44f: {  	[tilespmem:v3+s24+$0x0] =	vst.idx.msk $0xffff, v1  }
0x450: {  	v1 =	vld [tilespmem:$0xE4D8];
	_ =	sdelay $0x4  }
0x451: {  	[tilespmem:v37+s24+$0x0] =	vst.idx.msk $0xffff, v1  }
0x452: {  	v1 =	vld [tilespmem:$0xE8C0];
	_ =	sdelay $0x4  }
0x453: {  	[tilespmem:v39+s24+$0x0] =	vst.idx.msk $0xffff, v1  }
0x454: {  	v1 =	vld [tilespmem:$0xECA8];
	_ =	sdelay $0x4  }
0x455: {  	[tilespmem:v40+s24+$0x0] =	vst.idx.msk $0xffff, v1  }
0x456: {  	v1 =	vld [tilespmem:$0xF090];
	_ =	sdelay $0x4  }
0x457: {  	[tilespmem:v41+s24+$0x0] =	vst.idx.msk $0xffff, v1  }
0x458: {  	v1 =	vld [tilespmem:$0xF478];
	_ =	sdelay $0x4  }
0x459: {  	[tilespmem:v42+s24+$0x0] =	vst.idx.msk $0xffff, v1  }
0x45a: {  	v1 =	vld [tilespmem:$0xF860];
	_ =	sdelay $0x4  }
0x45b: {  	[tilespmem:v43+s24+$0x0] =	vst.idx.msk $0xffff, v1  }
0x45c: {  	v1 =	vld [tilespmem:$0xFC48];
	_ =	sdelay $0x4  }
0x45d: {  	s16 =	sadd.s32 s0, s3;
	[tilespmem:v44+s24+$0x0] =	vst.idx.msk $0xffff, v1  }
0x45e: {  	s8 =	sadd.s32 $0x20, s16;
	v1 =	vld [tilespmem:$0x10030]  }
0x45f: {  	s17 =	sshll.u32 s8, $0x3  }
0x460: {  	s8 =	sand.u32 $0x60, s8;
	s10 =	sand.u32 $0x7FFFFC00, s17  }
0x461: {  	s8 =	sor.u32 s8, s10  }
0x462: {  	s8 =	sshrl.u32 s8, $0x3  }
0x463: {  	s11 =	simm.s32 $0x10040;
	s10 =	sadd.s32 s2, s8;
	[tilespmem:v38+s24+$0x0] =	vst.idx.msk $0xffff, v1  }
0x464: {  	[hbm4b:s10+s4] =	stream.linear.scatter [tilespmem:s11], [sflag:$0x3], $0x20, $0x38;
	[tilespmem:$0x19D10] =	vst v63  }
0x465: {  	s12 =	simm.s32 $0x10068;
	s11 =	sadd.s32 $0x10, s10  }
0x466: {  	[hbm4b:s11+s4] =	stream.linear.scatter [tilespmem:s12], [sflag:$0x3], $0x20, $0x38;
	[tilespmem:$0x19D10] =	vst v63  }
0x467: {  	s16 =	simm.s32 $0x10090;
	s17 =	sadd.s32 $0x20, s10  }
0x468: {  	[hbm4b:s17+s4] =	stream.linear.scatter [tilespmem:s16], [sflag:$0x3], $0x20, $0x38;
	[tilespmem:$0x19D10] =	vst v63  }
0x469: {  	s11 =	simm.s32 $0x100B8;
	s12 =	sadd.s32 $0x30, s10  }
0x46a: {  	[hbm4b:s12+s4] =	stream.linear.scatter [tilespmem:s11], [sflag:$0x3], $0x20, $0x38;
	[tilespmem:$0x19D10] =	vst v63  }
0x46b: {  	s16 =	simm.s32 $0x100E0;
	s17 =	sadd.s32 $0x40, s10  }
0x46c: {  	[hbm4b:s17+s4] =	stream.linear.scatter [tilespmem:s16], [sflag:$0x3], $0x20, $0x38;
	[tilespmem:$0x19D10] =	vst v63  }
0x46d: {  	s8 =	simm.s32 $0x140;
	s11 =	simm.s32 $0x10108;
	s12 =	sadd.s32 $0x50, s10  }
0x46e: {  	[hbm4b:s12+s4] =	stream.linear.scatter [tilespmem:s11], [sflag:$0x3], $0x20, $0x38;
	[tilespmem:$0x19D10] =	vst v63  }
0x46f: {  	s30 =	sadd.s32 $0x70, s10;
	s16 =	simm.s32 $0x10130;
	s17 =	sadd.s32 $0x60, s10  }
0x470: {  	[hbm4b:s17+s4] =	stream.linear.scatter [tilespmem:s16], [sflag:$0x3], $0x20, $0x38;
	[tilespmem:$0x19D10] =	vst v63  }
0x471: {  	v50 =	vmov v54;
	v51 =	vmov v55;
	s10 =	sadd.s32 $0xC800, s10;
	s16 =	simm.s32 $0xA00;
	s17 =	simm.s32 $0x10158  }
.LBB2_9:
0x472: {  	[hbm4b:s30+s4] =	stream.linear.scatter [tilespmem:s17], [sflag:$0x3], $0x20, $0x38;
	[tilespmem:$0x19D10] =	vst v63  }
0x473: {  	s11 =	smov.u32 s8;
	s8 =	smov.u32 s16  }
0x474: {  	s12 =	sadd.s32 $0x500, s16;
	s8 =	sshra.s32 s8, $0x2;
	s17 =	sadd.s32 $0x10040, s11  }
0x475: {  	[hbm4b:s10+s4] =	stream.linear.scatter [tilespmem:s17], [sflag:$0x3], $0x20, $0x38;
	[tilespmem:$0x19D10] =	vst v63  }
0x476: {  	p1 =	sne.s32 s16, $0x26C00;
	s16 =	sadd.s32 $0x10068, s11;
	s17 =	sadd.s32 $0x10, s10  }
0x477: {  	[hbm4b:s17+s4] =	stream.linear.scatter [tilespmem:s16], [sflag:$0x3], $0x20, $0x38;
	[tilespmem:$0x19D10] =	vst v63  }
0x478: {  	s16 =	sadd.s32 $0x10090, s11;
	s17 =	sadd.s32 $0x20, s10  }
0x479: {  	[hbm4b:s17+s4] =	stream.linear.scatter [tilespmem:s16], [sflag:$0x3], $0x20, $0x38;
	[tilespmem:$0x19D10] =	vst v63  }
0x47a: {  	s16 =	sadd.s32 $0x100B8, s11;
	s17 =	sadd.s32 $0x30, s10  }
0x47b: {  	[hbm4b:s17+s4] =	stream.linear.scatter [tilespmem:s16], [sflag:$0x3], $0x20, $0x38;
	[tilespmem:$0x19D10] =	vst v63  }
0x47c: {  	s16 =	sadd.s32 $0x100E0, s11;
	s17 =	sadd.s32 $0x40, s10  }
0x47d: {  	[hbm4b:s17+s4] =	stream.linear.scatter [tilespmem:s16], [sflag:$0x3], $0x20, $0x38;
	[tilespmem:$0x19D10] =	vst v63  }
.Ltmp5:
0x47e: {  	s16 =	sadd.s32 $0x10108, s11;
	s17 =	sadd.s32 $0x50, s10;
	(pc) =	sbr.rel @p1 .LBB2_9-.Ltmp5, $4  }
0x47f: {  	[hbm4b:s17+s4] =	stream.linear.scatter [tilespmem:s16], [sflag:$0x3], $0x20, $0x38;
	[tilespmem:$0x19D10] =	vst v63  }
0x480: {  	s30 =	sadd.s32 $0x70, s10;
	s16 =	sadd.s32 $0x10130, s11;
	s17 =	sadd.s32 $0x60, s10  }
0x481: {  	[hbm4b:s17+s4] =	stream.linear.scatter [tilespmem:s16], [sflag:$0x3], $0x20, $0x38;
	[tilespmem:$0x19D10] =	vst v63  }
0x482: {  	s10 =	sadd.s32 $0xC800, s10;
	s17 =	sadd.s32 $0x10158, s11;
	s16 =	smov.u32 s12  }
0x483: {  	[hbm4b:s30+s4] =	stream.linear.scatter [tilespmem:s17], [sflag:$0x3], $0x20, $0x38;
	[tilespmem:$0x19D10] =	vst v63  }
0x484: {  	s11 =	sadd.s32 $0x10040, s8  }
0x485: {  	[hbm4b:s10+s4] =	stream.linear.scatter [tilespmem:s11], [sflag:$0x3], $0x20, $0x38;
	[tilespmem:$0x19D10] =	vst v63  }
0x486: {  	s30 =	sadd.s32 $0x10068, s8;
	s12 =	sadd.s32 $0x10, s10  }
0x487: {  	[hbm4b:s12+s4] =	stream.linear.scatter [tilespmem:s30], [sflag:$0x3], $0x20, $0x38;
	[tilespmem:$0x19D10] =	vst v63  }
0x488: {  	s16 =	sadd.s32 $0x20, s10;
	s12 =	sadd.s32 $0x10090, s8  }
0x489: {  	[hbm4b:s16+s4] =	stream.linear.scatter [tilespmem:s12], [sflag:$0x3], $0x20, $0x38;
	[tilespmem:$0x19D10] =	vst v63  }
0x48a: {  	s17 =	sadd.s32 $0x100B8, s8;
	s30 =	sadd.s32 $0x30, s10  }
0x48b: {  	[hbm4b:s30+s4] =	stream.linear.scatter [tilespmem:s17], [sflag:$0x3], $0x20, $0x38;
	[tilespmem:$0x19D10] =	vst v63  }
0x48c: {  	s12 =	sadd.s32 $0x100E0, s8;
	s16 =	sadd.s32 $0x40, s10  }
0x48d: {  	[hbm4b:s16+s4] =	stream.linear.scatter [tilespmem:s12], [sflag:$0x3], $0x20, $0x38;
	[tilespmem:$0x19D10] =	vst v63  }
0x48e: {  	s17 =	sadd.s32 $0x10108, s8;
	s30 =	sadd.s32 $0x50, s10  }
0x48f: {  	[hbm4b:s30+s4] =	stream.linear.scatter [tilespmem:s17], [sflag:$0x3], $0x20, $0x38;
	[tilespmem:$0x19D10] =	vst v63  }
.Ltmp6:
0x490: {  	v1 =	vsub.f32 v48, v47;
	(pc) =	sbr.rel @p0 .LBB2_12-.Ltmp6, $4  }
0x491: {  	s12 =	sadd.s32 $0x10130, s8;
	s16 =	sadd.s32 $0x60, s10  }
0x492: {  	v3 =	vsub.f32 v46, v45;
	v1 =	vadd.f32 v1, v59;
	[hbm4b:s16+s4] =	stream.linear.scatter [tilespmem:s12], [sflag:$0x3], $0x20, $0x38;
	[tilespmem:$0x19D10] =	vst v63  }
0x493: {  	s17 =	sadd.s32 $0x10158, s8;
	s30 =	sadd.s32 $0x70, s10  }
0x494: {  	v49 =	vmov v53;
	v59 =	vadd.f32 v3, v1;
	[hbm4b:s30+s4] =	stream.linear.scatter [tilespmem:s17], [sflag:$0x3], $0x20, $0x38;
	[tilespmem:$0x19D10] =	vst v63  }
0x495: {  	s0 =	sadd.s32 $0x60, s0  }
0x496: {  	[tilespmem:s18], [sflag:$0x2] =	stream.indirect.gather [hbm4b:s6+s14], $0x3E8, s0, s14, $0xb8;
	[tilespmem:$0x19D10] =	vst v63  }
0x497: {  	s8 =	sadd.s32 s3, s0  }
.Ltmp7:
0x498: {  	s8 =	sshrl.u32 s8, $0x3;
	(pc) =	sbr.rel .LBB2_2-.Ltmp7, $4  }
0x499: {  	s8 =	sadd.s32 s5, s8  }
0x49a: {  	[tilespmem:s19], [sflag:$0x5] =	stream.linear.gather [hbm4b:s8+s4], $0x20, $0x38;
	[tilespmem:$0x19D10] =	vst v63  }
0x49b: {  	s1 =	sadd.s32 $0x1, s1  }
0x49c: {  	v48 =	vmov v52;
	[tilespmem:s20], [sflag:$0x7] =	stream.indirect.gather [hbm4b:s7+s14], $0x1, s0, s14, $0xb8;
	[tilespmem:$0x19D10] =	vst v63  }
.LBB2_13:
0x49d: {  	_ =	sfence.sel $0x180000  }
0x49e: {  	[bflag:$0x0] =	sbarrier.arrive $0xFFFF  }
0x49f: {  	_ =	strace $0x90000047  }
0x4a0: {  	s0 =	stileid.u32;
	[bflag:$0x2] =	sbarrier.arrive $0xFFFF  }
0x4a1: {  	p0 =	sne.s32 s0, $0x0;
	s0 =	rddreg [dreg:$0x2]  }
0x4a2: {  	s0 =	sadd.s32 @!p0 $0x100000, s0  }
0x4a3: {  	[sflag:s0] =	ssyncadd.tile.s32 @!p0 $0x1;
	_ =	shalt  }
.Lfunc_end2:
_tile_overlayer_lowered:
.L_overlay_start_2:
0x4a4: {  	(tag) =	ssettag $0x2  }
0x4a5: {  	s0 =	rddreg [dreg:$0x0];
	s2 =	stileid.u32  }
0x4a6: {  	s1 =	rddreg [dreg:$0x1];
	p0 =	sne.s32 s2, $0x0  }
0x4a7: {  	s3 =	rddreg [dreg:$0x2];
	[bflag:$0x3] =	sbarrier.arrive $0xFFFF;
	s2 =	simm.s32 @!p0 $0x1C08  }
0x4a8: {  	[timem:s3], [sflag:s2] =	dma.local @!p0 [hbm:s0], s1  }
0x4a9: {  	s0 =	simm.s32 @!p0 $0x8  }
0x4aa: {  	_ =	swait.ge @!p0 [sflag:s0], s1  }
0x4ab: {  	s1 =	ssub.s32 @!p0 $0x0, s1;
	[sflag:s0] =	ssyncset.done @!p0 $0x0  }
0x4ac: {  	[sflag:s0] =	ssyncadd.s32 @!p0 s1  }
0x4ad: {  	[bflag:$0x3] =	sbarrier.arrive $0xFFFF  }
0x4ae: {  	_ =	shalt  }

</sc_bundles>
